<compile_context>
chip_gen: v7x
topology: tpu7x:2x2x1
jax: 0.10.2.dev20260603
libtpu: 0.0.44.dev20260713+nightly
codegen_flags: <defaults>
</compile_context>

<pallas_src>
import functools
import math

import jax
import jax.numpy as jnp
from jax import lax
from jax.experimental import pallas as pl
from jax.experimental.pallas import tpu as pltpu
from jax.experimental.pallas import tpu_sc as plsc

NC = 2
NS = 16
NW = NC * NS
IDX_ROW = 128
CHUNK_ROWS = 8
UNROLL = 8


def _build(n_rows, vocab, emb, scale):
    chunk = CHUNK_ROWS * IDX_ROW
    rows_per_w = n_rows // NW
    n_chunks = rows_per_w // CHUNK_ROWS
    mesh = plsc.VectorSubcoreMesh(
        core_axis_name="c", subcore_axis_name="s", num_cores=NC, num_subcores=NS
    )

    @functools.partial(
        pl.kernel,
        mesh=mesh,
        out_type=jax.ShapeDtypeStruct((n_rows * IDX_ROW, emb), jnp.float32),
        compiler_params=pltpu.CompilerParams(use_tc_tiling_on_sc=False),
        scratch_types=[
            pltpu.VMEM((rows_per_w, IDX_ROW), jnp.int32),
            pltpu.VMEM((chunk, emb), jnp.float32),
            pltpu.SemaphoreType.DMA,
            pltpu.SemaphoreType.DMA,
        ],
    )
    def k(tok_hbm, table_hbm, out_hbm, idx_v, rows_v, gsem, osem):
        wid = lax.axis_index("s") * NC + lax.axis_index("c")
        row0 = wid * rows_per_w
        pltpu.sync_copy(tok_hbm.at[pl.ds(row0, rows_per_w)], idx_v)

        def chunk_body(g, carry):
            base = (row0 + g * CHUNK_ROWS) * IDX_ROW
            gathers = []
            for j in range(CHUNK_ROWS):
                gathers.append(
                    pltpu.async_copy(
                        table_hbm.at[idx_v.at[g * CHUNK_ROWS + j]],
                        rows_v.at[pl.ds(j * IDX_ROW, IDX_ROW)],
                        gsem,
                    )
                )
            outs = []
            for j in range(CHUNK_ROWS):
                gathers[j].wait()

                def scale_body(i, c2, j=j):
                    for rr in range(UNROLL):
                        r = j * IDX_ROW + i * UNROLL + rr
                        for c in range(emb // 16):
                            v = rows_v[r, pl.ds(c * 16, 16)]
                            rows_v[r, pl.ds(c * 16, 16)] = v * scale
                    return c2

                lax.fori_loop(0, IDX_ROW // UNROLL, scale_body, 0)
                outs.append(
                    pltpu.async_copy(
                        rows_v.at[pl.ds(j * IDX_ROW, IDX_ROW)],
                        out_hbm.at[pl.ds(base + j * IDX_ROW, IDX_ROW)],
                        osem,
                    )
                )
            for o in outs:
                o.wait()
            return carry

        lax.fori_loop(0, n_chunks, chunk_body, 0)

    return k


def kernel(tokens, table):
    b, l = tokens.shape
    vocab, emb = table.shape
    n = b * l
    n_rows = n // IDX_ROW
    scale = math.sqrt(emb)
    tok = tokens.astype(jnp.int32).reshape(n_rows, IDX_ROW)
    out = _build(n_rows, vocab, emb, scale)(tok, table)
    return out.reshape(b, l, emb)

# --- scband reference (transcript-rebuilt; emitter-appended) ---
"""Pipeline reference for scband-token-embedding-14645838479773 (READ-ONLY COPY).

The authoritative reference and input builder live on the scoring server;
editing this copy changes nothing except your own understanding.
"""

import jax, jax.numpy as jnp
import numpy as np
import math

VOCAB = 1000000
EMB = 64
B = 4096
L = 200

def setup_inputs(seed: int = 0) -> dict:
    key = jax.random.key(seed)
    k_tok, k_tab = jax.random.split(key)
    tokens = jax.random.randint(k_tok, (B, L), 0, VOCAB, dtype=jnp.int64 if jax.config.jax_enable_x64 else jnp.int32)
    table = jax.random.normal(k_tab, (VOCAB, EMB), dtype=jnp.float32)
    return {"tokens": tokens, "table": table}

def reference(tokens, table):
    emb = jnp.take(table, tokens, axis=0)
    return emb * math.sqrt(EMB)

if __name__ == "__main__":
    import jax
    _d = setup_inputs()
    print(jax.jit(kernel)(*tuple(_d.values())))

</pallas_src>

<mosaic_0001>
#map = affine_map<(d0, d1) -> (0, 0)>
module attributes {stable_mosaic.version = 14 : i64} {
  func.func @k(%arg0: i32, %arg1: i32, %arg2: memref<6400x128xi32, #tpu.memory_space<hbm>>, %arg3: memref<1000000x64xf32, #tpu.memory_space<hbm>>, %arg4: memref<819200x64xf32, #tpu.memory_space<hbm>>, %arg5: memref<200x128xi32, #tpu.memory_space<vmem>>, %arg6: memref<1024x64xf32, #tpu.memory_space<vmem>>, %arg7: memref<!tpu.dma_semaphore, #tpu.memory_space<semaphore_mem>>, %arg8: memref<!tpu.dma_semaphore, #tpu.memory_space<semaphore_mem>>) attributes {dimension_semantics = [#tpu.dimension_semantics<core_parallel>, #tpu.dimension_semantics<subcore_parallel>], iteration_bounds = array<i64: 2, 16>, scalar_prefetch = 0 : i64, scratch_operands = 4 : i64, tpu.core_type = #tpu.core_type<sc_vector_subcore>, window_params = [{transform_indices = #map}, {transform_indices = #map}, {transform_indices = #map}]} {
    %mul3A = arith.constant 2 : i32
    %mul3A_0 = arith.muli %arg1, %mul3A : i32
    %add3A = arith.addi %mul3A_0, %arg0 : i32
    %mul3A_1 = arith.constant 200 : i32
    %mul3A_2 = arith.muli %add3A, %mul3A_1 : i32
    "tpu.region"() ({
      %run_scoped3A = tpu.sem_alloc : memref<!tpu.dma_semaphore, #tpu.memory_space<semaphore_mem>>
      %dma_start3A = arith.constant 0 : i32
      %dma_start3A_8 = tpu.memref_slice %arg2[%mul3A_2, %dma_start3A] : memref<6400x128xi32, #tpu.memory_space<hbm>> -> memref<200x128xi32, #tpu.memory_space<hbm>>
      %dma_start3A_9 = arith.constant 0 : i32
      %dma_start3A_10 = tpu.memref_slice %arg2[%mul3A_2, %dma_start3A_9] : memref<6400x128xi32, #tpu.memory_space<hbm>> -> memref<200x128xi32, #tpu.memory_space<hbm>>
      tpu.enqueue_dma source(%dma_start3A_10 : memref<200x128xi32, #tpu.memory_space<hbm>>) target(%arg5 : memref<200x128xi32, #tpu.memory_space<vmem>>) target_semaphore(%run_scoped3A : memref<!tpu.dma_semaphore, #tpu.memory_space<semaphore_mem>>)
      %dma_wait3A = arith.constant 0 : i32
      %dma_wait3A_11 = tpu.memref_slice %arg2[%mul3A_2, %dma_wait3A] : memref<6400x128xi32, #tpu.memory_space<hbm>> -> memref<200x128xi32, #tpu.memory_space<hbm>>
      %dma_wait3A_12 = arith.constant 0 : i32
      %dma_wait3A_13 = tpu.memref_slice %arg2[%mul3A_2, %dma_wait3A_12] : memref<6400x128xi32, #tpu.memory_space<hbm>> -> memref<200x128xi32, #tpu.memory_space<hbm>>
      tpu.wait_dma2 semaphore(%run_scoped3A : memref<!tpu.dma_semaphore, #tpu.memory_space<semaphore_mem>>) src(%dma_wait3A_13 : memref<200x128xi32, #tpu.memory_space<hbm>>) dst(%arg5 : memref<200x128xi32, #tpu.memory_space<vmem>>)
      tpu.yield
    }) : () -> ()
    %scan3A = arith.constant 0 : i32
    %scan3A_3 = arith.constant 0 : i32
    %scan3A_4 = arith.constant 25 : i32
    %scan3A_5 = arith.addi %scan3A_3, %scan3A_4 : i32
    %scan3A_6 = arith.constant 1 : i32
    scf.for %scan3A_8 = %scan3A_3 to %scan3A_5 step %scan3A_6  : i32 {
      %mul3A_9 = arith.constant 8 : i32
      %mul3A_10 = arith.muli %scan3A_8, %mul3A_9 : i32
      %add3A_11 = arith.addi %mul3A_2, %mul3A_10 : i32
      %mul3A_12 = arith.constant 128 : i32
      %mul3A_13 = arith.muli %add3A_11, %mul3A_12 : i32
      %mul3A_14 = arith.constant 8 : i32
      %mul3A_15 = arith.muli %scan3A_8, %mul3A_14 : i32
      %add3A_16 = arith.constant 0 : i32
      %add3A_17 = arith.addi %mul3A_15, %add3A_16 : i32
      %dma_start3A = arith.constant 0 : i32
      %dma_start3A_18 = arith.constant 0 : i32
      %dma_start3A_19 = tpu.memref_slice %arg6[%dma_start3A, %dma_start3A_18] : memref<1024x64xf32, #tpu.memory_space<vmem>> -> memref<128x64xf32, #tpu.memory_space<vmem>>
      %dma_start3A_20 = arith.constant 0 : i32
      %dma_start3A_21 = tpu.memref_slice %arg5[%add3A_17, %dma_start3A_20] : memref<200x128xi32, #tpu.memory_space<vmem>> -> memref<1x128xi32, #tpu.memory_space<vmem>>
      %dma_start3A_22 = tpu.memref_squeeze %dma_start3A_21 : memref<1x128xi32, #tpu.memory_space<vmem>> -> memref<128xi32, #tpu.memory_space<vmem>>
      %dma_start3A_23 = arith.constant 0 : i32
      %dma_start3A_24 = arith.constant 0 : i32
      %dma_start3A_25 = tpu.memref_slice %arg3[%dma_start3A_23, %dma_start3A_24] : memref<1000000x64xf32, #tpu.memory_space<hbm>> -> memref<1000000x64xf32, #tpu.memory_space<hbm>>
      tpu.enqueue_indirect_dma source(%dma_start3A_25 : memref<1000000x64xf32, #tpu.memory_space<hbm>>) target(%dma_start3A_19 : memref<128x64xf32, #tpu.memory_space<vmem>>) offsets(%dma_start3A_22 : memref<128xi32, #tpu.memory_space<vmem>>) semaphore(%arg7 : memref<!tpu.dma_semaphore, #tpu.memory_space<semaphore_mem>>)
      %mul3A_26 = arith.constant 8 : i32
      %mul3A_27 = arith.muli %scan3A_8, %mul3A_26 : i32
      %add3A_28 = arith.constant 1 : i32
      %add3A_29 = arith.addi %mul3A_27, %add3A_28 : i32
      %dma_start3A_30 = arith.constant 128 : i32
      %dma_start3A_31 = arith.constant 0 : i32
      %dma_start3A_32 = tpu.memref_slice %arg6[%dma_start3A_30, %dma_start3A_31] : memref<1024x64xf32, #tpu.memory_space<vmem>> -> memref<128x64xf32, #tpu.memory_space<vmem>>
      %dma_start3A_33 = arith.constant 0 : i32
      %dma_start3A_34 = tpu.memref_slice %arg5[%add3A_29, %dma_start3A_33] : memref<200x128xi32, #tpu.memory_space<vmem>> -> memref<1x128xi32, #tpu.memory_space<vmem>>
      %dma_start3A_35 = tpu.memref_squeeze %dma_start3A_34 : memref<1x128xi32, #tpu.memory_space<vmem>> -> memref<128xi32, #tpu.memory_space<vmem>>
      %dma_start3A_36 = arith.constant 0 : i32
      %dma_start3A_37 = arith.constant 0 : i32
      %dma_start3A_38 = tpu.memref_slice %arg3[%dma_start3A_36, %dma_start3A_37] : memref<1000000x64xf32, #tpu.memory_space<hbm>> -> memref<1000000x64xf32, #tpu.memory_space<hbm>>
      tpu.enqueue_indirect_dma source(%dma_start3A_38 : memref<1000000x64xf32, #tpu.memory_space<hbm>>) target(%dma_start3A_32 : memref<128x64xf32, #tpu.memory_space<vmem>>) offsets(%dma_start3A_35 : memref<128xi32, #tpu.memory_space<vmem>>) semaphore(%arg7 : memref<!tpu.dma_semaphore, #tpu.memory_space<semaphore_mem>>)
      %mul3A_39 = arith.constant 8 : i32
      %mul3A_40 = arith.muli %scan3A_8, %mul3A_39 : i32
      %add3A_41 = arith.constant 2 : i32
      %add3A_42 = arith.addi %mul3A_40, %add3A_41 : i32
      %dma_start3A_43 = arith.constant 256 : i32
      %dma_start3A_44 = arith.constant 0 : i32
      %dma_start3A_45 = tpu.memref_slice %arg6[%dma_start3A_43, %dma_start3A_44] : memref<1024x64xf32, #tpu.memory_space<vmem>> -> memref<128x64xf32, #tpu.memory_space<vmem>>
      %dma_start3A_46 = arith.constant 0 : i32
      %dma_start3A_47 = tpu.memref_slice %arg5[%add3A_42, %dma_start3A_46] : memref<200x128xi32, #tpu.memory_space<vmem>> -> memref<1x128xi32, #tpu.memory_space<vmem>>
      %dma_start3A_48 = tpu.memref_squeeze %dma_start3A_47 : memref<1x128xi32, #tpu.memory_space<vmem>> -> memref<128xi32, #tpu.memory_space<vmem>>
      %dma_start3A_49 = arith.constant 0 : i32
      %dma_start3A_50 = arith.constant 0 : i32
      %dma_start3A_51 = tpu.memref_slice %arg3[%dma_start3A_49, %dma_start3A_50] : memref<1000000x64xf32, #tpu.memory_space<hbm>> -> memref<1000000x64xf32, #tpu.memory_space<hbm>>
      tpu.enqueue_indirect_dma source(%dma_start3A_51 : memref<1000000x64xf32, #tpu.memory_space<hbm>>) target(%dma_start3A_45 : memref<128x64xf32, #tpu.memory_space<vmem>>) offsets(%dma_start3A_48 : memref<128xi32, #tpu.memory_space<vmem>>) semaphore(%arg7 : memref<!tpu.dma_semaphore, #tpu.memory_space<semaphore_mem>>)
      %mul3A_52 = arith.constant 8 : i32
      %mul3A_53 = arith.muli %scan3A_8, %mul3A_52 : i32
      %add3A_54 = arith.constant 3 : i32
      %add3A_55 = arith.addi %mul3A_53, %add3A_54 : i32
      %dma_start3A_56 = arith.constant 384 : i32
      %dma_start3A_57 = arith.constant 0 : i32
      %dma_start3A_58 = tpu.memref_slice %arg6[%dma_start3A_56, %dma_start3A_57] : memref<1024x64xf32, #tpu.memory_space<vmem>> -> memref<128x64xf32, #tpu.memory_space<vmem>>
      %dma_start3A_59 = arith.constant 0 : i32
      %dma_start3A_60 = tpu.memref_slice %arg5[%add3A_55, %dma_start3A_59] : memref<200x128xi32, #tpu.memory_space<vmem>> -> memref<1x128xi32, #tpu.memory_space<vmem>>
      %dma_start3A_61 = tpu.memref_squeeze %dma_start3A_60 : memref<1x128xi32, #tpu.memory_space<vmem>> -> memref<128xi32, #tpu.memory_space<vmem>>
      %dma_start3A_62 = arith.constant 0 : i32
      %dma_start3A_63 = arith.constant 0 : i32
      %dma_start3A_64 = tpu.memref_slice %arg3[%dma_start3A_62, %dma_start3A_63] : memref<1000000x64xf32, #tpu.memory_space<hbm>> -> memref<1000000x64xf32, #tpu.memory_space<hbm>>
      tpu.enqueue_indirect_dma source(%dma_start3A_64 : memref<1000000x64xf32, #tpu.memory_space<hbm>>) target(%dma_start3A_58 : memref<128x64xf32, #tpu.memory_space<vmem>>) offsets(%dma_start3A_61 : memref<128xi32, #tpu.memory_space<vmem>>) semaphore(%arg7 : memref<!tpu.dma_semaphore, #tpu.memory_space<semaphore_mem>>)
      %mul3A_65 = arith.constant 8 : i32
      %mul3A_66 = arith.muli %scan3A_8, %mul3A_65 : i32
      %add3A_67 = arith.constant 4 : i32
      %add3A_68 = arith.addi %mul3A_66, %add3A_67 : i32
      %dma_start3A_69 = arith.constant 512 : i32
      %dma_start3A_70 = arith.constant 0 : i32
      %dma_start3A_71 = tpu.memref_slice %arg6[%dma_start3A_69, %dma_start3A_70] : memref<1024x64xf32, #tpu.memory_space<vmem>> -> memref<128x64xf32, #tpu.memory_space<vmem>>
      %dma_start3A_72 = arith.constant 0 : i32
      %dma_start3A_73 = tpu.memref_slice %arg5[%add3A_68, %dma_start3A_72] : memref<200x128xi32, #tpu.memory_space<vmem>> -> memref<1x128xi32, #tpu.memory_space<vmem>>
      %dma_start3A_74 = tpu.memref_squeeze %dma_start3A_73 : memref<1x128xi32, #tpu.memory_space<vmem>> -> memref<128xi32, #tpu.memory_space<vmem>>
      %dma_start3A_75 = arith.constant 0 : i32
      %dma_start3A_76 = arith.constant 0 : i32
      %dma_start3A_77 = tpu.memref_slice %arg3[%dma_start3A_75, %dma_start3A_76] : memref<1000000x64xf32, #tpu.memory_space<hbm>> -> memref<1000000x64xf32, #tpu.memory_space<hbm>>
      tpu.enqueue_indirect_dma source(%dma_start3A_77 : memref<1000000x64xf32, #tpu.memory_space<hbm>>) target(%dma_start3A_71 : memref<128x64xf32, #tpu.memory_space<vmem>>) offsets(%dma_start3A_74 : memref<128xi32, #tpu.memory_space<vmem>>) semaphore(%arg7 : memref<!tpu.dma_semaphore, #tpu.memory_space<semaphore_mem>>)
      %mul3A_78 = arith.constant 8 : i32
      %mul3A_79 = arith.muli %scan3A_8, %mul3A_78 : i32
      %add3A_80 = arith.constant 5 : i32
      %add3A_81 = arith.addi %mul3A_79, %add3A_80 : i32
      %dma_start3A_82 = arith.constant 640 : i32
      %dma_start3A_83 = arith.constant 0 : i32
      %dma_start3A_84 = tpu.memref_slice %arg6[%dma_start3A_82, %dma_start3A_83] : memref<1024x64xf32, #tpu.memory_space<vmem>> -> memref<128x64xf32, #tpu.memory_space<vmem>>
      %dma_start3A_85 = arith.constant 0 : i32
      %dma_start3A_86 = tpu.memref_slice %arg5[%add3A_81, %dma_start3A_85] : memref<200x128xi32, #tpu.memory_space<vmem>> -> memref<1x128xi32, #tpu.memory_space<vmem>>
      %dma_start3A_87 = tpu.memref_squeeze %dma_start3A_86 : memref<1x128xi32, #tpu.memory_space<vmem>> -> memref<128xi32, #tpu.memory_space<vmem>>
      %dma_start3A_88 = arith.constant 0 : i32
      %dma_start3A_89 = arith.constant 0 : i32
      %dma_start3A_90 = tpu.memref_slice %arg3[%dma_start3A_88, %dma_start3A_89] : memref<1000000x64xf32, #tpu.memory_space<hbm>> -> memref<1000000x64xf32, #tpu.memory_space<hbm>>
      tpu.enqueue_indirect_dma source(%dma_start3A_90 : memref<1000000x64xf32, #tpu.memory_space<hbm>>) target(%dma_start3A_84 : memref<128x64xf32, #tpu.memory_space<vmem>>) offsets(%dma_start3A_87 : memref<128xi32, #tpu.memory_space<vmem>>) semaphore(%arg7 : memref<!tpu.dma_semaphore, #tpu.memory_space<semaphore_mem>>)
      %mul3A_91 = arith.constant 8 : i32
      %mul3A_92 = arith.muli %scan3A_8, %mul3A_91 : i32
      %add3A_93 = arith.constant 6 : i32
      %add3A_94 = arith.addi %mul3A_92, %add3A_93 : i32
      %dma_start3A_95 = arith.constant 768 : i32
      %dma_start3A_96 = arith.constant 0 : i32
      %dma_start3A_97 = tpu.memref_slice %arg6[%dma_start3A_95, %dma_start3A_96] : memref<1024x64xf32, #tpu.memory_space<vmem>> -> memref<128x64xf32, #tpu.memory_space<vmem>>
      %dma_start3A_98 = arith.constant 0 : i32
      %dma_start3A_99 = tpu.memref_slice %arg5[%add3A_94, %dma_start3A_98] : memref<200x128xi32, #tpu.memory_space<vmem>> -> memref<1x128xi32, #tpu.memory_space<vmem>>
      %dma_start3A_100 = tpu.memref_squeeze %dma_start3A_99 : memref<1x128xi32, #tpu.memory_space<vmem>> -> memref<128xi32, #tpu.memory_space<vmem>>
      %dma_start3A_101 = arith.constant 0 : i32
      %dma_start3A_102 = arith.constant 0 : i32
      %dma_start3A_103 = tpu.memref_slice %arg3[%dma_start3A_101, %dma_start3A_102] : memref<1000000x64xf32, #tpu.memory_space<hbm>> -> memref<1000000x64xf32, #tpu.memory_space<hbm>>
      tpu.enqueue_indirect_dma source(%dma_start3A_103 : memref<1000000x64xf32, #tpu.memory_space<hbm>>) target(%dma_start3A_97 : memref<128x64xf32, #tpu.memory_space<vmem>>) offsets(%dma_start3A_100 : memref<128xi32, #tpu.memory_space<vmem>>) semaphore(%arg7 : memref<!tpu.dma_semaphore, #tpu.memory_space<semaphore_mem>>)
      %mul3A_104 = arith.constant 8 : i32
      %mul3A_105 = arith.muli %scan3A_8, %mul3A_104 : i32
      %add3A_106 = arith.constant 7 : i32
      %add3A_107 = arith.addi %mul3A_105, %add3A_106 : i32
      %dma_start3A_108 = arith.constant 896 : i32
      %dma_start3A_109 = arith.constant 0 : i32
      %dma_start3A_110 = tpu.memref_slice %arg6[%dma_start3A_108, %dma_start3A_109] : memref<1024x64xf32, #tpu.memory_space<vmem>> -> memref<128x64xf32, #tpu.memory_space<vmem>>
      %dma_start3A_111 = arith.constant 0 : i32
      %dma_start3A_112 = tpu.memref_slice %arg5[%add3A_107, %dma_start3A_111] : memref<200x128xi32, #tpu.memory_space<vmem>> -> memref<1x128xi32, #tpu.memory_space<vmem>>
      %dma_start3A_113 = tpu.memref_squeeze %dma_start3A_112 : memref<1x128xi32, #tpu.memory_space<vmem>> -> memref<128xi32, #tpu.memory_space<vmem>>
      %dma_start3A_114 = arith.constant 0 : i32
      %dma_start3A_115 = arith.constant 0 : i32
      %dma_start3A_116 = tpu.memref_slice %arg3[%dma_start3A_114, %dma_start3A_115] : memref<1000000x64xf32, #tpu.memory_space<hbm>> -> memref<1000000x64xf32, #tpu.memory_space<hbm>>
      tpu.enqueue_indirect_dma source(%dma_start3A_116 : memref<1000000x64xf32, #tpu.memory_space<hbm>>) target(%dma_start3A_110 : memref<128x64xf32, #tpu.memory_space<vmem>>) offsets(%dma_start3A_113 : memref<128xi32, #tpu.memory_space<vmem>>) semaphore(%arg7 : memref<!tpu.dma_semaphore, #tpu.memory_space<semaphore_mem>>)
      %dma_wait3A = arith.constant 0 : i32
      %dma_wait3A_117 = arith.constant 0 : i32
      %dma_wait3A_118 = tpu.memref_slice %arg6[%dma_wait3A, %dma_wait3A_117] : memref<1024x64xf32, #tpu.memory_space<vmem>> -> memref<128x64xf32, #tpu.memory_space<vmem>>
      %dma_wait3A_119 = arith.constant 0 : i32
      %dma_wait3A_120 = tpu.memref_slice %arg5[%add3A_17, %dma_wait3A_119] : memref<200x128xi32, #tpu.memory_space<vmem>> -> memref<1x128xi32, #tpu.memory_space<vmem>>
      %dma_wait3A_121 = tpu.memref_squeeze %dma_wait3A_120 : memref<1x128xi32, #tpu.memory_space<vmem>> -> memref<128xi32, #tpu.memory_space<vmem>>
      %dma_wait3A_122 = arith.constant 0 : i32
      %dma_wait3A_123 = arith.constant 0 : i32
      %dma_wait3A_124 = tpu.memref_slice %arg3[%dma_wait3A_122, %dma_wait3A_123] : memref<1000000x64xf32, #tpu.memory_space<hbm>> -> memref<1000000x64xf32, #tpu.memory_space<hbm>>
      tpu.wait_indirect_dma semaphore(%arg7 : memref<!tpu.dma_semaphore, #tpu.memory_space<semaphore_mem>>) src(%dma_wait3A_124 : memref<1000000x64xf32, #tpu.memory_space<hbm>>) dst(%dma_wait3A_118 : memref<128x64xf32, #tpu.memory_space<vmem>>)
      %scan3A_125 = arith.constant 0 : i32
      %scan3A_126 = arith.constant 0 : i32
      %scan3A_127 = arith.constant 16 : i32
      %scan3A_128 = arith.addi %scan3A_126, %scan3A_127 : i32
      %scan3A_129 = arith.constant 1 : i32
      scf.for %scan3A_412 = %scan3A_126 to %scan3A_128 step %scan3A_129  : i32 {
        %mul3A_413 = arith.constant 8 : i32
        %mul3A_414 = arith.muli %scan3A_412, %mul3A_413 : i32
        %add3A_415 = arith.constant 0 : i32
        %add3A_416 = arith.addi %add3A_415, %mul3A_414 : i32
        %add3A_417 = arith.constant 0 : i32
        %add3A_418 = arith.addi %add3A_416, %add3A_417 : i32
        %get3A = arith.index_cast %add3A_418 : i32 to index
        %get3A_419 = arith.constant 0 : index
        %get3A_420 = tpu.vector_load %arg6[%get3A, %get3A_419] {strides = array<i32>} : memref<1024x64xf32, #tpu.memory_space<vmem>>, vector<1x16xf32>,
        %get3A_421 = vector.shape_cast %get3A_420 : vector<1x16xf32> to vector<16xf32>
        %mul3A_422 = arith.constant 8.000000e+00 : f32
        %mul3A_423 = vector.broadcast %mul3A_422 : f32 to vector<16xf32>
        %mul3A_424 = arith.mulf %get3A_421, %mul3A_423 : vector<16xf32>
        %swap3A = arith.index_cast %add3A_418 : i32 to index
        %swap3A_425 = arith.constant 0 : index
        %swap3A_426 = tpu.vector_load %arg6[%swap3A, %swap3A_425] {strides = array<i32>} : memref<1024x64xf32, #tpu.memory_space<vmem>>, vector<1x16xf32>,
        %swap3A_427 = vector.shape_cast %swap3A_426 : vector<1x16xf32> to vector<16xf32>
        %swap3A_428 = vector.shape_cast %mul3A_424 : vector<16xf32> to vector<1x16xf32>
        tpu.vector_store %arg6[%swap3A, %swap3A_425], %swap3A_428 {strides = array<i32>} : memref<1024x64xf32, #tpu.memory_space<vmem>>, vector<1x16xf32>,
        %get3A_429 = arith.index_cast %add3A_418 : i32 to index
        %get3A_430 = arith.constant 16 : index
        %get3A_431 = tpu.vector_load %arg6[%get3A_429, %get3A_430] {strides = array<i32>} : memref<1024x64xf32, #tpu.memory_space<vmem>>, vector<1x16xf32>,
        %get3A_432 = vector.shape_cast %get3A_431 : vector<1x16xf32> to vector<16xf32>
        %mul3A_433 = arith.constant 8.000000e+00 : f32
        %mul3A_434 = vector.broadcast %mul3A_433 : f32 to vector<16xf32>
        %mul3A_435 = arith.mulf %get3A_432, %mul3A_434 : vector<16xf32>
        %swap3A_436 = arith.index_cast %add3A_418 : i32 to index
        %swap3A_437 = arith.constant 16 : index
        %swap3A_438 = tpu.vector_load %arg6[%swap3A_436, %swap3A_437] {strides = array<i32>} : memref<1024x64xf32, #tpu.memory_space<vmem>>, vector<1x16xf32>,
        %swap3A_439 = vector.shape_cast %swap3A_438 : vector<1x16xf32> to vector<16xf32>
        %swap3A_440 = vector.shape_cast %mul3A_435 : vector<16xf32> to vector<1x16xf32>
        tpu.vector_store %arg6[%swap3A_436, %swap3A_437], %swap3A_440 {strides = array<i32>} : memref<1024x64xf32, #tpu.memory_space<vmem>>, vector<1x16xf32>,
        %get3A_441 = arith.index_cast %add3A_418 : i32 to index
        %get3A_442 = arith.constant 32 : index
        %get3A_443 = tpu.vector_load %arg6[%get3A_441, %get3A_442] {strides = array<i32>} : memref<1024x64xf32, #tpu.memory_space<vmem>>, vector<1x16xf32>,
        %get3A_444 = vector.shape_cast %get3A_443 : vector<1x16xf32> to vector<16xf32>
        %mul3A_445 = arith.constant 8.000000e+00 : f32
        %mul3A_446 = vector.broadcast %mul3A_445 : f32 to vector<16xf32>
        %mul3A_447 = arith.mulf %get3A_444, %mul3A_446 : vector<16xf32>
        %swap3A_448 = arith.index_cast %add3A_418 : i32 to index
        %swap3A_449 = arith.constant 32 : index
        %swap3A_450 = tpu.vector_load %arg6[%swap3A_448, %swap3A_449] {strides = array<i32>} : memref<1024x64xf32, #tpu.memory_space<vmem>>, vector<1x16xf32>,
        %swap3A_451 = vector.shape_cast %swap3A_450 : vector<1x16xf32> to vector<16xf32>
        %swap3A_452 = vector.shape_cast %mul3A_447 : vector<16xf32> to vector<1x16xf32>
        tpu.vector_store %arg6[%swap3A_448, %swap3A_449], %swap3A_452 {strides = array<i32>} : memref<1024x64xf32, #tpu.memory_space<vmem>>, vector<1x16xf32>,
        %get3A_453 = arith.index_cast %add3A_418 : i32 to index
        %get3A_454 = arith.constant 48 : index
        %get3A_455 = tpu.vector_load %arg6[%get3A_453, %get3A_454] {strides = array<i32>} : memref<1024x64xf32, #tpu.memory_space<vmem>>, vector<1x16xf32>,
        %get3A_456 = vector.shape_cast %get3A_455 : vector<1x16xf32> to vector<16xf32>
        %mul3A_457 = arith.constant 8.000000e+00 : f32
        %mul3A_458 = vector.broadcast %mul3A_457 : f32 to vector<16xf32>
        %mul3A_459 = arith.mulf %get3A_456, %mul3A_458 : vector<16xf32>
        %swap3A_460 = arith.index_cast %add3A_418 : i32 to index
        %swap3A_461 = arith.constant 48 : index
        %swap3A_462 = tpu.vector_load %arg6[%swap3A_460, %swap3A_461] {strides = array<i32>} : memref<1024x64xf32, #tpu.memory_space<vmem>>, vector<1x16xf32>,
        %swap3A_463 = vector.shape_cast %swap3A_462 : vector<1x16xf32> to vector<16xf32>
        %swap3A_464 = vector.shape_cast %mul3A_459 : vector<16xf32> to vector<1x16xf32>
        tpu.vector_store %arg6[%swap3A_460, %swap3A_461], %swap3A_464 {strides = array<i32>} : memref<1024x64xf32, #tpu.memory_space<vmem>>, vector<1x16xf32>,
        %mul3A_465 = arith.constant 8 : i32
        %mul3A_466 = arith.muli %scan3A_412, %mul3A_465 : i32
        %add3A_467 = arith.constant 0 : i32
        %add3A_468 = arith.addi %add3A_467, %mul3A_466 : i32
        %add3A_469 = arith.constant 1 : i32
        %add3A_470 = arith.addi %add3A_468, %add3A_469 : i32
        %get3A_471 = arith.index_cast %add3A_470 : i32 to index
        %get3A_472 = arith.constant 0 : index
        %get3A_473 = tpu.vector_load %arg6[%get3A_471, %get3A_472] {strides = array<i32>} : memref<1024x64xf32, #tpu.memory_space<vmem>>, vector<1x16xf32>,
        %get3A_474 = vector.shape_cast %get3A_473 : vector<1x16xf32> to vector<16xf32>
        %mul3A_475 = arith.constant 8.000000e+00 : f32
        %mul3A_476 = vector.broadcast %mul3A_475 : f32 to vector<16xf32>
        %mul3A_477 = arith.mulf %get3A_474, %mul3A_476 : vector<16xf32>
        %swap3A_478 = arith.index_cast %add3A_470 : i32 to index
        %swap3A_479 = arith.constant 0 : index
        %swap3A_480 = tpu.vector_load %arg6[%swap3A_478, %swap3A_479] {strides = array<i32>} : memref<1024x64xf32, #tpu.memory_space<vmem>>, vector<1x16xf32>,
        %swap3A_481 = vector.shape_cast %swap3A_480 : vector<1x16xf32> to vector<16xf32>
        %swap3A_482 = vector.shape_cast %mul3A_477 : vector<16xf32> to vector<1x16xf32>
        tpu.vector_store %arg6[%swap3A_478, %swap3A_479], %swap3A_482 {strides = array<i32>} : memref<1024x64xf32, #tpu.memory_space<vmem>>, vector<1x16xf32>,
        %get3A_483 = arith.index_cast %add3A_470 : i32 to index
        %get3A_484 = arith.constant 16 : index
        %get3A_485 = tpu.vector_load %arg6[%get3A_483, %get3A_484] {strides = array<i32>} : memref<1024x64xf32, #tpu.memory_space<vmem>>, vector<1x16xf32>,
        %get3A_486 = vector.shape_cast %get3A_485 : vector<1x16xf32> to vector<16xf32>
        %mul3A_487 = arith.constant 8.000000e+00 : f32
        %mul3A_488 = vector.broadcast %mul3A_487 : f32 to vector<16xf32>
        %mul3A_489 = arith.mulf %get3A_486, %mul3A_488 : vector<16xf32>
        %swap3A_490 = arith.index_cast %add3A_470 : i32 to index
        %swap3A_491 = arith.constant 16 : index
        %swap3A_492 = tpu.vector_load %arg6[%swap3A_490, %swap3A_491] {strides = array<i32>} : memref<1024x64xf32, #tpu.memory_space<vmem>>, vector<1x16xf32>,
        %swap3A_493 = vector.shape_cast %swap3A_492 : vector<1x16xf32> to vector<16xf32>
        %swap3A_494 = vector.shape_cast %mul3A_489 : vector<16xf32> to vector<1x16xf32>
        tpu.vector_store %arg6[%swap3A_490, %swap3A_491], %swap3A_494 {strides = array<i32>} : memref<1024x64xf32, #tpu.memory_space<vmem>>, vector<1x16xf32>,
        %get3A_495 = arith.index_cast %add3A_470 : i32 to index
        %get3A_496 = arith.constant 32 : index
        %get3A_497 = tpu.vector_load %arg6[%get3A_495, %get3A_496] {strides = array<i32>} : memref<1024x64xf32, #tpu.memory_space<vmem>>, vector<1x16xf32>,
        %get3A_498 = vector.shape_cast %get3A_497 : vector<1x16xf32> to vector<16xf32>
        %mul3A_499 = arith.constant 8.000000e+00 : f32
        %mul3A_500 = vector.broadcast %mul3A_499 : f32 to vector<16xf32>
        %mul3A_501 = arith.mulf %get3A_498, %mul3A_500 : vector<16xf32>
        %swap3A_502 = arith.index_cast %add3A_470 : i32 to index
        %swap3A_503 = arith.constant 32 : index
        %swap3A_504 = tpu.vector_load %arg6[%swap3A_502, %swap3A_503] {strides = array<i32>} : memref<1024x64xf32, #tpu.memory_space<vmem>>, vector<1x16xf32>,
        %swap3A_505 = vector.shape_cast %swap3A_504 : vector<1x16xf32> to vector<16xf32>
        %swap3A_506 = vector.shape_cast %mul3A_501 : vector<16xf32> to vector<1x16xf32>
        tpu.vector_store %arg6[%swap3A_502, %swap3A_503], %swap3A_506 {strides = array<i32>} : memref<1024x64xf32, #tpu.memory_space<vmem>>, vector<1x16xf32>,
        %get3A_507 = arith.index_cast %add3A_470 : i32 to index
        %get3A_508 = arith.constant 48 : index
        %get3A_509 = tpu.vector_load %arg6[%get3A_507, %get3A_508] {strides = array<i32>} : memref<1024x64xf32, #tpu.memory_space<vmem>>, vector<1x16xf32>,
        %get3A_510 = vector.shape_cast %get3A_509 : vector<1x16xf32> to vector<16xf32>
        %mul3A_511 = arith.constant 8.000000e+00 : f32
        %mul3A_512 = vector.broadcast %mul3A_511 : f32 to vector<16xf32>
        %mul3A_513 = arith.mulf %get3A_510, %mul3A_512 : vector<16xf32>
        %swap3A_514 = arith.index_cast %add3A_470 : i32 to index
        %swap3A_515 = arith.constant 48 : index
        %swap3A_516 = tpu.vector_load %arg6[%swap3A_514, %swap3A_515] {strides = array<i32>} : memref<1024x64xf32, #tpu.memory_space<vmem>>, vector<1x16xf32>,
        %swap3A_517 = vector.shape_cast %swap3A_516 : vector<1x16xf32> to vector<16xf32>
        %swap3A_518 = vector.shape_cast %mul3A_513 : vector<16xf32> to vector<1x16xf32>
        tpu.vector_store %arg6[%swap3A_514, %swap3A_515], %swap3A_518 {strides = array<i32>} : memref<1024x64xf32, #tpu.memory_space<vmem>>, vector<1x16xf32>,
        %mul3A_519 = arith.constant 8 : i32
        %mul3A_520 = arith.muli %scan3A_412, %mul3A_519 : i32
        %add3A_521 = arith.constant 0 : i32
        %add3A_522 = arith.addi %add3A_521, %mul3A_520 : i32
        %add3A_523 = arith.constant 2 : i32
        %add3A_524 = arith.addi %add3A_522, %add3A_523 : i32
        %get3A_525 = arith.index_cast %add3A_524 : i32 to index
        %get3A_526 = arith.constant 0 : index
        %get3A_527 = tpu.vector_load %arg6[%get3A_525, %get3A_526] {strides = array<i32>} : memref<1024x64xf32, #tpu.memory_space<vmem>>, vector<1x16xf32>,
        %get3A_528 = vector.shape_cast %get3A_527 : vector<1x16xf32> to vector<16xf32>
        %mul3A_529 = arith.constant 8.000000e+00 : f32
        %mul3A_530 = vector.broadcast %mul3A_529 : f32 to vector<16xf32>
        %mul3A_531 = arith.mulf %get3A_528, %mul3A_530 : vector<16xf32>
        %swap3A_532 = arith.index_cast %add3A_524 : i32 to index
        %swap3A_533 = arith.constant 0 : index
        %swap3A_534 = tpu.vector_load %arg6[%swap3A_532, %swap3A_533] {strides = array<i32>} : memref<1024x64xf32, #tpu.memory_space<vmem>>, vector<1x16xf32>,
        %swap3A_535 = vector.shape_cast %swap3A_534 : vector<1x16xf32> to vector<16xf32>
        %swap3A_536 = vector.shape_cast %mul3A_531 : vector<16xf32> to vector<1x16xf32>
        tpu.vector_store %arg6[%swap3A_532, %swap3A_533], %swap3A_536 {strides = array<i32>} : memref<1024x64xf32, #tpu.memory_space<vmem>>, vector<1x16xf32>,
        %get3A_537 = arith.index_cast %add3A_524 : i32 to index
        %get3A_538 = arith.constant 16 : index
        %get3A_539 = tpu.vector_load %arg6[%get3A_537, %get3A_538] {strides = array<i32>} : memref<1024x64xf32, #tpu.memory_space<vmem>>, vector<1x16xf32>,
        %get3A_540 = vector.shape_cast %get3A_539 : vector<1x16xf32> to vector<16xf32>
        %mul3A_541 = arith.constant 8.000000e+00 : f32
        %mul3A_542 = vector.broadcast %mul3A_541 : f32 to vector<16xf32>
        %mul3A_543 = arith.mulf %get3A_540, %mul3A_542 : vector<16xf32>
        %swap3A_544 = arith.index_cast %add3A_524 : i32 to index
        %swap3A_545 = arith.constant 16 : index
        %swap3A_546 = tpu.vector_load %arg6[%swap3A_544, %swap3A_545] {strides = array<i32>} : memref<1024x64xf32, #tpu.memory_space<vmem>>, vector<1x16xf32>,
        %swap3A_547 = vector.shape_cast %swap3A_546 : vector<1x16xf32> to vector<16xf32>
        %swap3A_548 = vector.shape_cast %mul3A_543 : vector<16xf32> to vector<1x16xf32>
        tpu.vector_store %arg6[%swap3A_544, %swap3A_545], %swap3A_548 {strides = array<i32>} : memref<1024x64xf32, #tpu.memory_space<vmem>>, vector<1x16xf32>,
        %get3A_549 = arith.index_cast %add3A_524 : i32 to index
        %get3A_550 = arith.constant 32 : index
        %get3A_551 = tpu.vector_load %arg6[%get3A_549, %get3A_550] {strides = array<i32>} : memref<1024x64xf32, #tpu.memory_space<vmem>>, vector<1x16xf32>,
        %get3A_552 = vector.shape_cast %get3A_551 : vector<1x16xf32> to vector<16xf32>
        %mul3A_553 = arith.constant 8.000000e+00 : f32
        %mul3A_554 = vector.broadcast %mul3A_553 : f32 to vector<16xf32>
        %mul3A_555 = arith.mulf %get3A_552, %mul3A_554 : vector<16xf32>
        %swap3A_556 = arith.index_cast %add3A_524 : i32 to index
        %swap3A_557 = arith.constant 32 : index
        %swap3A_558 = tpu.vector_load %arg6[%swap3A_556, %swap3A_557] {strides = array<i32>} : memref<1024x64xf32, #tpu.memory_space<vmem>>, vector<1x16xf32>,
        %swap3A_559 = vector.shape_cast %swap3A_558 : vector<1x16xf32> to vector<16xf32>
        %swap3A_560 = vector.shape_cast %mul3A_555 : vector<16xf32> to vector<1x16xf32>
        tpu.vector_store %arg6[%swap3A_556, %swap3A_557], %swap3A_560 {strides = array<i32>} : memref<1024x64xf32, #tpu.memory_space<vmem>>, vector<1x16xf32>,
        %get3A_561 = arith.index_cast %add3A_524 : i32 to index
        %get3A_562 = arith.constant 48 : index
        %get3A_563 = tpu.vector_load %arg6[%get3A_561, %get3A_562] {strides = array<i32>} : memref<1024x64xf32, #tpu.memory_space<vmem>>, vector<1x16xf32>,
        %get3A_564 = vector.shape_cast %get3A_563 : vector<1x16xf32> to vector<16xf32>
        %mul3A_565 = arith.constant 8.000000e+00 : f32
        %mul3A_566 = vector.broadcast %mul3A_565 : f32 to vector<16xf32>
        %mul3A_567 = arith.mulf %get3A_564, %mul3A_566 : vector<16xf32>
        %swap3A_568 = arith.index_cast %add3A_524 : i32 to index
        %swap3A_569 = arith.constant 48 : index
        %swap3A_570 = tpu.vector_load %arg6[%swap3A_568, %swap3A_569] {strides = array<i32>} : memref<1024x64xf32, #tpu.memory_space<vmem>>, vector<1x16xf32>,
        %swap3A_571 = vector.shape_cast %swap3A_570 : vector<1x16xf32> to vector<16xf32>
        %swap3A_572 = vector.shape_cast %mul3A_567 : vector<16xf32> to vector<1x16xf32>
        tpu.vector_store %arg6[%swap3A_568, %swap3A_569], %swap3A_572 {strides = array<i32>} : memref<1024x64xf32, #tpu.memory_space<vmem>>, vector<1x16xf32>,
        %mul3A_573 = arith.constant 8 : i32
        %mul3A_574 = arith.muli %scan3A_412, %mul3A_573 : i32
        %add3A_575 = arith.constant 0 : i32
        %add3A_576 = arith.addi %add3A_575, %mul3A_574 : i32
        %add3A_577 = arith.constant 3 : i32
        %add3A_578 = arith.addi %add3A_576, %add3A_577 : i32
        %get3A_579 = arith.index_cast %add3A_578 : i32 to index
        %get3A_580 = arith.constant 0 : index
        %get3A_581 = tpu.vector_load %arg6[%get3A_579, %get3A_580] {strides = array<i32>} : memref<1024x64xf32, #tpu.memory_space<vmem>>, vector<1x16xf32>,
        %get3A_582 = vector.shape_cast %get3A_581 : vector<1x16xf32> to vector<16xf32>
        %mul3A_583 = arith.constant 8.000000e+00 : f32
        %mul3A_584 = vector.broadcast %mul3A_583 : f32 to vector<16xf32>
        %mul3A_585 = arith.mulf %get3A_582, %mul3A_584 : vector<16xf32>
        %swap3A_586 = arith.index_cast %add3A_578 : i32 to index
        %swap3A_587 = arith.constant 0 : index
        %swap3A_588 = tpu.vector_load %arg6[%swap3A_586, %swap3A_587] {strides = array<i32>} : memref<1024x64xf32, #tpu.memory_space<vmem>>, vector<1x16xf32>,
        %swap3A_589 = vector.shape_cast %swap3A_588 : vector<1x16xf32> to vector<16xf32>
        %swap3A_590 = vector.shape_cast %mul3A_585 : vector<16xf32> to vector<1x16xf32>
        tpu.vector_store %arg6[%swap3A_586, %swap3A_587], %swap3A_590 {strides = array<i32>} : memref<1024x64xf32, #tpu.memory_space<vmem>>, vector<1x16xf32>,
        %get3A_591 = arith.index_cast %add3A_578 : i32 to index
        %get3A_592 = arith.constant 16 : index
        %get3A_593 = tpu.vector_load %arg6[%get3A_591, %get3A_592] {strides = array<i32>} : memref<1024x64xf32, #tpu.memory_space<vmem>>, vector<1x16xf32>,
        %get3A_594 = vector.shape_cast %get3A_593 : vector<1x16xf32> to vector<16xf32>
        %mul3A_595 = arith.constant 8.000000e+00 : f32
        %mul3A_596 = vector.broadcast %mul3A_595 : f32 to vector<16xf32>
        %mul3A_597 = arith.mulf %get3A_594, %mul3A_596 : vector<16xf32>
        %swap3A_598 = arith.index_cast %add3A_578 : i32 to index
        %swap3A_599 = arith.constant 16 : index
        %swap3A_600 = tpu.vector_load %arg6[%swap3A_598, %swap3A_599] {strides = array<i32>} : memref<1024x64xf32, #tpu.memory_space<vmem>>, vector<1x16xf32>,
        %swap3A_601 = vector.shape_cast %swap3A_600 : vector<1x16xf32> to vector<16xf32>
        %swap3A_602 = vector.shape_cast %mul3A_597 : vector<16xf32> to vector<1x16xf32>
        tpu.vector_store %arg6[%swap3A_598, %swap3A_599], %swap3A_602 {strides = array<i32>} : memref<1024x64xf32, #tpu.memory_space<vmem>>, vector<1x16xf32>,
        %get3A_603 = arith.index_cast %add3A_578 : i32 to index
        %get3A_604 = arith.constant 32 : index
        %get3A_605 = tpu.vector_load %arg6[%get3A_603, %get3A_604] {strides = array<i32>} : memref<1024x64xf32, #tpu.memory_space<vmem>>, vector<1x16xf32>,
        %get3A_606 = vector.shape_cast %get3A_605 : vector<1x16xf32> to vector<16xf32>
        %mul3A_607 = arith.constant 8.000000e+00 : f32
        %mul3A_608 = vector.broadcast %mul3A_607 : f32 to vector<16xf32>
        %mul3A_609 = arith.mulf %get3A_606, %mul3A_608 : vector<16xf32>
        %swap3A_610 = arith.index_cast %add3A_578 : i32 to index
        %swap3A_611 = arith.constant 32 : index
        %swap3A_612 = tpu.vector_load %arg6[%swap3A_610, %swap3A_611] {strides = array<i32>} : memref<1024x64xf32, #tpu.memory_space<vmem>>, vector<1x16xf32>,
        %swap3A_613 = vector.shape_cast %swap3A_612 : vector<1x16xf32> to vector<16xf32>
        %swap3A_614 = vector.shape_cast %mul3A_609 : vector<16xf32> to vector<1x16xf32>
        tpu.vector_store %arg6[%swap3A_610, %swap3A_611], %swap3A_614 {strides = array<i32>} : memref<1024x64xf32, #tpu.memory_space<vmem>>, vector<1x16xf32>,
        %get3A_615 = arith.index_cast %add3A_578 : i32 to index
        %get3A_616 = arith.constant 48 : index
        %get3A_617 = tpu.vector_load %arg6[%get3A_615, %get3A_616] {strides = array<i32>} : memref<1024x64xf32, #tpu.memory_space<vmem>>, vector<1x16xf32>,
        %get3A_618 = vector.shape_cast %get3A_617 : vector<1x16xf32> to vector<16xf32>
        %mul3A_619 = arith.constant 8.000000e+00 : f32
        %mul3A_620 = vector.broadcast %mul3A_619 : f32 to vector<16xf32>
        %mul3A_621 = arith.mulf %get3A_618, %mul3A_620 : vector<16xf32>
        %swap3A_622 = arith.index_cast %add3A_578 : i32 to index
        %swap3A_623 = arith.constant 48 : index
        %swap3A_624 = tpu.vector_load %arg6[%swap3A_622, %swap3A_623] {strides = array<i32>} : memref<1024x64xf32, #tpu.memory_space<vmem>>, vector<1x16xf32>,
        %swap3A_625 = vector.shape_cast %swap3A_624 : vector<1x16xf32> to vector<16xf32>
        %swap3A_626 = vector.shape_cast %mul3A_621 : vector<16xf32> to vector<1x16xf32>
        tpu.vector_store %arg6[%swap3A_622, %swap3A_623], %swap3A_626 {strides = array<i32>} : memref<1024x64xf32, #tpu.memory_space<vmem>>, vector<1x16xf32>,
        %mul3A_627 = arith.constant 8 : i32
        %mul3A_628 = arith.muli %scan3A_412, %mul3A_627 : i32
        %add3A_629 = arith.constant 0 : i32
        %add3A_630 = arith.addi %add3A_629, %mul3A_628 : i32
        %add3A_631 = arith.constant 4 : i32
        %add3A_632 = arith.addi %add3A_630, %add3A_631 : i32
        %get3A_633 = arith.index_cast %add3A_632 : i32 to index
        %get3A_634 = arith.constant 0 : index
        %get3A_635 = tpu.vector_load %arg6[%get3A_633, %get3A_634] {strides = array<i32>} : memref<1024x64xf32, #tpu.memory_space<vmem>>, vector<1x16xf32>,
        %get3A_636 = vector.shape_cast %get3A_635 : vector<1x16xf32> to vector<16xf32>
        %mul3A_637 = arith.constant 8.000000e+00 : f32
        %mul3A_638 = vector.broadcast %mul3A_637 : f32 to vector<16xf32>
        %mul3A_639 = arith.mulf %get3A_636, %mul3A_638 : vector<16xf32>
        %swap3A_640 = arith.index_cast %add3A_632 : i32 to index
        %swap3A_641 = arith.constant 0 : index
        %swap3A_642 = tpu.vector_load %arg6[%swap3A_640, %swap3A_641] {strides = array<i32>} : memref<1024x64xf32, #tpu.memory_space<vmem>>, vector<1x16xf32>,
        %swap3A_643 = vector.shape_cast %swap3A_642 : vector<1x16xf32> to vector<16xf32>
        %swap3A_644 = vector.shape_cast %mul3A_639 : vector<16xf32> to vector<1x16xf32>
        tpu.vector_store %arg6[%swap3A_640, %swap3A_641], %swap3A_644 {strides = array<i32>} : memref<1024x64xf32, #tpu.memory_space<vmem>>, vector<1x16xf32>,
        %get3A_645 = arith.index_cast %add3A_632 : i32 to index
        %get3A_646 = arith.constant 16 : index
        %get3A_647 = tpu.vector_load %arg6[%get3A_645, %get3A_646] {strides = array<i32>} : memref<1024x64xf32, #tpu.memory_space<vmem>>, vector<1x16xf32>,
        %get3A_648 = vector.shape_cast %get3A_647 : vector<1x16xf32> to vector<16xf32>
        %mul3A_649 = arith.constant 8.000000e+00 : f32
        %mul3A_650 = vector.broadcast %mul3A_649 : f32 to vector<16xf32>
        %mul3A_651 = arith.mulf %get3A_648, %mul3A_650 : vector<16xf32>
        %swap3A_652 = arith.index_cast %add3A_632 : i32 to index
        %swap3A_653 = arith.constant 16 : index
        %swap3A_654 = tpu.vector_load %arg6[%swap3A_652, %swap3A_653] {strides = array<i32>} : memref<1024x64xf32, #tpu.memory_space<vmem>>, vector<1x16xf32>,
        %swap3A_655 = vector.shape_cast %swap3A_654 : vector<1x16xf32> to vector<16xf32>
        %swap3A_656 = vector.shape_cast %mul3A_651 : vector<16xf32> to vector<1x16xf32>
        tpu.vector_store %arg6[%swap3A_652, %swap3A_653], %swap3A_656 {strides = array<i32>} : memref<1024x64xf32, #tpu.memory_space<vmem>>, vector<1x16xf32>,
        %get3A_657 = arith.index_cast %add3A_632 : i32 to index
        %get3A_658 = arith.constant 32 : index
        %get3A_659 = tpu.vector_load %arg6[%get3A_657, %get3A_658] {strides = array<i32>} : memref<1024x64xf32, #tpu.memory_space<vmem>>, vector<1x16xf32>,
        %get3A_660 = vector.shape_cast %get3A_659 : vector<1x16xf32> to vector<16xf32>
        %mul3A_661 = arith.constant 8.000000e+00 : f32
        %mul3A_662 = vector.broadcast %mul3A_661 : f32 to vector<16xf32>
        %mul3A_663 = arith.mulf %get3A_660, %mul3A_662 : vector<16xf32>
        %swap3A_664 = arith.index_cast %add3A_632 : i32 to index
        %swap3A_665 = arith.constant 32 : index
        %swap3A_666 = tpu.vector_load %arg6[%swap3A_664, %swap3A_665] {strides = array<i32>} : memref<1024x64xf32, #tpu.memory_space<vmem>>, vector<1x16xf32>,
        %swap3A_667 = vector.shape_cast %swap3A_666 : vector<1x16xf32> to vector<16xf32>
        %swap3A_668 = vector.shape_cast %mul3A_663 : vector<16xf32> to vector<1x16xf32>
        tpu.vector_store %arg6[%swap3A_664, %swap3A_665], %swap3A_668 {strides = array<i32>} : memref<1024x64xf32, #tpu.memory_space<vmem>>, vector<1x16xf32>,
        %get3A_669 = arith.index_cast %add3A_632 : i32 to index
        %get3A_670 = arith.constant 48 : index
        %get3A_671 = tpu.vector_load %arg6[%get3A_669, %get3A_670] {strides = array<i32>} : memref<1024x64xf32, #tpu.memory_space<vmem>>, vector<1x16xf32>,
        %get3A_672 = vector.shape_cast %get3A_671 : vector<1x16xf32> to vector<16xf32>
        %mul3A_673 = arith.constant 8.000000e+00 : f32
        %mul3A_674 = vector.broadcast %mul3A_673 : f32 to vector<16xf32>
        %mul3A_675 = arith.mulf %get3A_672, %mul3A_674 : vector<16xf32>
        %swap3A_676 = arith.index_cast %add3A_632 : i32 to index
        %swap3A_677 = arith.constant 48 : index
        %swap3A_678 = tpu.vector_load %arg6[%swap3A_676, %swap3A_677] {strides = array<i32>} : memref<1024x64xf32, #tpu.memory_space<vmem>>, vector<1x16xf32>,
        %swap3A_679 = vector.shape_cast %swap3A_678 : vector<1x16xf32> to vector<16xf32>
        %swap3A_680 = vector.shape_cast %mul3A_675 : vector<16xf32> to vector<1x16xf32>
        tpu.vector_store %arg6[%swap3A_676, %swap3A_677], %swap3A_680 {strides = array<i32>} : memref<1024x64xf32, #tpu.memory_space<vmem>>, vector<1x16xf32>,
        %mul3A_681 = arith.constant 8 : i32
        %mul3A_682 = arith.muli %scan3A_412, %mul3A_681 : i32
        %add3A_683 = arith.constant 0 : i32
        %add3A_684 = arith.addi %add3A_683, %mul3A_682 : i32
        %add3A_685 = arith.constant 5 : i32
        %add3A_686 = arith.addi %add3A_684, %add3A_685 : i32
        %get3A_687 = arith.index_cast %add3A_686 : i32 to index
        %get3A_688 = arith.constant 0 : index
        %get3A_689 = tpu.vector_load %arg6[%get3A_687, %get3A_688] {strides = array<i32>} : memref<1024x64xf32, #tpu.memory_space<vmem>>, vector<1x16xf32>,
        %get3A_690 = vector.shape_cast %get3A_689 : vector<1x16xf32> to vector<16xf32>
        %mul3A_691 = arith.constant 8.000000e+00 : f32
        %mul3A_692 = vector.broadcast %mul3A_691 : f32 to vector<16xf32>
        %mul3A_693 = arith.mulf %get3A_690, %mul3A_692 : vector<16xf32>
        %swap3A_694 = arith.index_cast %add3A_686 : i32 to index
        %swap3A_695 = arith.constant 0 : index
        %swap3A_696 = tpu.vector_load %arg6[%swap3A_694, %swap3A_695] {strides = array<i32>} : memref<1024x64xf32, #tpu.memory_space<vmem>>, vector<1x16xf32>,
        %swap3A_697 = vector.shape_cast %swap3A_696 : vector<1x16xf32> to vector<16xf32>
        %swap3A_698 = vector.shape_cast %mul3A_693 : vector<16xf32> to vector<1x16xf32>
        tpu.vector_store %arg6[%swap3A_694, %swap3A_695], %swap3A_698 {strides = array<i32>} : memref<1024x64xf32, #tpu.memory_space<vmem>>, vector<1x16xf32>,
        %get3A_699 = arith.index_cast %add3A_686 : i32 to index
        %get3A_700 = arith.constant 16 : index
        %get3A_701 = tpu.vector_load %arg6[%get3A_699, %get3A_700] {strides = array<i32>} : memref<1024x64xf32, #tpu.memory_space<vmem>>, vector<1x16xf32>,
        %get3A_702 = vector.shape_cast %get3A_701 : vector<1x16xf32> to vector<16xf32>
        %mul3A_703 = arith.constant 8.000000e+00 : f32
        %mul3A_704 = vector.broadcast %mul3A_703 : f32 to vector<16xf32>
        %mul3A_705 = arith.mulf %get3A_702, %mul3A_704 : vector<16xf32>
        %swap3A_706 = arith.index_cast %add3A_686 : i32 to index
        %swap3A_707 = arith.constant 16 : index
        %swap3A_708 = tpu.vector_load %arg6[%swap3A_706, %swap3A_707] {strides = array<i32>} : memref<1024x64xf32, #tpu.memory_space<vmem>>, vector<1x16xf32>,
        %swap3A_709 = vector.shape_cast %swap3A_708 : vector<1x16xf32> to vector<16xf32>
        %swap3A_710 = vector.shape_cast %mul3A_705 : vector<16xf32> to vector<1x16xf32>
        tpu.vector_store %arg6[%swap3A_706, %swap3A_707], %swap3A_710 {strides = array<i32>} : memref<1024x64xf32, #tpu.memory_space<vmem>>, vector<1x16xf32>,
        %get3A_711 = arith.index_cast %add3A_686 : i32 to index
        %get3A_712 = arith.constant 32 : index
        %get3A_713 = tpu.vector_load %arg6[%get3A_711, %get3A_712] {strides = array<i32>} : memref<1024x64xf32, #tpu.memory_space<vmem>>, vector<1x16xf32>,
        %get3A_714 = vector.shape_cast %get3A_713 : vector<1x16xf32> to vector<16xf32>
        %mul3A_715 = arith.constant 8.000000e+00 : f32
        %mul3A_716 = vector.broadcast %mul3A_715 : f32 to vector<16xf32>
        %mul3A_717 = arith.mulf %get3A_714, %mul3A_716 : vector<16xf32>
        %swap3A_718 = arith.index_cast %add3A_686 : i32 to index
        %swap3A_719 = arith.constant 32 : index
        %swap3A_720 = tpu.vector_load %arg6[%swap3A_718, %swap3A_719] {strides = array<i32>} : memref<1024x64xf32, #tpu.memory_space<vmem>>, vector<1x16xf32>,
        %swap3A_721 = vector.shape_cast %swap3A_720 : vector<1x16xf32> to vector<16xf32>
        %swap3A_722 = vector.shape_cast %mul3A_717 : vector<16xf32> to vector<1x16xf32>
        tpu.vector_store %arg6[%swap3A_718, %swap3A_719], %swap3A_722 {strides = array<i32>} : memref<1024x64xf32, #tpu.memory_space<vmem>>, vector<1x16xf32>,
        %get3A_723 = arith.index_cast %add3A_686 : i32 to index
        %get3A_724 = arith.constant 48 : index
        %get3A_725 = tpu.vector_load %arg6[%get3A_723, %get3A_724] {strides = array<i32>} : memref<1024x64xf32, #tpu.memory_space<vmem>>, vector<1x16xf32>,
        %get3A_726 = vector.shape_cast %get3A_725 : vector<1x16xf32> to vector<16xf32>
        %mul3A_727 = arith.constant 8.000000e+00 : f32
        %mul3A_728 = vector.broadcast %mul3A_727 : f32 to vector<16xf32>
        %mul3A_729 = arith.mulf %get3A_726, %mul3A_728 : vector<16xf32>
        %swap3A_730 = arith.index_cast %add3A_686 : i32 to index
        %swap3A_731 = arith.constant 48 : index
        %swap3A_732 = tpu.vector_load %arg6[%swap3A_730, %swap3A_731] {strides = array<i32>} : memref<1024x64xf32, #tpu.memory_space<vmem>>, vector<1x16xf32>,
        %swap3A_733 = vector.shape_cast %swap3A_732 : vector<1x16xf32> to vector<16xf32>
        %swap3A_734 = vector.shape_cast %mul3A_729 : vector<16xf32> to vector<1x16xf32>
        tpu.vector_store %arg6[%swap3A_730, %swap3A_731], %swap3A_734 {strides = array<i32>} : memref<1024x64xf32, #tpu.memory_space<vmem>>, vector<1x16xf32>,
        %mul3A_735 = arith.constant 8 : i32
        %mul3A_736 = arith.muli %scan3A_412, %mul3A_735 : i32
        %add3A_737 = arith.constant 0 : i32
        %add3A_738 = arith.addi %add3A_737, %mul3A_736 : i32
        %add3A_739 = arith.constant 6 : i32
        %add3A_740 = arith.addi %add3A_738, %add3A_739 : i32
        %get3A_741 = arith.index_cast %add3A_740 : i32 to index
        %get3A_742 = arith.constant 0 : index
        %get3A_743 = tpu.vector_load %arg6[%get3A_741, %get3A_742] {strides = array<i32>} : memref<1024x64xf32, #tpu.memory_space<vmem>>, vector<1x16xf32>,
        %get3A_744 = vector.shape_cast %get3A_743 : vector<1x16xf32> to vector<16xf32>
        %mul3A_745 = arith.constant 8.000000e+00 : f32
        %mul3A_746 = vector.broadcast %mul3A_745 : f32 to vector<16xf32>
        %mul3A_747 = arith.mulf %get3A_744, %mul3A_746 : vector<16xf32>
        %swap3A_748 = arith.index_cast %add3A_740 : i32 to index
        %swap3A_749 = arith.constant 0 : index
        %swap3A_750 = tpu.vector_load %arg6[%swap3A_748, %swap3A_749] {strides = array<i32>} : memref<1024x64xf32, #tpu.memory_space<vmem>>, vector<1x16xf32>,
        %swap3A_751 = vector.shape_cast %swap3A_750 : vector<1x16xf32> to vector<16xf32>
        %swap3A_752 = vector.shape_cast %mul3A_747 : vector<16xf32> to vector<1x16xf32>
        tpu.vector_store %arg6[%swap3A_748, %swap3A_749], %swap3A_752 {strides = array<i32>} : memref<1024x64xf32, #tpu.memory_space<vmem>>, vector<1x16xf32>,
        %get3A_753 = arith.index_cast %add3A_740 : i32 to index
        %get3A_754 = arith.constant 16 : index
        %get3A_755 = tpu.vector_load %arg6[%get3A_753, %get3A_754] {strides = array<i32>} : memref<1024x64xf32, #tpu.memory_space<vmem>>, vector<1x16xf32>,
        %get3A_756 = vector.shape_cast %get3A_755 : vector<1x16xf32> to vector<16xf32>
        %mul3A_757 = arith.constant 8.000000e+00 : f32
        %mul3A_758 = vector.broadcast %mul3A_757 : f32 to vector<16xf32>
        %mul3A_759 = arith.mulf %get3A_756, %mul3A_758 : vector<16xf32>
        %swap3A_760 = arith.index_cast %add3A_740 : i32 to index
        %swap3A_761 = arith.constant 16 : index
        %swap3A_762 = tpu.vector_load %arg6[%swap3A_760, %swap3A_761] {strides = array<i32>} : memref<1024x64xf32, #tpu.memory_space<vmem>>, vector<1x16xf32>,
        %swap3A_763 = vector.shape_cast %swap3A_762 : vector<1x16xf32> to vector<16xf32>
        %swap3A_764 = vector.shape_cast %mul3A_759 : vector<16xf32> to vector<1x16xf32>
        tpu.vector_store %arg6[%swap3A_760, %swap3A_761], %swap3A_764 {strides = array<i32>} : memref<1024x64xf32, #tpu.memory_space<vmem>>, vector<1x16xf32>,
        %get3A_765 = arith.index_cast %add3A_740 : i32 to index
        %get3A_766 = arith.constant 32 : index
        %get3A_767 = tpu.vector_load %arg6[%get3A_765, %get3A_766] {strides = array<i32>} : memref<1024x64xf32, #tpu.memory_space<vmem>>, vector<1x16xf32>,
        %get3A_768 = vector.shape_cast %get3A_767 : vector<1x16xf32> to vector<16xf32>
        %mul3A_769 = arith.constant 8.000000e+00 : f32
        %mul3A_770 = vector.broadcast %mul3A_769 : f32 to vector<16xf32>
        %mul3A_771 = arith.mulf %get3A_768, %mul3A_770 : vector<16xf32>
        %swap3A_772 = arith.index_cast %add3A_740 : i32 to index
        %swap3A_773 = arith.constant 32 : index
        %swap3A_774 = tpu.vector_load %arg6[%swap3A_772, %swap3A_773] {strides = array<i32>} : memref<1024x64xf32, #tpu.memory_space<vmem>>, vector<1x16xf32>,
        %swap3A_775 = vector.shape_cast %swap3A_774 : vector<1x16xf32> to vector<16xf32>
        %swap3A_776 = vector.shape_cast %mul3A_771 : vector<16xf32> to vector<1x16xf32>
        tpu.vector_store %arg6[%swap3A_772, %swap3A_773], %swap3A_776 {strides = array<i32>} : memref<1024x64xf32, #tpu.memory_space<vmem>>, vector<1x16xf32>,
        %get3A_777 = arith.index_cast %add3A_740 : i32 to index
        %get3A_778 = arith.constant 48 : index
        %get3A_779 = tpu.vector_load %arg6[%get3A_777, %get3A_778] {strides = array<i32>} : memref<1024x64xf32, #tpu.memory_space<vmem>>, vector<1x16xf32>,
        %get3A_780 = vector.shape_cast %get3A_779 : vector<1x16xf32> to vector<16xf32>
        %mul3A_781 = arith.constant 8.000000e+00 : f32
        %mul3A_782 = vector.broadcast %mul3A_781 : f32 to vector<16xf32>
        %mul3A_783 = arith.mulf %get3A_780, %mul3A_782 : vector<16xf32>
        %swap3A_784 = arith.index_cast %add3A_740 : i32 to index
        %swap3A_785 = arith.constant 48 : index
        %swap3A_786 = tpu.vector_load %arg6[%swap3A_784, %swap3A_785] {strides = array<i32>} : memref<1024x64xf32, #tpu.memory_space<vmem>>, vector<1x16xf32>,
        %swap3A_787 = vector.shape_cast %swap3A_786 : vector<1x16xf32> to vector<16xf32>
        %swap3A_788 = vector.shape_cast %mul3A_783 : vector<16xf32> to vector<1x16xf32>
        tpu.vector_store %arg6[%swap3A_784, %swap3A_785], %swap3A_788 {strides = array<i32>} : memref<1024x64xf32, #tpu.memory_space<vmem>>, vector<1x16xf32>,
        %mul3A_789 = arith.constant 8 : i32
        %mul3A_790 = arith.muli %scan3A_412, %mul3A_789 : i32
        %add3A_791 = arith.constant 0 : i32
        %add3A_792 = arith.addi %add3A_791, %mul3A_790 : i32
        %add3A_793 = arith.constant 7 : i32
        %add3A_794 = arith.addi %add3A_792, %add3A_793 : i32
        %get3A_795 = arith.index_cast %add3A_794 : i32 to index
        %get3A_796 = arith.constant 0 : index
        %get3A_797 = tpu.vector_load %arg6[%get3A_795, %get3A_796] {strides = array<i32>} : memref<1024x64xf32, #tpu.memory_space<vmem>>, vector<1x16xf32>,
        %get3A_798 = vector.shape_cast %get3A_797 : vector<1x16xf32> to vector<16xf32>
        %mul3A_799 = arith.constant 8.000000e+00 : f32
        %mul3A_800 = vector.broadcast %mul3A_799 : f32 to vector<16xf32>
        %mul3A_801 = arith.mulf %get3A_798, %mul3A_800 : vector<16xf32>
        %swap3A_802 = arith.index_cast %add3A_794 : i32 to index
        %swap3A_803 = arith.constant 0 : index
        %swap3A_804 = tpu.vector_load %arg6[%swap3A_802, %swap3A_803] {strides = array<i32>} : memref<1024x64xf32, #tpu.memory_space<vmem>>, vector<1x16xf32>,
        %swap3A_805 = vector.shape_cast %swap3A_804 : vector<1x16xf32> to vector<16xf32>
        %swap3A_806 = vector.shape_cast %mul3A_801 : vector<16xf32> to vector<1x16xf32>
        tpu.vector_store %arg6[%swap3A_802, %swap3A_803], %swap3A_806 {strides = array<i32>} : memref<1024x64xf32, #tpu.memory_space<vmem>>, vector<1x16xf32>,
        %get3A_807 = arith.index_cast %add3A_794 : i32 to index
        %get3A_808 = arith.constant 16 : index
        %get3A_809 = tpu.vector_load %arg6[%get3A_807, %get3A_808] {strides = array<i32>} : memref<1024x64xf32, #tpu.memory_space<vmem>>, vector<1x16xf32>,
        %get3A_810 = vector.shape_cast %get3A_809 : vector<1x16xf32> to vector<16xf32>
        %mul3A_811 = arith.constant 8.000000e+00 : f32
        %mul3A_812 = vector.broadcast %mul3A_811 : f32 to vector<16xf32>
        %mul3A_813 = arith.mulf %get3A_810, %mul3A_812 : vector<16xf32>
        %swap3A_814 = arith.index_cast %add3A_794 : i32 to index
        %swap3A_815 = arith.constant 16 : index
        %swap3A_816 = tpu.vector_load %arg6[%swap3A_814, %swap3A_815] {strides = array<i32>} : memref<1024x64xf32, #tpu.memory_space<vmem>>, vector<1x16xf32>,
        %swap3A_817 = vector.shape_cast %swap3A_816 : vector<1x16xf32> to vector<16xf32>
        %swap3A_818 = vector.shape_cast %mul3A_813 : vector<16xf32> to vector<1x16xf32>
        tpu.vector_store %arg6[%swap3A_814, %swap3A_815], %swap3A_818 {strides = array<i32>} : memref<1024x64xf32, #tpu.memory_space<vmem>>, vector<1x16xf32>,
        %get3A_819 = arith.index_cast %add3A_794 : i32 to index
        %get3A_820 = arith.constant 32 : index
        %get3A_821 = tpu.vector_load %arg6[%get3A_819, %get3A_820] {strides = array<i32>} : memref<1024x64xf32, #tpu.memory_space<vmem>>, vector<1x16xf32>,
        %get3A_822 = vector.shape_cast %get3A_821 : vector<1x16xf32> to vector<16xf32>
        %mul3A_823 = arith.constant 8.000000e+00 : f32
        %mul3A_824 = vector.broadcast %mul3A_823 : f32 to vector<16xf32>
        %mul3A_825 = arith.mulf %get3A_822, %mul3A_824 : vector<16xf32>
        %swap3A_826 = arith.index_cast %add3A_794 : i32 to index
        %swap3A_827 = arith.constant 32 : index
        %swap3A_828 = tpu.vector_load %arg6[%swap3A_826, %swap3A_827] {strides = array<i32>} : memref<1024x64xf32, #tpu.memory_space<vmem>>, vector<1x16xf32>,
        %swap3A_829 = vector.shape_cast %swap3A_828 : vector<1x16xf32> to vector<16xf32>
        %swap3A_830 = vector.shape_cast %mul3A_825 : vector<16xf32> to vector<1x16xf32>
        tpu.vector_store %arg6[%swap3A_826, %swap3A_827], %swap3A_830 {strides = array<i32>} : memref<1024x64xf32, #tpu.memory_space<vmem>>, vector<1x16xf32>,
        %get3A_831 = arith.index_cast %add3A_794 : i32 to index
        %get3A_832 = arith.constant 48 : index
        %get3A_833 = tpu.vector_load %arg6[%get3A_831, %get3A_832] {strides = array<i32>} : memref<1024x64xf32, #tpu.memory_space<vmem>>, vector<1x16xf32>,
        %get3A_834 = vector.shape_cast %get3A_833 : vector<1x16xf32> to vector<16xf32>
        %mul3A_835 = arith.constant 8.000000e+00 : f32
        %mul3A_836 = vector.broadcast %mul3A_835 : f32 to vector<16xf32>
        %mul3A_837 = arith.mulf %get3A_834, %mul3A_836 : vector<16xf32>
        %swap3A_838 = arith.index_cast %add3A_794 : i32 to index
        %swap3A_839 = arith.constant 48 : index
        %swap3A_840 = tpu.vector_load %arg6[%swap3A_838, %swap3A_839] {strides = array<i32>} : memref<1024x64xf32, #tpu.memory_space<vmem>>, vector<1x16xf32>,
        %swap3A_841 = vector.shape_cast %swap3A_840 : vector<1x16xf32> to vector<16xf32>
        %swap3A_842 = vector.shape_cast %mul3A_837 : vector<16xf32> to vector<1x16xf32>
        tpu.vector_store %arg6[%swap3A_838, %swap3A_839], %swap3A_842 {strides = array<i32>} : memref<1024x64xf32, #tpu.memory_space<vmem>>, vector<1x16xf32>,
      }
      %scan3A_130 = arith.constant 16 : i32
      %add3A_131 = arith.constant 0 : i32
      %add3A_132 = arith.addi %mul3A_13, %add3A_131 : i32
      %dma_start3A_133 = arith.constant 0 : i32
      %dma_start3A_134 = arith.constant 0 : i32
      %dma_start3A_135 = tpu.memref_slice %arg6[%dma_start3A_133, %dma_start3A_134] : memref<1024x64xf32, #tpu.memory_space<vmem>> -> memref<128x64xf32, #tpu.memory_space<vmem>>
      %dma_start3A_136 = arith.constant 0 : i32
      %dma_start3A_137 = tpu.memref_slice %arg4[%add3A_132, %dma_start3A_136] : memref<819200x64xf32, #tpu.memory_space<hbm>> -> memref<128x64xf32, #tpu.memory_space<hbm>>
      %dma_start3A_138 = arith.constant 0 : i32
      %dma_start3A_139 = tpu.memref_slice %arg4[%add3A_132, %dma_start3A_138] : memref<819200x64xf32, #tpu.memory_space<hbm>> -> memref<128x64xf32, #tpu.memory_space<hbm>>
      %dma_start3A_140 = arith.constant 0 : i32
      %dma_start3A_141 = arith.constant 0 : i32
      %dma_start3A_142 = tpu.memref_slice %arg6[%dma_start3A_140, %dma_start3A_141] : memref<1024x64xf32, #tpu.memory_space<vmem>> -> memref<128x64xf32, #tpu.memory_space<vmem>>
      tpu.enqueue_dma source(%dma_start3A_142 : memref<128x64xf32, #tpu.memory_space<vmem>>) target(%dma_start3A_139 : memref<128x64xf32, #tpu.memory_space<hbm>>) target_semaphore(%arg8 : memref<!tpu.dma_semaphore, #tpu.memory_space<semaphore_mem>>)
      %dma_wait3A_143 = arith.constant 128 : i32
      %dma_wait3A_144 = arith.constant 0 : i32
      %dma_wait3A_145 = tpu.memref_slice %arg6[%dma_wait3A_143, %dma_wait3A_144] : memref<1024x64xf32, #tpu.memory_space<vmem>> -> memref<128x64xf32, #tpu.memory_space<vmem>>
      %dma_wait3A_146 = arith.constant 0 : i32
      %dma_wait3A_147 = tpu.memref_slice %arg5[%add3A_29, %dma_wait3A_146] : memref<200x128xi32, #tpu.memory_space<vmem>> -> memref<1x128xi32, #tpu.memory_space<vmem>>
      %dma_wait3A_148 = tpu.memref_squeeze %dma_wait3A_147 : memref<1x128xi32, #tpu.memory_space<vmem>> -> memref<128xi32, #tpu.memory_space<vmem>>
      %dma_wait3A_149 = arith.constant 0 : i32
      %dma_wait3A_150 = arith.constant 0 : i32
      %dma_wait3A_151 = tpu.memref_slice %arg3[%dma_wait3A_149, %dma_wait3A_150] : memref<1000000x64xf32, #tpu.memory_space<hbm>> -> memref<1000000x64xf32, #tpu.memory_space<hbm>>
      tpu.wait_indirect_dma semaphore(%arg7 : memref<!tpu.dma_semaphore, #tpu.memory_space<semaphore_mem>>) src(%dma_wait3A_151 : memref<1000000x64xf32, #tpu.memory_space<hbm>>) dst(%dma_wait3A_145 : memref<128x64xf32, #tpu.memory_space<vmem>>)
      %scan3A_152 = arith.constant 0 : i32
      %scan3A_153 = arith.constant 0 : i32
      %scan3A_154 = arith.constant 16 : i32
      %scan3A_155 = arith.addi %scan3A_153, %scan3A_154 : i32
      %scan3A_156 = arith.constant 1 : i32
      scf.for %scan3A_412 = %scan3A_153 to %scan3A_155 step %scan3A_156  : i32 {
        %mul3A_413 = arith.constant 8 : i32
        %mul3A_414 = arith.muli %scan3A_412, %mul3A_413 : i32
        %add3A_415 = arith.constant 128 : i32
        %add3A_416 = arith.addi %add3A_415, %mul3A_414 : i32
        %add3A_417 = arith.constant 0 : i32
        %add3A_418 = arith.addi %add3A_416, %add3A_417 : i32
        %get3A = arith.index_cast %add3A_418 : i32 to index
        %get3A_419 = arith.constant 0 : index
        %get3A_420 = tpu.vector_load %arg6[%get3A, %get3A_419] {strides = array<i32>} : memref<1024x64xf32, #tpu.memory_space<vmem>>, vector<1x16xf32>,
        %get3A_421 = vector.shape_cast %get3A_420 : vector<1x16xf32> to vector<16xf32>
        %mul3A_422 = arith.constant 8.000000e+00 : f32
        %mul3A_423 = vector.broadcast %mul3A_422 : f32 to vector<16xf32>
        %mul3A_424 = arith.mulf %get3A_421, %mul3A_423 : vector<16xf32>
        %swap3A = arith.index_cast %add3A_418 : i32 to index
        %swap3A_425 = arith.constant 0 : index
        %swap3A_426 = tpu.vector_load %arg6[%swap3A, %swap3A_425] {strides = array<i32>} : memref<1024x64xf32, #tpu.memory_space<vmem>>, vector<1x16xf32>,
        %swap3A_427 = vector.shape_cast %swap3A_426 : vector<1x16xf32> to vector<16xf32>
        %swap3A_428 = vector.shape_cast %mul3A_424 : vector<16xf32> to vector<1x16xf32>
        tpu.vector_store %arg6[%swap3A, %swap3A_425], %swap3A_428 {strides = array<i32>} : memref<1024x64xf32, #tpu.memory_space<vmem>>, vector<1x16xf32>,
        %get3A_429 = arith.index_cast %add3A_418 : i32 to index
        %get3A_430 = arith.constant 16 : index
        %get3A_431 = tpu.vector_load %arg6[%get3A_429, %get3A_430] {strides = array<i32>} : memref<1024x64xf32, #tpu.memory_space<vmem>>, vector<1x16xf32>,
        %get3A_432 = vector.shape_cast %get3A_431 : vector<1x16xf32> to vector<16xf32>
        %mul3A_433 = arith.constant 8.000000e+00 : f32
        %mul3A_434 = vector.broadcast %mul3A_433 : f32 to vector<16xf32>
        %mul3A_435 = arith.mulf %get3A_432, %mul3A_434 : vector<16xf32>
        %swap3A_436 = arith.index_cast %add3A_418 : i32 to index
        %swap3A_437 = arith.constant 16 : index
        %swap3A_438 = tpu.vector_load %arg6[%swap3A_436, %swap3A_437] {strides = array<i32>} : memref<1024x64xf32, #tpu.memory_space<vmem>>, vector<1x16xf32>,
        %swap3A_439 = vector.shape_cast %swap3A_438 : vector<1x16xf32> to vector<16xf32>
        %swap3A_440 = vector.shape_cast %mul3A_435 : vector<16xf32> to vector<1x16xf32>
        tpu.vector_store %arg6[%swap3A_436, %swap3A_437], %swap3A_440 {strides = array<i32>} : memref<1024x64xf32, #tpu.memory_space<vmem>>, vector<1x16xf32>,
        %get3A_441 = arith.index_cast %add3A_418 : i32 to index
        %get3A_442 = arith.constant 32 : index
        %get3A_443 = tpu.vector_load %arg6[%get3A_441, %get3A_442] {strides = array<i32>} : memref<1024x64xf32, #tpu.memory_space<vmem>>, vector<1x16xf32>,
        %get3A_444 = vector.shape_cast %get3A_443 : vector<1x16xf32> to vector<16xf32>
        %mul3A_445 = arith.constant 8.000000e+00 : f32
        %mul3A_446 = vector.broadcast %mul3A_445 : f32 to vector<16xf32>
        %mul3A_447 = arith.mulf %get3A_444, %mul3A_446 : vector<16xf32>
        %swap3A_448 = arith.index_cast %add3A_418 : i32 to index
        %swap3A_449 = arith.constant 32 : index
        %swap3A_450 = tpu.vector_load %arg6[%swap3A_448, %swap3A_449] {strides = array<i32>} : memref<1024x64xf32, #tpu.memory_space<vmem>>, vector<1x16xf32>,
        %swap3A_451 = vector.shape_cast %swap3A_450 : vector<1x16xf32> to vector<16xf32>
        %swap3A_452 = vector.shape_cast %mul3A_447 : vector<16xf32> to vector<1x16xf32>
        tpu.vector_store %arg6[%swap3A_448, %swap3A_449], %swap3A_452 {strides = array<i32>} : memref<1024x64xf32, #tpu.memory_space<vmem>>, vector<1x16xf32>,
        %get3A_453 = arith.index_cast %add3A_418 : i32 to index
        %get3A_454 = arith.constant 48 : index
        %get3A_455 = tpu.vector_load %arg6[%get3A_453, %get3A_454] {strides = array<i32>} : memref<1024x64xf32, #tpu.memory_space<vmem>>, vector<1x16xf32>,
        %get3A_456 = vector.shape_cast %get3A_455 : vector<1x16xf32> to vector<16xf32>
        %mul3A_457 = arith.constant 8.000000e+00 : f32
        %mul3A_458 = vector.broadcast %mul3A_457 : f32 to vector<16xf32>
        %mul3A_459 = arith.mulf %get3A_456, %mul3A_458 : vector<16xf32>
        %swap3A_460 = arith.index_cast %add3A_418 : i32 to index
        %swap3A_461 = arith.constant 48 : index
        %swap3A_462 = tpu.vector_load %arg6[%swap3A_460, %swap3A_461] {strides = array<i32>} : memref<1024x64xf32, #tpu.memory_space<vmem>>, vector<1x16xf32>,
        %swap3A_463 = vector.shape_cast %swap3A_462 : vector<1x16xf32> to vector<16xf32>
        %swap3A_464 = vector.shape_cast %mul3A_459 : vector<16xf32> to vector<1x16xf32>
        tpu.vector_store %arg6[%swap3A_460, %swap3A_461], %swap3A_464 {strides = array<i32>} : memref<1024x64xf32, #tpu.memory_space<vmem>>, vector<1x16xf32>,
        %mul3A_465 = arith.constant 8 : i32
        %mul3A_466 = arith.muli %scan3A_412, %mul3A_465 : i32
        %add3A_467 = arith.constant 128 : i32
        %add3A_468 = arith.addi %add3A_467, %mul3A_466 : i32
        %add3A_469 = arith.constant 1 : i32
        %add3A_470 = arith.addi %add3A_468, %add3A_469 : i32
        %get3A_471 = arith.index_cast %add3A_470 : i32 to index
        %get3A_472 = arith.constant 0 : index
        %get3A_473 = tpu.vector_load %arg6[%get3A_471, %get3A_472] {strides = array<i32>} : memref<1024x64xf32, #tpu.memory_space<vmem>>, vector<1x16xf32>,
        %get3A_474 = vector.shape_cast %get3A_473 : vector<1x16xf32> to vector<16xf32>
        %mul3A_475 = arith.constant 8.000000e+00 : f32
        %mul3A_476 = vector.broadcast %mul3A_475 : f32 to vector<16xf32>
        %mul3A_477 = arith.mulf %get3A_474, %mul3A_476 : vector<16xf32>
        %swap3A_478 = arith.index_cast %add3A_470 : i32 to index
        %swap3A_479 = arith.constant 0 : index
        %swap3A_480 = tpu.vector_load %arg6[%swap3A_478, %swap3A_479] {strides = array<i32>} : memref<1024x64xf32, #tpu.memory_space<vmem>>, vector<1x16xf32>,
        %swap3A_481 = vector.shape_cast %swap3A_480 : vector<1x16xf32> to vector<16xf32>
        %swap3A_482 = vector.shape_cast %mul3A_477 : vector<16xf32> to vector<1x16xf32>
        tpu.vector_store %arg6[%swap3A_478, %swap3A_479], %swap3A_482 {strides = array<i32>} : memref<1024x64xf32, #tpu.memory_space<vmem>>, vector<1x16xf32>,
        %get3A_483 = arith.index_cast %add3A_470 : i32 to index
        %get3A_484 = arith.constant 16 : index
        %get3A_485 = tpu.vector_load %arg6[%get3A_483, %get3A_484] {strides = array<i32>} : memref<1024x64xf32, #tpu.memory_space<vmem>>, vector<1x16xf32>,
        %get3A_486 = vector.shape_cast %get3A_485 : vector<1x16xf32> to vector<16xf32>
        %mul3A_487 = arith.constant 8.000000e+00 : f32
        %mul3A_488 = vector.broadcast %mul3A_487 : f32 to vector<16xf32>
        %mul3A_489 = arith.mulf %get3A_486, %mul3A_488 : vector<16xf32>
        %swap3A_490 = arith.index_cast %add3A_470 : i32 to index
        %swap3A_491 = arith.constant 16 : index
        %swap3A_492 = tpu.vector_load %arg6[%swap3A_490, %swap3A_491] {strides = array<i32>} : memref<1024x64xf32, #tpu.memory_space<vmem>>, vector<1x16xf32>,
        %swap3A_493 = vector.shape_cast %swap3A_492 : vector<1x16xf32> to vector<16xf32>
        %swap3A_494 = vector.shape_cast %mul3A_489 : vector<16xf32> to vector<1x16xf32>
        tpu.vector_store %arg6[%swap3A_490, %swap3A_491], %swap3A_494 {strides = array<i32>} : memref<1024x64xf32, #tpu.memory_space<vmem>>, vector<1x16xf32>,
        %get3A_495 = arith.index_cast %add3A_470 : i32 to index
        %get3A_496 = arith.constant 32 : index
        %get3A_497 = tpu.vector_load %arg6[%get3A_495, %get3A_496] {strides = array<i32>} : memref<1024x64xf32, #tpu.memory_space<vmem>>, vector<1x16xf32>,
        %get3A_498 = vector.shape_cast %get3A_497 : vector<1x16xf32> to vector<16xf32>
        %mul3A_499 = arith.constant 8.000000e+00 : f32
        %mul3A_500 = vector.broadcast %mul3A_499 : f32 to vector<16xf32>
        %mul3A_501 = arith.mulf %get3A_498, %mul3A_500 : vector<16xf32>
        %swap3A_502 = arith.index_cast %add3A_470 : i32 to index
        %swap3A_503 = arith.constant 32 : index
        %swap3A_504 = tpu.vector_load %arg6[%swap3A_502, %swap3A_503] {strides = array<i32>} : memref<1024x64xf32, #tpu.memory_space<vmem>>, vector<1x16xf32>,
        %swap3A_505 = vector.shape_cast %swap3A_504 : vector<1x16xf32> to vector<16xf32>
        %swap3A_506 = vector.shape_cast %mul3A_501 : vector<16xf32> to vector<1x16xf32>
        tpu.vector_store %arg6[%swap3A_502, %swap3A_503], %swap3A_506 {strides = array<i32>} : memref<1024x64xf32, #tpu.memory_space<vmem>>, vector<1x16xf32>,
        %get3A_507 = arith.index_cast %add3A_470 : i32 to index
        %get3A_508 = arith.constant 48 : index
        %get3A_509 = tpu.vector_load %arg6[%get3A_507, %get3A_508] {strides = array<i32>} : memref<1024x64xf32, #tpu.memory_space<vmem>>, vector<1x16xf32>,
        %get3A_510 = vector.shape_cast %get3A_509 : vector<1x16xf32> to vector<16xf32>
        %mul3A_511 = arith.constant 8.000000e+00 : f32
        %mul3A_512 = vector.broadcast %mul3A_511 : f32 to vector<16xf32>
        %mul3A_513 = arith.mulf %get3A_510, %mul3A_512 : vector<16xf32>
        %swap3A_514 = arith.index_cast %add3A_470 : i32 to index
        %swap3A_515 = arith.constant 48 : index
        %swap3A_516 = tpu.vector_load %arg6[%swap3A_514, %swap3A_515] {strides = array<i32>} : memref<1024x64xf32, #tpu.memory_space<vmem>>, vector<1x16xf32>,
        %swap3A_517 = vector.shape_cast %swap3A_516 : vector<1x16xf32> to vector<16xf32>
        %swap3A_518 = vector.shape_cast %mul3A_513 : vector<16xf32> to vector<1x16xf32>
        tpu.vector_store %arg6[%swap3A_514, %swap3A_515], %swap3A_518 {strides = array<i32>} : memref<1024x64xf32, #tpu.memory_space<vmem>>, vector<1x16xf32>,
        %mul3A_519 = arith.constant 8 : i32
        %mul3A_520 = arith.muli %scan3A_412, %mul3A_519 : i32
        %add3A_521 = arith.constant 128 : i32
        %add3A_522 = arith.addi %add3A_521, %mul3A_520 : i32
        %add3A_523 = arith.constant 2 : i32
        %add3A_524 = arith.addi %add3A_522, %add3A_523 : i32
        %get3A_525 = arith.index_cast %add3A_524 : i32 to index
        %get3A_526 = arith.constant 0 : index
        %get3A_527 = tpu.vector_load %arg6[%get3A_525, %get3A_526] {strides = array<i32>} : memref<1024x64xf32, #tpu.memory_space<vmem>>, vector<1x16xf32>,
        %get3A_528 = vector.shape_cast %get3A_527 : vector<1x16xf32> to vector<16xf32>
        %mul3A_529 = arith.constant 8.000000e+00 : f32
        %mul3A_530 = vector.broadcast %mul3A_529 : f32 to vector<16xf32>
        %mul3A_531 = arith.mulf %get3A_528, %mul3A_530 : vector<16xf32>
        %swap3A_532 = arith.index_cast %add3A_524 : i32 to index
        %swap3A_533 = arith.constant 0 : index
        %swap3A_534 = tpu.vector_load %arg6[%swap3A_532, %swap3A_533] {strides = array<i32>} : memref<1024x64xf32, #tpu.memory_space<vmem>>, vector<1x16xf32>,
        %swap3A_535 = vector.shape_cast %swap3A_534 : vector<1x16xf32> to vector<16xf32>
        %swap3A_536 = vector.shape_cast %mul3A_531 : vector<16xf32> to vector<1x16xf32>
        tpu.vector_store %arg6[%swap3A_532, %swap3A_533], %swap3A_536 {strides = array<i32>} : memref<1024x64xf32, #tpu.memory_space<vmem>>, vector<1x16xf32>,
        %get3A_537 = arith.index_cast %add3A_524 : i32 to index
        %get3A_538 = arith.constant 16 : index
        %get3A_539 = tpu.vector_load %arg6[%get3A_537, %get3A_538] {strides = array<i32>} : memref<1024x64xf32, #tpu.memory_space<vmem>>, vector<1x16xf32>,
        %get3A_540 = vector.shape_cast %get3A_539 : vector<1x16xf32> to vector<16xf32>
        %mul3A_541 = arith.constant 8.000000e+00 : f32
        %mul3A_542 = vector.broadcast %mul3A_541 : f32 to vector<16xf32>
        %mul3A_543 = arith.mulf %get3A_540, %mul3A_542 : vector<16xf32>
        %swap3A_544 = arith.index_cast %add3A_524 : i32 to index
        %swap3A_545 = arith.constant 16 : index
        %swap3A_546 = tpu.vector_load %arg6[%swap3A_544, %swap3A_545] {strides = array<i32>} : memref<1024x64xf32, #tpu.memory_space<vmem>>, vector<1x16xf32>,
        %swap3A_547 = vector.shape_cast %swap3A_546 : vector<1x16xf32> to vector<16xf32>
        %swap3A_548 = vector.shape_cast %mul3A_543 : vector<16xf32> to vector<1x16xf32>
        tpu.vector_store %arg6[%swap3A_544, %swap3A_545], %swap3A_548 {strides = array<i32>} : memref<1024x64xf32, #tpu.memory_space<vmem>>, vector<1x16xf32>,
        %get3A_549 = arith.index_cast %add3A_524 : i32 to index
        %get3A_550 = arith.constant 32 : index
        %get3A_551 = tpu.vector_load %arg6[%get3A_549, %get3A_550] {strides = array<i32>} : memref<1024x64xf32, #tpu.memory_space<vmem>>, vector<1x16xf32>,
        %get3A_552 = vector.shape_cast %get3A_551 : vector<1x16xf32> to vector<16xf32>
        %mul3A_553 = arith.constant 8.000000e+00 : f32
        %mul3A_554 = vector.broadcast %mul3A_553 : f32 to vector<16xf32>
        %mul3A_555 = arith.mulf %get3A_552, %mul3A_554 : vector<16xf32>
        %swap3A_556 = arith.index_cast %add3A_524 : i32 to index
        %swap3A_557 = arith.constant 32 : index
        %swap3A_558 = tpu.vector_load %arg6[%swap3A_556, %swap3A_557] {strides = array<i32>} : memref<1024x64xf32, #tpu.memory_space<vmem>>, vector<1x16xf32>,
        %swap3A_559 = vector.shape_cast %swap3A_558 : vector<1x16xf32> to vector<16xf32>
        %swap3A_560 = vector.shape_cast %mul3A_555 : vector<16xf32> to vector<1x16xf32>
        tpu.vector_store %arg6[%swap3A_556, %swap3A_557], %swap3A_560 {strides = array<i32>} : memref<1024x64xf32, #tpu.memory_space<vmem>>, vector<1x16xf32>,
        %get3A_561 = arith.index_cast %add3A_524 : i32 to index
        %get3A_562 = arith.constant 48 : index
        %get3A_563 = tpu.vector_load %arg6[%get3A_561, %get3A_562] {strides = array<i32>} : memref<1024x64xf32, #tpu.memory_space<vmem>>, vector<1x16xf32>,
        %get3A_564 = vector.shape_cast %get3A_563 : vector<1x16xf32> to vector<16xf32>
        %mul3A_565 = arith.constant 8.000000e+00 : f32
        %mul3A_566 = vector.broadcast %mul3A_565 : f32 to vector<16xf32>
        %mul3A_567 = arith.mulf %get3A_564, %mul3A_566 : vector<16xf32>
        %swap3A_568 = arith.index_cast %add3A_524 : i32 to index
        %swap3A_569 = arith.constant 48 : index
        %swap3A_570 = tpu.vector_load %arg6[%swap3A_568, %swap3A_569] {strides = array<i32>} : memref<1024x64xf32, #tpu.memory_space<vmem>>, vector<1x16xf32>,
        %swap3A_571 = vector.shape_cast %swap3A_570 : vector<1x16xf32> to vector<16xf32>
        %swap3A_572 = vector.shape_cast %mul3A_567 : vector<16xf32> to vector<1x16xf32>
        tpu.vector_store %arg6[%swap3A_568, %swap3A_569], %swap3A_572 {strides = array<i32>} : memref<1024x64xf32, #tpu.memory_space<vmem>>, vector<1x16xf32>,
        %mul3A_573 = arith.constant 8 : i32
        %mul3A_574 = arith.muli %scan3A_412, %mul3A_573 : i32
        %add3A_575 = arith.constant 128 : i32
        %add3A_576 = arith.addi %add3A_575, %mul3A_574 : i32
        %add3A_577 = arith.constant 3 : i32
        %add3A_578 = arith.addi %add3A_576, %add3A_577 : i32
        %get3A_579 = arith.index_cast %add3A_578 : i32 to index
        %get3A_580 = arith.constant 0 : index
        %get3A_581 = tpu.vector_load %arg6[%get3A_579, %get3A_580] {strides = array<i32>} : memref<1024x64xf32, #tpu.memory_space<vmem>>, vector<1x16xf32>,
        %get3A_582 = vector.shape_cast %get3A_581 : vector<1x16xf32> to vector<16xf32>
        %mul3A_583 = arith.constant 8.000000e+00 : f32
        %mul3A_584 = vector.broadcast %mul3A_583 : f32 to vector<16xf32>
        %mul3A_585 = arith.mulf %get3A_582, %mul3A_584 : vector<16xf32>
        %swap3A_586 = arith.index_cast %add3A_578 : i32 to index
        %swap3A_587 = arith.constant 0 : index
        %swap3A_588 = tpu.vector_load %arg6[%swap3A_586, %swap3A_587] {strides = array<i32>} : memref<1024x64xf32, #tpu.memory_space<vmem>>, vector<1x16xf32>,
        %swap3A_589 = vector.shape_cast %swap3A_588 : vector<1x16xf32> to vector<16xf32>
        %swap3A_590 = vector.shape_cast %mul3A_585 : vector<16xf32> to vector<1x16xf32>
        tpu.vector_store %arg6[%swap3A_586, %swap3A_587], %swap3A_590 {strides = array<i32>} : memref<1024x64xf32, #tpu.memory_space<vmem>>, vector<1x16xf32>,
        %get3A_591 = arith.index_cast %add3A_578 : i32 to index
        %get3A_592 = arith.constant 16 : index
        %get3A_593 = tpu.vector_load %arg6[%get3A_591, %get3A_592] {strides = array<i32>} : memref<1024x64xf32, #tpu.memory_space<vmem>>, vector<1x16xf32>,
        %get3A_594 = vector.shape_cast %get3A_593 : vector<1x16xf32> to vector<16xf32>
        %mul3A_595 = arith.constant 8.000000e+00 : f32
        %mul3A_596 = vector.broadcast %mul3A_595 : f32 to vector<16xf32>
        %mul3A_597 = arith.mulf %get3A_594, %mul3A_596 : vector<16xf32>
        %swap3A_598 = arith.index_cast %add3A_578 : i32 to index
        %swap3A_599 = arith.constant 16 : index
        %swap3A_600 = tpu.vector_load %arg6[%swap3A_598, %swap3A_599] {strides = array<i32>} : memref<1024x64xf32, #tpu.memory_space<vmem>>, vector<1x16xf32>,
        %swap3A_601 = vector.shape_cast %swap3A_600 : vector<1x16xf32> to vector<16xf32>
        %swap3A_602 = vector.shape_cast %mul3A_597 : vector<16xf32> to vector<1x16xf32>
        tpu.vector_store %arg6[%swap3A_598, %swap3A_599], %swap3A_602 {strides = array<i32>} : memref<1024x64xf32, #tpu.memory_space<vmem>>, vector<1x16xf32>,
        %get3A_603 = arith.index_cast %add3A_578 : i32 to index
        %get3A_604 = arith.constant 32 : index
        %get3A_605 = tpu.vector_load %arg6[%get3A_603, %get3A_604] {strides = array<i32>} : memref<1024x64xf32, #tpu.memory_space<vmem>>, vector<1x16xf32>,
        %get3A_606 = vector.shape_cast %get3A_605 : vector<1x16xf32> to vector<16xf32>
        %mul3A_607 = arith.constant 8.000000e+00 : f32
        %mul3A_608 = vector.broadcast %mul3A_607 : f32 to vector<16xf32>
        %mul3A_609 = arith.mulf %get3A_606, %mul3A_608 : vector<16xf32>
        %swap3A_610 = arith.index_cast %add3A_578 : i32 to index
        %swap3A_611 = arith.constant 32 : index
        %swap3A_612 = tpu.vector_load %arg6[%swap3A_610, %swap3A_611] {strides = array<i32>} : memref<1024x64xf32, #tpu.memory_space<vmem>>, vector<1x16xf32>,
        %swap3A_613 = vector.shape_cast %swap3A_612 : vector<1x16xf32> to vector<16xf32>
        %swap3A_614 = vector.shape_cast %mul3A_609 : vector<16xf32> to vector<1x16xf32>
        tpu.vector_store %arg6[%swap3A_610, %swap3A_611], %swap3A_614 {strides = array<i32>} : memref<1024x64xf32, #tpu.memory_space<vmem>>, vector<1x16xf32>,
        %get3A_615 = arith.index_cast %add3A_578 : i32 to index
        %get3A_616 = arith.constant 48 : index
        %get3A_617 = tpu.vector_load %arg6[%get3A_615, %get3A_616] {strides = array<i32>} : memref<1024x64xf32, #tpu.memory_space<vmem>>, vector<1x16xf32>,
        %get3A_618 = vector.shape_cast %get3A_617 : vector<1x16xf32> to vector<16xf32>
        %mul3A_619 = arith.constant 8.000000e+00 : f32
        %mul3A_620 = vector.broadcast %mul3A_619 : f32 to vector<16xf32>
        %mul3A_621 = arith.mulf %get3A_618, %mul3A_620 : vector<16xf32>
        %swap3A_622 = arith.index_cast %add3A_578 : i32 to index
        %swap3A_623 = arith.constant 48 : index
        %swap3A_624 = tpu.vector_load %arg6[%swap3A_622, %swap3A_623] {strides = array<i32>} : memref<1024x64xf32, #tpu.memory_space<vmem>>, vector<1x16xf32>,
        %swap3A_625 = vector.shape_cast %swap3A_624 : vector<1x16xf32> to vector<16xf32>
        %swap3A_626 = vector.shape_cast %mul3A_621 : vector<16xf32> to vector<1x16xf32>
        tpu.vector_store %arg6[%swap3A_622, %swap3A_623], %swap3A_626 {strides = array<i32>} : memref<1024x64xf32, #tpu.memory_space<vmem>>, vector<1x16xf32>,
        %mul3A_627 = arith.constant 8 : i32
        %mul3A_628 = arith.muli %scan3A_412, %mul3A_627 : i32
        %add3A_629 = arith.constant 128 : i32
        %add3A_630 = arith.addi %add3A_629, %mul3A_628 : i32
        %add3A_631 = arith.constant 4 : i32
        %add3A_632 = arith.addi %add3A_630, %add3A_631 : i32
        %get3A_633 = arith.index_cast %add3A_632 : i32 to index
        %get3A_634 = arith.constant 0 : index
        %get3A_635 = tpu.vector_load %arg6[%get3A_633, %get3A_634] {strides = array<i32>} : memref<1024x64xf32, #tpu.memory_space<vmem>>, vector<1x16xf32>,
        %get3A_636 = vector.shape_cast %get3A_635 : vector<1x16xf32> to vector<16xf32>
        %mul3A_637 = arith.constant 8.000000e+00 : f32
        %mul3A_638 = vector.broadcast %mul3A_637 : f32 to vector<16xf32>
        %mul3A_639 = arith.mulf %get3A_636, %mul3A_638 : vector<16xf32>
        %swap3A_640 = arith.index_cast %add3A_632 : i32 to index
        %swap3A_641 = arith.constant 0 : index
        %swap3A_642 = tpu.vector_load %arg6[%swap3A_640, %swap3A_641] {strides = array<i32>} : memref<1024x64xf32, #tpu.memory_space<vmem>>, vector<1x16xf32>,
        %swap3A_643 = vector.shape_cast %swap3A_642 : vector<1x16xf32> to vector<16xf32>
        %swap3A_644 = vector.shape_cast %mul3A_639 : vector<16xf32> to vector<1x16xf32>
        tpu.vector_store %arg6[%swap3A_640, %swap3A_641], %swap3A_644 {strides = array<i32>} : memref<1024x64xf32, #tpu.memory_space<vmem>>, vector<1x16xf32>,
        %get3A_645 = arith.index_cast %add3A_632 : i32 to index
        %get3A_646 = arith.constant 16 : index
        %get3A_647 = tpu.vector_load %arg6[%get3A_645, %get3A_646] {strides = array<i32>} : memref<1024x64xf32, #tpu.memory_space<vmem>>, vector<1x16xf32>,
        %get3A_648 = vector.shape_cast %get3A_647 : vector<1x16xf32> to vector<16xf32>
        %mul3A_649 = arith.constant 8.000000e+00 : f32
        %mul3A_650 = vector.broadcast %mul3A_649 : f32 to vector<16xf32>
        %mul3A_651 = arith.mulf %get3A_648, %mul3A_650 : vector<16xf32>
        %swap3A_652 = arith.index_cast %add3A_632 : i32 to index
        %swap3A_653 = arith.constant 16 : index
        %swap3A_654 = tpu.vector_load %arg6[%swap3A_652, %swap3A_653] {strides = array<i32>} : memref<1024x64xf32, #tpu.memory_space<vmem>>, vector<1x16xf32>,
        %swap3A_655 = vector.shape_cast %swap3A_654 : vector<1x16xf32> to vector<16xf32>
        %swap3A_656 = vector.shape_cast %mul3A_651 : vector<16xf32> to vector<1x16xf32>
        tpu.vector_store %arg6[%swap3A_652, %swap3A_653], %swap3A_656 {strides = array<i32>} : memref<1024x64xf32, #tpu.memory_space<vmem>>, vector<1x16xf32>,
        %get3A_657 = arith.index_cast %add3A_632 : i32 to index
        %get3A_658 = arith.constant 32 : index
        %get3A_659 = tpu.vector_load %arg6[%get3A_657, %get3A_658] {strides = array<i32>} : memref<1024x64xf32, #tpu.memory_space<vmem>>, vector<1x16xf32>,
        %get3A_660 = vector.shape_cast %get3A_659 : vector<1x16xf32> to vector<16xf32>
        %mul3A_661 = arith.constant 8.000000e+00 : f32
        %mul3A_662 = vector.broadcast %mul3A_661 : f32 to vector<16xf32>
        %mul3A_663 = arith.mulf %get3A_660, %mul3A_662 : vector<16xf32>
        %swap3A_664 = arith.index_cast %add3A_632 : i32 to index
        %swap3A_665 = arith.constant 32 : index
        %swap3A_666 = tpu.vector_load %arg6[%swap3A_664, %swap3A_665] {strides = array<i32>} : memref<1024x64xf32, #tpu.memory_space<vmem>>, vector<1x16xf32>,
        %swap3A_667 = vector.shape_cast %swap3A_666 : vector<1x16xf32> to vector<16xf32>
        %swap3A_668 = vector.shape_cast %mul3A_663 : vector<16xf32> to vector<1x16xf32>
        tpu.vector_store %arg6[%swap3A_664, %swap3A_665], %swap3A_668 {strides = array<i32>} : memref<1024x64xf32, #tpu.memory_space<vmem>>, vector<1x16xf32>,
        %get3A_669 = arith.index_cast %add3A_632 : i32 to index
        %get3A_670 = arith.constant 48 : index
        %get3A_671 = tpu.vector_load %arg6[%get3A_669, %get3A_670] {strides = array<i32>} : memref<1024x64xf32, #tpu.memory_space<vmem>>, vector<1x16xf32>,
        %get3A_672 = vector.shape_cast %get3A_671 : vector<1x16xf32> to vector<16xf32>
        %mul3A_673 = arith.constant 8.000000e+00 : f32
        %mul3A_674 = vector.broadcast %mul3A_673 : f32 to vector<16xf32>
        %mul3A_675 = arith.mulf %get3A_672, %mul3A_674 : vector<16xf32>
        %swap3A_676 = arith.index_cast %add3A_632 : i32 to index
        %swap3A_677 = arith.constant 48 : index
        %swap3A_678 = tpu.vector_load %arg6[%swap3A_676, %swap3A_677] {strides = array<i32>} : memref<1024x64xf32, #tpu.memory_space<vmem>>, vector<1x16xf32>,
        %swap3A_679 = vector.shape_cast %swap3A_678 : vector<1x16xf32> to vector<16xf32>
        %swap3A_680 = vector.shape_cast %mul3A_675 : vector<16xf32> to vector<1x16xf32>
        tpu.vector_store %arg6[%swap3A_676, %swap3A_677], %swap3A_680 {strides = array<i32>} : memref<1024x64xf32, #tpu.memory_space<vmem>>, vector<1x16xf32>,
        %mul3A_681 = arith.constant 8 : i32
        %mul3A_682 = arith.muli %scan3A_412, %mul3A_681 : i32
        %add3A_683 = arith.constant 128 : i32
        %add3A_684 = arith.addi %add3A_683, %mul3A_682 : i32
        %add3A_685 = arith.constant 5 : i32
        %add3A_686 = arith.addi %add3A_684, %add3A_685 : i32
        %get3A_687 = arith.index_cast %add3A_686 : i32 to index
        %get3A_688 = arith.constant 0 : index
        %get3A_689 = tpu.vector_load %arg6[%get3A_687, %get3A_688] {strides = array<i32>} : memref<1024x64xf32, #tpu.memory_space<vmem>>, vector<1x16xf32>,
        %get3A_690 = vector.shape_cast %get3A_689 : vector<1x16xf32> to vector<16xf32>
        %mul3A_691 = arith.constant 8.000000e+00 : f32
        %mul3A_692 = vector.broadcast %mul3A_691 : f32 to vector<16xf32>
        %mul3A_693 = arith.mulf %get3A_690, %mul3A_692 : vector<16xf32>
        %swap3A_694 = arith.index_cast %add3A_686 : i32 to index
        %swap3A_695 = arith.constant 0 : index
        %swap3A_696 = tpu.vector_load %arg6[%swap3A_694, %swap3A_695] {strides = array<i32>} : memref<1024x64xf32, #tpu.memory_space<vmem>>, vector<1x16xf32>,
        %swap3A_697 = vector.shape_cast %swap3A_696 : vector<1x16xf32> to vector<16xf32>
        %swap3A_698 = vector.shape_cast %mul3A_693 : vector<16xf32> to vector<1x16xf32>
        tpu.vector_store %arg6[%swap3A_694, %swap3A_695], %swap3A_698 {strides = array<i32>} : memref<1024x64xf32, #tpu.memory_space<vmem>>, vector<1x16xf32>,
        %get3A_699 = arith.index_cast %add3A_686 : i32 to index
        %get3A_700 = arith.constant 16 : index
        %get3A_701 = tpu.vector_load %arg6[%get3A_699, %get3A_700] {strides = array<i32>} : memref<1024x64xf32, #tpu.memory_space<vmem>>, vector<1x16xf32>,
        %get3A_702 = vector.shape_cast %get3A_701 : vector<1x16xf32> to vector<16xf32>
        %mul3A_703 = arith.constant 8.000000e+00 : f32
        %mul3A_704 = vector.broadcast %mul3A_703 : f32 to vector<16xf32>
        %mul3A_705 = arith.mulf %get3A_702, %mul3A_704 : vector<16xf32>
        %swap3A_706 = arith.index_cast %add3A_686 : i32 to index
        %swap3A_707 = arith.constant 16 : index
        %swap3A_708 = tpu.vector_load %arg6[%swap3A_706, %swap3A_707] {strides = array<i32>} : memref<1024x64xf32, #tpu.memory_space<vmem>>, vector<1x16xf32>,
        %swap3A_709 = vector.shape_cast %swap3A_708 : vector<1x16xf32> to vector<16xf32>
        %swap3A_710 = vector.shape_cast %mul3A_705 : vector<16xf32> to vector<1x16xf32>
        tpu.vector_store %arg6[%swap3A_706, %swap3A_707], %swap3A_710 {strides = array<i32>} : memref<1024x64xf32, #tpu.memory_space<vmem>>, vector<1x16xf32>,
        %get3A_711 = arith.index_cast %add3A_686 : i32 to index
        %get3A_712 = arith.constant 32 : index
        %get3A_713 = tpu.vector_load %arg6[%get3A_711, %get3A_712] {strides = array<i32>} : memref<1024x64xf32, #tpu.memory_space<vmem>>, vector<1x16xf32>,
        %get3A_714 = vector.shape_cast %get3A_713 : vector<1x16xf32> to vector<16xf32>
        %mul3A_715 = arith.constant 8.000000e+00 : f32
        %mul3A_716 = vector.broadcast %mul3A_715 : f32 to vector<16xf32>
        %mul3A_717 = arith.mulf %get3A_714, %mul3A_716 : vector<16xf32>
        %swap3A_718 = arith.index_cast %add3A_686 : i32 to index
        %swap3A_719 = arith.constant 32 : index
        %swap3A_720 = tpu.vector_load %arg6[%swap3A_718, %swap3A_719] {strides = array<i32>} : memref<1024x64xf32, #tpu.memory_space<vmem>>, vector<1x16xf32>,
        %swap3A_721 = vector.shape_cast %swap3A_720 : vector<1x16xf32> to vector<16xf32>
        %swap3A_722 = vector.shape_cast %mul3A_717 : vector<16xf32> to vector<1x16xf32>
        tpu.vector_store %arg6[%swap3A_718, %swap3A_719], %swap3A_722 {strides = array<i32>} : memref<1024x64xf32, #tpu.memory_space<vmem>>, vector<1x16xf32>,
        %get3A_723 = arith.index_cast %add3A_686 : i32 to index
        %get3A_724 = arith.constant 48 : index
        %get3A_725 = tpu.vector_load %arg6[%get3A_723, %get3A_724] {strides = array<i32>} : memref<1024x64xf32, #tpu.memory_space<vmem>>, vector<1x16xf32>,
        %get3A_726 = vector.shape_cast %get3A_725 : vector<1x16xf32> to vector<16xf32>
        %mul3A_727 = arith.constant 8.000000e+00 : f32
        %mul3A_728 = vector.broadcast %mul3A_727 : f32 to vector<16xf32>
        %mul3A_729 = arith.mulf %get3A_726, %mul3A_728 : vector<16xf32>
        %swap3A_730 = arith.index_cast %add3A_686 : i32 to index
        %swap3A_731 = arith.constant 48 : index
        %swap3A_732 = tpu.vector_load %arg6[%swap3A_730, %swap3A_731] {strides = array<i32>} : memref<1024x64xf32, #tpu.memory_space<vmem>>, vector<1x16xf32>,
        %swap3A_733 = vector.shape_cast %swap3A_732 : vector<1x16xf32> to vector<16xf32>
        %swap3A_734 = vector.shape_cast %mul3A_729 : vector<16xf32> to vector<1x16xf32>
        tpu.vector_store %arg6[%swap3A_730, %swap3A_731], %swap3A_734 {strides = array<i32>} : memref<1024x64xf32, #tpu.memory_space<vmem>>, vector<1x16xf32>,
        %mul3A_735 = arith.constant 8 : i32
        %mul3A_736 = arith.muli %scan3A_412, %mul3A_735 : i32
        %add3A_737 = arith.constant 128 : i32
        %add3A_738 = arith.addi %add3A_737, %mul3A_736 : i32
        %add3A_739 = arith.constant 6 : i32
        %add3A_740 = arith.addi %add3A_738, %add3A_739 : i32
        %get3A_741 = arith.index_cast %add3A_740 : i32 to index
        %get3A_742 = arith.constant 0 : index
        %get3A_743 = tpu.vector_load %arg6[%get3A_741, %get3A_742] {strides = array<i32>} : memref<1024x64xf32, #tpu.memory_space<vmem>>, vector<1x16xf32>,
        %get3A_744 = vector.shape_cast %get3A_743 : vector<1x16xf32> to vector<16xf32>
        %mul3A_745 = arith.constant 8.000000e+00 : f32
        %mul3A_746 = vector.broadcast %mul3A_745 : f32 to vector<16xf32>
        %mul3A_747 = arith.mulf %get3A_744, %mul3A_746 : vector<16xf32>
        %swap3A_748 = arith.index_cast %add3A_740 : i32 to index
        %swap3A_749 = arith.constant 0 : index
        %swap3A_750 = tpu.vector_load %arg6[%swap3A_748, %swap3A_749] {strides = array<i32>} : memref<1024x64xf32, #tpu.memory_space<vmem>>, vector<1x16xf32>,
        %swap3A_751 = vector.shape_cast %swap3A_750 : vector<1x16xf32> to vector<16xf32>
        %swap3A_752 = vector.shape_cast %mul3A_747 : vector<16xf32> to vector<1x16xf32>
        tpu.vector_store %arg6[%swap3A_748, %swap3A_749], %swap3A_752 {strides = array<i32>} : memref<1024x64xf32, #tpu.memory_space<vmem>>, vector<1x16xf32>,
        %get3A_753 = arith.index_cast %add3A_740 : i32 to index
        %get3A_754 = arith.constant 16 : index
        %get3A_755 = tpu.vector_load %arg6[%get3A_753, %get3A_754] {strides = array<i32>} : memref<1024x64xf32, #tpu.memory_space<vmem>>, vector<1x16xf32>,
        %get3A_756 = vector.shape_cast %get3A_755 : vector<1x16xf32> to vector<16xf32>
        %mul3A_757 = arith.constant 8.000000e+00 : f32
        %mul3A_758 = vector.broadcast %mul3A_757 : f32 to vector<16xf32>
        %mul3A_759 = arith.mulf %get3A_756, %mul3A_758 : vector<16xf32>
        %swap3A_760 = arith.index_cast %add3A_740 : i32 to index
        %swap3A_761 = arith.constant 16 : index
        %swap3A_762 = tpu.vector_load %arg6[%swap3A_760, %swap3A_761] {strides = array<i32>} : memref<1024x64xf32, #tpu.memory_space<vmem>>, vector<1x16xf32>,
        %swap3A_763 = vector.shape_cast %swap3A_762 : vector<1x16xf32> to vector<16xf32>
        %swap3A_764 = vector.shape_cast %mul3A_759 : vector<16xf32> to vector<1x16xf32>
        tpu.vector_store %arg6[%swap3A_760, %swap3A_761], %swap3A_764 {strides = array<i32>} : memref<1024x64xf32, #tpu.memory_space<vmem>>, vector<1x16xf32>,
        %get3A_765 = arith.index_cast %add3A_740 : i32 to index
        %get3A_766 = arith.constant 32 : index
        %get3A_767 = tpu.vector_load %arg6[%get3A_765, %get3A_766] {strides = array<i32>} : memref<1024x64xf32, #tpu.memory_space<vmem>>, vector<1x16xf32>,
        %get3A_768 = vector.shape_cast %get3A_767 : vector<1x16xf32> to vector<16xf32>
        %mul3A_769 = arith.constant 8.000000e+00 : f32
        %mul3A_770 = vector.broadcast %mul3A_769 : f32 to vector<16xf32>
        %mul3A_771 = arith.mulf %get3A_768, %mul3A_770 : vector<16xf32>
        %swap3A_772 = arith.index_cast %add3A_740 : i32 to index
        %swap3A_773 = arith.constant 32 : index
        %swap3A_774 = tpu.vector_load %arg6[%swap3A_772, %swap3A_773] {strides = array<i32>} : memref<1024x64xf32, #tpu.memory_space<vmem>>, vector<1x16xf32>,
        %swap3A_775 = vector.shape_cast %swap3A_774 : vector<1x16xf32> to vector<16xf32>
        %swap3A_776 = vector.shape_cast %mul3A_771 : vector<16xf32> to vector<1x16xf32>
        tpu.vector_store %arg6[%swap3A_772, %swap3A_773], %swap3A_776 {strides = array<i32>} : memref<1024x64xf32, #tpu.memory_space<vmem>>, vector<1x16xf32>,
        %get3A_777 = arith.index_cast %add3A_740 : i32 to index
        %get3A_778 = arith.constant 48 : index
        %get3A_779 = tpu.vector_load %arg6[%get3A_777, %get3A_778] {strides = array<i32>} : memref<1024x64xf32, #tpu.memory_space<vmem>>, vector<1x16xf32>,
        %get3A_780 = vector.shape_cast %get3A_779 : vector<1x16xf32> to vector<16xf32>
        %mul3A_781 = arith.constant 8.000000e+00 : f32
        %mul3A_782 = vector.broadcast %mul3A_781 : f32 to vector<16xf32>
        %mul3A_783 = arith.mulf %get3A_780, %mul3A_782 : vector<16xf32>
        %swap3A_784 = arith.index_cast %add3A_740 : i32 to index
        %swap3A_785 = arith.constant 48 : index
        %swap3A_786 = tpu.vector_load %arg6[%swap3A_784, %swap3A_785] {strides = array<i32>} : memref<1024x64xf32, #tpu.memory_space<vmem>>, vector<1x16xf32>,
        %swap3A_787 = vector.shape_cast %swap3A_786 : vector<1x16xf32> to vector<16xf32>
        %swap3A_788 = vector.shape_cast %mul3A_783 : vector<16xf32> to vector<1x16xf32>
        tpu.vector_store %arg6[%swap3A_784, %swap3A_785], %swap3A_788 {strides = array<i32>} : memref<1024x64xf32, #tpu.memory_space<vmem>>, vector<1x16xf32>,
        %mul3A_789 = arith.constant 8 : i32
        %mul3A_790 = arith.muli %scan3A_412, %mul3A_789 : i32
        %add3A_791 = arith.constant 128 : i32
        %add3A_792 = arith.addi %add3A_791, %mul3A_790 : i32
        %add3A_793 = arith.constant 7 : i32
        %add3A_794 = arith.addi %add3A_792, %add3A_793 : i32
        %get3A_795 = arith.index_cast %add3A_794 : i32 to index
        %get3A_796 = arith.constant 0 : index
        %get3A_797 = tpu.vector_load %arg6[%get3A_795, %get3A_796] {strides = array<i32>} : memref<1024x64xf32, #tpu.memory_space<vmem>>, vector<1x16xf32>,
        %get3A_798 = vector.shape_cast %get3A_797 : vector<1x16xf32> to vector<16xf32>
        %mul3A_799 = arith.constant 8.000000e+00 : f32
        %mul3A_800 = vector.broadcast %mul3A_799 : f32 to vector<16xf32>
        %mul3A_801 = arith.mulf %get3A_798, %mul3A_800 : vector<16xf32>
        %swap3A_802 = arith.index_cast %add3A_794 : i32 to index
        %swap3A_803 = arith.constant 0 : index
        %swap3A_804 = tpu.vector_load %arg6[%swap3A_802, %swap3A_803] {strides = array<i32>} : memref<1024x64xf32, #tpu.memory_space<vmem>>, vector<1x16xf32>,
        %swap3A_805 = vector.shape_cast %swap3A_804 : vector<1x16xf32> to vector<16xf32>
        %swap3A_806 = vector.shape_cast %mul3A_801 : vector<16xf32> to vector<1x16xf32>
        tpu.vector_store %arg6[%swap3A_802, %swap3A_803], %swap3A_806 {strides = array<i32>} : memref<1024x64xf32, #tpu.memory_space<vmem>>, vector<1x16xf32>,
        %get3A_807 = arith.index_cast %add3A_794 : i32 to index
        %get3A_808 = arith.constant 16 : index
        %get3A_809 = tpu.vector_load %arg6[%get3A_807, %get3A_808] {strides = array<i32>} : memref<1024x64xf32, #tpu.memory_space<vmem>>, vector<1x16xf32>,
        %get3A_810 = vector.shape_cast %get3A_809 : vector<1x16xf32> to vector<16xf32>
        %mul3A_811 = arith.constant 8.000000e+00 : f32
        %mul3A_812 = vector.broadcast %mul3A_811 : f32 to vector<16xf32>
        %mul3A_813 = arith.mulf %get3A_810, %mul3A_812 : vector<16xf32>
        %swap3A_814 = arith.index_cast %add3A_794 : i32 to index
        %swap3A_815 = arith.constant 16 : index
        %swap3A_816 = tpu.vector_load %arg6[%swap3A_814, %swap3A_815] {strides = array<i32>} : memref<1024x64xf32, #tpu.memory_space<vmem>>, vector<1x16xf32>,
        %swap3A_817 = vector.shape_cast %swap3A_816 : vector<1x16xf32> to vector<16xf32>
        %swap3A_818 = vector.shape_cast %mul3A_813 : vector<16xf32> to vector<1x16xf32>
        tpu.vector_store %arg6[%swap3A_814, %swap3A_815], %swap3A_818 {strides = array<i32>} : memref<1024x64xf32, #tpu.memory_space<vmem>>, vector<1x16xf32>,
        %get3A_819 = arith.index_cast %add3A_794 : i32 to index
        %get3A_820 = arith.constant 32 : index
        %get3A_821 = tpu.vector_load %arg6[%get3A_819, %get3A_820] {strides = array<i32>} : memref<1024x64xf32, #tpu.memory_space<vmem>>, vector<1x16xf32>,
        %get3A_822 = vector.shape_cast %get3A_821 : vector<1x16xf32> to vector<16xf32>
        %mul3A_823 = arith.constant 8.000000e+00 : f32
        %mul3A_824 = vector.broadcast %mul3A_823 : f32 to vector<16xf32>
        %mul3A_825 = arith.mulf %get3A_822, %mul3A_824 : vector<16xf32>
        %swap3A_826 = arith.index_cast %add3A_794 : i32 to index
        %swap3A_827 = arith.constant 32 : index
        %swap3A_828 = tpu.vector_load %arg6[%swap3A_826, %swap3A_827] {strides = array<i32>} : memref<1024x64xf32, #tpu.memory_space<vmem>>, vector<1x16xf32>,
        %swap3A_829 = vector.shape_cast %swap3A_828 : vector<1x16xf32> to vector<16xf32>
        %swap3A_830 = vector.shape_cast %mul3A_825 : vector<16xf32> to vector<1x16xf32>
        tpu.vector_store %arg6[%swap3A_826, %swap3A_827], %swap3A_830 {strides = array<i32>} : memref<1024x64xf32, #tpu.memory_space<vmem>>, vector<1x16xf32>,
        %get3A_831 = arith.index_cast %add3A_794 : i32 to index
        %get3A_832 = arith.constant 48 : index
        %get3A_833 = tpu.vector_load %arg6[%get3A_831, %get3A_832] {strides = array<i32>} : memref<1024x64xf32, #tpu.memory_space<vmem>>, vector<1x16xf32>,
        %get3A_834 = vector.shape_cast %get3A_833 : vector<1x16xf32> to vector<16xf32>
        %mul3A_835 = arith.constant 8.000000e+00 : f32
        %mul3A_836 = vector.broadcast %mul3A_835 : f32 to vector<16xf32>
        %mul3A_837 = arith.mulf %get3A_834, %mul3A_836 : vector<16xf32>
        %swap3A_838 = arith.index_cast %add3A_794 : i32 to index
        %swap3A_839 = arith.constant 48 : index
        %swap3A_840 = tpu.vector_load %arg6[%swap3A_838, %swap3A_839] {strides = array<i32>} : memref<1024x64xf32, #tpu.memory_space<vmem>>, vector<1x16xf32>,
        %swap3A_841 = vector.shape_cast %swap3A_840 : vector<1x16xf32> to vector<16xf32>
        %swap3A_842 = vector.shape_cast %mul3A_837 : vector<16xf32> to vector<1x16xf32>
        tpu.vector_store %arg6[%swap3A_838, %swap3A_839], %swap3A_842 {strides = array<i32>} : memref<1024x64xf32, #tpu.memory_space<vmem>>, vector<1x16xf32>,
      }
      %scan3A_157 = arith.constant 16 : i32
      %add3A_158 = arith.constant 128 : i32
      %add3A_159 = arith.addi %mul3A_13, %add3A_158 : i32
      %dma_start3A_160 = arith.constant 128 : i32
      %dma_start3A_161 = arith.constant 0 : i32
      %dma_start3A_162 = tpu.memref_slice %arg6[%dma_start3A_160, %dma_start3A_161] : memref<1024x64xf32, #tpu.memory_space<vmem>> -> memref<128x64xf32, #tpu.memory_space<vmem>>
      %dma_start3A_163 = arith.constant 0 : i32
      %dma_start3A_164 = tpu.memref_slice %arg4[%add3A_159, %dma_start3A_163] : memref<819200x64xf32, #tpu.memory_space<hbm>> -> memref<128x64xf32, #tpu.memory_space<hbm>>
      %dma_start3A_165 = arith.constant 0 : i32
      %dma_start3A_166 = tpu.memref_slice %arg4[%add3A_159, %dma_start3A_165] : memref<819200x64xf32, #tpu.memory_space<hbm>> -> memref<128x64xf32, #tpu.memory_space<hbm>>
      %dma_start3A_167 = arith.constant 128 : i32
      %dma_start3A_168 = arith.constant 0 : i32
      %dma_start3A_169 = tpu.memref_slice %arg6[%dma_start3A_167, %dma_start3A_168] : memref<1024x64xf32, #tpu.memory_space<vmem>> -> memref<128x64xf32, #tpu.memory_space<vmem>>
      tpu.enqueue_dma source(%dma_start3A_169 : memref<128x64xf32, #tpu.memory_space<vmem>>) target(%dma_start3A_166 : memref<128x64xf32, #tpu.memory_space<hbm>>) target_semaphore(%arg8 : memref<!tpu.dma_semaphore, #tpu.memory_space<semaphore_mem>>)
      %dma_wait3A_170 = arith.constant 256 : i32
      %dma_wait3A_171 = arith.constant 0 : i32
      %dma_wait3A_172 = tpu.memref_slice %arg6[%dma_wait3A_170, %dma_wait3A_171] : memref<1024x64xf32, #tpu.memory_space<vmem>> -> memref<128x64xf32, #tpu.memory_space<vmem>>
      %dma_wait3A_173 = arith.constant 0 : i32
      %dma_wait3A_174 = tpu.memref_slice %arg5[%add3A_42, %dma_wait3A_173] : memref<200x128xi32, #tpu.memory_space<vmem>> -> memref<1x128xi32, #tpu.memory_space<vmem>>
      %dma_wait3A_175 = tpu.memref_squeeze %dma_wait3A_174 : memref<1x128xi32, #tpu.memory_space<vmem>> -> memref<128xi32, #tpu.memory_space<vmem>>
      %dma_wait3A_176 = arith.constant 0 : i32
      %dma_wait3A_177 = arith.constant 0 : i32
      %dma_wait3A_178 = tpu.memref_slice %arg3[%dma_wait3A_176, %dma_wait3A_177] : memref<1000000x64xf32, #tpu.memory_space<hbm>> -> memref<1000000x64xf32, #tpu.memory_space<hbm>>
      tpu.wait_indirect_dma semaphore(%arg7 : memref<!tpu.dma_semaphore, #tpu.memory_space<semaphore_mem>>) src(%dma_wait3A_178 : memref<1000000x64xf32, #tpu.memory_space<hbm>>) dst(%dma_wait3A_172 : memref<128x64xf32, #tpu.memory_space<vmem>>)
      %scan3A_179 = arith.constant 0 : i32
      %scan3A_180 = arith.constant 0 : i32
      %scan3A_181 = arith.constant 16 : i32
      %scan3A_182 = arith.addi %scan3A_180, %scan3A_181 : i32
      %scan3A_183 = arith.constant 1 : i32
      scf.for %scan3A_412 = %scan3A_180 to %scan3A_182 step %scan3A_183  : i32 {
        %mul3A_413 = arith.constant 8 : i32
        %mul3A_414 = arith.muli %scan3A_412, %mul3A_413 : i32
        %add3A_415 = arith.constant 256 : i32
        %add3A_416 = arith.addi %add3A_415, %mul3A_414 : i32
        %add3A_417 = arith.constant 0 : i32
        %add3A_418 = arith.addi %add3A_416, %add3A_417 : i32
        %get3A = arith.index_cast %add3A_418 : i32 to index
        %get3A_419 = arith.constant 0 : index
        %get3A_420 = tpu.vector_load %arg6[%get3A, %get3A_419] {strides = array<i32>} : memref<1024x64xf32, #tpu.memory_space<vmem>>, vector<1x16xf32>,
        %get3A_421 = vector.shape_cast %get3A_420 : vector<1x16xf32> to vector<16xf32>
        %mul3A_422 = arith.constant 8.000000e+00 : f32
        %mul3A_423 = vector.broadcast %mul3A_422 : f32 to vector<16xf32>
        %mul3A_424 = arith.mulf %get3A_421, %mul3A_423 : vector<16xf32>
        %swap3A = arith.index_cast %add3A_418 : i32 to index
        %swap3A_425 = arith.constant 0 : index
        %swap3A_426 = tpu.vector_load %arg6[%swap3A, %swap3A_425] {strides = array<i32>} : memref<1024x64xf32, #tpu.memory_space<vmem>>, vector<1x16xf32>,
        %swap3A_427 = vector.shape_cast %swap3A_426 : vector<1x16xf32> to vector<16xf32>
        %swap3A_428 = vector.shape_cast %mul3A_424 : vector<16xf32> to vector<1x16xf32>
        tpu.vector_store %arg6[%swap3A, %swap3A_425], %swap3A_428 {strides = array<i32>} : memref<1024x64xf32, #tpu.memory_space<vmem>>, vector<1x16xf32>,
        %get3A_429 = arith.index_cast %add3A_418 : i32 to index
        %get3A_430 = arith.constant 16 : index
        %get3A_431 = tpu.vector_load %arg6[%get3A_429, %get3A_430] {strides = array<i32>} : memref<1024x64xf32, #tpu.memory_space<vmem>>, vector<1x16xf32>,
        %get3A_432 = vector.shape_cast %get3A_431 : vector<1x16xf32> to vector<16xf32>
        %mul3A_433 = arith.constant 8.000000e+00 : f32
        %mul3A_434 = vector.broadcast %mul3A_433 : f32 to vector<16xf32>
        %mul3A_435 = arith.mulf %get3A_432, %mul3A_434 : vector<16xf32>
        %swap3A_436 = arith.index_cast %add3A_418 : i32 to index
        %swap3A_437 = arith.constant 16 : index
        %swap3A_438 = tpu.vector_load %arg6[%swap3A_436, %swap3A_437] {strides = array<i32>} : memref<1024x64xf32, #tpu.memory_space<vmem>>, vector<1x16xf32>,
        %swap3A_439 = vector.shape_cast %swap3A_438 : vector<1x16xf32> to vector<16xf32>
        %swap3A_440 = vector.shape_cast %mul3A_435 : vector<16xf32> to vector<1x16xf32>
        tpu.vector_store %arg6[%swap3A_436, %swap3A_437], %swap3A_440 {strides = array<i32>} : memref<1024x64xf32, #tpu.memory_space<vmem>>, vector<1x16xf32>,
        %get3A_441 = arith.index_cast %add3A_418 : i32 to index
        %get3A_442 = arith.constant 32 : index
        %get3A_443 = tpu.vector_load %arg6[%get3A_441, %get3A_442] {strides = array<i32>} : memref<1024x64xf32, #tpu.memory_space<vmem>>, vector<1x16xf32>,
        %get3A_444 = vector.shape_cast %get3A_443 : vector<1x16xf32> to vector<16xf32>
        %mul3A_445 = arith.constant 8.000000e+00 : f32
        %mul3A_446 = vector.broadcast %mul3A_445 : f32 to vector<16xf32>
        %mul3A_447 = arith.mulf %get3A_444, %mul3A_446 : vector<16xf32>
        %swap3A_448 = arith.index_cast %add3A_418 : i32 to index
        %swap3A_449 = arith.constant 32 : index
        %swap3A_450 = tpu.vector_load %arg6[%swap3A_448, %swap3A_449] {strides = array<i32>} : memref<1024x64xf32, #tpu.memory_space<vmem>>, vector<1x16xf32>,
        %swap3A_451 = vector.shape_cast %swap3A_450 : vector<1x16xf32> to vector<16xf32>
        %swap3A_452 = vector.shape_cast %mul3A_447 : vector<16xf32> to vector<1x16xf32>
        tpu.vector_store %arg6[%swap3A_448, %swap3A_449], %swap3A_452 {strides = array<i32>} : memref<1024x64xf32, #tpu.memory_space<vmem>>, vector<1x16xf32>,
        %get3A_453 = arith.index_cast %add3A_418 : i32 to index
        %get3A_454 = arith.constant 48 : index
        %get3A_455 = tpu.vector_load %arg6[%get3A_453, %get3A_454] {strides = array<i32>} : memref<1024x64xf32, #tpu.memory_space<vmem>>, vector<1x16xf32>,
        %get3A_456 = vector.shape_cast %get3A_455 : vector<1x16xf32> to vector<16xf32>
        %mul3A_457 = arith.constant 8.000000e+00 : f32
        %mul3A_458 = vector.broadcast %mul3A_457 : f32 to vector<16xf32>
        %mul3A_459 = arith.mulf %get3A_456, %mul3A_458 : vector<16xf32>
        %swap3A_460 = arith.index_cast %add3A_418 : i32 to index
        %swap3A_461 = arith.constant 48 : index
        %swap3A_462 = tpu.vector_load %arg6[%swap3A_460, %swap3A_461] {strides = array<i32>} : memref<1024x64xf32, #tpu.memory_space<vmem>>, vector<1x16xf32>,
        %swap3A_463 = vector.shape_cast %swap3A_462 : vector<1x16xf32> to vector<16xf32>
        %swap3A_464 = vector.shape_cast %mul3A_459 : vector<16xf32> to vector<1x16xf32>
        tpu.vector_store %arg6[%swap3A_460, %swap3A_461], %swap3A_464 {strides = array<i32>} : memref<1024x64xf32, #tpu.memory_space<vmem>>, vector<1x16xf32>,
        %mul3A_465 = arith.constant 8 : i32
        %mul3A_466 = arith.muli %scan3A_412, %mul3A_465 : i32
        %add3A_467 = arith.constant 256 : i32
        %add3A_468 = arith.addi %add3A_467, %mul3A_466 : i32
        %add3A_469 = arith.constant 1 : i32
        %add3A_470 = arith.addi %add3A_468, %add3A_469 : i32
        %get3A_471 = arith.index_cast %add3A_470 : i32 to index
        %get3A_472 = arith.constant 0 : index
        %get3A_473 = tpu.vector_load %arg6[%get3A_471, %get3A_472] {strides = array<i32>} : memref<1024x64xf32, #tpu.memory_space<vmem>>, vector<1x16xf32>,
        %get3A_474 = vector.shape_cast %get3A_473 : vector<1x16xf32> to vector<16xf32>
        %mul3A_475 = arith.constant 8.000000e+00 : f32
        %mul3A_476 = vector.broadcast %mul3A_475 : f32 to vector<16xf32>
        %mul3A_477 = arith.mulf %get3A_474, %mul3A_476 : vector<16xf32>
        %swap3A_478 = arith.index_cast %add3A_470 : i32 to index
        %swap3A_479 = arith.constant 0 : index
        %swap3A_480 = tpu.vector_load %arg6[%swap3A_478, %swap3A_479] {strides = array<i32>} : memref<1024x64xf32, #tpu.memory_space<vmem>>, vector<1x16xf32>,
        %swap3A_481 = vector.shape_cast %swap3A_480 : vector<1x16xf32> to vector<16xf32>
        %swap3A_482 = vector.shape_cast %mul3A_477 : vector<16xf32> to vector<1x16xf32>
        tpu.vector_store %arg6[%swap3A_478, %swap3A_479], %swap3A_482 {strides = array<i32>} : memref<1024x64xf32, #tpu.memory_space<vmem>>, vector<1x16xf32>,
        %get3A_483 = arith.index_cast %add3A_470 : i32 to index
        %get3A_484 = arith.constant 16 : index
        %get3A_485 = tpu.vector_load %arg6[%get3A_483, %get3A_484] {strides = array<i32>} : memref<1024x64xf32, #tpu.memory_space<vmem>>, vector<1x16xf32>,
        %get3A_486 = vector.shape_cast %get3A_485 : vector<1x16xf32> to vector<16xf32>
        %mul3A_487 = arith.constant 8.000000e+00 : f32
        %mul3A_488 = vector.broadcast %mul3A_487 : f32 to vector<16xf32>
        %mul3A_489 = arith.mulf %get3A_486, %mul3A_488 : vector<16xf32>
        %swap3A_490 = arith.index_cast %add3A_470 : i32 to index
        %swap3A_491 = arith.constant 16 : index
        %swap3A_492 = tpu.vector_load %arg6[%swap3A_490, %swap3A_491] {strides = array<i32>} : memref<1024x64xf32, #tpu.memory_space<vmem>>, vector<1x16xf32>,
        %swap3A_493 = vector.shape_cast %swap3A_492 : vector<1x16xf32> to vector<16xf32>
        %swap3A_494 = vector.shape_cast %mul3A_489 : vector<16xf32> to vector<1x16xf32>
        tpu.vector_store %arg6[%swap3A_490, %swap3A_491], %swap3A_494 {strides = array<i32>} : memref<1024x64xf32, #tpu.memory_space<vmem>>, vector<1x16xf32>,
        %get3A_495 = arith.index_cast %add3A_470 : i32 to index
        %get3A_496 = arith.constant 32 : index
        %get3A_497 = tpu.vector_load %arg6[%get3A_495, %get3A_496] {strides = array<i32>} : memref<1024x64xf32, #tpu.memory_space<vmem>>, vector<1x16xf32>,
        %get3A_498 = vector.shape_cast %get3A_497 : vector<1x16xf32> to vector<16xf32>
        %mul3A_499 = arith.constant 8.000000e+00 : f32
        %mul3A_500 = vector.broadcast %mul3A_499 : f32 to vector<16xf32>
        %mul3A_501 = arith.mulf %get3A_498, %mul3A_500 : vector<16xf32>
        %swap3A_502 = arith.index_cast %add3A_470 : i32 to index
        %swap3A_503 = arith.constant 32 : index
        %swap3A_504 = tpu.vector_load %arg6[%swap3A_502, %swap3A_503] {strides = array<i32>} : memref<1024x64xf32, #tpu.memory_space<vmem>>, vector<1x16xf32>,
        %swap3A_505 = vector.shape_cast %swap3A_504 : vector<1x16xf32> to vector<16xf32>
        %swap3A_506 = vector.shape_cast %mul3A_501 : vector<16xf32> to vector<1x16xf32>
        tpu.vector_store %arg6[%swap3A_502, %swap3A_503], %swap3A_506 {strides = array<i32>} : memref<1024x64xf32, #tpu.memory_space<vmem>>, vector<1x16xf32>,
        %get3A_507 = arith.index_cast %add3A_470 : i32 to index
        %get3A_508 = arith.constant 48 : index
        %get3A_509 = tpu.vector_load %arg6[%get3A_507, %get3A_508] {strides = array<i32>} : memref<1024x64xf32, #tpu.memory_space<vmem>>, vector<1x16xf32>,
        %get3A_510 = vector.shape_cast %get3A_509 : vector<1x16xf32> to vector<16xf32>
        %mul3A_511 = arith.constant 8.000000e+00 : f32
        %mul3A_512 = vector.broadcast %mul3A_511 : f32 to vector<16xf32>
        %mul3A_513 = arith.mulf %get3A_510, %mul3A_512 : vector<16xf32>
        %swap3A_514 = arith.index_cast %add3A_470 : i32 to index
        %swap3A_515 = arith.constant 48 : index
        %swap3A_516 = tpu.vector_load %arg6[%swap3A_514, %swap3A_515] {strides = array<i32>} : memref<1024x64xf32, #tpu.memory_space<vmem>>, vector<1x16xf32>,
        %swap3A_517 = vector.shape_cast %swap3A_516 : vector<1x16xf32> to vector<16xf32>
        %swap3A_518 = vector.shape_cast %mul3A_513 : vector<16xf32> to vector<1x16xf32>
        tpu.vector_store %arg6[%swap3A_514, %swap3A_515], %swap3A_518 {strides = array<i32>} : memref<1024x64xf32, #tpu.memory_space<vmem>>, vector<1x16xf32>,
        %mul3A_519 = arith.constant 8 : i32
        %mul3A_520 = arith.muli %scan3A_412, %mul3A_519 : i32
        %add3A_521 = arith.constant 256 : i32
        %add3A_522 = arith.addi %add3A_521, %mul3A_520 : i32
        %add3A_523 = arith.constant 2 : i32
        %add3A_524 = arith.addi %add3A_522, %add3A_523 : i32
        %get3A_525 = arith.index_cast %add3A_524 : i32 to index
        %get3A_526 = arith.constant 0 : index
        %get3A_527 = tpu.vector_load %arg6[%get3A_525, %get3A_526] {strides = array<i32>} : memref<1024x64xf32, #tpu.memory_space<vmem>>, vector<1x16xf32>,
        %get3A_528 = vector.shape_cast %get3A_527 : vector<1x16xf32> to vector<16xf32>
        %mul3A_529 = arith.constant 8.000000e+00 : f32
        %mul3A_530 = vector.broadcast %mul3A_529 : f32 to vector<16xf32>
        %mul3A_531 = arith.mulf %get3A_528, %mul3A_530 : vector<16xf32>
        %swap3A_532 = arith.index_cast %add3A_524 : i32 to index
        %swap3A_533 = arith.constant 0 : index
        %swap3A_534 = tpu.vector_load %arg6[%swap3A_532, %swap3A_533] {strides = array<i32>} : memref<1024x64xf32, #tpu.memory_space<vmem>>, vector<1x16xf32>,
        %swap3A_535 = vector.shape_cast %swap3A_534 : vector<1x16xf32> to vector<16xf32>
        %swap3A_536 = vector.shape_cast %mul3A_531 : vector<16xf32> to vector<1x16xf32>
        tpu.vector_store %arg6[%swap3A_532, %swap3A_533], %swap3A_536 {strides = array<i32>} : memref<1024x64xf32, #tpu.memory_space<vmem>>, vector<1x16xf32>,
        %get3A_537 = arith.index_cast %add3A_524 : i32 to index
        %get3A_538 = arith.constant 16 : index
        %get3A_539 = tpu.vector_load %arg6[%get3A_537, %get3A_538] {strides = array<i32>} : memref<1024x64xf32, #tpu.memory_space<vmem>>, vector<1x16xf32>,
        %get3A_540 = vector.shape_cast %get3A_539 : vector<1x16xf32> to vector<16xf32>
        %mul3A_541 = arith.constant 8.000000e+00 : f32
        %mul3A_542 = vector.broadcast %mul3A_541 : f32 to vector<16xf32>
        %mul3A_543 = arith.mulf %get3A_540, %mul3A_542 : vector<16xf32>
        %swap3A_544 = arith.index_cast %add3A_524 : i32 to index
        %swap3A_545 = arith.constant 16 : index
        %swap3A_546 = tpu.vector_load %arg6[%swap3A_544, %swap3A_545] {strides = array<i32>} : memref<1024x64xf32, #tpu.memory_space<vmem>>, vector<1x16xf32>,
        %swap3A_547 = vector.shape_cast %swap3A_546 : vector<1x16xf32> to vector<16xf32>
        %swap3A_548 = vector.shape_cast %mul3A_543 : vector<16xf32> to vector<1x16xf32>
        tpu.vector_store %arg6[%swap3A_544, %swap3A_545], %swap3A_548 {strides = array<i32>} : memref<1024x64xf32, #tpu.memory_space<vmem>>, vector<1x16xf32>,
        %get3A_549 = arith.index_cast %add3A_524 : i32 to index
        %get3A_550 = arith.constant 32 : index
        %get3A_551 = tpu.vector_load %arg6[%get3A_549, %get3A_550] {strides = array<i32>} : memref<1024x64xf32, #tpu.memory_space<vmem>>, vector<1x16xf32>,
        %get3A_552 = vector.shape_cast %get3A_551 : vector<1x16xf32> to vector<16xf32>
        %mul3A_553 = arith.constant 8.000000e+00 : f32
        %mul3A_554 = vector.broadcast %mul3A_553 : f32 to vector<16xf32>
        %mul3A_555 = arith.mulf %get3A_552, %mul3A_554 : vector<16xf32>
        %swap3A_556 = arith.index_cast %add3A_524 : i32 to index
        %swap3A_557 = arith.constant 32 : index
        %swap3A_558 = tpu.vector_load %arg6[%swap3A_556, %swap3A_557] {strides = array<i32>} : memref<1024x64xf32, #tpu.memory_space<vmem>>, vector<1x16xf32>,
        %swap3A_559 = vector.shape_cast %swap3A_558 : vector<1x16xf32> to vector<16xf32>
        %swap3A_560 = vector.shape_cast %mul3A_555 : vector<16xf32> to vector<1x16xf32>
        tpu.vector_store %arg6[%swap3A_556, %swap3A_557], %swap3A_560 {strides = array<i32>} : memref<1024x64xf32, #tpu.memory_space<vmem>>, vector<1x16xf32>,
        %get3A_561 = arith.index_cast %add3A_524 : i32 to index
        %get3A_562 = arith.constant 48 : index
        %get3A_563 = tpu.vector_load %arg6[%get3A_561, %get3A_562] {strides = array<i32>} : memref<1024x64xf32, #tpu.memory_space<vmem>>, vector<1x16xf32>,
        %get3A_564 = vector.shape_cast %get3A_563 : vector<1x16xf32> to vector<16xf32>
        %mul3A_565 = arith.constant 8.000000e+00 : f32
        %mul3A_566 = vector.broadcast %mul3A_565 : f32 to vector<16xf32>
        %mul3A_567 = arith.mulf %get3A_564, %mul3A_566 : vector<16xf32>
        %swap3A_568 = arith.index_cast %add3A_524 : i32 to index
        %swap3A_569 = arith.constant 48 : index
        %swap3A_570 = tpu.vector_load %arg6[%swap3A_568, %swap3A_569] {strides = array<i32>} : memref<1024x64xf32, #tpu.memory_space<vmem>>, vector<1x16xf32>,
        %swap3A_571 = vector.shape_cast %swap3A_570 : vector<1x16xf32> to vector<16xf32>
        %swap3A_572 = vector.shape_cast %mul3A_567 : vector<16xf32> to vector<1x16xf32>
        tpu.vector_store %arg6[%swap3A_568, %swap3A_569], %swap3A_572 {strides = array<i32>} : memref<1024x64xf32, #tpu.memory_space<vmem>>, vector<1x16xf32>,
        %mul3A_573 = arith.constant 8 : i32
        %mul3A_574 = arith.muli %scan3A_412, %mul3A_573 : i32
        %add3A_575 = arith.constant 256 : i32
        %add3A_576 = arith.addi %add3A_575, %mul3A_574 : i32
        %add3A_577 = arith.constant 3 : i32
        %add3A_578 = arith.addi %add3A_576, %add3A_577 : i32
        %get3A_579 = arith.index_cast %add3A_578 : i32 to index
        %get3A_580 = arith.constant 0 : index
        %get3A_581 = tpu.vector_load %arg6[%get3A_579, %get3A_580] {strides = array<i32>} : memref<1024x64xf32, #tpu.memory_space<vmem>>, vector<1x16xf32>,
        %get3A_582 = vector.shape_cast %get3A_581 : vector<1x16xf32> to vector<16xf32>
        %mul3A_583 = arith.constant 8.000000e+00 : f32
        %mul3A_584 = vector.broadcast %mul3A_583 : f32 to vector<16xf32>
        %mul3A_585 = arith.mulf %get3A_582, %mul3A_584 : vector<16xf32>
        %swap3A_586 = arith.index_cast %add3A_578 : i32 to index
        %swap3A_587 = arith.constant 0 : index
        %swap3A_588 = tpu.vector_load %arg6[%swap3A_586, %swap3A_587] {strides = array<i32>} : memref<1024x64xf32, #tpu.memory_space<vmem>>, vector<1x16xf32>,
        %swap3A_589 = vector.shape_cast %swap3A_588 : vector<1x16xf32> to vector<16xf32>
        %swap3A_590 = vector.shape_cast %mul3A_585 : vector<16xf32> to vector<1x16xf32>
        tpu.vector_store %arg6[%swap3A_586, %swap3A_587], %swap3A_590 {strides = array<i32>} : memref<1024x64xf32, #tpu.memory_space<vmem>>, vector<1x16xf32>,
        %get3A_591 = arith.index_cast %add3A_578 : i32 to index
        %get3A_592 = arith.constant 16 : index
        %get3A_593 = tpu.vector_load %arg6[%get3A_591, %get3A_592] {strides = array<i32>} : memref<1024x64xf32, #tpu.memory_space<vmem>>, vector<1x16xf32>,
        %get3A_594 = vector.shape_cast %get3A_593 : vector<1x16xf32> to vector<16xf32>
        %mul3A_595 = arith.constant 8.000000e+00 : f32
        %mul3A_596 = vector.broadcast %mul3A_595 : f32 to vector<16xf32>
        %mul3A_597 = arith.mulf %get3A_594, %mul3A_596 : vector<16xf32>
        %swap3A_598 = arith.index_cast %add3A_578 : i32 to index
        %swap3A_599 = arith.constant 16 : index
        %swap3A_600 = tpu.vector_load %arg6[%swap3A_598, %swap3A_599] {strides = array<i32>} : memref<1024x64xf32, #tpu.memory_space<vmem>>, vector<1x16xf32>,
        %swap3A_601 = vector.shape_cast %swap3A_600 : vector<1x16xf32> to vector<16xf32>
        %swap3A_602 = vector.shape_cast %mul3A_597 : vector<16xf32> to vector<1x16xf32>
        tpu.vector_store %arg6[%swap3A_598, %swap3A_599], %swap3A_602 {strides = array<i32>} : memref<1024x64xf32, #tpu.memory_space<vmem>>, vector<1x16xf32>,
        %get3A_603 = arith.index_cast %add3A_578 : i32 to index
        %get3A_604 = arith.constant 32 : index
        %get3A_605 = tpu.vector_load %arg6[%get3A_603, %get3A_604] {strides = array<i32>} : memref<1024x64xf32, #tpu.memory_space<vmem>>, vector<1x16xf32>,
        %get3A_606 = vector.shape_cast %get3A_605 : vector<1x16xf32> to vector<16xf32>
        %mul3A_607 = arith.constant 8.000000e+00 : f32
        %mul3A_608 = vector.broadcast %mul3A_607 : f32 to vector<16xf32>
        %mul3A_609 = arith.mulf %get3A_606, %mul3A_608 : vector<16xf32>
        %swap3A_610 = arith.index_cast %add3A_578 : i32 to index
        %swap3A_611 = arith.constant 32 : index
        %swap3A_612 = tpu.vector_load %arg6[%swap3A_610, %swap3A_611] {strides = array<i32>} : memref<1024x64xf32, #tpu.memory_space<vmem>>, vector<1x16xf32>,
        %swap3A_613 = vector.shape_cast %swap3A_612 : vector<1x16xf32> to vector<16xf32>
        %swap3A_614 = vector.shape_cast %mul3A_609 : vector<16xf32> to vector<1x16xf32>
        tpu.vector_store %arg6[%swap3A_610, %swap3A_611], %swap3A_614 {strides = array<i32>} : memref<1024x64xf32, #tpu.memory_space<vmem>>, vector<1x16xf32>,
        %get3A_615 = arith.index_cast %add3A_578 : i32 to index
        %get3A_616 = arith.constant 48 : index
        %get3A_617 = tpu.vector_load %arg6[%get3A_615, %get3A_616] {strides = array<i32>} : memref<1024x64xf32, #tpu.memory_space<vmem>>, vector<1x16xf32>,
        %get3A_618 = vector.shape_cast %get3A_617 : vector<1x16xf32> to vector<16xf32>
        %mul3A_619 = arith.constant 8.000000e+00 : f32
        %mul3A_620 = vector.broadcast %mul3A_619 : f32 to vector<16xf32>
        %mul3A_621 = arith.mulf %get3A_618, %mul3A_620 : vector<16xf32>
        %swap3A_622 = arith.index_cast %add3A_578 : i32 to index
        %swap3A_623 = arith.constant 48 : index
        %swap3A_624 = tpu.vector_load %arg6[%swap3A_622, %swap3A_623] {strides = array<i32>} : memref<1024x64xf32, #tpu.memory_space<vmem>>, vector<1x16xf32>,
        %swap3A_625 = vector.shape_cast %swap3A_624 : vector<1x16xf32> to vector<16xf32>
        %swap3A_626 = vector.shape_cast %mul3A_621 : vector<16xf32> to vector<1x16xf32>
        tpu.vector_store %arg6[%swap3A_622, %swap3A_623], %swap3A_626 {strides = array<i32>} : memref<1024x64xf32, #tpu.memory_space<vmem>>, vector<1x16xf32>,
        %mul3A_627 = arith.constant 8 : i32
        %mul3A_628 = arith.muli %scan3A_412, %mul3A_627 : i32
        %add3A_629 = arith.constant 256 : i32
        %add3A_630 = arith.addi %add3A_629, %mul3A_628 : i32
        %add3A_631 = arith.constant 4 : i32
        %add3A_632 = arith.addi %add3A_630, %add3A_631 : i32
        %get3A_633 = arith.index_cast %add3A_632 : i32 to index
        %get3A_634 = arith.constant 0 : index
        %get3A_635 = tpu.vector_load %arg6[%get3A_633, %get3A_634] {strides = array<i32>} : memref<1024x64xf32, #tpu.memory_space<vmem>>, vector<1x16xf32>,
        %get3A_636 = vector.shape_cast %get3A_635 : vector<1x16xf32> to vector<16xf32>
        %mul3A_637 = arith.constant 8.000000e+00 : f32
        %mul3A_638 = vector.broadcast %mul3A_637 : f32 to vector<16xf32>
        %mul3A_639 = arith.mulf %get3A_636, %mul3A_638 : vector<16xf32>
        %swap3A_640 = arith.index_cast %add3A_632 : i32 to index
        %swap3A_641 = arith.constant 0 : index
        %swap3A_642 = tpu.vector_load %arg6[%swap3A_640, %swap3A_641] {strides = array<i32>} : memref<1024x64xf32, #tpu.memory_space<vmem>>, vector<1x16xf32>,
        %swap3A_643 = vector.shape_cast %swap3A_642 : vector<1x16xf32> to vector<16xf32>
        %swap3A_644 = vector.shape_cast %mul3A_639 : vector<16xf32> to vector<1x16xf32>
        tpu.vector_store %arg6[%swap3A_640, %swap3A_641], %swap3A_644 {strides = array<i32>} : memref<1024x64xf32, #tpu.memory_space<vmem>>, vector<1x16xf32>,
        %get3A_645 = arith.index_cast %add3A_632 : i32 to index
        %get3A_646 = arith.constant 16 : index
        %get3A_647 = tpu.vector_load %arg6[%get3A_645, %get3A_646] {strides = array<i32>} : memref<1024x64xf32, #tpu.memory_space<vmem>>, vector<1x16xf32>,
        %get3A_648 = vector.shape_cast %get3A_647 : vector<1x16xf32> to vector<16xf32>
        %mul3A_649 = arith.constant 8.000000e+00 : f32
        %mul3A_650 = vector.broadcast %mul3A_649 : f32 to vector<16xf32>
        %mul3A_651 = arith.mulf %get3A_648, %mul3A_650 : vector<16xf32>
        %swap3A_652 = arith.index_cast %add3A_632 : i32 to index
        %swap3A_653 = arith.constant 16 : index
        %swap3A_654 = tpu.vector_load %arg6[%swap3A_652, %swap3A_653] {strides = array<i32>} : memref<1024x64xf32, #tpu.memory_space<vmem>>, vector<1x16xf32>,
        %swap3A_655 = vector.shape_cast %swap3A_654 : vector<1x16xf32> to vector<16xf32>
        %swap3A_656 = vector.shape_cast %mul3A_651 : vector<16xf32> to vector<1x16xf32>
        tpu.vector_store %arg6[%swap3A_652, %swap3A_653], %swap3A_656 {strides = array<i32>} : memref<1024x64xf32, #tpu.memory_space<vmem>>, vector<1x16xf32>,
        %get3A_657 = arith.index_cast %add3A_632 : i32 to index
        %get3A_658 = arith.constant 32 : index
        %get3A_659 = tpu.vector_load %arg6[%get3A_657, %get3A_658] {strides = array<i32>} : memref<1024x64xf32, #tpu.memory_space<vmem>>, vector<1x16xf32>,
        %get3A_660 = vector.shape_cast %get3A_659 : vector<1x16xf32> to vector<16xf32>
        %mul3A_661 = arith.constant 8.000000e+00 : f32
        %mul3A_662 = vector.broadcast %mul3A_661 : f32 to vector<16xf32>
        %mul3A_663 = arith.mulf %get3A_660, %mul3A_662 : vector<16xf32>
        %swap3A_664 = arith.index_cast %add3A_632 : i32 to index
        %swap3A_665 = arith.constant 32 : index
        %swap3A_666 = tpu.vector_load %arg6[%swap3A_664, %swap3A_665] {strides = array<i32>} : memref<1024x64xf32, #tpu.memory_space<vmem>>, vector<1x16xf32>,
        %swap3A_667 = vector.shape_cast %swap3A_666 : vector<1x16xf32> to vector<16xf32>
        %swap3A_668 = vector.shape_cast %mul3A_663 : vector<16xf32> to vector<1x16xf32>
        tpu.vector_store %arg6[%swap3A_664, %swap3A_665], %swap3A_668 {strides = array<i32>} : memref<1024x64xf32, #tpu.memory_space<vmem>>, vector<1x16xf32>,
        %get3A_669 = arith.index_cast %add3A_632 : i32 to index
        %get3A_670 = arith.constant 48 : index
        %get3A_671 = tpu.vector_load %arg6[%get3A_669, %get3A_670] {strides = array<i32>} : memref<1024x64xf32, #tpu.memory_space<vmem>>, vector<1x16xf32>,
        %get3A_672 = vector.shape_cast %get3A_671 : vector<1x16xf32> to vector<16xf32>
        %mul3A_673 = arith.constant 8.000000e+00 : f32
        %mul3A_674 = vector.broadcast %mul3A_673 : f32 to vector<16xf32>
        %mul3A_675 = arith.mulf %get3A_672, %mul3A_674 : vector<16xf32>
        %swap3A_676 = arith.index_cast %add3A_632 : i32 to index
        %swap3A_677 = arith.constant 48 : index
        %swap3A_678 = tpu.vector_load %arg6[%swap3A_676, %swap3A_677] {strides = array<i32>} : memref<1024x64xf32, #tpu.memory_space<vmem>>, vector<1x16xf32>,
        %swap3A_679 = vector.shape_cast %swap3A_678 : vector<1x16xf32> to vector<16xf32>
        %swap3A_680 = vector.shape_cast %mul3A_675 : vector<16xf32> to vector<1x16xf32>
        tpu.vector_store %arg6[%swap3A_676, %swap3A_677], %swap3A_680 {strides = array<i32>} : memref<1024x64xf32, #tpu.memory_space<vmem>>, vector<1x16xf32>,
        %mul3A_681 = arith.constant 8 : i32
        %mul3A_682 = arith.muli %scan3A_412, %mul3A_681 : i32
        %add3A_683 = arith.constant 256 : i32
        %add3A_684 = arith.addi %add3A_683, %mul3A_682 : i32
        %add3A_685 = arith.constant 5 : i32
        %add3A_686 = arith.addi %add3A_684, %add3A_685 : i32
        %get3A_687 = arith.index_cast %add3A_686 : i32 to index
        %get3A_688 = arith.constant 0 : index
        %get3A_689 = tpu.vector_load %arg6[%get3A_687, %get3A_688] {strides = array<i32>} : memref<1024x64xf32, #tpu.memory_space<vmem>>, vector<1x16xf32>,
        %get3A_690 = vector.shape_cast %get3A_689 : vector<1x16xf32> to vector<16xf32>
        %mul3A_691 = arith.constant 8.000000e+00 : f32
        %mul3A_692 = vector.broadcast %mul3A_691 : f32 to vector<16xf32>
        %mul3A_693 = arith.mulf %get3A_690, %mul3A_692 : vector<16xf32>
        %swap3A_694 = arith.index_cast %add3A_686 : i32 to index
        %swap3A_695 = arith.constant 0 : index
        %swap3A_696 = tpu.vector_load %arg6[%swap3A_694, %swap3A_695] {strides = array<i32>} : memref<1024x64xf32, #tpu.memory_space<vmem>>, vector<1x16xf32>,
        %swap3A_697 = vector.shape_cast %swap3A_696 : vector<1x16xf32> to vector<16xf32>
        %swap3A_698 = vector.shape_cast %mul3A_693 : vector<16xf32> to vector<1x16xf32>
        tpu.vector_store %arg6[%swap3A_694, %swap3A_695], %swap3A_698 {strides = array<i32>} : memref<1024x64xf32, #tpu.memory_space<vmem>>, vector<1x16xf32>,
        %get3A_699 = arith.index_cast %add3A_686 : i32 to index
        %get3A_700 = arith.constant 16 : index
        %get3A_701 = tpu.vector_load %arg6[%get3A_699, %get3A_700] {strides = array<i32>} : memref<1024x64xf32, #tpu.memory_space<vmem>>, vector<1x16xf32>,
        %get3A_702 = vector.shape_cast %get3A_701 : vector<1x16xf32> to vector<16xf32>
        %mul3A_703 = arith.constant 8.000000e+00 : f32
        %mul3A_704 = vector.broadcast %mul3A_703 : f32 to vector<16xf32>
        %mul3A_705 = arith.mulf %get3A_702, %mul3A_704 : vector<16xf32>
        %swap3A_706 = arith.index_cast %add3A_686 : i32 to index
        %swap3A_707 = arith.constant 16 : index
        %swap3A_708 = tpu.vector_load %arg6[%swap3A_706, %swap3A_707] {strides = array<i32>} : memref<1024x64xf32, #tpu.memory_space<vmem>>, vector<1x16xf32>,
        %swap3A_709 = vector.shape_cast %swap3A_708 : vector<1x16xf32> to vector<16xf32>
        %swap3A_710 = vector.shape_cast %mul3A_705 : vector<16xf32> to vector<1x16xf32>
        tpu.vector_store %arg6[%swap3A_706, %swap3A_707], %swap3A_710 {strides = array<i32>} : memref<1024x64xf32, #tpu.memory_space<vmem>>, vector<1x16xf32>,
        %get3A_711 = arith.index_cast %add3A_686 : i32 to index
        %get3A_712 = arith.constant 32 : index
        %get3A_713 = tpu.vector_load %arg6[%get3A_711, %get3A_712] {strides = array<i32>} : memref<1024x64xf32, #tpu.memory_space<vmem>>, vector<1x16xf32>,
        %get3A_714 = vector.shape_cast %get3A_713 : vector<1x16xf32> to vector<16xf32>
        %mul3A_715 = arith.constant 8.000000e+00 : f32
        %mul3A_716 = vector.broadcast %mul3A_715 : f32 to vector<16xf32>
        %mul3A_717 = arith.mulf %get3A_714, %mul3A_716 : vector<16xf32>
        %swap3A_718 = arith.index_cast %add3A_686 : i32 to index
        %swap3A_719 = arith.constant 32 : index
        %swap3A_720 = tpu.vector_load %arg6[%swap3A_718, %swap3A_719] {strides = array<i32>} : memref<1024x64xf32, #tpu.memory_space<vmem>>, vector<1x16xf32>,
        %swap3A_721 = vector.shape_cast %swap3A_720 : vector<1x16xf32> to vector<16xf32>
        %swap3A_722 = vector.shape_cast %mul3A_717 : vector<16xf32> to vector<1x16xf32>
        tpu.vector_store %arg6[%swap3A_718, %swap3A_719], %swap3A_722 {strides = array<i32>} : memref<1024x64xf32, #tpu.memory_space<vmem>>, vector<1x16xf32>,
        %get3A_723 = arith.index_cast %add3A_686 : i32 to index
        %get3A_724 = arith.constant 48 : index
        %get3A_725 = tpu.vector_load %arg6[%get3A_723, %get3A_724] {strides = array<i32>} : memref<1024x64xf32, #tpu.memory_space<vmem>>, vector<1x16xf32>,
        %get3A_726 = vector.shape_cast %get3A_725 : vector<1x16xf32> to vector<16xf32>
        %mul3A_727 = arith.constant 8.000000e+00 : f32
        %mul3A_728 = vector.broadcast %mul3A_727 : f32 to vector<16xf32>
        %mul3A_729 = arith.mulf %get3A_726, %mul3A_728 : vector<16xf32>
        %swap3A_730 = arith.index_cast %add3A_686 : i32 to index
        %swap3A_731 = arith.constant 48 : index
        %swap3A_732 = tpu.vector_load %arg6[%swap3A_730, %swap3A_731] {strides = array<i32>} : memref<1024x64xf32, #tpu.memory_space<vmem>>, vector<1x16xf32>,
        %swap3A_733 = vector.shape_cast %swap3A_732 : vector<1x16xf32> to vector<16xf32>
        %swap3A_734 = vector.shape_cast %mul3A_729 : vector<16xf32> to vector<1x16xf32>
        tpu.vector_store %arg6[%swap3A_730, %swap3A_731], %swap3A_734 {strides = array<i32>} : memref<1024x64xf32, #tpu.memory_space<vmem>>, vector<1x16xf32>,
        %mul3A_735 = arith.constant 8 : i32
        %mul3A_736 = arith.muli %scan3A_412, %mul3A_735 : i32
        %add3A_737 = arith.constant 256 : i32
        %add3A_738 = arith.addi %add3A_737, %mul3A_736 : i32
        %add3A_739 = arith.constant 6 : i32
        %add3A_740 = arith.addi %add3A_738, %add3A_739 : i32
        %get3A_741 = arith.index_cast %add3A_740 : i32 to index
        %get3A_742 = arith.constant 0 : index
        %get3A_743 = tpu.vector_load %arg6[%get3A_741, %get3A_742] {strides = array<i32>} : memref<1024x64xf32, #tpu.memory_space<vmem>>, vector<1x16xf32>,
        %get3A_744 = vector.shape_cast %get3A_743 : vector<1x16xf32> to vector<16xf32>
        %mul3A_745 = arith.constant 8.000000e+00 : f32
        %mul3A_746 = vector.broadcast %mul3A_745 : f32 to vector<16xf32>
        %mul3A_747 = arith.mulf %get3A_744, %mul3A_746 : vector<16xf32>
        %swap3A_748 = arith.index_cast %add3A_740 : i32 to index
        %swap3A_749 = arith.constant 0 : index
        %swap3A_750 = tpu.vector_load %arg6[%swap3A_748, %swap3A_749] {strides = array<i32>} : memref<1024x64xf32, #tpu.memory_space<vmem>>, vector<1x16xf32>,
        %swap3A_751 = vector.shape_cast %swap3A_750 : vector<1x16xf32> to vector<16xf32>
        %swap3A_752 = vector.shape_cast %mul3A_747 : vector<16xf32> to vector<1x16xf32>
        tpu.vector_store %arg6[%swap3A_748, %swap3A_749], %swap3A_752 {strides = array<i32>} : memref<1024x64xf32, #tpu.memory_space<vmem>>, vector<1x16xf32>,
        %get3A_753 = arith.index_cast %add3A_740 : i32 to index
        %get3A_754 = arith.constant 16 : index
        %get3A_755 = tpu.vector_load %arg6[%get3A_753, %get3A_754] {strides = array<i32>} : memref<1024x64xf32, #tpu.memory_space<vmem>>, vector<1x16xf32>,
        %get3A_756 = vector.shape_cast %get3A_755 : vector<1x16xf32> to vector<16xf32>
        %mul3A_757 = arith.constant 8.000000e+00 : f32
        %mul3A_758 = vector.broadcast %mul3A_757 : f32 to vector<16xf32>
        %mul3A_759 = arith.mulf %get3A_756, %mul3A_758 : vector<16xf32>
        %swap3A_760 = arith.index_cast %add3A_740 : i32 to index
        %swap3A_761 = arith.constant 16 : index
        %swap3A_762 = tpu.vector_load %arg6[%swap3A_760, %swap3A_761] {strides = array<i32>} : memref<1024x64xf32, #tpu.memory_space<vmem>>, vector<1x16xf32>,
        %swap3A_763 = vector.shape_cast %swap3A_762 : vector<1x16xf32> to vector<16xf32>
        %swap3A_764 = vector.shape_cast %mul3A_759 : vector<16xf32> to vector<1x16xf32>
        tpu.vector_store %arg6[%swap3A_760, %swap3A_761], %swap3A_764 {strides = array<i32>} : memref<1024x64xf32, #tpu.memory_space<vmem>>, vector<1x16xf32>,
        %get3A_765 = arith.index_cast %add3A_740 : i32 to index
        %get3A_766 = arith.constant 32 : index
        %get3A_767 = tpu.vector_load %arg6[%get3A_765, %get3A_766] {strides = array<i32>} : memref<1024x64xf32, #tpu.memory_space<vmem>>, vector<1x16xf32>,
        %get3A_768 = vector.shape_cast %get3A_767 : vector<1x16xf32> to vector<16xf32>
        %mul3A_769 = arith.constant 8.000000e+00 : f32
        %mul3A_770 = vector.broadcast %mul3A_769 : f32 to vector<16xf32>
        %mul3A_771 = arith.mulf %get3A_768, %mul3A_770 : vector<16xf32>
        %swap3A_772 = arith.index_cast %add3A_740 : i32 to index
        %swap3A_773 = arith.constant 32 : index
        %swap3A_774 = tpu.vector_load %arg6[%swap3A_772, %swap3A_773] {strides = array<i32>} : memref<1024x64xf32, #tpu.memory_space<vmem>>, vector<1x16xf32>,
        %swap3A_775 = vector.shape_cast %swap3A_774 : vector<1x16xf32> to vector<16xf32>
        %swap3A_776 = vector.shape_cast %mul3A_771 : vector<16xf32> to vector<1x16xf32>
        tpu.vector_store %arg6[%swap3A_772, %swap3A_773], %swap3A_776 {strides = array<i32>} : memref<1024x64xf32, #tpu.memory_space<vmem>>, vector<1x16xf32>,
        %get3A_777 = arith.index_cast %add3A_740 : i32 to index
        %get3A_778 = arith.constant 48 : index
        %get3A_779 = tpu.vector_load %arg6[%get3A_777, %get3A_778] {strides = array<i32>} : memref<1024x64xf32, #tpu.memory_space<vmem>>, vector<1x16xf32>,
        %get3A_780 = vector.shape_cast %get3A_779 : vector<1x16xf32> to vector<16xf32>
        %mul3A_781 = arith.constant 8.000000e+00 : f32
        %mul3A_782 = vector.broadcast %mul3A_781 : f32 to vector<16xf32>
        %mul3A_783 = arith.mulf %get3A_780, %mul3A_782 : vector<16xf32>
        %swap3A_784 = arith.index_cast %add3A_740 : i32 to index
        %swap3A_785 = arith.constant 48 : index
        %swap3A_786 = tpu.vector_load %arg6[%swap3A_784, %swap3A_785] {strides = array<i32>} : memref<1024x64xf32, #tpu.memory_space<vmem>>, vector<1x16xf32>,
        %swap3A_787 = vector.shape_cast %swap3A_786 : vector<1x16xf32> to vector<16xf32>
        %swap3A_788 = vector.shape_cast %mul3A_783 : vector<16xf32> to vector<1x16xf32>
        tpu.vector_store %arg6[%swap3A_784, %swap3A_785], %swap3A_788 {strides = array<i32>} : memref<1024x64xf32, #tpu.memory_space<vmem>>, vector<1x16xf32>,
        %mul3A_789 = arith.constant 8 : i32
        %mul3A_790 = arith.muli %scan3A_412, %mul3A_789 : i32
        %add3A_791 = arith.constant 256 : i32
        %add3A_792 = arith.addi %add3A_791, %mul3A_790 : i32
        %add3A_793 = arith.constant 7 : i32
        %add3A_794 = arith.addi %add3A_792, %add3A_793 : i32
        %get3A_795 = arith.index_cast %add3A_794 : i32 to index
        %get3A_796 = arith.constant 0 : index
        %get3A_797 = tpu.vector_load %arg6[%get3A_795, %get3A_796] {strides = array<i32>} : memref<1024x64xf32, #tpu.memory_space<vmem>>, vector<1x16xf32>,
        %get3A_798 = vector.shape_cast %get3A_797 : vector<1x16xf32> to vector<16xf32>
        %mul3A_799 = arith.constant 8.000000e+00 : f32
        %mul3A_800 = vector.broadcast %mul3A_799 : f32 to vector<16xf32>
        %mul3A_801 = arith.mulf %get3A_798, %mul3A_800 : vector<16xf32>
        %swap3A_802 = arith.index_cast %add3A_794 : i32 to index
        %swap3A_803 = arith.constant 0 : index
        %swap3A_804 = tpu.vector_load %arg6[%swap3A_802, %swap3A_803] {strides = array<i32>} : memref<1024x64xf32, #tpu.memory_space<vmem>>, vector<1x16xf32>,
        %swap3A_805 = vector.shape_cast %swap3A_804 : vector<1x16xf32> to vector<16xf32>
        %swap3A_806 = vector.shape_cast %mul3A_801 : vector<16xf32> to vector<1x16xf32>
        tpu.vector_store %arg6[%swap3A_802, %swap3A_803], %swap3A_806 {strides = array<i32>} : memref<1024x64xf32, #tpu.memory_space<vmem>>, vector<1x16xf32>,
        %get3A_807 = arith.index_cast %add3A_794 : i32 to index
        %get3A_808 = arith.constant 16 : index
        %get3A_809 = tpu.vector_load %arg6[%get3A_807, %get3A_808] {strides = array<i32>} : memref<1024x64xf32, #tpu.memory_space<vmem>>, vector<1x16xf32>,
        %get3A_810 = vector.shape_cast %get3A_809 : vector<1x16xf32> to vector<16xf32>
        %mul3A_811 = arith.constant 8.000000e+00 : f32
        %mul3A_812 = vector.broadcast %mul3A_811 : f32 to vector<16xf32>
        %mul3A_813 = arith.mulf %get3A_810, %mul3A_812 : vector<16xf32>
        %swap3A_814 = arith.index_cast %add3A_794 : i32 to index
        %swap3A_815 = arith.constant 16 : index
        %swap3A_816 = tpu.vector_load %arg6[%swap3A_814, %swap3A_815] {strides = array<i32>} : memref<1024x64xf32, #tpu.memory_space<vmem>>, vector<1x16xf32>,
        %swap3A_817 = vector.shape_cast %swap3A_816 : vector<1x16xf32> to vector<16xf32>
        %swap3A_818 = vector.shape_cast %mul3A_813 : vector<16xf32> to vector<1x16xf32>
        tpu.vector_store %arg6[%swap3A_814, %swap3A_815], %swap3A_818 {strides = array<i32>} : memref<1024x64xf32, #tpu.memory_space<vmem>>, vector<1x16xf32>,
        %get3A_819 = arith.index_cast %add3A_794 : i32 to index
        %get3A_820 = arith.constant 32 : index
        %get3A_821 = tpu.vector_load %arg6[%get3A_819, %get3A_820] {strides = array<i32>} : memref<1024x64xf32, #tpu.memory_space<vmem>>, vector<1x16xf32>,
        %get3A_822 = vector.shape_cast %get3A_821 : vector<1x16xf32> to vector<16xf32>
        %mul3A_823 = arith.constant 8.000000e+00 : f32
        %mul3A_824 = vector.broadcast %mul3A_823 : f32 to vector<16xf32>
        %mul3A_825 = arith.mulf %get3A_822, %mul3A_824 : vector<16xf32>
        %swap3A_826 = arith.index_cast %add3A_794 : i32 to index
        %swap3A_827 = arith.constant 32 : index
        %swap3A_828 = tpu.vector_load %arg6[%swap3A_826, %swap3A_827] {strides = array<i32>} : memref<1024x64xf32, #tpu.memory_space<vmem>>, vector<1x16xf32>,
        %swap3A_829 = vector.shape_cast %swap3A_828 : vector<1x16xf32> to vector<16xf32>
        %swap3A_830 = vector.shape_cast %mul3A_825 : vector<16xf32> to vector<1x16xf32>
        tpu.vector_store %arg6[%swap3A_826, %swap3A_827], %swap3A_830 {strides = array<i32>} : memref<1024x64xf32, #tpu.memory_space<vmem>>, vector<1x16xf32>,
        %get3A_831 = arith.index_cast %add3A_794 : i32 to index
        %get3A_832 = arith.constant 48 : index
        %get3A_833 = tpu.vector_load %arg6[%get3A_831, %get3A_832] {strides = array<i32>} : memref<1024x64xf32, #tpu.memory_space<vmem>>, vector<1x16xf32>,
        %get3A_834 = vector.shape_cast %get3A_833 : vector<1x16xf32> to vector<16xf32>
        %mul3A_835 = arith.constant 8.000000e+00 : f32
        %mul3A_836 = vector.broadcast %mul3A_835 : f32 to vector<16xf32>
        %mul3A_837 = arith.mulf %get3A_834, %mul3A_836 : vector<16xf32>
        %swap3A_838 = arith.index_cast %add3A_794 : i32 to index
        %swap3A_839 = arith.constant 48 : index
        %swap3A_840 = tpu.vector_load %arg6[%swap3A_838, %swap3A_839] {strides = array<i32>} : memref<1024x64xf32, #tpu.memory_space<vmem>>, vector<1x16xf32>,
        %swap3A_841 = vector.shape_cast %swap3A_840 : vector<1x16xf32> to vector<16xf32>
        %swap3A_842 = vector.shape_cast %mul3A_837 : vector<16xf32> to vector<1x16xf32>
        tpu.vector_store %arg6[%swap3A_838, %swap3A_839], %swap3A_842 {strides = array<i32>} : memref<1024x64xf32, #tpu.memory_space<vmem>>, vector<1x16xf32>,
      }
      %scan3A_184 = arith.constant 16 : i32
      %add3A_185 = arith.constant 256 : i32
      %add3A_186 = arith.addi %mul3A_13, %add3A_185 : i32
      %dma_start3A_187 = arith.constant 256 : i32
      %dma_start3A_188 = arith.constant 0 : i32
      %dma_start3A_189 = tpu.memref_slice %arg6[%dma_start3A_187, %dma_start3A_188] : memref<1024x64xf32, #tpu.memory_space<vmem>> -> memref<128x64xf32, #tpu.memory_space<vmem>>
      %dma_start3A_190 = arith.constant 0 : i32
      %dma_start3A_191 = tpu.memref_slice %arg4[%add3A_186, %dma_start3A_190] : memref<819200x64xf32, #tpu.memory_space<hbm>> -> memref<128x64xf32, #tpu.memory_space<hbm>>
      %dma_start3A_192 = arith.constant 0 : i32
      %dma_start3A_193 = tpu.memref_slice %arg4[%add3A_186, %dma_start3A_192] : memref<819200x64xf32, #tpu.memory_space<hbm>> -> memref<128x64xf32, #tpu.memory_space<hbm>>
      %dma_start3A_194 = arith.constant 256 : i32
      %dma_start3A_195 = arith.constant 0 : i32
      %dma_start3A_196 = tpu.memref_slice %arg6[%dma_start3A_194, %dma_start3A_195] : memref<1024x64xf32, #tpu.memory_space<vmem>> -> memref<128x64xf32, #tpu.memory_space<vmem>>
      tpu.enqueue_dma source(%dma_start3A_196 : memref<128x64xf32, #tpu.memory_space<vmem>>) target(%dma_start3A_193 : memref<128x64xf32, #tpu.memory_space<hbm>>) target_semaphore(%arg8 : memref<!tpu.dma_semaphore, #tpu.memory_space<semaphore_mem>>)
      %dma_wait3A_197 = arith.constant 384 : i32
      %dma_wait3A_198 = arith.constant 0 : i32
      %dma_wait3A_199 = tpu.memref_slice %arg6[%dma_wait3A_197, %dma_wait3A_198] : memref<1024x64xf32, #tpu.memory_space<vmem>> -> memref<128x64xf32, #tpu.memory_space<vmem>>
      %dma_wait3A_200 = arith.constant 0 : i32
      %dma_wait3A_201 = tpu.memref_slice %arg5[%add3A_55, %dma_wait3A_200] : memref<200x128xi32, #tpu.memory_space<vmem>> -> memref<1x128xi32, #tpu.memory_space<vmem>>
      %dma_wait3A_202 = tpu.memref_squeeze %dma_wait3A_201 : memref<1x128xi32, #tpu.memory_space<vmem>> -> memref<128xi32, #tpu.memory_space<vmem>>
      %dma_wait3A_203 = arith.constant 0 : i32
      %dma_wait3A_204 = arith.constant 0 : i32
      %dma_wait3A_205 = tpu.memref_slice %arg3[%dma_wait3A_203, %dma_wait3A_204] : memref<1000000x64xf32, #tpu.memory_space<hbm>> -> memref<1000000x64xf32, #tpu.memory_space<hbm>>
      tpu.wait_indirect_dma semaphore(%arg7 : memref<!tpu.dma_semaphore, #tpu.memory_space<semaphore_mem>>) src(%dma_wait3A_205 : memref<1000000x64xf32, #tpu.memory_space<hbm>>) dst(%dma_wait3A_199 : memref<128x64xf32, #tpu.memory_space<vmem>>)
      %scan3A_206 = arith.constant 0 : i32
      %scan3A_207 = arith.constant 0 : i32
      %scan3A_208 = arith.constant 16 : i32
      %scan3A_209 = arith.addi %scan3A_207, %scan3A_208 : i32
      %scan3A_210 = arith.constant 1 : i32
      scf.for %scan3A_412 = %scan3A_207 to %scan3A_209 step %scan3A_210  : i32 {
        %mul3A_413 = arith.constant 8 : i32
        %mul3A_414 = arith.muli %scan3A_412, %mul3A_413 : i32
        %add3A_415 = arith.constant 384 : i32
        %add3A_416 = arith.addi %add3A_415, %mul3A_414 : i32
        %add3A_417 = arith.constant 0 : i32
        %add3A_418 = arith.addi %add3A_416, %add3A_417 : i32
        %get3A = arith.index_cast %add3A_418 : i32 to index
        %get3A_419 = arith.constant 0 : index
        %get3A_420 = tpu.vector_load %arg6[%get3A, %get3A_419] {strides = array<i32>} : memref<1024x64xf32, #tpu.memory_space<vmem>>, vector<1x16xf32>,
        %get3A_421 = vector.shape_cast %get3A_420 : vector<1x16xf32> to vector<16xf32>
        %mul3A_422 = arith.constant 8.000000e+00 : f32
        %mul3A_423 = vector.broadcast %mul3A_422 : f32 to vector<16xf32>
        %mul3A_424 = arith.mulf %get3A_421, %mul3A_423 : vector<16xf32>
        %swap3A = arith.index_cast %add3A_418 : i32 to index
        %swap3A_425 = arith.constant 0 : index
        %swap3A_426 = tpu.vector_load %arg6[%swap3A, %swap3A_425] {strides = array<i32>} : memref<1024x64xf32, #tpu.memory_space<vmem>>, vector<1x16xf32>,
        %swap3A_427 = vector.shape_cast %swap3A_426 : vector<1x16xf32> to vector<16xf32>
        %swap3A_428 = vector.shape_cast %mul3A_424 : vector<16xf32> to vector<1x16xf32>
        tpu.vector_store %arg6[%swap3A, %swap3A_425], %swap3A_428 {strides = array<i32>} : memref<1024x64xf32, #tpu.memory_space<vmem>>, vector<1x16xf32>,
        %get3A_429 = arith.index_cast %add3A_418 : i32 to index
        %get3A_430 = arith.constant 16 : index
        %get3A_431 = tpu.vector_load %arg6[%get3A_429, %get3A_430] {strides = array<i32>} : memref<1024x64xf32, #tpu.memory_space<vmem>>, vector<1x16xf32>,
        %get3A_432 = vector.shape_cast %get3A_431 : vector<1x16xf32> to vector<16xf32>
        %mul3A_433 = arith.constant 8.000000e+00 : f32
        %mul3A_434 = vector.broadcast %mul3A_433 : f32 to vector<16xf32>
        %mul3A_435 = arith.mulf %get3A_432, %mul3A_434 : vector<16xf32>
        %swap3A_436 = arith.index_cast %add3A_418 : i32 to index
        %swap3A_437 = arith.constant 16 : index
        %swap3A_438 = tpu.vector_load %arg6[%swap3A_436, %swap3A_437] {strides = array<i32>} : memref<1024x64xf32, #tpu.memory_space<vmem>>, vector<1x16xf32>,
        %swap3A_439 = vector.shape_cast %swap3A_438 : vector<1x16xf32> to vector<16xf32>
        %swap3A_440 = vector.shape_cast %mul3A_435 : vector<16xf32> to vector<1x16xf32>
        tpu.vector_store %arg6[%swap3A_436, %swap3A_437], %swap3A_440 {strides = array<i32>} : memref<1024x64xf32, #tpu.memory_space<vmem>>, vector<1x16xf32>,
        %get3A_441 = arith.index_cast %add3A_418 : i32 to index
        %get3A_442 = arith.constant 32 : index
        %get3A_443 = tpu.vector_load %arg6[%get3A_441, %get3A_442] {strides = array<i32>} : memref<1024x64xf32, #tpu.memory_space<vmem>>, vector<1x16xf32>,
        %get3A_444 = vector.shape_cast %get3A_443 : vector<1x16xf32> to vector<16xf32>
        %mul3A_445 = arith.constant 8.000000e+00 : f32
        %mul3A_446 = vector.broadcast %mul3A_445 : f32 to vector<16xf32>
        %mul3A_447 = arith.mulf %get3A_444, %mul3A_446 : vector<16xf32>
        %swap3A_448 = arith.index_cast %add3A_418 : i32 to index
        %swap3A_449 = arith.constant 32 : index
        %swap3A_450 = tpu.vector_load %arg6[%swap3A_448, %swap3A_449] {strides = array<i32>} : memref<1024x64xf32, #tpu.memory_space<vmem>>, vector<1x16xf32>,
        %swap3A_451 = vector.shape_cast %swap3A_450 : vector<1x16xf32> to vector<16xf32>
        %swap3A_452 = vector.shape_cast %mul3A_447 : vector<16xf32> to vector<1x16xf32>
        tpu.vector_store %arg6[%swap3A_448, %swap3A_449], %swap3A_452 {strides = array<i32>} : memref<1024x64xf32, #tpu.memory_space<vmem>>, vector<1x16xf32>,
        %get3A_453 = arith.index_cast %add3A_418 : i32 to index
        %get3A_454 = arith.constant 48 : index
        %get3A_455 = tpu.vector_load %arg6[%get3A_453, %get3A_454] {strides = array<i32>} : memref<1024x64xf32, #tpu.memory_space<vmem>>, vector<1x16xf32>,
        %get3A_456 = vector.shape_cast %get3A_455 : vector<1x16xf32> to vector<16xf32>
        %mul3A_457 = arith.constant 8.000000e+00 : f32
        %mul3A_458 = vector.broadcast %mul3A_457 : f32 to vector<16xf32>
        %mul3A_459 = arith.mulf %get3A_456, %mul3A_458 : vector<16xf32>
        %swap3A_460 = arith.index_cast %add3A_418 : i32 to index
        %swap3A_461 = arith.constant 48 : index
        %swap3A_462 = tpu.vector_load %arg6[%swap3A_460, %swap3A_461] {strides = array<i32>} : memref<1024x64xf32, #tpu.memory_space<vmem>>, vector<1x16xf32>,
        %swap3A_463 = vector.shape_cast %swap3A_462 : vector<1x16xf32> to vector<16xf32>
        %swap3A_464 = vector.shape_cast %mul3A_459 : vector<16xf32> to vector<1x16xf32>
        tpu.vector_store %arg6[%swap3A_460, %swap3A_461], %swap3A_464 {strides = array<i32>} : memref<1024x64xf32, #tpu.memory_space<vmem>>, vector<1x16xf32>,
        %mul3A_465 = arith.constant 8 : i32
        %mul3A_466 = arith.muli %scan3A_412, %mul3A_465 : i32
        %add3A_467 = arith.constant 384 : i32
        %add3A_468 = arith.addi %add3A_467, %mul3A_466 : i32
        %add3A_469 = arith.constant 1 : i32
        %add3A_470 = arith.addi %add3A_468, %add3A_469 : i32
        %get3A_471 = arith.index_cast %add3A_470 : i32 to index
        %get3A_472 = arith.constant 0 : index
        %get3A_473 = tpu.vector_load %arg6[%get3A_471, %get3A_472] {strides = array<i32>} : memref<1024x64xf32, #tpu.memory_space<vmem>>, vector<1x16xf32>,
        %get3A_474 = vector.shape_cast %get3A_473 : vector<1x16xf32> to vector<16xf32>
        %mul3A_475 = arith.constant 8.000000e+00 : f32
        %mul3A_476 = vector.broadcast %mul3A_475 : f32 to vector<16xf32>
        %mul3A_477 = arith.mulf %get3A_474, %mul3A_476 : vector<16xf32>
        %swap3A_478 = arith.index_cast %add3A_470 : i32 to index
        %swap3A_479 = arith.constant 0 : index
        %swap3A_480 = tpu.vector_load %arg6[%swap3A_478, %swap3A_479] {strides = array<i32>} : memref<1024x64xf32, #tpu.memory_space<vmem>>, vector<1x16xf32>,
        %swap3A_481 = vector.shape_cast %swap3A_480 : vector<1x16xf32> to vector<16xf32>
        %swap3A_482 = vector.shape_cast %mul3A_477 : vector<16xf32> to vector<1x16xf32>
        tpu.vector_store %arg6[%swap3A_478, %swap3A_479], %swap3A_482 {strides = array<i32>} : memref<1024x64xf32, #tpu.memory_space<vmem>>, vector<1x16xf32>,
        %get3A_483 = arith.index_cast %add3A_470 : i32 to index
        %get3A_484 = arith.constant 16 : index
        %get3A_485 = tpu.vector_load %arg6[%get3A_483, %get3A_484] {strides = array<i32>} : memref<1024x64xf32, #tpu.memory_space<vmem>>, vector<1x16xf32>,
        %get3A_486 = vector.shape_cast %get3A_485 : vector<1x16xf32> to vector<16xf32>
        %mul3A_487 = arith.constant 8.000000e+00 : f32
        %mul3A_488 = vector.broadcast %mul3A_487 : f32 to vector<16xf32>
        %mul3A_489 = arith.mulf %get3A_486, %mul3A_488 : vector<16xf32>
        %swap3A_490 = arith.index_cast %add3A_470 : i32 to index
        %swap3A_491 = arith.constant 16 : index
        %swap3A_492 = tpu.vector_load %arg6[%swap3A_490, %swap3A_491] {strides = array<i32>} : memref<1024x64xf32, #tpu.memory_space<vmem>>, vector<1x16xf32>,
        %swap3A_493 = vector.shape_cast %swap3A_492 : vector<1x16xf32> to vector<16xf32>
        %swap3A_494 = vector.shape_cast %mul3A_489 : vector<16xf32> to vector<1x16xf32>
        tpu.vector_store %arg6[%swap3A_490, %swap3A_491], %swap3A_494 {strides = array<i32>} : memref<1024x64xf32, #tpu.memory_space<vmem>>, vector<1x16xf32>,
        %get3A_495 = arith.index_cast %add3A_470 : i32 to index
        %get3A_496 = arith.constant 32 : index
        %get3A_497 = tpu.vector_load %arg6[%get3A_495, %get3A_496] {strides = array<i32>} : memref<1024x64xf32, #tpu.memory_space<vmem>>, vector<1x16xf32>,
        %get3A_498 = vector.shape_cast %get3A_497 : vector<1x16xf32> to vector<16xf32>
        %mul3A_499 = arith.constant 8.000000e+00 : f32
        %mul3A_500 = vector.broadcast %mul3A_499 : f32 to vector<16xf32>
        %mul3A_501 = arith.mulf %get3A_498, %mul3A_500 : vector<16xf32>
        %swap3A_502 = arith.index_cast %add3A_470 : i32 to index
        %swap3A_503 = arith.constant 32 : index
        %swap3A_504 = tpu.vector_load %arg6[%swap3A_502, %swap3A_503] {strides = array<i32>} : memref<1024x64xf32, #tpu.memory_space<vmem>>, vector<1x16xf32>,
        %swap3A_505 = vector.shape_cast %swap3A_504 : vector<1x16xf32> to vector<16xf32>
        %swap3A_506 = vector.shape_cast %mul3A_501 : vector<16xf32> to vector<1x16xf32>
        tpu.vector_store %arg6[%swap3A_502, %swap3A_503], %swap3A_506 {strides = array<i32>} : memref<1024x64xf32, #tpu.memory_space<vmem>>, vector<1x16xf32>,
        %get3A_507 = arith.index_cast %add3A_470 : i32 to index
        %get3A_508 = arith.constant 48 : index
        %get3A_509 = tpu.vector_load %arg6[%get3A_507, %get3A_508] {strides = array<i32>} : memref<1024x64xf32, #tpu.memory_space<vmem>>, vector<1x16xf32>,
        %get3A_510 = vector.shape_cast %get3A_509 : vector<1x16xf32> to vector<16xf32>
        %mul3A_511 = arith.constant 8.000000e+00 : f32
        %mul3A_512 = vector.broadcast %mul3A_511 : f32 to vector<16xf32>
        %mul3A_513 = arith.mulf %get3A_510, %mul3A_512 : vector<16xf32>
        %swap3A_514 = arith.index_cast %add3A_470 : i32 to index
        %swap3A_515 = arith.constant 48 : index
        %swap3A_516 = tpu.vector_load %arg6[%swap3A_514, %swap3A_515] {strides = array<i32>} : memref<1024x64xf32, #tpu.memory_space<vmem>>, vector<1x16xf32>,
        %swap3A_517 = vector.shape_cast %swap3A_516 : vector<1x16xf32> to vector<16xf32>
        %swap3A_518 = vector.shape_cast %mul3A_513 : vector<16xf32> to vector<1x16xf32>
        tpu.vector_store %arg6[%swap3A_514, %swap3A_515], %swap3A_518 {strides = array<i32>} : memref<1024x64xf32, #tpu.memory_space<vmem>>, vector<1x16xf32>,
        %mul3A_519 = arith.constant 8 : i32
        %mul3A_520 = arith.muli %scan3A_412, %mul3A_519 : i32
        %add3A_521 = arith.constant 384 : i32
        %add3A_522 = arith.addi %add3A_521, %mul3A_520 : i32
        %add3A_523 = arith.constant 2 : i32
        %add3A_524 = arith.addi %add3A_522, %add3A_523 : i32
        %get3A_525 = arith.index_cast %add3A_524 : i32 to index
        %get3A_526 = arith.constant 0 : index
        %get3A_527 = tpu.vector_load %arg6[%get3A_525, %get3A_526] {strides = array<i32>} : memref<1024x64xf32, #tpu.memory_space<vmem>>, vector<1x16xf32>,
        %get3A_528 = vector.shape_cast %get3A_527 : vector<1x16xf32> to vector<16xf32>
        %mul3A_529 = arith.constant 8.000000e+00 : f32
        %mul3A_530 = vector.broadcast %mul3A_529 : f32 to vector<16xf32>
        %mul3A_531 = arith.mulf %get3A_528, %mul3A_530 : vector<16xf32>
        %swap3A_532 = arith.index_cast %add3A_524 : i32 to index
        %swap3A_533 = arith.constant 0 : index
        %swap3A_534 = tpu.vector_load %arg6[%swap3A_532, %swap3A_533] {strides = array<i32>} : memref<1024x64xf32, #tpu.memory_space<vmem>>, vector<1x16xf32>,
        %swap3A_535 = vector.shape_cast %swap3A_534 : vector<1x16xf32> to vector<16xf32>
        %swap3A_536 = vector.shape_cast %mul3A_531 : vector<16xf32> to vector<1x16xf32>
        tpu.vector_store %arg6[%swap3A_532, %swap3A_533], %swap3A_536 {strides = array<i32>} : memref<1024x64xf32, #tpu.memory_space<vmem>>, vector<1x16xf32>,
        %get3A_537 = arith.index_cast %add3A_524 : i32 to index
        %get3A_538 = arith.constant 16 : index
        %get3A_539 = tpu.vector_load %arg6[%get3A_537, %get3A_538] {strides = array<i32>} : memref<1024x64xf32, #tpu.memory_space<vmem>>, vector<1x16xf32>,
        %get3A_540 = vector.shape_cast %get3A_539 : vector<1x16xf32> to vector<16xf32>
        %mul3A_541 = arith.constant 8.000000e+00 : f32
        %mul3A_542 = vector.broadcast %mul3A_541 : f32 to vector<16xf32>
        %mul3A_543 = arith.mulf %get3A_540, %mul3A_542 : vector<16xf32>
        %swap3A_544 = arith.index_cast %add3A_524 : i32 to index
        %swap3A_545 = arith.constant 16 : index
        %swap3A_546 = tpu.vector_load %arg6[%swap3A_544, %swap3A_545] {strides = array<i32>} : memref<1024x64xf32, #tpu.memory_space<vmem>>, vector<1x16xf32>,
        %swap3A_547 = vector.shape_cast %swap3A_546 : vector<1x16xf32> to vector<16xf32>
        %swap3A_548 = vector.shape_cast %mul3A_543 : vector<16xf32> to vector<1x16xf32>
        tpu.vector_store %arg6[%swap3A_544, %swap3A_545], %swap3A_548 {strides = array<i32>} : memref<1024x64xf32, #tpu.memory_space<vmem>>, vector<1x16xf32>,
        %get3A_549 = arith.index_cast %add3A_524 : i32 to index
        %get3A_550 = arith.constant 32 : index
        %get3A_551 = tpu.vector_load %arg6[%get3A_549, %get3A_550] {strides = array<i32>} : memref<1024x64xf32, #tpu.memory_space<vmem>>, vector<1x16xf32>,
        %get3A_552 = vector.shape_cast %get3A_551 : vector<1x16xf32> to vector<16xf32>
        %mul3A_553 = arith.constant 8.000000e+00 : f32
        %mul3A_554 = vector.broadcast %mul3A_553 : f32 to vector<16xf32>
        %mul3A_555 = arith.mulf %get3A_552, %mul3A_554 : vector<16xf32>
        %swap3A_556 = arith.index_cast %add3A_524 : i32 to index
        %swap3A_557 = arith.constant 32 : index
        %swap3A_558 = tpu.vector_load %arg6[%swap3A_556, %swap3A_557] {strides = array<i32>} : memref<1024x64xf32, #tpu.memory_space<vmem>>, vector<1x16xf32>,
        %swap3A_559 = vector.shape_cast %swap3A_558 : vector<1x16xf32> to vector<16xf32>
        %swap3A_560 = vector.shape_cast %mul3A_555 : vector<16xf32> to vector<1x16xf32>
        tpu.vector_store %arg6[%swap3A_556, %swap3A_557], %swap3A_560 {strides = array<i32>} : memref<1024x64xf32, #tpu.memory_space<vmem>>, vector<1x16xf32>,
        %get3A_561 = arith.index_cast %add3A_524 : i32 to index
        %get3A_562 = arith.constant 48 : index
        %get3A_563 = tpu.vector_load %arg6[%get3A_561, %get3A_562] {strides = array<i32>} : memref<1024x64xf32, #tpu.memory_space<vmem>>, vector<1x16xf32>,
        %get3A_564 = vector.shape_cast %get3A_563 : vector<1x16xf32> to vector<16xf32>
        %mul3A_565 = arith.constant 8.000000e+00 : f32
        %mul3A_566 = vector.broadcast %mul3A_565 : f32 to vector<16xf32>
        %mul3A_567 = arith.mulf %get3A_564, %mul3A_566 : vector<16xf32>
        %swap3A_568 = arith.index_cast %add3A_524 : i32 to index
        %swap3A_569 = arith.constant 48 : index
        %swap3A_570 = tpu.vector_load %arg6[%swap3A_568, %swap3A_569] {strides = array<i32>} : memref<1024x64xf32, #tpu.memory_space<vmem>>, vector<1x16xf32>,
        %swap3A_571 = vector.shape_cast %swap3A_570 : vector<1x16xf32> to vector<16xf32>
        %swap3A_572 = vector.shape_cast %mul3A_567 : vector<16xf32> to vector<1x16xf32>
        tpu.vector_store %arg6[%swap3A_568, %swap3A_569], %swap3A_572 {strides = array<i32>} : memref<1024x64xf32, #tpu.memory_space<vmem>>, vector<1x16xf32>,
        %mul3A_573 = arith.constant 8 : i32
        %mul3A_574 = arith.muli %scan3A_412, %mul3A_573 : i32
        %add3A_575 = arith.constant 384 : i32
        %add3A_576 = arith.addi %add3A_575, %mul3A_574 : i32
        %add3A_577 = arith.constant 3 : i32
        %add3A_578 = arith.addi %add3A_576, %add3A_577 : i32
        %get3A_579 = arith.index_cast %add3A_578 : i32 to index
        %get3A_580 = arith.constant 0 : index
        %get3A_581 = tpu.vector_load %arg6[%get3A_579, %get3A_580] {strides = array<i32>} : memref<1024x64xf32, #tpu.memory_space<vmem>>, vector<1x16xf32>,
        %get3A_582 = vector.shape_cast %get3A_581 : vector<1x16xf32> to vector<16xf32>
        %mul3A_583 = arith.constant 8.000000e+00 : f32
        %mul3A_584 = vector.broadcast %mul3A_583 : f32 to vector<16xf32>
        %mul3A_585 = arith.mulf %get3A_582, %mul3A_584 : vector<16xf32>
        %swap3A_586 = arith.index_cast %add3A_578 : i32 to index
        %swap3A_587 = arith.constant 0 : index
        %swap3A_588 = tpu.vector_load %arg6[%swap3A_586, %swap3A_587] {strides = array<i32>} : memref<1024x64xf32, #tpu.memory_space<vmem>>, vector<1x16xf32>,
        %swap3A_589 = vector.shape_cast %swap3A_588 : vector<1x16xf32> to vector<16xf32>
        %swap3A_590 = vector.shape_cast %mul3A_585 : vector<16xf32> to vector<1x16xf32>
        tpu.vector_store %arg6[%swap3A_586, %swap3A_587], %swap3A_590 {strides = array<i32>} : memref<1024x64xf32, #tpu.memory_space<vmem>>, vector<1x16xf32>,
        %get3A_591 = arith.index_cast %add3A_578 : i32 to index
        %get3A_592 = arith.constant 16 : index
        %get3A_593 = tpu.vector_load %arg6[%get3A_591, %get3A_592] {strides = array<i32>} : memref<1024x64xf32, #tpu.memory_space<vmem>>, vector<1x16xf32>,
        %get3A_594 = vector.shape_cast %get3A_593 : vector<1x16xf32> to vector<16xf32>
        %mul3A_595 = arith.constant 8.000000e+00 : f32
        %mul3A_596 = vector.broadcast %mul3A_595 : f32 to vector<16xf32>
        %mul3A_597 = arith.mulf %get3A_594, %mul3A_596 : vector<16xf32>
        %swap3A_598 = arith.index_cast %add3A_578 : i32 to index
        %swap3A_599 = arith.constant 16 : index
        %swap3A_600 = tpu.vector_load %arg6[%swap3A_598, %swap3A_599] {strides = array<i32>} : memref<1024x64xf32, #tpu.memory_space<vmem>>, vector<1x16xf32>,
        %swap3A_601 = vector.shape_cast %swap3A_600 : vector<1x16xf32> to vector<16xf32>
        %swap3A_602 = vector.shape_cast %mul3A_597 : vector<16xf32> to vector<1x16xf32>
        tpu.vector_store %arg6[%swap3A_598, %swap3A_599], %swap3A_602 {strides = array<i32>} : memref<1024x64xf32, #tpu.memory_space<vmem>>, vector<1x16xf32>,
        %get3A_603 = arith.index_cast %add3A_578 : i32 to index
        %get3A_604 = arith.constant 32 : index
        %get3A_605 = tpu.vector_load %arg6[%get3A_603, %get3A_604] {strides = array<i32>} : memref<1024x64xf32, #tpu.memory_space<vmem>>, vector<1x16xf32>,
        %get3A_606 = vector.shape_cast %get3A_605 : vector<1x16xf32> to vector<16xf32>
        %mul3A_607 = arith.constant 8.000000e+00 : f32
        %mul3A_608 = vector.broadcast %mul3A_607 : f32 to vector<16xf32>
        %mul3A_609 = arith.mulf %get3A_606, %mul3A_608 : vector<16xf32>
        %swap3A_610 = arith.index_cast %add3A_578 : i32 to index
        %swap3A_611 = arith.constant 32 : index
        %swap3A_612 = tpu.vector_load %arg6[%swap3A_610, %swap3A_611] {strides = array<i32>} : memref<1024x64xf32, #tpu.memory_space<vmem>>, vector<1x16xf32>,
        %swap3A_613 = vector.shape_cast %swap3A_612 : vector<1x16xf32> to vector<16xf32>
        %swap3A_614 = vector.shape_cast %mul3A_609 : vector<16xf32> to vector<1x16xf32>
        tpu.vector_store %arg6[%swap3A_610, %swap3A_611], %swap3A_614 {strides = array<i32>} : memref<1024x64xf32, #tpu.memory_space<vmem>>, vector<1x16xf32>,
        %get3A_615 = arith.index_cast %add3A_578 : i32 to index
        %get3A_616 = arith.constant 48 : index
        %get3A_617 = tpu.vector_load %arg6[%get3A_615, %get3A_616] {strides = array<i32>} : memref<1024x64xf32, #tpu.memory_space<vmem>>, vector<1x16xf32>,
        %get3A_618 = vector.shape_cast %get3A_617 : vector<1x16xf32> to vector<16xf32>
        %mul3A_619 = arith.constant 8.000000e+00 : f32
        %mul3A_620 = vector.broadcast %mul3A_619 : f32 to vector<16xf32>
        %mul3A_621 = arith.mulf %get3A_618, %mul3A_620 : vector<16xf32>
        %swap3A_622 = arith.index_cast %add3A_578 : i32 to index
        %swap3A_623 = arith.constant 48 : index
        %swap3A_624 = tpu.vector_load %arg6[%swap3A_622, %swap3A_623] {strides = array<i32>} : memref<1024x64xf32, #tpu.memory_space<vmem>>, vector<1x16xf32>,
        %swap3A_625 = vector.shape_cast %swap3A_624 : vector<1x16xf32> to vector<16xf32>
        %swap3A_626 = vector.shape_cast %mul3A_621 : vector<16xf32> to vector<1x16xf32>
        tpu.vector_store %arg6[%swap3A_622, %swap3A_623], %swap3A_626 {strides = array<i32>} : memref<1024x64xf32, #tpu.memory_space<vmem>>, vector<1x16xf32>,
        %mul3A_627 = arith.constant 8 : i32
        %mul3A_628 = arith.muli %scan3A_412, %mul3A_627 : i32
        %add3A_629 = arith.constant 384 : i32
        %add3A_630 = arith.addi %add3A_629, %mul3A_628 : i32
        %add3A_631 = arith.constant 4 : i32
        %add3A_632 = arith.addi %add3A_630, %add3A_631 : i32
        %get3A_633 = arith.index_cast %add3A_632 : i32 to index
        %get3A_634 = arith.constant 0 : index
        %get3A_635 = tpu.vector_load %arg6[%get3A_633, %get3A_634] {strides = array<i32>} : memref<1024x64xf32, #tpu.memory_space<vmem>>, vector<1x16xf32>,
        %get3A_636 = vector.shape_cast %get3A_635 : vector<1x16xf32> to vector<16xf32>
        %mul3A_637 = arith.constant 8.000000e+00 : f32
        %mul3A_638 = vector.broadcast %mul3A_637 : f32 to vector<16xf32>
        %mul3A_639 = arith.mulf %get3A_636, %mul3A_638 : vector<16xf32>
        %swap3A_640 = arith.index_cast %add3A_632 : i32 to index
        %swap3A_641 = arith.constant 0 : index
        %swap3A_642 = tpu.vector_load %arg6[%swap3A_640, %swap3A_641] {strides = array<i32>} : memref<1024x64xf32, #tpu.memory_space<vmem>>, vector<1x16xf32>,
        %swap3A_643 = vector.shape_cast %swap3A_642 : vector<1x16xf32> to vector<16xf32>
        %swap3A_644 = vector.shape_cast %mul3A_639 : vector<16xf32> to vector<1x16xf32>
        tpu.vector_store %arg6[%swap3A_640, %swap3A_641], %swap3A_644 {strides = array<i32>} : memref<1024x64xf32, #tpu.memory_space<vmem>>, vector<1x16xf32>,
        %get3A_645 = arith.index_cast %add3A_632 : i32 to index
        %get3A_646 = arith.constant 16 : index
        %get3A_647 = tpu.vector_load %arg6[%get3A_645, %get3A_646] {strides = array<i32>} : memref<1024x64xf32, #tpu.memory_space<vmem>>, vector<1x16xf32>,
        %get3A_648 = vector.shape_cast %get3A_647 : vector<1x16xf32> to vector<16xf32>
        %mul3A_649 = arith.constant 8.000000e+00 : f32
        %mul3A_650 = vector.broadcast %mul3A_649 : f32 to vector<16xf32>
        %mul3A_651 = arith.mulf %get3A_648, %mul3A_650 : vector<16xf32>
        %swap3A_652 = arith.index_cast %add3A_632 : i32 to index
        %swap3A_653 = arith.constant 16 : index
        %swap3A_654 = tpu.vector_load %arg6[%swap3A_652, %swap3A_653] {strides = array<i32>} : memref<1024x64xf32, #tpu.memory_space<vmem>>, vector<1x16xf32>,
        %swap3A_655 = vector.shape_cast %swap3A_654 : vector<1x16xf32> to vector<16xf32>
        %swap3A_656 = vector.shape_cast %mul3A_651 : vector<16xf32> to vector<1x16xf32>
        tpu.vector_store %arg6[%swap3A_652, %swap3A_653], %swap3A_656 {strides = array<i32>} : memref<1024x64xf32, #tpu.memory_space<vmem>>, vector<1x16xf32>,
        %get3A_657 = arith.index_cast %add3A_632 : i32 to index
        %get3A_658 = arith.constant 32 : index
        %get3A_659 = tpu.vector_load %arg6[%get3A_657, %get3A_658] {strides = array<i32>} : memref<1024x64xf32, #tpu.memory_space<vmem>>, vector<1x16xf32>,
        %get3A_660 = vector.shape_cast %get3A_659 : vector<1x16xf32> to vector<16xf32>
        %mul3A_661 = arith.constant 8.000000e+00 : f32
        %mul3A_662 = vector.broadcast %mul3A_661 : f32 to vector<16xf32>
        %mul3A_663 = arith.mulf %get3A_660, %mul3A_662 : vector<16xf32>
        %swap3A_664 = arith.index_cast %add3A_632 : i32 to index
        %swap3A_665 = arith.constant 32 : index
        %swap3A_666 = tpu.vector_load %arg6[%swap3A_664, %swap3A_665] {strides = array<i32>} : memref<1024x64xf32, #tpu.memory_space<vmem>>, vector<1x16xf32>,
        %swap3A_667 = vector.shape_cast %swap3A_666 : vector<1x16xf32> to vector<16xf32>
        %swap3A_668 = vector.shape_cast %mul3A_663 : vector<16xf32> to vector<1x16xf32>
        tpu.vector_store %arg6[%swap3A_664, %swap3A_665], %swap3A_668 {strides = array<i32>} : memref<1024x64xf32, #tpu.memory_space<vmem>>, vector<1x16xf32>,
        %get3A_669 = arith.index_cast %add3A_632 : i32 to index
        %get3A_670 = arith.constant 48 : index
        %get3A_671 = tpu.vector_load %arg6[%get3A_669, %get3A_670] {strides = array<i32>} : memref<1024x64xf32, #tpu.memory_space<vmem>>, vector<1x16xf32>,
        %get3A_672 = vector.shape_cast %get3A_671 : vector<1x16xf32> to vector<16xf32>
        %mul3A_673 = arith.constant 8.000000e+00 : f32
        %mul3A_674 = vector.broadcast %mul3A_673 : f32 to vector<16xf32>
        %mul3A_675 = arith.mulf %get3A_672, %mul3A_674 : vector<16xf32>
        %swap3A_676 = arith.index_cast %add3A_632 : i32 to index
        %swap3A_677 = arith.constant 48 : index
        %swap3A_678 = tpu.vector_load %arg6[%swap3A_676, %swap3A_677] {strides = array<i32>} : memref<1024x64xf32, #tpu.memory_space<vmem>>, vector<1x16xf32>,
        %swap3A_679 = vector.shape_cast %swap3A_678 : vector<1x16xf32> to vector<16xf32>
        %swap3A_680 = vector.shape_cast %mul3A_675 : vector<16xf32> to vector<1x16xf32>
        tpu.vector_store %arg6[%swap3A_676, %swap3A_677], %swap3A_680 {strides = array<i32>} : memref<1024x64xf32, #tpu.memory_space<vmem>>, vector<1x16xf32>,
        %mul3A_681 = arith.constant 8 : i32
        %mul3A_682 = arith.muli %scan3A_412, %mul3A_681 : i32
        %add3A_683 = arith.constant 384 : i32
        %add3A_684 = arith.addi %add3A_683, %mul3A_682 : i32
        %add3A_685 = arith.constant 5 : i32
        %add3A_686 = arith.addi %add3A_684, %add3A_685 : i32
        %get3A_687 = arith.index_cast %add3A_686 : i32 to index
        %get3A_688 = arith.constant 0 : index
        %get3A_689 = tpu.vector_load %arg6[%get3A_687, %get3A_688] {strides = array<i32>} : memref<1024x64xf32, #tpu.memory_space<vmem>>, vector<1x16xf32>,
        %get3A_690 = vector.shape_cast %get3A_689 : vector<1x16xf32> to vector<16xf32>
        %mul3A_691 = arith.constant 8.000000e+00 : f32
        %mul3A_692 = vector.broadcast %mul3A_691 : f32 to vector<16xf32>
        %mul3A_693 = arith.mulf %get3A_690, %mul3A_692 : vector<16xf32>
        %swap3A_694 = arith.index_cast %add3A_686 : i32 to index
        %swap3A_695 = arith.constant 0 : index
        %swap3A_696 = tpu.vector_load %arg6[%swap3A_694, %swap3A_695] {strides = array<i32>} : memref<1024x64xf32, #tpu.memory_space<vmem>>, vector<1x16xf32>,
        %swap3A_697 = vector.shape_cast %swap3A_696 : vector<1x16xf32> to vector<16xf32>
        %swap3A_698 = vector.shape_cast %mul3A_693 : vector<16xf32> to vector<1x16xf32>
        tpu.vector_store %arg6[%swap3A_694, %swap3A_695], %swap3A_698 {strides = array<i32>} : memref<1024x64xf32, #tpu.memory_space<vmem>>, vector<1x16xf32>,
        %get3A_699 = arith.index_cast %add3A_686 : i32 to index
        %get3A_700 = arith.constant 16 : index
        %get3A_701 = tpu.vector_load %arg6[%get3A_699, %get3A_700] {strides = array<i32>} : memref<1024x64xf32, #tpu.memory_space<vmem>>, vector<1x16xf32>,
        %get3A_702 = vector.shape_cast %get3A_701 : vector<1x16xf32> to vector<16xf32>
        %mul3A_703 = arith.constant 8.000000e+00 : f32
        %mul3A_704 = vector.broadcast %mul3A_703 : f32 to vector<16xf32>
        %mul3A_705 = arith.mulf %get3A_702, %mul3A_704 : vector<16xf32>
        %swap3A_706 = arith.index_cast %add3A_686 : i32 to index
        %swap3A_707 = arith.constant 16 : index
        %swap3A_708 = tpu.vector_load %arg6[%swap3A_706, %swap3A_707] {strides = array<i32>} : memref<1024x64xf32, #tpu.memory_space<vmem>>, vector<1x16xf32>,
        %swap3A_709 = vector.shape_cast %swap3A_708 : vector<1x16xf32> to vector<16xf32>
        %swap3A_710 = vector.shape_cast %mul3A_705 : vector<16xf32> to vector<1x16xf32>
        tpu.vector_store %arg6[%swap3A_706, %swap3A_707], %swap3A_710 {strides = array<i32>} : memref<1024x64xf32, #tpu.memory_space<vmem>>, vector<1x16xf32>,
        %get3A_711 = arith.index_cast %add3A_686 : i32 to index
        %get3A_712 = arith.constant 32 : index
        %get3A_713 = tpu.vector_load %arg6[%get3A_711, %get3A_712] {strides = array<i32>} : memref<1024x64xf32, #tpu.memory_space<vmem>>, vector<1x16xf32>,
        %get3A_714 = vector.shape_cast %get3A_713 : vector<1x16xf32> to vector<16xf32>
        %mul3A_715 = arith.constant 8.000000e+00 : f32
        %mul3A_716 = vector.broadcast %mul3A_715 : f32 to vector<16xf32>
        %mul3A_717 = arith.mulf %get3A_714, %mul3A_716 : vector<16xf32>
        %swap3A_718 = arith.index_cast %add3A_686 : i32 to index
        %swap3A_719 = arith.constant 32 : index
        %swap3A_720 = tpu.vector_load %arg6[%swap3A_718, %swap3A_719] {strides = array<i32>} : memref<1024x64xf32, #tpu.memory_space<vmem>>, vector<1x16xf32>,
        %swap3A_721 = vector.shape_cast %swap3A_720 : vector<1x16xf32> to vector<16xf32>
        %swap3A_722 = vector.shape_cast %mul3A_717 : vector<16xf32> to vector<1x16xf32>
        tpu.vector_store %arg6[%swap3A_718, %swap3A_719], %swap3A_722 {strides = array<i32>} : memref<1024x64xf32, #tpu.memory_space<vmem>>, vector<1x16xf32>,
        %get3A_723 = arith.index_cast %add3A_686 : i32 to index
        %get3A_724 = arith.constant 48 : index
        %get3A_725 = tpu.vector_load %arg6[%get3A_723, %get3A_724] {strides = array<i32>} : memref<1024x64xf32, #tpu.memory_space<vmem>>, vector<1x16xf32>,
        %get3A_726 = vector.shape_cast %get3A_725 : vector<1x16xf32> to vector<16xf32>
        %mul3A_727 = arith.constant 8.000000e+00 : f32
        %mul3A_728 = vector.broadcast %mul3A_727 : f32 to vector<16xf32>
        %mul3A_729 = arith.mulf %get3A_726, %mul3A_728 : vector<16xf32>
        %swap3A_730 = arith.index_cast %add3A_686 : i32 to index
        %swap3A_731 = arith.constant 48 : index
        %swap3A_732 = tpu.vector_load %arg6[%swap3A_730, %swap3A_731] {strides = array<i32>} : memref<1024x64xf32, #tpu.memory_space<vmem>>, vector<1x16xf32>,
        %swap3A_733 = vector.shape_cast %swap3A_732 : vector<1x16xf32> to vector<16xf32>
        %swap3A_734 = vector.shape_cast %mul3A_729 : vector<16xf32> to vector<1x16xf32>
        tpu.vector_store %arg6[%swap3A_730, %swap3A_731], %swap3A_734 {strides = array<i32>} : memref<1024x64xf32, #tpu.memory_space<vmem>>, vector<1x16xf32>,
        %mul3A_735 = arith.constant 8 : i32
        %mul3A_736 = arith.muli %scan3A_412, %mul3A_735 : i32
        %add3A_737 = arith.constant 384 : i32
        %add3A_738 = arith.addi %add3A_737, %mul3A_736 : i32
        %add3A_739 = arith.constant 6 : i32
        %add3A_740 = arith.addi %add3A_738, %add3A_739 : i32
        %get3A_741 = arith.index_cast %add3A_740 : i32 to index
        %get3A_742 = arith.constant 0 : index
        %get3A_743 = tpu.vector_load %arg6[%get3A_741, %get3A_742] {strides = array<i32>} : memref<1024x64xf32, #tpu.memory_space<vmem>>, vector<1x16xf32>,
        %get3A_744 = vector.shape_cast %get3A_743 : vector<1x16xf32> to vector<16xf32>
        %mul3A_745 = arith.constant 8.000000e+00 : f32
        %mul3A_746 = vector.broadcast %mul3A_745 : f32 to vector<16xf32>
        %mul3A_747 = arith.mulf %get3A_744, %mul3A_746 : vector<16xf32>
        %swap3A_748 = arith.index_cast %add3A_740 : i32 to index
        %swap3A_749 = arith.constant 0 : index
        %swap3A_750 = tpu.vector_load %arg6[%swap3A_748, %swap3A_749] {strides = array<i32>} : memref<1024x64xf32, #tpu.memory_space<vmem>>, vector<1x16xf32>,
        %swap3A_751 = vector.shape_cast %swap3A_750 : vector<1x16xf32> to vector<16xf32>
        %swap3A_752 = vector.shape_cast %mul3A_747 : vector<16xf32> to vector<1x16xf32>
        tpu.vector_store %arg6[%swap3A_748, %swap3A_749], %swap3A_752 {strides = array<i32>} : memref<1024x64xf32, #tpu.memory_space<vmem>>, vector<1x16xf32>,
        %get3A_753 = arith.index_cast %add3A_740 : i32 to index
        %get3A_754 = arith.constant 16 : index
        %get3A_755 = tpu.vector_load %arg6[%get3A_753, %get3A_754] {strides = array<i32>} : memref<1024x64xf32, #tpu.memory_space<vmem>>, vector<1x16xf32>,
        %get3A_756 = vector.shape_cast %get3A_755 : vector<1x16xf32> to vector<16xf32>
        %mul3A_757 = arith.constant 8.000000e+00 : f32
        %mul3A_758 = vector.broadcast %mul3A_757 : f32 to vector<16xf32>
        %mul3A_759 = arith.mulf %get3A_756, %mul3A_758 : vector<16xf32>
        %swap3A_760 = arith.index_cast %add3A_740 : i32 to index
        %swap3A_761 = arith.constant 16 : index
        %swap3A_762 = tpu.vector_load %arg6[%swap3A_760, %swap3A_761] {strides = array<i32>} : memref<1024x64xf32, #tpu.memory_space<vmem>>, vector<1x16xf32>,
        %swap3A_763 = vector.shape_cast %swap3A_762 : vector<1x16xf32> to vector<16xf32>
        %swap3A_764 = vector.shape_cast %mul3A_759 : vector<16xf32> to vector<1x16xf32>
        tpu.vector_store %arg6[%swap3A_760, %swap3A_761], %swap3A_764 {strides = array<i32>} : memref<1024x64xf32, #tpu.memory_space<vmem>>, vector<1x16xf32>,
        %get3A_765 = arith.index_cast %add3A_740 : i32 to index
        %get3A_766 = arith.constant 32 : index
        %get3A_767 = tpu.vector_load %arg6[%get3A_765, %get3A_766] {strides = array<i32>} : memref<1024x64xf32, #tpu.memory_space<vmem>>, vector<1x16xf32>,
        %get3A_768 = vector.shape_cast %get3A_767 : vector<1x16xf32> to vector<16xf32>
        %mul3A_769 = arith.constant 8.000000e+00 : f32
        %mul3A_770 = vector.broadcast %mul3A_769 : f32 to vector<16xf32>
        %mul3A_771 = arith.mulf %get3A_768, %mul3A_770 : vector<16xf32>
        %swap3A_772 = arith.index_cast %add3A_740 : i32 to index
        %swap3A_773 = arith.constant 32 : index
        %swap3A_774 = tpu.vector_load %arg6[%swap3A_772, %swap3A_773] {strides = array<i32>} : memref<1024x64xf32, #tpu.memory_space<vmem>>, vector<1x16xf32>,
        %swap3A_775 = vector.shape_cast %swap3A_774 : vector<1x16xf32> to vector<16xf32>
        %swap3A_776 = vector.shape_cast %mul3A_771 : vector<16xf32> to vector<1x16xf32>
        tpu.vector_store %arg6[%swap3A_772, %swap3A_773], %swap3A_776 {strides = array<i32>} : memref<1024x64xf32, #tpu.memory_space<vmem>>, vector<1x16xf32>,
        %get3A_777 = arith.index_cast %add3A_740 : i32 to index
        %get3A_778 = arith.constant 48 : index
        %get3A_779 = tpu.vector_load %arg6[%get3A_777, %get3A_778] {strides = array<i32>} : memref<1024x64xf32, #tpu.memory_space<vmem>>, vector<1x16xf32>,
        %get3A_780 = vector.shape_cast %get3A_779 : vector<1x16xf32> to vector<16xf32>
        %mul3A_781 = arith.constant 8.000000e+00 : f32
        %mul3A_782 = vector.broadcast %mul3A_781 : f32 to vector<16xf32>
        %mul3A_783 = arith.mulf %get3A_780, %mul3A_782 : vector<16xf32>
        %swap3A_784 = arith.index_cast %add3A_740 : i32 to index
        %swap3A_785 = arith.constant 48 : index
        %swap3A_786 = tpu.vector_load %arg6[%swap3A_784, %swap3A_785] {strides = array<i32>} : memref<1024x64xf32, #tpu.memory_space<vmem>>, vector<1x16xf32>,
        %swap3A_787 = vector.shape_cast %swap3A_786 : vector<1x16xf32> to vector<16xf32>
        %swap3A_788 = vector.shape_cast %mul3A_783 : vector<16xf32> to vector<1x16xf32>
        tpu.vector_store %arg6[%swap3A_784, %swap3A_785], %swap3A_788 {strides = array<i32>} : memref<1024x64xf32, #tpu.memory_space<vmem>>, vector<1x16xf32>,
        %mul3A_789 = arith.constant 8 : i32
        %mul3A_790 = arith.muli %scan3A_412, %mul3A_789 : i32
        %add3A_791 = arith.constant 384 : i32
        %add3A_792 = arith.addi %add3A_791, %mul3A_790 : i32
        %add3A_793 = arith.constant 7 : i32
        %add3A_794 = arith.addi %add3A_792, %add3A_793 : i32
        %get3A_795 = arith.index_cast %add3A_794 : i32 to index
        %get3A_796 = arith.constant 0 : index
        %get3A_797 = tpu.vector_load %arg6[%get3A_795, %get3A_796] {strides = array<i32>} : memref<1024x64xf32, #tpu.memory_space<vmem>>, vector<1x16xf32>,
        %get3A_798 = vector.shape_cast %get3A_797 : vector<1x16xf32> to vector<16xf32>
        %mul3A_799 = arith.constant 8.000000e+00 : f32
        %mul3A_800 = vector.broadcast %mul3A_799 : f32 to vector<16xf32>
        %mul3A_801 = arith.mulf %get3A_798, %mul3A_800 : vector<16xf32>
        %swap3A_802 = arith.index_cast %add3A_794 : i32 to index
        %swap3A_803 = arith.constant 0 : index
        %swap3A_804 = tpu.vector_load %arg6[%swap3A_802, %swap3A_803] {strides = array<i32>} : memref<1024x64xf32, #tpu.memory_space<vmem>>, vector<1x16xf32>,
        %swap3A_805 = vector.shape_cast %swap3A_804 : vector<1x16xf32> to vector<16xf32>
        %swap3A_806 = vector.shape_cast %mul3A_801 : vector<16xf32> to vector<1x16xf32>
        tpu.vector_store %arg6[%swap3A_802, %swap3A_803], %swap3A_806 {strides = array<i32>} : memref<1024x64xf32, #tpu.memory_space<vmem>>, vector<1x16xf32>,
        %get3A_807 = arith.index_cast %add3A_794 : i32 to index
        %get3A_808 = arith.constant 16 : index
        %get3A_809 = tpu.vector_load %arg6[%get3A_807, %get3A_808] {strides = array<i32>} : memref<1024x64xf32, #tpu.memory_space<vmem>>, vector<1x16xf32>,
        %get3A_810 = vector.shape_cast %get3A_809 : vector<1x16xf32> to vector<16xf32>
        %mul3A_811 = arith.constant 8.000000e+00 : f32
        %mul3A_812 = vector.broadcast %mul3A_811 : f32 to vector<16xf32>
        %mul3A_813 = arith.mulf %get3A_810, %mul3A_812 : vector<16xf32>
        %swap3A_814 = arith.index_cast %add3A_794 : i32 to index
        %swap3A_815 = arith.constant 16 : index
        %swap3A_816 = tpu.vector_load %arg6[%swap3A_814, %swap3A_815] {strides = array<i32>} : memref<1024x64xf32, #tpu.memory_space<vmem>>, vector<1x16xf32>,
        %swap3A_817 = vector.shape_cast %swap3A_816 : vector<1x16xf32> to vector<16xf32>
        %swap3A_818 = vector.shape_cast %mul3A_813 : vector<16xf32> to vector<1x16xf32>
        tpu.vector_store %arg6[%swap3A_814, %swap3A_815], %swap3A_818 {strides = array<i32>} : memref<1024x64xf32, #tpu.memory_space<vmem>>, vector<1x16xf32>,
        %get3A_819 = arith.index_cast %add3A_794 : i32 to index
        %get3A_820 = arith.constant 32 : index
        %get3A_821 = tpu.vector_load %arg6[%get3A_819, %get3A_820] {strides = array<i32>} : memref<1024x64xf32, #tpu.memory_space<vmem>>, vector<1x16xf32>,
        %get3A_822 = vector.shape_cast %get3A_821 : vector<1x16xf32> to vector<16xf32>
        %mul3A_823 = arith.constant 8.000000e+00 : f32
        %mul3A_824 = vector.broadcast %mul3A_823 : f32 to vector<16xf32>
        %mul3A_825 = arith.mulf %get3A_822, %mul3A_824 : vector<16xf32>
        %swap3A_826 = arith.index_cast %add3A_794 : i32 to index
        %swap3A_827 = arith.constant 32 : index
        %swap3A_828 = tpu.vector_load %arg6[%swap3A_826, %swap3A_827] {strides = array<i32>} : memref<1024x64xf32, #tpu.memory_space<vmem>>, vector<1x16xf32>,
        %swap3A_829 = vector.shape_cast %swap3A_828 : vector<1x16xf32> to vector<16xf32>
        %swap3A_830 = vector.shape_cast %mul3A_825 : vector<16xf32> to vector<1x16xf32>
        tpu.vector_store %arg6[%swap3A_826, %swap3A_827], %swap3A_830 {strides = array<i32>} : memref<1024x64xf32, #tpu.memory_space<vmem>>, vector<1x16xf32>,
        %get3A_831 = arith.index_cast %add3A_794 : i32 to index
        %get3A_832 = arith.constant 48 : index
        %get3A_833 = tpu.vector_load %arg6[%get3A_831, %get3A_832] {strides = array<i32>} : memref<1024x64xf32, #tpu.memory_space<vmem>>, vector<1x16xf32>,
        %get3A_834 = vector.shape_cast %get3A_833 : vector<1x16xf32> to vector<16xf32>
        %mul3A_835 = arith.constant 8.000000e+00 : f32
        %mul3A_836 = vector.broadcast %mul3A_835 : f32 to vector<16xf32>
        %mul3A_837 = arith.mulf %get3A_834, %mul3A_836 : vector<16xf32>
        %swap3A_838 = arith.index_cast %add3A_794 : i32 to index
        %swap3A_839 = arith.constant 48 : index
        %swap3A_840 = tpu.vector_load %arg6[%swap3A_838, %swap3A_839] {strides = array<i32>} : memref<1024x64xf32, #tpu.memory_space<vmem>>, vector<1x16xf32>,
        %swap3A_841 = vector.shape_cast %swap3A_840 : vector<1x16xf32> to vector<16xf32>
        %swap3A_842 = vector.shape_cast %mul3A_837 : vector<16xf32> to vector<1x16xf32>
        tpu.vector_store %arg6[%swap3A_838, %swap3A_839], %swap3A_842 {strides = array<i32>} : memref<1024x64xf32, #tpu.memory_space<vmem>>, vector<1x16xf32>,
      }
      %scan3A_211 = arith.constant 16 : i32
      %add3A_212 = arith.constant 384 : i32
      %add3A_213 = arith.addi %mul3A_13, %add3A_212 : i32
      %dma_start3A_214 = arith.constant 384 : i32
      %dma_start3A_215 = arith.constant 0 : i32
      %dma_start3A_216 = tpu.memref_slice %arg6[%dma_start3A_214, %dma_start3A_215] : memref<1024x64xf32, #tpu.memory_space<vmem>> -> memref<128x64xf32, #tpu.memory_space<vmem>>
      %dma_start3A_217 = arith.constant 0 : i32
      %dma_start3A_218 = tpu.memref_slice %arg4[%add3A_213, %dma_start3A_217] : memref<819200x64xf32, #tpu.memory_space<hbm>> -> memref<128x64xf32, #tpu.memory_space<hbm>>
      %dma_start3A_219 = arith.constant 0 : i32
      %dma_start3A_220 = tpu.memref_slice %arg4[%add3A_213, %dma_start3A_219] : memref<819200x64xf32, #tpu.memory_space<hbm>> -> memref<128x64xf32, #tpu.memory_space<hbm>>
      %dma_start3A_221 = arith.constant 384 : i32
      %dma_start3A_222 = arith.constant 0 : i32
      %dma_start3A_223 = tpu.memref_slice %arg6[%dma_start3A_221, %dma_start3A_222] : memref<1024x64xf32, #tpu.memory_space<vmem>> -> memref<128x64xf32, #tpu.memory_space<vmem>>
      tpu.enqueue_dma source(%dma_start3A_223 : memref<128x64xf32, #tpu.memory_space<vmem>>) target(%dma_start3A_220 : memref<128x64xf32, #tpu.memory_space<hbm>>) target_semaphore(%arg8 : memref<!tpu.dma_semaphore, #tpu.memory_space<semaphore_mem>>)
      %dma_wait3A_224 = arith.constant 512 : i32
      %dma_wait3A_225 = arith.constant 0 : i32
      %dma_wait3A_226 = tpu.memref_slice %arg6[%dma_wait3A_224, %dma_wait3A_225] : memref<1024x64xf32, #tpu.memory_space<vmem>> -> memref<128x64xf32, #tpu.memory_space<vmem>>
      %dma_wait3A_227 = arith.constant 0 : i32
      %dma_wait3A_228 = tpu.memref_slice %arg5[%add3A_68, %dma_wait3A_227] : memref<200x128xi32, #tpu.memory_space<vmem>> -> memref<1x128xi32, #tpu.memory_space<vmem>>
      %dma_wait3A_229 = tpu.memref_squeeze %dma_wait3A_228 : memref<1x128xi32, #tpu.memory_space<vmem>> -> memref<128xi32, #tpu.memory_space<vmem>>
      %dma_wait3A_230 = arith.constant 0 : i32
      %dma_wait3A_231 = arith.constant 0 : i32
      %dma_wait3A_232 = tpu.memref_slice %arg3[%dma_wait3A_230, %dma_wait3A_231] : memref<1000000x64xf32, #tpu.memory_space<hbm>> -> memref<1000000x64xf32, #tpu.memory_space<hbm>>
      tpu.wait_indirect_dma semaphore(%arg7 : memref<!tpu.dma_semaphore, #tpu.memory_space<semaphore_mem>>) src(%dma_wait3A_232 : memref<1000000x64xf32, #tpu.memory_space<hbm>>) dst(%dma_wait3A_226 : memref<128x64xf32, #tpu.memory_space<vmem>>)
      %scan3A_233 = arith.constant 0 : i32
      %scan3A_234 = arith.constant 0 : i32
      %scan3A_235 = arith.constant 16 : i32
      %scan3A_236 = arith.addi %scan3A_234, %scan3A_235 : i32
      %scan3A_237 = arith.constant 1 : i32
      scf.for %scan3A_412 = %scan3A_234 to %scan3A_236 step %scan3A_237  : i32 {
        %mul3A_413 = arith.constant 8 : i32
        %mul3A_414 = arith.muli %scan3A_412, %mul3A_413 : i32
        %add3A_415 = arith.constant 512 : i32
        %add3A_416 = arith.addi %add3A_415, %mul3A_414 : i32
        %add3A_417 = arith.constant 0 : i32
        %add3A_418 = arith.addi %add3A_416, %add3A_417 : i32
        %get3A = arith.index_cast %add3A_418 : i32 to index
        %get3A_419 = arith.constant 0 : index
        %get3A_420 = tpu.vector_load %arg6[%get3A, %get3A_419] {strides = array<i32>} : memref<1024x64xf32, #tpu.memory_space<vmem>>, vector<1x16xf32>,
        %get3A_421 = vector.shape_cast %get3A_420 : vector<1x16xf32> to vector<16xf32>
        %mul3A_422 = arith.constant 8.000000e+00 : f32
        %mul3A_423 = vector.broadcast %mul3A_422 : f32 to vector<16xf32>
        %mul3A_424 = arith.mulf %get3A_421, %mul3A_423 : vector<16xf32>
        %swap3A = arith.index_cast %add3A_418 : i32 to index
        %swap3A_425 = arith.constant 0 : index
        %swap3A_426 = tpu.vector_load %arg6[%swap3A, %swap3A_425] {strides = array<i32>} : memref<1024x64xf32, #tpu.memory_space<vmem>>, vector<1x16xf32>,
        %swap3A_427 = vector.shape_cast %swap3A_426 : vector<1x16xf32> to vector<16xf32>
        %swap3A_428 = vector.shape_cast %mul3A_424 : vector<16xf32> to vector<1x16xf32>
        tpu.vector_store %arg6[%swap3A, %swap3A_425], %swap3A_428 {strides = array<i32>} : memref<1024x64xf32, #tpu.memory_space<vmem>>, vector<1x16xf32>,
        %get3A_429 = arith.index_cast %add3A_418 : i32 to index
        %get3A_430 = arith.constant 16 : index
        %get3A_431 = tpu.vector_load %arg6[%get3A_429, %get3A_430] {strides = array<i32>} : memref<1024x64xf32, #tpu.memory_space<vmem>>, vector<1x16xf32>,
        %get3A_432 = vector.shape_cast %get3A_431 : vector<1x16xf32> to vector<16xf32>
        %mul3A_433 = arith.constant 8.000000e+00 : f32
        %mul3A_434 = vector.broadcast %mul3A_433 : f32 to vector<16xf32>
        %mul3A_435 = arith.mulf %get3A_432, %mul3A_434 : vector<16xf32>
        %swap3A_436 = arith.index_cast %add3A_418 : i32 to index
        %swap3A_437 = arith.constant 16 : index
        %swap3A_438 = tpu.vector_load %arg6[%swap3A_436, %swap3A_437] {strides = array<i32>} : memref<1024x64xf32, #tpu.memory_space<vmem>>, vector<1x16xf32>,
        %swap3A_439 = vector.shape_cast %swap3A_438 : vector<1x16xf32> to vector<16xf32>
        %swap3A_440 = vector.shape_cast %mul3A_435 : vector<16xf32> to vector<1x16xf32>
        tpu.vector_store %arg6[%swap3A_436, %swap3A_437], %swap3A_440 {strides = array<i32>} : memref<1024x64xf32, #tpu.memory_space<vmem>>, vector<1x16xf32>,
        %get3A_441 = arith.index_cast %add3A_418 : i32 to index
        %get3A_442 = arith.constant 32 : index
        %get3A_443 = tpu.vector_load %arg6[%get3A_441, %get3A_442] {strides = array<i32>} : memref<1024x64xf32, #tpu.memory_space<vmem>>, vector<1x16xf32>,
        %get3A_444 = vector.shape_cast %get3A_443 : vector<1x16xf32> to vector<16xf32>
        %mul3A_445 = arith.constant 8.000000e+00 : f32
        %mul3A_446 = vector.broadcast %mul3A_445 : f32 to vector<16xf32>
        %mul3A_447 = arith.mulf %get3A_444, %mul3A_446 : vector<16xf32>
        %swap3A_448 = arith.index_cast %add3A_418 : i32 to index
        %swap3A_449 = arith.constant 32 : index
        %swap3A_450 = tpu.vector_load %arg6[%swap3A_448, %swap3A_449] {strides = array<i32>} : memref<1024x64xf32, #tpu.memory_space<vmem>>, vector<1x16xf32>,
        %swap3A_451 = vector.shape_cast %swap3A_450 : vector<1x16xf32> to vector<16xf32>
        %swap3A_452 = vector.shape_cast %mul3A_447 : vector<16xf32> to vector<1x16xf32>
        tpu.vector_store %arg6[%swap3A_448, %swap3A_449], %swap3A_452 {strides = array<i32>} : memref<1024x64xf32, #tpu.memory_space<vmem>>, vector<1x16xf32>,
        %get3A_453 = arith.index_cast %add3A_418 : i32 to index
        %get3A_454 = arith.constant 48 : index
        %get3A_455 = tpu.vector_load %arg6[%get3A_453, %get3A_454] {strides = array<i32>} : memref<1024x64xf32, #tpu.memory_space<vmem>>, vector<1x16xf32>,
        %get3A_456 = vector.shape_cast %get3A_455 : vector<1x16xf32> to vector<16xf32>
        %mul3A_457 = arith.constant 8.000000e+00 : f32
        %mul3A_458 = vector.broadcast %mul3A_457 : f32 to vector<16xf32>
        %mul3A_459 = arith.mulf %get3A_456, %mul3A_458 : vector<16xf32>
        %swap3A_460 = arith.index_cast %add3A_418 : i32 to index
        %swap3A_461 = arith.constant 48 : index
        %swap3A_462 = tpu.vector_load %arg6[%swap3A_460, %swap3A_461] {strides = array<i32>} : memref<1024x64xf32, #tpu.memory_space<vmem>>, vector<1x16xf32>,
        %swap3A_463 = vector.shape_cast %swap3A_462 : vector<1x16xf32> to vector<16xf32>
        %swap3A_464 = vector.shape_cast %mul3A_459 : vector<16xf32> to vector<1x16xf32>
        tpu.vector_store %arg6[%swap3A_460, %swap3A_461], %swap3A_464 {strides = array<i32>} : memref<1024x64xf32, #tpu.memory_space<vmem>>, vector<1x16xf32>,
        %mul3A_465 = arith.constant 8 : i32
        %mul3A_466 = arith.muli %scan3A_412, %mul3A_465 : i32
        %add3A_467 = arith.constant 512 : i32
        %add3A_468 = arith.addi %add3A_467, %mul3A_466 : i32
        %add3A_469 = arith.constant 1 : i32
        %add3A_470 = arith.addi %add3A_468, %add3A_469 : i32
        %get3A_471 = arith.index_cast %add3A_470 : i32 to index
        %get3A_472 = arith.constant 0 : index
        %get3A_473 = tpu.vector_load %arg6[%get3A_471, %get3A_472] {strides = array<i32>} : memref<1024x64xf32, #tpu.memory_space<vmem>>, vector<1x16xf32>,
        %get3A_474 = vector.shape_cast %get3A_473 : vector<1x16xf32> to vector<16xf32>
        %mul3A_475 = arith.constant 8.000000e+00 : f32
        %mul3A_476 = vector.broadcast %mul3A_475 : f32 to vector<16xf32>
        %mul3A_477 = arith.mulf %get3A_474, %mul3A_476 : vector<16xf32>
        %swap3A_478 = arith.index_cast %add3A_470 : i32 to index
        %swap3A_479 = arith.constant 0 : index
        %swap3A_480 = tpu.vector_load %arg6[%swap3A_478, %swap3A_479] {strides = array<i32>} : memref<1024x64xf32, #tpu.memory_space<vmem>>, vector<1x16xf32>,
        %swap3A_481 = vector.shape_cast %swap3A_480 : vector<1x16xf32> to vector<16xf32>
        %swap3A_482 = vector.shape_cast %mul3A_477 : vector<16xf32> to vector<1x16xf32>
        tpu.vector_store %arg6[%swap3A_478, %swap3A_479], %swap3A_482 {strides = array<i32>} : memref<1024x64xf32, #tpu.memory_space<vmem>>, vector<1x16xf32>,
        %get3A_483 = arith.index_cast %add3A_470 : i32 to index
        %get3A_484 = arith.constant 16 : index
        %get3A_485 = tpu.vector_load %arg6[%get3A_483, %get3A_484] {strides = array<i32>} : memref<1024x64xf32, #tpu.memory_space<vmem>>, vector<1x16xf32>,
        %get3A_486 = vector.shape_cast %get3A_485 : vector<1x16xf32> to vector<16xf32>
        %mul3A_487 = arith.constant 8.000000e+00 : f32
        %mul3A_488 = vector.broadcast %mul3A_487 : f32 to vector<16xf32>
        %mul3A_489 = arith.mulf %get3A_486, %mul3A_488 : vector<16xf32>
        %swap3A_490 = arith.index_cast %add3A_470 : i32 to index
        %swap3A_491 = arith.constant 16 : index
        %swap3A_492 = tpu.vector_load %arg6[%swap3A_490, %swap3A_491] {strides = array<i32>} : memref<1024x64xf32, #tpu.memory_space<vmem>>, vector<1x16xf32>,
        %swap3A_493 = vector.shape_cast %swap3A_492 : vector<1x16xf32> to vector<16xf32>
        %swap3A_494 = vector.shape_cast %mul3A_489 : vector<16xf32> to vector<1x16xf32>
        tpu.vector_store %arg6[%swap3A_490, %swap3A_491], %swap3A_494 {strides = array<i32>} : memref<1024x64xf32, #tpu.memory_space<vmem>>, vector<1x16xf32>,
        %get3A_495 = arith.index_cast %add3A_470 : i32 to index
        %get3A_496 = arith.constant 32 : index
        %get3A_497 = tpu.vector_load %arg6[%get3A_495, %get3A_496] {strides = array<i32>} : memref<1024x64xf32, #tpu.memory_space<vmem>>, vector<1x16xf32>,
        %get3A_498 = vector.shape_cast %get3A_497 : vector<1x16xf32> to vector<16xf32>
        %mul3A_499 = arith.constant 8.000000e+00 : f32
        %mul3A_500 = vector.broadcast %mul3A_499 : f32 to vector<16xf32>
        %mul3A_501 = arith.mulf %get3A_498, %mul3A_500 : vector<16xf32>
        %swap3A_502 = arith.index_cast %add3A_470 : i32 to index
        %swap3A_503 = arith.constant 32 : index
        %swap3A_504 = tpu.vector_load %arg6[%swap3A_502, %swap3A_503] {strides = array<i32>} : memref<1024x64xf32, #tpu.memory_space<vmem>>, vector<1x16xf32>,
        %swap3A_505 = vector.shape_cast %swap3A_504 : vector<1x16xf32> to vector<16xf32>
        %swap3A_506 = vector.shape_cast %mul3A_501 : vector<16xf32> to vector<1x16xf32>
        tpu.vector_store %arg6[%swap3A_502, %swap3A_503], %swap3A_506 {strides = array<i32>} : memref<1024x64xf32, #tpu.memory_space<vmem>>, vector<1x16xf32>,
        %get3A_507 = arith.index_cast %add3A_470 : i32 to index
        %get3A_508 = arith.constant 48 : index
        %get3A_509 = tpu.vector_load %arg6[%get3A_507, %get3A_508] {strides = array<i32>} : memref<1024x64xf32, #tpu.memory_space<vmem>>, vector<1x16xf32>,
        %get3A_510 = vector.shape_cast %get3A_509 : vector<1x16xf32> to vector<16xf32>
        %mul3A_511 = arith.constant 8.000000e+00 : f32
        %mul3A_512 = vector.broadcast %mul3A_511 : f32 to vector<16xf32>
        %mul3A_513 = arith.mulf %get3A_510, %mul3A_512 : vector<16xf32>
        %swap3A_514 = arith.index_cast %add3A_470 : i32 to index
        %swap3A_515 = arith.constant 48 : index
        %swap3A_516 = tpu.vector_load %arg6[%swap3A_514, %swap3A_515] {strides = array<i32>} : memref<1024x64xf32, #tpu.memory_space<vmem>>, vector<1x16xf32>,
        %swap3A_517 = vector.shape_cast %swap3A_516 : vector<1x16xf32> to vector<16xf32>
        %swap3A_518 = vector.shape_cast %mul3A_513 : vector<16xf32> to vector<1x16xf32>
        tpu.vector_store %arg6[%swap3A_514, %swap3A_515], %swap3A_518 {strides = array<i32>} : memref<1024x64xf32, #tpu.memory_space<vmem>>, vector<1x16xf32>,
        %mul3A_519 = arith.constant 8 : i32
        %mul3A_520 = arith.muli %scan3A_412, %mul3A_519 : i32
        %add3A_521 = arith.constant 512 : i32
        %add3A_522 = arith.addi %add3A_521, %mul3A_520 : i32
        %add3A_523 = arith.constant 2 : i32
        %add3A_524 = arith.addi %add3A_522, %add3A_523 : i32
        %get3A_525 = arith.index_cast %add3A_524 : i32 to index
        %get3A_526 = arith.constant 0 : index
        %get3A_527 = tpu.vector_load %arg6[%get3A_525, %get3A_526] {strides = array<i32>} : memref<1024x64xf32, #tpu.memory_space<vmem>>, vector<1x16xf32>,
        %get3A_528 = vector.shape_cast %get3A_527 : vector<1x16xf32> to vector<16xf32>
        %mul3A_529 = arith.constant 8.000000e+00 : f32
        %mul3A_530 = vector.broadcast %mul3A_529 : f32 to vector<16xf32>
        %mul3A_531 = arith.mulf %get3A_528, %mul3A_530 : vector<16xf32>
        %swap3A_532 = arith.index_cast %add3A_524 : i32 to index
        %swap3A_533 = arith.constant 0 : index
        %swap3A_534 = tpu.vector_load %arg6[%swap3A_532, %swap3A_533] {strides = array<i32>} : memref<1024x64xf32, #tpu.memory_space<vmem>>, vector<1x16xf32>,
        %swap3A_535 = vector.shape_cast %swap3A_534 : vector<1x16xf32> to vector<16xf32>
        %swap3A_536 = vector.shape_cast %mul3A_531 : vector<16xf32> to vector<1x16xf32>
        tpu.vector_store %arg6[%swap3A_532, %swap3A_533], %swap3A_536 {strides = array<i32>} : memref<1024x64xf32, #tpu.memory_space<vmem>>, vector<1x16xf32>,
        %get3A_537 = arith.index_cast %add3A_524 : i32 to index
        %get3A_538 = arith.constant 16 : index
        %get3A_539 = tpu.vector_load %arg6[%get3A_537, %get3A_538] {strides = array<i32>} : memref<1024x64xf32, #tpu.memory_space<vmem>>, vector<1x16xf32>,
        %get3A_540 = vector.shape_cast %get3A_539 : vector<1x16xf32> to vector<16xf32>
        %mul3A_541 = arith.constant 8.000000e+00 : f32
        %mul3A_542 = vector.broadcast %mul3A_541 : f32 to vector<16xf32>
        %mul3A_543 = arith.mulf %get3A_540, %mul3A_542 : vector<16xf32>
        %swap3A_544 = arith.index_cast %add3A_524 : i32 to index
        %swap3A_545 = arith.constant 16 : index
        %swap3A_546 = tpu.vector_load %arg6[%swap3A_544, %swap3A_545] {strides = array<i32>} : memref<1024x64xf32, #tpu.memory_space<vmem>>, vector<1x16xf32>,
        %swap3A_547 = vector.shape_cast %swap3A_546 : vector<1x16xf32> to vector<16xf32>
        %swap3A_548 = vector.shape_cast %mul3A_543 : vector<16xf32> to vector<1x16xf32>
        tpu.vector_store %arg6[%swap3A_544, %swap3A_545], %swap3A_548 {strides = array<i32>} : memref<1024x64xf32, #tpu.memory_space<vmem>>, vector<1x16xf32>,
        %get3A_549 = arith.index_cast %add3A_524 : i32 to index
        %get3A_550 = arith.constant 32 : index
        %get3A_551 = tpu.vector_load %arg6[%get3A_549, %get3A_550] {strides = array<i32>} : memref<1024x64xf32, #tpu.memory_space<vmem>>, vector<1x16xf32>,
        %get3A_552 = vector.shape_cast %get3A_551 : vector<1x16xf32> to vector<16xf32>
        %mul3A_553 = arith.constant 8.000000e+00 : f32
        %mul3A_554 = vector.broadcast %mul3A_553 : f32 to vector<16xf32>
        %mul3A_555 = arith.mulf %get3A_552, %mul3A_554 : vector<16xf32>
        %swap3A_556 = arith.index_cast %add3A_524 : i32 to index
        %swap3A_557 = arith.constant 32 : index
        %swap3A_558 = tpu.vector_load %arg6[%swap3A_556, %swap3A_557] {strides = array<i32>} : memref<1024x64xf32, #tpu.memory_space<vmem>>, vector<1x16xf32>,
        %swap3A_559 = vector.shape_cast %swap3A_558 : vector<1x16xf32> to vector<16xf32>
        %swap3A_560 = vector.shape_cast %mul3A_555 : vector<16xf32> to vector<1x16xf32>
        tpu.vector_store %arg6[%swap3A_556, %swap3A_557], %swap3A_560 {strides = array<i32>} : memref<1024x64xf32, #tpu.memory_space<vmem>>, vector<1x16xf32>,
        %get3A_561 = arith.index_cast %add3A_524 : i32 to index
        %get3A_562 = arith.constant 48 : index
        %get3A_563 = tpu.vector_load %arg6[%get3A_561, %get3A_562] {strides = array<i32>} : memref<1024x64xf32, #tpu.memory_space<vmem>>, vector<1x16xf32>,
        %get3A_564 = vector.shape_cast %get3A_563 : vector<1x16xf32> to vector<16xf32>
        %mul3A_565 = arith.constant 8.000000e+00 : f32
        %mul3A_566 = vector.broadcast %mul3A_565 : f32 to vector<16xf32>
        %mul3A_567 = arith.mulf %get3A_564, %mul3A_566 : vector<16xf32>
        %swap3A_568 = arith.index_cast %add3A_524 : i32 to index
        %swap3A_569 = arith.constant 48 : index
        %swap3A_570 = tpu.vector_load %arg6[%swap3A_568, %swap3A_569] {strides = array<i32>} : memref<1024x64xf32, #tpu.memory_space<vmem>>, vector<1x16xf32>,
        %swap3A_571 = vector.shape_cast %swap3A_570 : vector<1x16xf32> to vector<16xf32>
        %swap3A_572 = vector.shape_cast %mul3A_567 : vector<16xf32> to vector<1x16xf32>
        tpu.vector_store %arg6[%swap3A_568, %swap3A_569], %swap3A_572 {strides = array<i32>} : memref<1024x64xf32, #tpu.memory_space<vmem>>, vector<1x16xf32>,
        %mul3A_573 = arith.constant 8 : i32
        %mul3A_574 = arith.muli %scan3A_412, %mul3A_573 : i32
        %add3A_575 = arith.constant 512 : i32
        %add3A_576 = arith.addi %add3A_575, %mul3A_574 : i32
        %add3A_577 = arith.constant 3 : i32
        %add3A_578 = arith.addi %add3A_576, %add3A_577 : i32
        %get3A_579 = arith.index_cast %add3A_578 : i32 to index
        %get3A_580 = arith.constant 0 : index
        %get3A_581 = tpu.vector_load %arg6[%get3A_579, %get3A_580] {strides = array<i32>} : memref<1024x64xf32, #tpu.memory_space<vmem>>, vector<1x16xf32>,
        %get3A_582 = vector.shape_cast %get3A_581 : vector<1x16xf32> to vector<16xf32>
        %mul3A_583 = arith.constant 8.000000e+00 : f32
        %mul3A_584 = vector.broadcast %mul3A_583 : f32 to vector<16xf32>
        %mul3A_585 = arith.mulf %get3A_582, %mul3A_584 : vector<16xf32>
        %swap3A_586 = arith.index_cast %add3A_578 : i32 to index
        %swap3A_587 = arith.constant 0 : index
        %swap3A_588 = tpu.vector_load %arg6[%swap3A_586, %swap3A_587] {strides = array<i32>} : memref<1024x64xf32, #tpu.memory_space<vmem>>, vector<1x16xf32>,
        %swap3A_589 = vector.shape_cast %swap3A_588 : vector<1x16xf32> to vector<16xf32>
        %swap3A_590 = vector.shape_cast %mul3A_585 : vector<16xf32> to vector<1x16xf32>
        tpu.vector_store %arg6[%swap3A_586, %swap3A_587], %swap3A_590 {strides = array<i32>} : memref<1024x64xf32, #tpu.memory_space<vmem>>, vector<1x16xf32>,
        %get3A_591 = arith.index_cast %add3A_578 : i32 to index
        %get3A_592 = arith.constant 16 : index
        %get3A_593 = tpu.vector_load %arg6[%get3A_591, %get3A_592] {strides = array<i32>} : memref<1024x64xf32, #tpu.memory_space<vmem>>, vector<1x16xf32>,
        %get3A_594 = vector.shape_cast %get3A_593 : vector<1x16xf32> to vector<16xf32>
        %mul3A_595 = arith.constant 8.000000e+00 : f32
        %mul3A_596 = vector.broadcast %mul3A_595 : f32 to vector<16xf32>
        %mul3A_597 = arith.mulf %get3A_594, %mul3A_596 : vector<16xf32>
        %swap3A_598 = arith.index_cast %add3A_578 : i32 to index
        %swap3A_599 = arith.constant 16 : index
        %swap3A_600 = tpu.vector_load %arg6[%swap3A_598, %swap3A_599] {strides = array<i32>} : memref<1024x64xf32, #tpu.memory_space<vmem>>, vector<1x16xf32>,
        %swap3A_601 = vector.shape_cast %swap3A_600 : vector<1x16xf32> to vector<16xf32>
        %swap3A_602 = vector.shape_cast %mul3A_597 : vector<16xf32> to vector<1x16xf32>
        tpu.vector_store %arg6[%swap3A_598, %swap3A_599], %swap3A_602 {strides = array<i32>} : memref<1024x64xf32, #tpu.memory_space<vmem>>, vector<1x16xf32>,
        %get3A_603 = arith.index_cast %add3A_578 : i32 to index
        %get3A_604 = arith.constant 32 : index
        %get3A_605 = tpu.vector_load %arg6[%get3A_603, %get3A_604] {strides = array<i32>} : memref<1024x64xf32, #tpu.memory_space<vmem>>, vector<1x16xf32>,
        %get3A_606 = vector.shape_cast %get3A_605 : vector<1x16xf32> to vector<16xf32>
        %mul3A_607 = arith.constant 8.000000e+00 : f32
        %mul3A_608 = vector.broadcast %mul3A_607 : f32 to vector<16xf32>
        %mul3A_609 = arith.mulf %get3A_606, %mul3A_608 : vector<16xf32>
        %swap3A_610 = arith.index_cast %add3A_578 : i32 to index
        %swap3A_611 = arith.constant 32 : index
        %swap3A_612 = tpu.vector_load %arg6[%swap3A_610, %swap3A_611] {strides = array<i32>} : memref<1024x64xf32, #tpu.memory_space<vmem>>, vector<1x16xf32>,
        %swap3A_613 = vector.shape_cast %swap3A_612 : vector<1x16xf32> to vector<16xf32>
        %swap3A_614 = vector.shape_cast %mul3A_609 : vector<16xf32> to vector<1x16xf32>
        tpu.vector_store %arg6[%swap3A_610, %swap3A_611], %swap3A_614 {strides = array<i32>} : memref<1024x64xf32, #tpu.memory_space<vmem>>, vector<1x16xf32>,
        %get3A_615 = arith.index_cast %add3A_578 : i32 to index
        %get3A_616 = arith.constant 48 : index
        %get3A_617 = tpu.vector_load %arg6[%get3A_615, %get3A_616] {strides = array<i32>} : memref<1024x64xf32, #tpu.memory_space<vmem>>, vector<1x16xf32>,
        %get3A_618 = vector.shape_cast %get3A_617 : vector<1x16xf32> to vector<16xf32>
        %mul3A_619 = arith.constant 8.000000e+00 : f32
        %mul3A_620 = vector.broadcast %mul3A_619 : f32 to vector<16xf32>
        %mul3A_621 = arith.mulf %get3A_618, %mul3A_620 : vector<16xf32>
        %swap3A_622 = arith.index_cast %add3A_578 : i32 to index
        %swap3A_623 = arith.constant 48 : index
        %swap3A_624 = tpu.vector_load %arg6[%swap3A_622, %swap3A_623] {strides = array<i32>} : memref<1024x64xf32, #tpu.memory_space<vmem>>, vector<1x16xf32>,
        %swap3A_625 = vector.shape_cast %swap3A_624 : vector<1x16xf32> to vector<16xf32>
        %swap3A_626 = vector.shape_cast %mul3A_621 : vector<16xf32> to vector<1x16xf32>
        tpu.vector_store %arg6[%swap3A_622, %swap3A_623], %swap3A_626 {strides = array<i32>} : memref<1024x64xf32, #tpu.memory_space<vmem>>, vector<1x16xf32>,
        %mul3A_627 = arith.constant 8 : i32
        %mul3A_628 = arith.muli %scan3A_412, %mul3A_627 : i32
        %add3A_629 = arith.constant 512 : i32
        %add3A_630 = arith.addi %add3A_629, %mul3A_628 : i32
        %add3A_631 = arith.constant 4 : i32
        %add3A_632 = arith.addi %add3A_630, %add3A_631 : i32
        %get3A_633 = arith.index_cast %add3A_632 : i32 to index
        %get3A_634 = arith.constant 0 : index
        %get3A_635 = tpu.vector_load %arg6[%get3A_633, %get3A_634] {strides = array<i32>} : memref<1024x64xf32, #tpu.memory_space<vmem>>, vector<1x16xf32>,
        %get3A_636 = vector.shape_cast %get3A_635 : vector<1x16xf32> to vector<16xf32>
        %mul3A_637 = arith.constant 8.000000e+00 : f32
        %mul3A_638 = vector.broadcast %mul3A_637 : f32 to vector<16xf32>
        %mul3A_639 = arith.mulf %get3A_636, %mul3A_638 : vector<16xf32>
        %swap3A_640 = arith.index_cast %add3A_632 : i32 to index
        %swap3A_641 = arith.constant 0 : index
        %swap3A_642 = tpu.vector_load %arg6[%swap3A_640, %swap3A_641] {strides = array<i32>} : memref<1024x64xf32, #tpu.memory_space<vmem>>, vector<1x16xf32>,
        %swap3A_643 = vector.shape_cast %swap3A_642 : vector<1x16xf32> to vector<16xf32>
        %swap3A_644 = vector.shape_cast %mul3A_639 : vector<16xf32> to vector<1x16xf32>
        tpu.vector_store %arg6[%swap3A_640, %swap3A_641], %swap3A_644 {strides = array<i32>} : memref<1024x64xf32, #tpu.memory_space<vmem>>, vector<1x16xf32>,
        %get3A_645 = arith.index_cast %add3A_632 : i32 to index
        %get3A_646 = arith.constant 16 : index
        %get3A_647 = tpu.vector_load %arg6[%get3A_645, %get3A_646] {strides = array<i32>} : memref<1024x64xf32, #tpu.memory_space<vmem>>, vector<1x16xf32>,
        %get3A_648 = vector.shape_cast %get3A_647 : vector<1x16xf32> to vector<16xf32>
        %mul3A_649 = arith.constant 8.000000e+00 : f32
        %mul3A_650 = vector.broadcast %mul3A_649 : f32 to vector<16xf32>
        %mul3A_651 = arith.mulf %get3A_648, %mul3A_650 : vector<16xf32>
        %swap3A_652 = arith.index_cast %add3A_632 : i32 to index
        %swap3A_653 = arith.constant 16 : index
        %swap3A_654 = tpu.vector_load %arg6[%swap3A_652, %swap3A_653] {strides = array<i32>} : memref<1024x64xf32, #tpu.memory_space<vmem>>, vector<1x16xf32>,
        %swap3A_655 = vector.shape_cast %swap3A_654 : vector<1x16xf32> to vector<16xf32>
        %swap3A_656 = vector.shape_cast %mul3A_651 : vector<16xf32> to vector<1x16xf32>
        tpu.vector_store %arg6[%swap3A_652, %swap3A_653], %swap3A_656 {strides = array<i32>} : memref<1024x64xf32, #tpu.memory_space<vmem>>, vector<1x16xf32>,
        %get3A_657 = arith.index_cast %add3A_632 : i32 to index
        %get3A_658 = arith.constant 32 : index
        %get3A_659 = tpu.vector_load %arg6[%get3A_657, %get3A_658] {strides = array<i32>} : memref<1024x64xf32, #tpu.memory_space<vmem>>, vector<1x16xf32>,
        %get3A_660 = vector.shape_cast %get3A_659 : vector<1x16xf32> to vector<16xf32>
        %mul3A_661 = arith.constant 8.000000e+00 : f32
        %mul3A_662 = vector.broadcast %mul3A_661 : f32 to vector<16xf32>
        %mul3A_663 = arith.mulf %get3A_660, %mul3A_662 : vector<16xf32>
        %swap3A_664 = arith.index_cast %add3A_632 : i32 to index
        %swap3A_665 = arith.constant 32 : index
        %swap3A_666 = tpu.vector_load %arg6[%swap3A_664, %swap3A_665] {strides = array<i32>} : memref<1024x64xf32, #tpu.memory_space<vmem>>, vector<1x16xf32>,
        %swap3A_667 = vector.shape_cast %swap3A_666 : vector<1x16xf32> to vector<16xf32>
        %swap3A_668 = vector.shape_cast %mul3A_663 : vector<16xf32> to vector<1x16xf32>
        tpu.vector_store %arg6[%swap3A_664, %swap3A_665], %swap3A_668 {strides = array<i32>} : memref<1024x64xf32, #tpu.memory_space<vmem>>, vector<1x16xf32>,
        %get3A_669 = arith.index_cast %add3A_632 : i32 to index
        %get3A_670 = arith.constant 48 : index
        %get3A_671 = tpu.vector_load %arg6[%get3A_669, %get3A_670] {strides = array<i32>} : memref<1024x64xf32, #tpu.memory_space<vmem>>, vector<1x16xf32>,
        %get3A_672 = vector.shape_cast %get3A_671 : vector<1x16xf32> to vector<16xf32>
        %mul3A_673 = arith.constant 8.000000e+00 : f32
        %mul3A_674 = vector.broadcast %mul3A_673 : f32 to vector<16xf32>
        %mul3A_675 = arith.mulf %get3A_672, %mul3A_674 : vector<16xf32>
        %swap3A_676 = arith.index_cast %add3A_632 : i32 to index
        %swap3A_677 = arith.constant 48 : index
        %swap3A_678 = tpu.vector_load %arg6[%swap3A_676, %swap3A_677] {strides = array<i32>} : memref<1024x64xf32, #tpu.memory_space<vmem>>, vector<1x16xf32>,
        %swap3A_679 = vector.shape_cast %swap3A_678 : vector<1x16xf32> to vector<16xf32>
        %swap3A_680 = vector.shape_cast %mul3A_675 : vector<16xf32> to vector<1x16xf32>
        tpu.vector_store %arg6[%swap3A_676, %swap3A_677], %swap3A_680 {strides = array<i32>} : memref<1024x64xf32, #tpu.memory_space<vmem>>, vector<1x16xf32>,
        %mul3A_681 = arith.constant 8 : i32
        %mul3A_682 = arith.muli %scan3A_412, %mul3A_681 : i32
        %add3A_683 = arith.constant 512 : i32
        %add3A_684 = arith.addi %add3A_683, %mul3A_682 : i32
        %add3A_685 = arith.constant 5 : i32
        %add3A_686 = arith.addi %add3A_684, %add3A_685 : i32
        %get3A_687 = arith.index_cast %add3A_686 : i32 to index
        %get3A_688 = arith.constant 0 : index
        %get3A_689 = tpu.vector_load %arg6[%get3A_687, %get3A_688] {strides = array<i32>} : memref<1024x64xf32, #tpu.memory_space<vmem>>, vector<1x16xf32>,
        %get3A_690 = vector.shape_cast %get3A_689 : vector<1x16xf32> to vector<16xf32>
        %mul3A_691 = arith.constant 8.000000e+00 : f32
        %mul3A_692 = vector.broadcast %mul3A_691 : f32 to vector<16xf32>
        %mul3A_693 = arith.mulf %get3A_690, %mul3A_692 : vector<16xf32>
        %swap3A_694 = arith.index_cast %add3A_686 : i32 to index
        %swap3A_695 = arith.constant 0 : index
        %swap3A_696 = tpu.vector_load %arg6[%swap3A_694, %swap3A_695] {strides = array<i32>} : memref<1024x64xf32, #tpu.memory_space<vmem>>, vector<1x16xf32>,
        %swap3A_697 = vector.shape_cast %swap3A_696 : vector<1x16xf32> to vector<16xf32>
        %swap3A_698 = vector.shape_cast %mul3A_693 : vector<16xf32> to vector<1x16xf32>
        tpu.vector_store %arg6[%swap3A_694, %swap3A_695], %swap3A_698 {strides = array<i32>} : memref<1024x64xf32, #tpu.memory_space<vmem>>, vector<1x16xf32>,
        %get3A_699 = arith.index_cast %add3A_686 : i32 to index
        %get3A_700 = arith.constant 16 : index
        %get3A_701 = tpu.vector_load %arg6[%get3A_699, %get3A_700] {strides = array<i32>} : memref<1024x64xf32, #tpu.memory_space<vmem>>, vector<1x16xf32>,
        %get3A_702 = vector.shape_cast %get3A_701 : vector<1x16xf32> to vector<16xf32>
        %mul3A_703 = arith.constant 8.000000e+00 : f32
        %mul3A_704 = vector.broadcast %mul3A_703 : f32 to vector<16xf32>
        %mul3A_705 = arith.mulf %get3A_702, %mul3A_704 : vector<16xf32>
        %swap3A_706 = arith.index_cast %add3A_686 : i32 to index
        %swap3A_707 = arith.constant 16 : index
        %swap3A_708 = tpu.vector_load %arg6[%swap3A_706, %swap3A_707] {strides = array<i32>} : memref<1024x64xf32, #tpu.memory_space<vmem>>, vector<1x16xf32>,
        %swap3A_709 = vector.shape_cast %swap3A_708 : vector<1x16xf32> to vector<16xf32>
        %swap3A_710 = vector.shape_cast %mul3A_705 : vector<16xf32> to vector<1x16xf32>
        tpu.vector_store %arg6[%swap3A_706, %swap3A_707], %swap3A_710 {strides = array<i32>} : memref<1024x64xf32, #tpu.memory_space<vmem>>, vector<1x16xf32>,
        %get3A_711 = arith.index_cast %add3A_686 : i32 to index
        %get3A_712 = arith.constant 32 : index
        %get3A_713 = tpu.vector_load %arg6[%get3A_711, %get3A_712] {strides = array<i32>} : memref<1024x64xf32, #tpu.memory_space<vmem>>, vector<1x16xf32>,
        %get3A_714 = vector.shape_cast %get3A_713 : vector<1x16xf32> to vector<16xf32>
        %mul3A_715 = arith.constant 8.000000e+00 : f32
        %mul3A_716 = vector.broadcast %mul3A_715 : f32 to vector<16xf32>
        %mul3A_717 = arith.mulf %get3A_714, %mul3A_716 : vector<16xf32>
        %swap3A_718 = arith.index_cast %add3A_686 : i32 to index
        %swap3A_719 = arith.constant 32 : index
        %swap3A_720 = tpu.vector_load %arg6[%swap3A_718, %swap3A_719] {strides = array<i32>} : memref<1024x64xf32, #tpu.memory_space<vmem>>, vector<1x16xf32>,
        %swap3A_721 = vector.shape_cast %swap3A_720 : vector<1x16xf32> to vector<16xf32>
        %swap3A_722 = vector.shape_cast %mul3A_717 : vector<16xf32> to vector<1x16xf32>
        tpu.vector_store %arg6[%swap3A_718, %swap3A_719], %swap3A_722 {strides = array<i32>} : memref<1024x64xf32, #tpu.memory_space<vmem>>, vector<1x16xf32>,
        %get3A_723 = arith.index_cast %add3A_686 : i32 to index
        %get3A_724 = arith.constant 48 : index
        %get3A_725 = tpu.vector_load %arg6[%get3A_723, %get3A_724] {strides = array<i32>} : memref<1024x64xf32, #tpu.memory_space<vmem>>, vector<1x16xf32>,
        %get3A_726 = vector.shape_cast %get3A_725 : vector<1x16xf32> to vector<16xf32>
        %mul3A_727 = arith.constant 8.000000e+00 : f32
        %mul3A_728 = vector.broadcast %mul3A_727 : f32 to vector<16xf32>
        %mul3A_729 = arith.mulf %get3A_726, %mul3A_728 : vector<16xf32>
        %swap3A_730 = arith.index_cast %add3A_686 : i32 to index
        %swap3A_731 = arith.constant 48 : index
        %swap3A_732 = tpu.vector_load %arg6[%swap3A_730, %swap3A_731] {strides = array<i32>} : memref<1024x64xf32, #tpu.memory_space<vmem>>, vector<1x16xf32>,
        %swap3A_733 = vector.shape_cast %swap3A_732 : vector<1x16xf32> to vector<16xf32>
        %swap3A_734 = vector.shape_cast %mul3A_729 : vector<16xf32> to vector<1x16xf32>
        tpu.vector_store %arg6[%swap3A_730, %swap3A_731], %swap3A_734 {strides = array<i32>} : memref<1024x64xf32, #tpu.memory_space<vmem>>, vector<1x16xf32>,
        %mul3A_735 = arith.constant 8 : i32
        %mul3A_736 = arith.muli %scan3A_412, %mul3A_735 : i32
        %add3A_737 = arith.constant 512 : i32
        %add3A_738 = arith.addi %add3A_737, %mul3A_736 : i32
        %add3A_739 = arith.constant 6 : i32
        %add3A_740 = arith.addi %add3A_738, %add3A_739 : i32
        %get3A_741 = arith.index_cast %add3A_740 : i32 to index
        %get3A_742 = arith.constant 0 : index
        %get3A_743 = tpu.vector_load %arg6[%get3A_741, %get3A_742] {strides = array<i32>} : memref<1024x64xf32, #tpu.memory_space<vmem>>, vector<1x16xf32>,
        %get3A_744 = vector.shape_cast %get3A_743 : vector<1x16xf32> to vector<16xf32>
        %mul3A_745 = arith.constant 8.000000e+00 : f32
        %mul3A_746 = vector.broadcast %mul3A_745 : f32 to vector<16xf32>
        %mul3A_747 = arith.mulf %get3A_744, %mul3A_746 : vector<16xf32>
        %swap3A_748 = arith.index_cast %add3A_740 : i32 to index
        %swap3A_749 = arith.constant 0 : index
        %swap3A_750 = tpu.vector_load %arg6[%swap3A_748, %swap3A_749] {strides = array<i32>} : memref<1024x64xf32, #tpu.memory_space<vmem>>, vector<1x16xf32>,
        %swap3A_751 = vector.shape_cast %swap3A_750 : vector<1x16xf32> to vector<16xf32>
        %swap3A_752 = vector.shape_cast %mul3A_747 : vector<16xf32> to vector<1x16xf32>
        tpu.vector_store %arg6[%swap3A_748, %swap3A_749], %swap3A_752 {strides = array<i32>} : memref<1024x64xf32, #tpu.memory_space<vmem>>, vector<1x16xf32>,
        %get3A_753 = arith.index_cast %add3A_740 : i32 to index
        %get3A_754 = arith.constant 16 : index
        %get3A_755 = tpu.vector_load %arg6[%get3A_753, %get3A_754] {strides = array<i32>} : memref<1024x64xf32, #tpu.memory_space<vmem>>, vector<1x16xf32>,
        %get3A_756 = vector.shape_cast %get3A_755 : vector<1x16xf32> to vector<16xf32>
        %mul3A_757 = arith.constant 8.000000e+00 : f32
        %mul3A_758 = vector.broadcast %mul3A_757 : f32 to vector<16xf32>
        %mul3A_759 = arith.mulf %get3A_756, %mul3A_758 : vector<16xf32>
        %swap3A_760 = arith.index_cast %add3A_740 : i32 to index
        %swap3A_761 = arith.constant 16 : index
        %swap3A_762 = tpu.vector_load %arg6[%swap3A_760, %swap3A_761] {strides = array<i32>} : memref<1024x64xf32, #tpu.memory_space<vmem>>, vector<1x16xf32>,
        %swap3A_763 = vector.shape_cast %swap3A_762 : vector<1x16xf32> to vector<16xf32>
        %swap3A_764 = vector.shape_cast %mul3A_759 : vector<16xf32> to vector<1x16xf32>
        tpu.vector_store %arg6[%swap3A_760, %swap3A_761], %swap3A_764 {strides = array<i32>} : memref<1024x64xf32, #tpu.memory_space<vmem>>, vector<1x16xf32>,
        %get3A_765 = arith.index_cast %add3A_740 : i32 to index
        %get3A_766 = arith.constant 32 : index
        %get3A_767 = tpu.vector_load %arg6[%get3A_765, %get3A_766] {strides = array<i32>} : memref<1024x64xf32, #tpu.memory_space<vmem>>, vector<1x16xf32>,
        %get3A_768 = vector.shape_cast %get3A_767 : vector<1x16xf32> to vector<16xf32>
        %mul3A_769 = arith.constant 8.000000e+00 : f32
        %mul3A_770 = vector.broadcast %mul3A_769 : f32 to vector<16xf32>
        %mul3A_771 = arith.mulf %get3A_768, %mul3A_770 : vector<16xf32>
        %swap3A_772 = arith.index_cast %add3A_740 : i32 to index
        %swap3A_773 = arith.constant 32 : index
        %swap3A_774 = tpu.vector_load %arg6[%swap3A_772, %swap3A_773] {strides = array<i32>} : memref<1024x64xf32, #tpu.memory_space<vmem>>, vector<1x16xf32>,
        %swap3A_775 = vector.shape_cast %swap3A_774 : vector<1x16xf32> to vector<16xf32>
        %swap3A_776 = vector.shape_cast %mul3A_771 : vector<16xf32> to vector<1x16xf32>
        tpu.vector_store %arg6[%swap3A_772, %swap3A_773], %swap3A_776 {strides = array<i32>} : memref<1024x64xf32, #tpu.memory_space<vmem>>, vector<1x16xf32>,
        %get3A_777 = arith.index_cast %add3A_740 : i32 to index
        %get3A_778 = arith.constant 48 : index
        %get3A_779 = tpu.vector_load %arg6[%get3A_777, %get3A_778] {strides = array<i32>} : memref<1024x64xf32, #tpu.memory_space<vmem>>, vector<1x16xf32>,
        %get3A_780 = vector.shape_cast %get3A_779 : vector<1x16xf32> to vector<16xf32>
        %mul3A_781 = arith.constant 8.000000e+00 : f32
        %mul3A_782 = vector.broadcast %mul3A_781 : f32 to vector<16xf32>
        %mul3A_783 = arith.mulf %get3A_780, %mul3A_782 : vector<16xf32>
        %swap3A_784 = arith.index_cast %add3A_740 : i32 to index
        %swap3A_785 = arith.constant 48 : index
        %swap3A_786 = tpu.vector_load %arg6[%swap3A_784, %swap3A_785] {strides = array<i32>} : memref<1024x64xf32, #tpu.memory_space<vmem>>, vector<1x16xf32>,
        %swap3A_787 = vector.shape_cast %swap3A_786 : vector<1x16xf32> to vector<16xf32>
        %swap3A_788 = vector.shape_cast %mul3A_783 : vector<16xf32> to vector<1x16xf32>
        tpu.vector_store %arg6[%swap3A_784, %swap3A_785], %swap3A_788 {strides = array<i32>} : memref<1024x64xf32, #tpu.memory_space<vmem>>, vector<1x16xf32>,
        %mul3A_789 = arith.constant 8 : i32
        %mul3A_790 = arith.muli %scan3A_412, %mul3A_789 : i32
        %add3A_791 = arith.constant 512 : i32
        %add3A_792 = arith.addi %add3A_791, %mul3A_790 : i32
        %add3A_793 = arith.constant 7 : i32
        %add3A_794 = arith.addi %add3A_792, %add3A_793 : i32
        %get3A_795 = arith.index_cast %add3A_794 : i32 to index
        %get3A_796 = arith.constant 0 : index
        %get3A_797 = tpu.vector_load %arg6[%get3A_795, %get3A_796] {strides = array<i32>} : memref<1024x64xf32, #tpu.memory_space<vmem>>, vector<1x16xf32>,
        %get3A_798 = vector.shape_cast %get3A_797 : vector<1x16xf32> to vector<16xf32>
        %mul3A_799 = arith.constant 8.000000e+00 : f32
        %mul3A_800 = vector.broadcast %mul3A_799 : f32 to vector<16xf32>
        %mul3A_801 = arith.mulf %get3A_798, %mul3A_800 : vector<16xf32>
        %swap3A_802 = arith.index_cast %add3A_794 : i32 to index
        %swap3A_803 = arith.constant 0 : index
        %swap3A_804 = tpu.vector_load %arg6[%swap3A_802, %swap3A_803] {strides = array<i32>} : memref<1024x64xf32, #tpu.memory_space<vmem>>, vector<1x16xf32>,
        %swap3A_805 = vector.shape_cast %swap3A_804 : vector<1x16xf32> to vector<16xf32>
        %swap3A_806 = vector.shape_cast %mul3A_801 : vector<16xf32> to vector<1x16xf32>
        tpu.vector_store %arg6[%swap3A_802, %swap3A_803], %swap3A_806 {strides = array<i32>} : memref<1024x64xf32, #tpu.memory_space<vmem>>, vector<1x16xf32>,
        %get3A_807 = arith.index_cast %add3A_794 : i32 to index
        %get3A_808 = arith.constant 16 : index
        %get3A_809 = tpu.vector_load %arg6[%get3A_807, %get3A_808] {strides = array<i32>} : memref<1024x64xf32, #tpu.memory_space<vmem>>, vector<1x16xf32>,
        %get3A_810 = vector.shape_cast %get3A_809 : vector<1x16xf32> to vector<16xf32>
        %mul3A_811 = arith.constant 8.000000e+00 : f32
        %mul3A_812 = vector.broadcast %mul3A_811 : f32 to vector<16xf32>
        %mul3A_813 = arith.mulf %get3A_810, %mul3A_812 : vector<16xf32>
        %swap3A_814 = arith.index_cast %add3A_794 : i32 to index
        %swap3A_815 = arith.constant 16 : index
        %swap3A_816 = tpu.vector_load %arg6[%swap3A_814, %swap3A_815] {strides = array<i32>} : memref<1024x64xf32, #tpu.memory_space<vmem>>, vector<1x16xf32>,
        %swap3A_817 = vector.shape_cast %swap3A_816 : vector<1x16xf32> to vector<16xf32>
        %swap3A_818 = vector.shape_cast %mul3A_813 : vector<16xf32> to vector<1x16xf32>
        tpu.vector_store %arg6[%swap3A_814, %swap3A_815], %swap3A_818 {strides = array<i32>} : memref<1024x64xf32, #tpu.memory_space<vmem>>, vector<1x16xf32>,
        %get3A_819 = arith.index_cast %add3A_794 : i32 to index
        %get3A_820 = arith.constant 32 : index
        %get3A_821 = tpu.vector_load %arg6[%get3A_819, %get3A_820] {strides = array<i32>} : memref<1024x64xf32, #tpu.memory_space<vmem>>, vector<1x16xf32>,
        %get3A_822 = vector.shape_cast %get3A_821 : vector<1x16xf32> to vector<16xf32>
        %mul3A_823 = arith.constant 8.000000e+00 : f32
        %mul3A_824 = vector.broadcast %mul3A_823 : f32 to vector<16xf32>
        %mul3A_825 = arith.mulf %get3A_822, %mul3A_824 : vector<16xf32>
        %swap3A_826 = arith.index_cast %add3A_794 : i32 to index
        %swap3A_827 = arith.constant 32 : index
        %swap3A_828 = tpu.vector_load %arg6[%swap3A_826, %swap3A_827] {strides = array<i32>} : memref<1024x64xf32, #tpu.memory_space<vmem>>, vector<1x16xf32>,
        %swap3A_829 = vector.shape_cast %swap3A_828 : vector<1x16xf32> to vector<16xf32>
        %swap3A_830 = vector.shape_cast %mul3A_825 : vector<16xf32> to vector<1x16xf32>
        tpu.vector_store %arg6[%swap3A_826, %swap3A_827], %swap3A_830 {strides = array<i32>} : memref<1024x64xf32, #tpu.memory_space<vmem>>, vector<1x16xf32>,
        %get3A_831 = arith.index_cast %add3A_794 : i32 to index
        %get3A_832 = arith.constant 48 : index
        %get3A_833 = tpu.vector_load %arg6[%get3A_831, %get3A_832] {strides = array<i32>} : memref<1024x64xf32, #tpu.memory_space<vmem>>, vector<1x16xf32>,
        %get3A_834 = vector.shape_cast %get3A_833 : vector<1x16xf32> to vector<16xf32>
        %mul3A_835 = arith.constant 8.000000e+00 : f32
        %mul3A_836 = vector.broadcast %mul3A_835 : f32 to vector<16xf32>
        %mul3A_837 = arith.mulf %get3A_834, %mul3A_836 : vector<16xf32>
        %swap3A_838 = arith.index_cast %add3A_794 : i32 to index
        %swap3A_839 = arith.constant 48 : index
        %swap3A_840 = tpu.vector_load %arg6[%swap3A_838, %swap3A_839] {strides = array<i32>} : memref<1024x64xf32, #tpu.memory_space<vmem>>, vector<1x16xf32>,
        %swap3A_841 = vector.shape_cast %swap3A_840 : vector<1x16xf32> to vector<16xf32>
        %swap3A_842 = vector.shape_cast %mul3A_837 : vector<16xf32> to vector<1x16xf32>
        tpu.vector_store %arg6[%swap3A_838, %swap3A_839], %swap3A_842 {strides = array<i32>} : memref<1024x64xf32, #tpu.memory_space<vmem>>, vector<1x16xf32>,
      }
      %scan3A_238 = arith.constant 16 : i32
      %add3A_239 = arith.constant 512 : i32
      %add3A_240 = arith.addi %mul3A_13, %add3A_239 : i32
      %dma_start3A_241 = arith.constant 512 : i32
      %dma_start3A_242 = arith.constant 0 : i32
      %dma_start3A_243 = tpu.memref_slice %arg6[%dma_start3A_241, %dma_start3A_242] : memref<1024x64xf32, #tpu.memory_space<vmem>> -> memref<128x64xf32, #tpu.memory_space<vmem>>
      %dma_start3A_244 = arith.constant 0 : i32
      %dma_start3A_245 = tpu.memref_slice %arg4[%add3A_240, %dma_start3A_244] : memref<819200x64xf32, #tpu.memory_space<hbm>> -> memref<128x64xf32, #tpu.memory_space<hbm>>
      %dma_start3A_246 = arith.constant 0 : i32
      %dma_start3A_247 = tpu.memref_slice %arg4[%add3A_240, %dma_start3A_246] : memref<819200x64xf32, #tpu.memory_space<hbm>> -> memref<128x64xf32, #tpu.memory_space<hbm>>
      %dma_start3A_248 = arith.constant 512 : i32
      %dma_start3A_249 = arith.constant 0 : i32
      %dma_start3A_250 = tpu.memref_slice %arg6[%dma_start3A_248, %dma_start3A_249] : memref<1024x64xf32, #tpu.memory_space<vmem>> -> memref<128x64xf32, #tpu.memory_space<vmem>>
      tpu.enqueue_dma source(%dma_start3A_250 : memref<128x64xf32, #tpu.memory_space<vmem>>) target(%dma_start3A_247 : memref<128x64xf32, #tpu.memory_space<hbm>>) target_semaphore(%arg8 : memref<!tpu.dma_semaphore, #tpu.memory_space<semaphore_mem>>)
      %dma_wait3A_251 = arith.constant 640 : i32
      %dma_wait3A_252 = arith.constant 0 : i32
      %dma_wait3A_253 = tpu.memref_slice %arg6[%dma_wait3A_251, %dma_wait3A_252] : memref<1024x64xf32, #tpu.memory_space<vmem>> -> memref<128x64xf32, #tpu.memory_space<vmem>>
      %dma_wait3A_254 = arith.constant 0 : i32
      %dma_wait3A_255 = tpu.memref_slice %arg5[%add3A_81, %dma_wait3A_254] : memref<200x128xi32, #tpu.memory_space<vmem>> -> memref<1x128xi32, #tpu.memory_space<vmem>>
      %dma_wait3A_256 = tpu.memref_squeeze %dma_wait3A_255 : memref<1x128xi32, #tpu.memory_space<vmem>> -> memref<128xi32, #tpu.memory_space<vmem>>
      %dma_wait3A_257 = arith.constant 0 : i32
      %dma_wait3A_258 = arith.constant 0 : i32
      %dma_wait3A_259 = tpu.memref_slice %arg3[%dma_wait3A_257, %dma_wait3A_258] : memref<1000000x64xf32, #tpu.memory_space<hbm>> -> memref<1000000x64xf32, #tpu.memory_space<hbm>>
      tpu.wait_indirect_dma semaphore(%arg7 : memref<!tpu.dma_semaphore, #tpu.memory_space<semaphore_mem>>) src(%dma_wait3A_259 : memref<1000000x64xf32, #tpu.memory_space<hbm>>) dst(%dma_wait3A_253 : memref<128x64xf32, #tpu.memory_space<vmem>>)
      %scan3A_260 = arith.constant 0 : i32
      %scan3A_261 = arith.constant 0 : i32
      %scan3A_262 = arith.constant 16 : i32
      %scan3A_263 = arith.addi %scan3A_261, %scan3A_262 : i32
      %scan3A_264 = arith.constant 1 : i32
      scf.for %scan3A_412 = %scan3A_261 to %scan3A_263 step %scan3A_264  : i32 {
        %mul3A_413 = arith.constant 8 : i32
        %mul3A_414 = arith.muli %scan3A_412, %mul3A_413 : i32
        %add3A_415 = arith.constant 640 : i32
        %add3A_416 = arith.addi %add3A_415, %mul3A_414 : i32
        %add3A_417 = arith.constant 0 : i32
        %add3A_418 = arith.addi %add3A_416, %add3A_417 : i32
        %get3A = arith.index_cast %add3A_418 : i32 to index
        %get3A_419 = arith.constant 0 : index
        %get3A_420 = tpu.vector_load %arg6[%get3A, %get3A_419] {strides = array<i32>} : memref<1024x64xf32, #tpu.memory_space<vmem>>, vector<1x16xf32>,
        %get3A_421 = vector.shape_cast %get3A_420 : vector<1x16xf32> to vector<16xf32>
        %mul3A_422 = arith.constant 8.000000e+00 : f32
        %mul3A_423 = vector.broadcast %mul3A_422 : f32 to vector<16xf32>
        %mul3A_424 = arith.mulf %get3A_421, %mul3A_423 : vector<16xf32>
        %swap3A = arith.index_cast %add3A_418 : i32 to index
        %swap3A_425 = arith.constant 0 : index
        %swap3A_426 = tpu.vector_load %arg6[%swap3A, %swap3A_425] {strides = array<i32>} : memref<1024x64xf32, #tpu.memory_space<vmem>>, vector<1x16xf32>,
        %swap3A_427 = vector.shape_cast %swap3A_426 : vector<1x16xf32> to vector<16xf32>
        %swap3A_428 = vector.shape_cast %mul3A_424 : vector<16xf32> to vector<1x16xf32>
        tpu.vector_store %arg6[%swap3A, %swap3A_425], %swap3A_428 {strides = array<i32>} : memref<1024x64xf32, #tpu.memory_space<vmem>>, vector<1x16xf32>,
        %get3A_429 = arith.index_cast %add3A_418 : i32 to index
        %get3A_430 = arith.constant 16 : index
        %get3A_431 = tpu.vector_load %arg6[%get3A_429, %get3A_430] {strides = array<i32>} : memref<1024x64xf32, #tpu.memory_space<vmem>>, vector<1x16xf32>,
        %get3A_432 = vector.shape_cast %get3A_431 : vector<1x16xf32> to vector<16xf32>
        %mul3A_433 = arith.constant 8.000000e+00 : f32
        %mul3A_434 = vector.broadcast %mul3A_433 : f32 to vector<16xf32>
        %mul3A_435 = arith.mulf %get3A_432, %mul3A_434 : vector<16xf32>
        %swap3A_436 = arith.index_cast %add3A_418 : i32 to index
        %swap3A_437 = arith.constant 16 : index
        %swap3A_438 = tpu.vector_load %arg6[%swap3A_436, %swap3A_437] {strides = array<i32>} : memref<1024x64xf32, #tpu.memory_space<vmem>>, vector<1x16xf32>,
        %swap3A_439 = vector.shape_cast %swap3A_438 : vector<1x16xf32> to vector<16xf32>
        %swap3A_440 = vector.shape_cast %mul3A_435 : vector<16xf32> to vector<1x16xf32>
        tpu.vector_store %arg6[%swap3A_436, %swap3A_437], %swap3A_440 {strides = array<i32>} : memref<1024x64xf32, #tpu.memory_space<vmem>>, vector<1x16xf32>,
        %get3A_441 = arith.index_cast %add3A_418 : i32 to index
        %get3A_442 = arith.constant 32 : index
        %get3A_443 = tpu.vector_load %arg6[%get3A_441, %get3A_442] {strides = array<i32>} : memref<1024x64xf32, #tpu.memory_space<vmem>>, vector<1x16xf32>,
        %get3A_444 = vector.shape_cast %get3A_443 : vector<1x16xf32> to vector<16xf32>
        %mul3A_445 = arith.constant 8.000000e+00 : f32
        %mul3A_446 = vector.broadcast %mul3A_445 : f32 to vector<16xf32>
        %mul3A_447 = arith.mulf %get3A_444, %mul3A_446 : vector<16xf32>
        %swap3A_448 = arith.index_cast %add3A_418 : i32 to index
        %swap3A_449 = arith.constant 32 : index
        %swap3A_450 = tpu.vector_load %arg6[%swap3A_448, %swap3A_449] {strides = array<i32>} : memref<1024x64xf32, #tpu.memory_space<vmem>>, vector<1x16xf32>,
        %swap3A_451 = vector.shape_cast %swap3A_450 : vector<1x16xf32> to vector<16xf32>
        %swap3A_452 = vector.shape_cast %mul3A_447 : vector<16xf32> to vector<1x16xf32>
        tpu.vector_store %arg6[%swap3A_448, %swap3A_449], %swap3A_452 {strides = array<i32>} : memref<1024x64xf32, #tpu.memory_space<vmem>>, vector<1x16xf32>,
        %get3A_453 = arith.index_cast %add3A_418 : i32 to index
        %get3A_454 = arith.constant 48 : index
        %get3A_455 = tpu.vector_load %arg6[%get3A_453, %get3A_454] {strides = array<i32>} : memref<1024x64xf32, #tpu.memory_space<vmem>>, vector<1x16xf32>,
        %get3A_456 = vector.shape_cast %get3A_455 : vector<1x16xf32> to vector<16xf32>
        %mul3A_457 = arith.constant 8.000000e+00 : f32
        %mul3A_458 = vector.broadcast %mul3A_457 : f32 to vector<16xf32>
        %mul3A_459 = arith.mulf %get3A_456, %mul3A_458 : vector<16xf32>
        %swap3A_460 = arith.index_cast %add3A_418 : i32 to index
        %swap3A_461 = arith.constant 48 : index
        %swap3A_462 = tpu.vector_load %arg6[%swap3A_460, %swap3A_461] {strides = array<i32>} : memref<1024x64xf32, #tpu.memory_space<vmem>>, vector<1x16xf32>,
        %swap3A_463 = vector.shape_cast %swap3A_462 : vector<1x16xf32> to vector<16xf32>
        %swap3A_464 = vector.shape_cast %mul3A_459 : vector<16xf32> to vector<1x16xf32>
        tpu.vector_store %arg6[%swap3A_460, %swap3A_461], %swap3A_464 {strides = array<i32>} : memref<1024x64xf32, #tpu.memory_space<vmem>>, vector<1x16xf32>,
        %mul3A_465 = arith.constant 8 : i32
        %mul3A_466 = arith.muli %scan3A_412, %mul3A_465 : i32
        %add3A_467 = arith.constant 640 : i32
        %add3A_468 = arith.addi %add3A_467, %mul3A_466 : i32
        %add3A_469 = arith.constant 1 : i32
        %add3A_470 = arith.addi %add3A_468, %add3A_469 : i32
        %get3A_471 = arith.index_cast %add3A_470 : i32 to index
        %get3A_472 = arith.constant 0 : index
        %get3A_473 = tpu.vector_load %arg6[%get3A_471, %get3A_472] {strides = array<i32>} : memref<1024x64xf32, #tpu.memory_space<vmem>>, vector<1x16xf32>,
        %get3A_474 = vector.shape_cast %get3A_473 : vector<1x16xf32> to vector<16xf32>
        %mul3A_475 = arith.constant 8.000000e+00 : f32
        %mul3A_476 = vector.broadcast %mul3A_475 : f32 to vector<16xf32>
        %mul3A_477 = arith.mulf %get3A_474, %mul3A_476 : vector<16xf32>
        %swap3A_478 = arith.index_cast %add3A_470 : i32 to index
        %swap3A_479 = arith.constant 0 : index
        %swap3A_480 = tpu.vector_load %arg6[%swap3A_478, %swap3A_479] {strides = array<i32>} : memref<1024x64xf32, #tpu.memory_space<vmem>>, vector<1x16xf32>,
        %swap3A_481 = vector.shape_cast %swap3A_480 : vector<1x16xf32> to vector<16xf32>
        %swap3A_482 = vector.shape_cast %mul3A_477 : vector<16xf32> to vector<1x16xf32>
        tpu.vector_store %arg6[%swap3A_478, %swap3A_479], %swap3A_482 {strides = array<i32>} : memref<1024x64xf32, #tpu.memory_space<vmem>>, vector<1x16xf32>,
        %get3A_483 = arith.index_cast %add3A_470 : i32 to index
        %get3A_484 = arith.constant 16 : index
        %get3A_485 = tpu.vector_load %arg6[%get3A_483, %get3A_484] {strides = array<i32>} : memref<1024x64xf32, #tpu.memory_space<vmem>>, vector<1x16xf32>,
        %get3A_486 = vector.shape_cast %get3A_485 : vector<1x16xf32> to vector<16xf32>
        %mul3A_487 = arith.constant 8.000000e+00 : f32
        %mul3A_488 = vector.broadcast %mul3A_487 : f32 to vector<16xf32>
        %mul3A_489 = arith.mulf %get3A_486, %mul3A_488 : vector<16xf32>
        %swap3A_490 = arith.index_cast %add3A_470 : i32 to index
        %swap3A_491 = arith.constant 16 : index
        %swap3A_492 = tpu.vector_load %arg6[%swap3A_490, %swap3A_491] {strides = array<i32>} : memref<1024x64xf32, #tpu.memory_space<vmem>>, vector<1x16xf32>,
        %swap3A_493 = vector.shape_cast %swap3A_492 : vector<1x16xf32> to vector<16xf32>
        %swap3A_494 = vector.shape_cast %mul3A_489 : vector<16xf32> to vector<1x16xf32>
        tpu.vector_store %arg6[%swap3A_490, %swap3A_491], %swap3A_494 {strides = array<i32>} : memref<1024x64xf32, #tpu.memory_space<vmem>>, vector<1x16xf32>,
        %get3A_495 = arith.index_cast %add3A_470 : i32 to index
        %get3A_496 = arith.constant 32 : index
        %get3A_497 = tpu.vector_load %arg6[%get3A_495, %get3A_496] {strides = array<i32>} : memref<1024x64xf32, #tpu.memory_space<vmem>>, vector<1x16xf32>,
        %get3A_498 = vector.shape_cast %get3A_497 : vector<1x16xf32> to vector<16xf32>
        %mul3A_499 = arith.constant 8.000000e+00 : f32
        %mul3A_500 = vector.broadcast %mul3A_499 : f32 to vector<16xf32>
        %mul3A_501 = arith.mulf %get3A_498, %mul3A_500 : vector<16xf32>
        %swap3A_502 = arith.index_cast %add3A_470 : i32 to index
        %swap3A_503 = arith.constant 32 : index
        %swap3A_504 = tpu.vector_load %arg6[%swap3A_502, %swap3A_503] {strides = array<i32>} : memref<1024x64xf32, #tpu.memory_space<vmem>>, vector<1x16xf32>,
        %swap3A_505 = vector.shape_cast %swap3A_504 : vector<1x16xf32> to vector<16xf32>
        %swap3A_506 = vector.shape_cast %mul3A_501 : vector<16xf32> to vector<1x16xf32>
        tpu.vector_store %arg6[%swap3A_502, %swap3A_503], %swap3A_506 {strides = array<i32>} : memref<1024x64xf32, #tpu.memory_space<vmem>>, vector<1x16xf32>,
        %get3A_507 = arith.index_cast %add3A_470 : i32 to index
        %get3A_508 = arith.constant 48 : index
        %get3A_509 = tpu.vector_load %arg6[%get3A_507, %get3A_508] {strides = array<i32>} : memref<1024x64xf32, #tpu.memory_space<vmem>>, vector<1x16xf32>,
        %get3A_510 = vector.shape_cast %get3A_509 : vector<1x16xf32> to vector<16xf32>
        %mul3A_511 = arith.constant 8.000000e+00 : f32
        %mul3A_512 = vector.broadcast %mul3A_511 : f32 to vector<16xf32>
        %mul3A_513 = arith.mulf %get3A_510, %mul3A_512 : vector<16xf32>
        %swap3A_514 = arith.index_cast %add3A_470 : i32 to index
        %swap3A_515 = arith.constant 48 : index
        %swap3A_516 = tpu.vector_load %arg6[%swap3A_514, %swap3A_515] {strides = array<i32>} : memref<1024x64xf32, #tpu.memory_space<vmem>>, vector<1x16xf32>,
        %swap3A_517 = vector.shape_cast %swap3A_516 : vector<1x16xf32> to vector<16xf32>
        %swap3A_518 = vector.shape_cast %mul3A_513 : vector<16xf32> to vector<1x16xf32>
        tpu.vector_store %arg6[%swap3A_514, %swap3A_515], %swap3A_518 {strides = array<i32>} : memref<1024x64xf32, #tpu.memory_space<vmem>>, vector<1x16xf32>,
        %mul3A_519 = arith.constant 8 : i32
        %mul3A_520 = arith.muli %scan3A_412, %mul3A_519 : i32
        %add3A_521 = arith.constant 640 : i32
        %add3A_522 = arith.addi %add3A_521, %mul3A_520 : i32
        %add3A_523 = arith.constant 2 : i32
        %add3A_524 = arith.addi %add3A_522, %add3A_523 : i32
        %get3A_525 = arith.index_cast %add3A_524 : i32 to index
        %get3A_526 = arith.constant 0 : index
        %get3A_527 = tpu.vector_load %arg6[%get3A_525, %get3A_526] {strides = array<i32>} : memref<1024x64xf32, #tpu.memory_space<vmem>>, vector<1x16xf32>,
        %get3A_528 = vector.shape_cast %get3A_527 : vector<1x16xf32> to vector<16xf32>
        %mul3A_529 = arith.constant 8.000000e+00 : f32
        %mul3A_530 = vector.broadcast %mul3A_529 : f32 to vector<16xf32>
        %mul3A_531 = arith.mulf %get3A_528, %mul3A_530 : vector<16xf32>
        %swap3A_532 = arith.index_cast %add3A_524 : i32 to index
        %swap3A_533 = arith.constant 0 : index
        %swap3A_534 = tpu.vector_load %arg6[%swap3A_532, %swap3A_533] {strides = array<i32>} : memref<1024x64xf32, #tpu.memory_space<vmem>>, vector<1x16xf32>,
        %swap3A_535 = vector.shape_cast %swap3A_534 : vector<1x16xf32> to vector<16xf32>
        %swap3A_536 = vector.shape_cast %mul3A_531 : vector<16xf32> to vector<1x16xf32>
        tpu.vector_store %arg6[%swap3A_532, %swap3A_533], %swap3A_536 {strides = array<i32>} : memref<1024x64xf32, #tpu.memory_space<vmem>>, vector<1x16xf32>,
        %get3A_537 = arith.index_cast %add3A_524 : i32 to index
        %get3A_538 = arith.constant 16 : index
        %get3A_539 = tpu.vector_load %arg6[%get3A_537, %get3A_538] {strides = array<i32>} : memref<1024x64xf32, #tpu.memory_space<vmem>>, vector<1x16xf32>,
        %get3A_540 = vector.shape_cast %get3A_539 : vector<1x16xf32> to vector<16xf32>
        %mul3A_541 = arith.constant 8.000000e+00 : f32
        %mul3A_542 = vector.broadcast %mul3A_541 : f32 to vector<16xf32>
        %mul3A_543 = arith.mulf %get3A_540, %mul3A_542 : vector<16xf32>
        %swap3A_544 = arith.index_cast %add3A_524 : i32 to index
        %swap3A_545 = arith.constant 16 : index
        %swap3A_546 = tpu.vector_load %arg6[%swap3A_544, %swap3A_545] {strides = array<i32>} : memref<1024x64xf32, #tpu.memory_space<vmem>>, vector<1x16xf32>,
        %swap3A_547 = vector.shape_cast %swap3A_546 : vector<1x16xf32> to vector<16xf32>
        %swap3A_548 = vector.shape_cast %mul3A_543 : vector<16xf32> to vector<1x16xf32>
        tpu.vector_store %arg6[%swap3A_544, %swap3A_545], %swap3A_548 {strides = array<i32>} : memref<1024x64xf32, #tpu.memory_space<vmem>>, vector<1x16xf32>,
        %get3A_549 = arith.index_cast %add3A_524 : i32 to index
        %get3A_550 = arith.constant 32 : index
        %get3A_551 = tpu.vector_load %arg6[%get3A_549, %get3A_550] {strides = array<i32>} : memref<1024x64xf32, #tpu.memory_space<vmem>>, vector<1x16xf32>,
        %get3A_552 = vector.shape_cast %get3A_551 : vector<1x16xf32> to vector<16xf32>
        %mul3A_553 = arith.constant 8.000000e+00 : f32
        %mul3A_554 = vector.broadcast %mul3A_553 : f32 to vector<16xf32>
        %mul3A_555 = arith.mulf %get3A_552, %mul3A_554 : vector<16xf32>
        %swap3A_556 = arith.index_cast %add3A_524 : i32 to index
        %swap3A_557 = arith.constant 32 : index
        %swap3A_558 = tpu.vector_load %arg6[%swap3A_556, %swap3A_557] {strides = array<i32>} : memref<1024x64xf32, #tpu.memory_space<vmem>>, vector<1x16xf32>,
        %swap3A_559 = vector.shape_cast %swap3A_558 : vector<1x16xf32> to vector<16xf32>
        %swap3A_560 = vector.shape_cast %mul3A_555 : vector<16xf32> to vector<1x16xf32>
        tpu.vector_store %arg6[%swap3A_556, %swap3A_557], %swap3A_560 {strides = array<i32>} : memref<1024x64xf32, #tpu.memory_space<vmem>>, vector<1x16xf32>,
        %get3A_561 = arith.index_cast %add3A_524 : i32 to index
        %get3A_562 = arith.constant 48 : index
        %get3A_563 = tpu.vector_load %arg6[%get3A_561, %get3A_562] {strides = array<i32>} : memref<1024x64xf32, #tpu.memory_space<vmem>>, vector<1x16xf32>,
        %get3A_564 = vector.shape_cast %get3A_563 : vector<1x16xf32> to vector<16xf32>
        %mul3A_565 = arith.constant 8.000000e+00 : f32
        %mul3A_566 = vector.broadcast %mul3A_565 : f32 to vector<16xf32>
        %mul3A_567 = arith.mulf %get3A_564, %mul3A_566 : vector<16xf32>
        %swap3A_568 = arith.index_cast %add3A_524 : i32 to index
        %swap3A_569 = arith.constant 48 : index
        %swap3A_570 = tpu.vector_load %arg6[%swap3A_568, %swap3A_569] {strides = array<i32>} : memref<1024x64xf32, #tpu.memory_space<vmem>>, vector<1x16xf32>,
        %swap3A_571 = vector.shape_cast %swap3A_570 : vector<1x16xf32> to vector<16xf32>
        %swap3A_572 = vector.shape_cast %mul3A_567 : vector<16xf32> to vector<1x16xf32>
        tpu.vector_store %arg6[%swap3A_568, %swap3A_569], %swap3A_572 {strides = array<i32>} : memref<1024x64xf32, #tpu.memory_space<vmem>>, vector<1x16xf32>,
        %mul3A_573 = arith.constant 8 : i32
        %mul3A_574 = arith.muli %scan3A_412, %mul3A_573 : i32
        %add3A_575 = arith.constant 640 : i32
        %add3A_576 = arith.addi %add3A_575, %mul3A_574 : i32
        %add3A_577 = arith.constant 3 : i32
        %add3A_578 = arith.addi %add3A_576, %add3A_577 : i32
        %get3A_579 = arith.index_cast %add3A_578 : i32 to index
        %get3A_580 = arith.constant 0 : index
        %get3A_581 = tpu.vector_load %arg6[%get3A_579, %get3A_580] {strides = array<i32>} : memref<1024x64xf32, #tpu.memory_space<vmem>>, vector<1x16xf32>,
        %get3A_582 = vector.shape_cast %get3A_581 : vector<1x16xf32> to vector<16xf32>
        %mul3A_583 = arith.constant 8.000000e+00 : f32
        %mul3A_584 = vector.broadcast %mul3A_583 : f32 to vector<16xf32>
        %mul3A_585 = arith.mulf %get3A_582, %mul3A_584 : vector<16xf32>
        %swap3A_586 = arith.index_cast %add3A_578 : i32 to index
        %swap3A_587 = arith.constant 0 : index
        %swap3A_588 = tpu.vector_load %arg6[%swap3A_586, %swap3A_587] {strides = array<i32>} : memref<1024x64xf32, #tpu.memory_space<vmem>>, vector<1x16xf32>,
        %swap3A_589 = vector.shape_cast %swap3A_588 : vector<1x16xf32> to vector<16xf32>
        %swap3A_590 = vector.shape_cast %mul3A_585 : vector<16xf32> to vector<1x16xf32>
        tpu.vector_store %arg6[%swap3A_586, %swap3A_587], %swap3A_590 {strides = array<i32>} : memref<1024x64xf32, #tpu.memory_space<vmem>>, vector<1x16xf32>,
        %get3A_591 = arith.index_cast %add3A_578 : i32 to index
        %get3A_592 = arith.constant 16 : index
        %get3A_593 = tpu.vector_load %arg6[%get3A_591, %get3A_592] {strides = array<i32>} : memref<1024x64xf32, #tpu.memory_space<vmem>>, vector<1x16xf32>,
        %get3A_594 = vector.shape_cast %get3A_593 : vector<1x16xf32> to vector<16xf32>
        %mul3A_595 = arith.constant 8.000000e+00 : f32
        %mul3A_596 = vector.broadcast %mul3A_595 : f32 to vector<16xf32>
        %mul3A_597 = arith.mulf %get3A_594, %mul3A_596 : vector<16xf32>
        %swap3A_598 = arith.index_cast %add3A_578 : i32 to index
        %swap3A_599 = arith.constant 16 : index
        %swap3A_600 = tpu.vector_load %arg6[%swap3A_598, %swap3A_599] {strides = array<i32>} : memref<1024x64xf32, #tpu.memory_space<vmem>>, vector<1x16xf32>,
        %swap3A_601 = vector.shape_cast %swap3A_600 : vector<1x16xf32> to vector<16xf32>
        %swap3A_602 = vector.shape_cast %mul3A_597 : vector<16xf32> to vector<1x16xf32>
        tpu.vector_store %arg6[%swap3A_598, %swap3A_599], %swap3A_602 {strides = array<i32>} : memref<1024x64xf32, #tpu.memory_space<vmem>>, vector<1x16xf32>,
        %get3A_603 = arith.index_cast %add3A_578 : i32 to index
        %get3A_604 = arith.constant 32 : index
        %get3A_605 = tpu.vector_load %arg6[%get3A_603, %get3A_604] {strides = array<i32>} : memref<1024x64xf32, #tpu.memory_space<vmem>>, vector<1x16xf32>,
        %get3A_606 = vector.shape_cast %get3A_605 : vector<1x16xf32> to vector<16xf32>
        %mul3A_607 = arith.constant 8.000000e+00 : f32
        %mul3A_608 = vector.broadcast %mul3A_607 : f32 to vector<16xf32>
        %mul3A_609 = arith.mulf %get3A_606, %mul3A_608 : vector<16xf32>
        %swap3A_610 = arith.index_cast %add3A_578 : i32 to index
        %swap3A_611 = arith.constant 32 : index
        %swap3A_612 = tpu.vector_load %arg6[%swap3A_610, %swap3A_611] {strides = array<i32>} : memref<1024x64xf32, #tpu.memory_space<vmem>>, vector<1x16xf32>,
        %swap3A_613 = vector.shape_cast %swap3A_612 : vector<1x16xf32> to vector<16xf32>
        %swap3A_614 = vector.shape_cast %mul3A_609 : vector<16xf32> to vector<1x16xf32>
        tpu.vector_store %arg6[%swap3A_610, %swap3A_611], %swap3A_614 {strides = array<i32>} : memref<1024x64xf32, #tpu.memory_space<vmem>>, vector<1x16xf32>,
        %get3A_615 = arith.index_cast %add3A_578 : i32 to index
        %get3A_616 = arith.constant 48 : index
        %get3A_617 = tpu.vector_load %arg6[%get3A_615, %get3A_616] {strides = array<i32>} : memref<1024x64xf32, #tpu.memory_space<vmem>>, vector<1x16xf32>,
        %get3A_618 = vector.shape_cast %get3A_617 : vector<1x16xf32> to vector<16xf32>
        %mul3A_619 = arith.constant 8.000000e+00 : f32
        %mul3A_620 = vector.broadcast %mul3A_619 : f32 to vector<16xf32>
        %mul3A_621 = arith.mulf %get3A_618, %mul3A_620 : vector<16xf32>
        %swap3A_622 = arith.index_cast %add3A_578 : i32 to index
        %swap3A_623 = arith.constant 48 : index
        %swap3A_624 = tpu.vector_load %arg6[%swap3A_622, %swap3A_623] {strides = array<i32>} : memref<1024x64xf32, #tpu.memory_space<vmem>>, vector<1x16xf32>,
        %swap3A_625 = vector.shape_cast %swap3A_624 : vector<1x16xf32> to vector<16xf32>
        %swap3A_626 = vector.shape_cast %mul3A_621 : vector<16xf32> to vector<1x16xf32>
        tpu.vector_store %arg6[%swap3A_622, %swap3A_623], %swap3A_626 {strides = array<i32>} : memref<1024x64xf32, #tpu.memory_space<vmem>>, vector<1x16xf32>,
        %mul3A_627 = arith.constant 8 : i32
        %mul3A_628 = arith.muli %scan3A_412, %mul3A_627 : i32
        %add3A_629 = arith.constant 640 : i32
        %add3A_630 = arith.addi %add3A_629, %mul3A_628 : i32
        %add3A_631 = arith.constant 4 : i32
        %add3A_632 = arith.addi %add3A_630, %add3A_631 : i32
        %get3A_633 = arith.index_cast %add3A_632 : i32 to index
        %get3A_634 = arith.constant 0 : index
        %get3A_635 = tpu.vector_load %arg6[%get3A_633, %get3A_634] {strides = array<i32>} : memref<1024x64xf32, #tpu.memory_space<vmem>>, vector<1x16xf32>,
        %get3A_636 = vector.shape_cast %get3A_635 : vector<1x16xf32> to vector<16xf32>
        %mul3A_637 = arith.constant 8.000000e+00 : f32
        %mul3A_638 = vector.broadcast %mul3A_637 : f32 to vector<16xf32>
        %mul3A_639 = arith.mulf %get3A_636, %mul3A_638 : vector<16xf32>
        %swap3A_640 = arith.index_cast %add3A_632 : i32 to index
        %swap3A_641 = arith.constant 0 : index
        %swap3A_642 = tpu.vector_load %arg6[%swap3A_640, %swap3A_641] {strides = array<i32>} : memref<1024x64xf32, #tpu.memory_space<vmem>>, vector<1x16xf32>,
        %swap3A_643 = vector.shape_cast %swap3A_642 : vector<1x16xf32> to vector<16xf32>
        %swap3A_644 = vector.shape_cast %mul3A_639 : vector<16xf32> to vector<1x16xf32>
        tpu.vector_store %arg6[%swap3A_640, %swap3A_641], %swap3A_644 {strides = array<i32>} : memref<1024x64xf32, #tpu.memory_space<vmem>>, vector<1x16xf32>,
        %get3A_645 = arith.index_cast %add3A_632 : i32 to index
        %get3A_646 = arith.constant 16 : index
        %get3A_647 = tpu.vector_load %arg6[%get3A_645, %get3A_646] {strides = array<i32>} : memref<1024x64xf32, #tpu.memory_space<vmem>>, vector<1x16xf32>,
        %get3A_648 = vector.shape_cast %get3A_647 : vector<1x16xf32> to vector<16xf32>
        %mul3A_649 = arith.constant 8.000000e+00 : f32
        %mul3A_650 = vector.broadcast %mul3A_649 : f32 to vector<16xf32>
        %mul3A_651 = arith.mulf %get3A_648, %mul3A_650 : vector<16xf32>
        %swap3A_652 = arith.index_cast %add3A_632 : i32 to index
        %swap3A_653 = arith.constant 16 : index
        %swap3A_654 = tpu.vector_load %arg6[%swap3A_652, %swap3A_653] {strides = array<i32>} : memref<1024x64xf32, #tpu.memory_space<vmem>>, vector<1x16xf32>,
        %swap3A_655 = vector.shape_cast %swap3A_654 : vector<1x16xf32> to vector<16xf32>
        %swap3A_656 = vector.shape_cast %mul3A_651 : vector<16xf32> to vector<1x16xf32>
        tpu.vector_store %arg6[%swap3A_652, %swap3A_653], %swap3A_656 {strides = array<i32>} : memref<1024x64xf32, #tpu.memory_space<vmem>>, vector<1x16xf32>,
        %get3A_657 = arith.index_cast %add3A_632 : i32 to index
        %get3A_658 = arith.constant 32 : index
        %get3A_659 = tpu.vector_load %arg6[%get3A_657, %get3A_658] {strides = array<i32>} : memref<1024x64xf32, #tpu.memory_space<vmem>>, vector<1x16xf32>,
        %get3A_660 = vector.shape_cast %get3A_659 : vector<1x16xf32> to vector<16xf32>
        %mul3A_661 = arith.constant 8.000000e+00 : f32
        %mul3A_662 = vector.broadcast %mul3A_661 : f32 to vector<16xf32>
        %mul3A_663 = arith.mulf %get3A_660, %mul3A_662 : vector<16xf32>
        %swap3A_664 = arith.index_cast %add3A_632 : i32 to index
        %swap3A_665 = arith.constant 32 : index
        %swap3A_666 = tpu.vector_load %arg6[%swap3A_664, %swap3A_665] {strides = array<i32>} : memref<1024x64xf32, #tpu.memory_space<vmem>>, vector<1x16xf32>,
        %swap3A_667 = vector.shape_cast %swap3A_666 : vector<1x16xf32> to vector<16xf32>
        %swap3A_668 = vector.shape_cast %mul3A_663 : vector<16xf32> to vector<1x16xf32>
        tpu.vector_store %arg6[%swap3A_664, %swap3A_665], %swap3A_668 {strides = array<i32>} : memref<1024x64xf32, #tpu.memory_space<vmem>>, vector<1x16xf32>,
        %get3A_669 = arith.index_cast %add3A_632 : i32 to index
        %get3A_670 = arith.constant 48 : index
        %get3A_671 = tpu.vector_load %arg6[%get3A_669, %get3A_670] {strides = array<i32>} : memref<1024x64xf32, #tpu.memory_space<vmem>>, vector<1x16xf32>,
        %get3A_672 = vector.shape_cast %get3A_671 : vector<1x16xf32> to vector<16xf32>
        %mul3A_673 = arith.constant 8.000000e+00 : f32
        %mul3A_674 = vector.broadcast %mul3A_673 : f32 to vector<16xf32>
        %mul3A_675 = arith.mulf %get3A_672, %mul3A_674 : vector<16xf32>
        %swap3A_676 = arith.index_cast %add3A_632 : i32 to index
        %swap3A_677 = arith.constant 48 : index
        %swap3A_678 = tpu.vector_load %arg6[%swap3A_676, %swap3A_677] {strides = array<i32>} : memref<1024x64xf32, #tpu.memory_space<vmem>>, vector<1x16xf32>,
        %swap3A_679 = vector.shape_cast %swap3A_678 : vector<1x16xf32> to vector<16xf32>
        %swap3A_680 = vector.shape_cast %mul3A_675 : vector<16xf32> to vector<1x16xf32>
        tpu.vector_store %arg6[%swap3A_676, %swap3A_677], %swap3A_680 {strides = array<i32>} : memref<1024x64xf32, #tpu.memory_space<vmem>>, vector<1x16xf32>,
        %mul3A_681 = arith.constant 8 : i32
        %mul3A_682 = arith.muli %scan3A_412, %mul3A_681 : i32
        %add3A_683 = arith.constant 640 : i32
        %add3A_684 = arith.addi %add3A_683, %mul3A_682 : i32
        %add3A_685 = arith.constant 5 : i32
        %add3A_686 = arith.addi %add3A_684, %add3A_685 : i32
        %get3A_687 = arith.index_cast %add3A_686 : i32 to index
        %get3A_688 = arith.constant 0 : index
        %get3A_689 = tpu.vector_load %arg6[%get3A_687, %get3A_688] {strides = array<i32>} : memref<1024x64xf32, #tpu.memory_space<vmem>>, vector<1x16xf32>,
        %get3A_690 = vector.shape_cast %get3A_689 : vector<1x16xf32> to vector<16xf32>
        %mul3A_691 = arith.constant 8.000000e+00 : f32
        %mul3A_692 = vector.broadcast %mul3A_691 : f32 to vector<16xf32>
        %mul3A_693 = arith.mulf %get3A_690, %mul3A_692 : vector<16xf32>
        %swap3A_694 = arith.index_cast %add3A_686 : i32 to index
        %swap3A_695 = arith.constant 0 : index
        %swap3A_696 = tpu.vector_load %arg6[%swap3A_694, %swap3A_695] {strides = array<i32>} : memref<1024x64xf32, #tpu.memory_space<vmem>>, vector<1x16xf32>,
        %swap3A_697 = vector.shape_cast %swap3A_696 : vector<1x16xf32> to vector<16xf32>
        %swap3A_698 = vector.shape_cast %mul3A_693 : vector<16xf32> to vector<1x16xf32>
        tpu.vector_store %arg6[%swap3A_694, %swap3A_695], %swap3A_698 {strides = array<i32>} : memref<1024x64xf32, #tpu.memory_space<vmem>>, vector<1x16xf32>,
        %get3A_699 = arith.index_cast %add3A_686 : i32 to index
        %get3A_700 = arith.constant 16 : index
        %get3A_701 = tpu.vector_load %arg6[%get3A_699, %get3A_700] {strides = array<i32>} : memref<1024x64xf32, #tpu.memory_space<vmem>>, vector<1x16xf32>,
        %get3A_702 = vector.shape_cast %get3A_701 : vector<1x16xf32> to vector<16xf32>
        %mul3A_703 = arith.constant 8.000000e+00 : f32
        %mul3A_704 = vector.broadcast %mul3A_703 : f32 to vector<16xf32>
        %mul3A_705 = arith.mulf %get3A_702, %mul3A_704 : vector<16xf32>
        %swap3A_706 = arith.index_cast %add3A_686 : i32 to index
        %swap3A_707 = arith.constant 16 : index
        %swap3A_708 = tpu.vector_load %arg6[%swap3A_706, %swap3A_707] {strides = array<i32>} : memref<1024x64xf32, #tpu.memory_space<vmem>>, vector<1x16xf32>,
        %swap3A_709 = vector.shape_cast %swap3A_708 : vector<1x16xf32> to vector<16xf32>
        %swap3A_710 = vector.shape_cast %mul3A_705 : vector<16xf32> to vector<1x16xf32>
        tpu.vector_store %arg6[%swap3A_706, %swap3A_707], %swap3A_710 {strides = array<i32>} : memref<1024x64xf32, #tpu.memory_space<vmem>>, vector<1x16xf32>,
        %get3A_711 = arith.index_cast %add3A_686 : i32 to index
        %get3A_712 = arith.constant 32 : index
        %get3A_713 = tpu.vector_load %arg6[%get3A_711, %get3A_712] {strides = array<i32>} : memref<1024x64xf32, #tpu.memory_space<vmem>>, vector<1x16xf32>,
        %get3A_714 = vector.shape_cast %get3A_713 : vector<1x16xf32> to vector<16xf32>
        %mul3A_715 = arith.constant 8.000000e+00 : f32
        %mul3A_716 = vector.broadcast %mul3A_715 : f32 to vector<16xf32>
        %mul3A_717 = arith.mulf %get3A_714, %mul3A_716 : vector<16xf32>
        %swap3A_718 = arith.index_cast %add3A_686 : i32 to index
        %swap3A_719 = arith.constant 32 : index
        %swap3A_720 = tpu.vector_load %arg6[%swap3A_718, %swap3A_719] {strides = array<i32>} : memref<1024x64xf32, #tpu.memory_space<vmem>>, vector<1x16xf32>,
        %swap3A_721 = vector.shape_cast %swap3A_720 : vector<1x16xf32> to vector<16xf32>
        %swap3A_722 = vector.shape_cast %mul3A_717 : vector<16xf32> to vector<1x16xf32>
        tpu.vector_store %arg6[%swap3A_718, %swap3A_719], %swap3A_722 {strides = array<i32>} : memref<1024x64xf32, #tpu.memory_space<vmem>>, vector<1x16xf32>,
        %get3A_723 = arith.index_cast %add3A_686 : i32 to index
        %get3A_724 = arith.constant 48 : index
        %get3A_725 = tpu.vector_load %arg6[%get3A_723, %get3A_724] {strides = array<i32>} : memref<1024x64xf32, #tpu.memory_space<vmem>>, vector<1x16xf32>,
        %get3A_726 = vector.shape_cast %get3A_725 : vector<1x16xf32> to vector<16xf32>
        %mul3A_727 = arith.constant 8.000000e+00 : f32
        %mul3A_728 = vector.broadcast %mul3A_727 : f32 to vector<16xf32>
        %mul3A_729 = arith.mulf %get3A_726, %mul3A_728 : vector<16xf32>
        %swap3A_730 = arith.index_cast %add3A_686 : i32 to index
        %swap3A_731 = arith.constant 48 : index
        %swap3A_732 = tpu.vector_load %arg6[%swap3A_730, %swap3A_731] {strides = array<i32>} : memref<1024x64xf32, #tpu.memory_space<vmem>>, vector<1x16xf32>,
        %swap3A_733 = vector.shape_cast %swap3A_732 : vector<1x16xf32> to vector<16xf32>
        %swap3A_734 = vector.shape_cast %mul3A_729 : vector<16xf32> to vector<1x16xf32>
        tpu.vector_store %arg6[%swap3A_730, %swap3A_731], %swap3A_734 {strides = array<i32>} : memref<1024x64xf32, #tpu.memory_space<vmem>>, vector<1x16xf32>,
        %mul3A_735 = arith.constant 8 : i32
        %mul3A_736 = arith.muli %scan3A_412, %mul3A_735 : i32
        %add3A_737 = arith.constant 640 : i32
        %add3A_738 = arith.addi %add3A_737, %mul3A_736 : i32
        %add3A_739 = arith.constant 6 : i32
        %add3A_740 = arith.addi %add3A_738, %add3A_739 : i32
        %get3A_741 = arith.index_cast %add3A_740 : i32 to index
        %get3A_742 = arith.constant 0 : index
        %get3A_743 = tpu.vector_load %arg6[%get3A_741, %get3A_742] {strides = array<i32>} : memref<1024x64xf32, #tpu.memory_space<vmem>>, vector<1x16xf32>,
        %get3A_744 = vector.shape_cast %get3A_743 : vector<1x16xf32> to vector<16xf32>
        %mul3A_745 = arith.constant 8.000000e+00 : f32
        %mul3A_746 = vector.broadcast %mul3A_745 : f32 to vector<16xf32>
        %mul3A_747 = arith.mulf %get3A_744, %mul3A_746 : vector<16xf32>
        %swap3A_748 = arith.index_cast %add3A_740 : i32 to index
        %swap3A_749 = arith.constant 0 : index
        %swap3A_750 = tpu.vector_load %arg6[%swap3A_748, %swap3A_749] {strides = array<i32>} : memref<1024x64xf32, #tpu.memory_space<vmem>>, vector<1x16xf32>,
        %swap3A_751 = vector.shape_cast %swap3A_750 : vector<1x16xf32> to vector<16xf32>
        %swap3A_752 = vector.shape_cast %mul3A_747 : vector<16xf32> to vector<1x16xf32>
        tpu.vector_store %arg6[%swap3A_748, %swap3A_749], %swap3A_752 {strides = array<i32>} : memref<1024x64xf32, #tpu.memory_space<vmem>>, vector<1x16xf32>,
        %get3A_753 = arith.index_cast %add3A_740 : i32 to index
        %get3A_754 = arith.constant 16 : index
        %get3A_755 = tpu.vector_load %arg6[%get3A_753, %get3A_754] {strides = array<i32>} : memref<1024x64xf32, #tpu.memory_space<vmem>>, vector<1x16xf32>,
        %get3A_756 = vector.shape_cast %get3A_755 : vector<1x16xf32> to vector<16xf32>
        %mul3A_757 = arith.constant 8.000000e+00 : f32
        %mul3A_758 = vector.broadcast %mul3A_757 : f32 to vector<16xf32>
        %mul3A_759 = arith.mulf %get3A_756, %mul3A_758 : vector<16xf32>
        %swap3A_760 = arith.index_cast %add3A_740 : i32 to index
        %swap3A_761 = arith.constant 16 : index
        %swap3A_762 = tpu.vector_load %arg6[%swap3A_760, %swap3A_761] {strides = array<i32>} : memref<1024x64xf32, #tpu.memory_space<vmem>>, vector<1x16xf32>,
        %swap3A_763 = vector.shape_cast %swap3A_762 : vector<1x16xf32> to vector<16xf32>
        %swap3A_764 = vector.shape_cast %mul3A_759 : vector<16xf32> to vector<1x16xf32>
        tpu.vector_store %arg6[%swap3A_760, %swap3A_761], %swap3A_764 {strides = array<i32>} : memref<1024x64xf32, #tpu.memory_space<vmem>>, vector<1x16xf32>,
        %get3A_765 = arith.index_cast %add3A_740 : i32 to index
        %get3A_766 = arith.constant 32 : index
        %get3A_767 = tpu.vector_load %arg6[%get3A_765, %get3A_766] {strides = array<i32>} : memref<1024x64xf32, #tpu.memory_space<vmem>>, vector<1x16xf32>,
        %get3A_768 = vector.shape_cast %get3A_767 : vector<1x16xf32> to vector<16xf32>
        %mul3A_769 = arith.constant 8.000000e+00 : f32
        %mul3A_770 = vector.broadcast %mul3A_769 : f32 to vector<16xf32>
        %mul3A_771 = arith.mulf %get3A_768, %mul3A_770 : vector<16xf32>
        %swap3A_772 = arith.index_cast %add3A_740 : i32 to index
        %swap3A_773 = arith.constant 32 : index
        %swap3A_774 = tpu.vector_load %arg6[%swap3A_772, %swap3A_773] {strides = array<i32>} : memref<1024x64xf32, #tpu.memory_space<vmem>>, vector<1x16xf32>,
        %swap3A_775 = vector.shape_cast %swap3A_774 : vector<1x16xf32> to vector<16xf32>
        %swap3A_776 = vector.shape_cast %mul3A_771 : vector<16xf32> to vector<1x16xf32>
        tpu.vector_store %arg6[%swap3A_772, %swap3A_773], %swap3A_776 {strides = array<i32>} : memref<1024x64xf32, #tpu.memory_space<vmem>>, vector<1x16xf32>,
        %get3A_777 = arith.index_cast %add3A_740 : i32 to index
        %get3A_778 = arith.constant 48 : index
        %get3A_779 = tpu.vector_load %arg6[%get3A_777, %get3A_778] {strides = array<i32>} : memref<1024x64xf32, #tpu.memory_space<vmem>>, vector<1x16xf32>,
        %get3A_780 = vector.shape_cast %get3A_779 : vector<1x16xf32> to vector<16xf32>
        %mul3A_781 = arith.constant 8.000000e+00 : f32
        %mul3A_782 = vector.broadcast %mul3A_781 : f32 to vector<16xf32>
        %mul3A_783 = arith.mulf %get3A_780, %mul3A_782 : vector<16xf32>
        %swap3A_784 = arith.index_cast %add3A_740 : i32 to index
        %swap3A_785 = arith.constant 48 : index
        %swap3A_786 = tpu.vector_load %arg6[%swap3A_784, %swap3A_785] {strides = array<i32>} : memref<1024x64xf32, #tpu.memory_space<vmem>>, vector<1x16xf32>,
        %swap3A_787 = vector.shape_cast %swap3A_786 : vector<1x16xf32> to vector<16xf32>
        %swap3A_788 = vector.shape_cast %mul3A_783 : vector<16xf32> to vector<1x16xf32>
        tpu.vector_store %arg6[%swap3A_784, %swap3A_785], %swap3A_788 {strides = array<i32>} : memref<1024x64xf32, #tpu.memory_space<vmem>>, vector<1x16xf32>,
        %mul3A_789 = arith.constant 8 : i32
        %mul3A_790 = arith.muli %scan3A_412, %mul3A_789 : i32
        %add3A_791 = arith.constant 640 : i32
        %add3A_792 = arith.addi %add3A_791, %mul3A_790 : i32
        %add3A_793 = arith.constant 7 : i32
        %add3A_794 = arith.addi %add3A_792, %add3A_793 : i32
        %get3A_795 = arith.index_cast %add3A_794 : i32 to index
        %get3A_796 = arith.constant 0 : index
        %get3A_797 = tpu.vector_load %arg6[%get3A_795, %get3A_796] {strides = array<i32>} : memref<1024x64xf32, #tpu.memory_space<vmem>>, vector<1x16xf32>,
        %get3A_798 = vector.shape_cast %get3A_797 : vector<1x16xf32> to vector<16xf32>
        %mul3A_799 = arith.constant 8.000000e+00 : f32
        %mul3A_800 = vector.broadcast %mul3A_799 : f32 to vector<16xf32>
        %mul3A_801 = arith.mulf %get3A_798, %mul3A_800 : vector<16xf32>
        %swap3A_802 = arith.index_cast %add3A_794 : i32 to index
        %swap3A_803 = arith.constant 0 : index
        %swap3A_804 = tpu.vector_load %arg6[%swap3A_802, %swap3A_803] {strides = array<i32>} : memref<1024x64xf32, #tpu.memory_space<vmem>>, vector<1x16xf32>,
        %swap3A_805 = vector.shape_cast %swap3A_804 : vector<1x16xf32> to vector<16xf32>
        %swap3A_806 = vector.shape_cast %mul3A_801 : vector<16xf32> to vector<1x16xf32>
        tpu.vector_store %arg6[%swap3A_802, %swap3A_803], %swap3A_806 {strides = array<i32>} : memref<1024x64xf32, #tpu.memory_space<vmem>>, vector<1x16xf32>,
        %get3A_807 = arith.index_cast %add3A_794 : i32 to index
        %get3A_808 = arith.constant 16 : index
        %get3A_809 = tpu.vector_load %arg6[%get3A_807, %get3A_808] {strides = array<i32>} : memref<1024x64xf32, #tpu.memory_space<vmem>>, vector<1x16xf32>,
        %get3A_810 = vector.shape_cast %get3A_809 : vector<1x16xf32> to vector<16xf32>
        %mul3A_811 = arith.constant 8.000000e+00 : f32
        %mul3A_812 = vector.broadcast %mul3A_811 : f32 to vector<16xf32>
        %mul3A_813 = arith.mulf %get3A_810, %mul3A_812 : vector<16xf32>
        %swap3A_814 = arith.index_cast %add3A_794 : i32 to index
        %swap3A_815 = arith.constant 16 : index
        %swap3A_816 = tpu.vector_load %arg6[%swap3A_814, %swap3A_815] {strides = array<i32>} : memref<1024x64xf32, #tpu.memory_space<vmem>>, vector<1x16xf32>,
        %swap3A_817 = vector.shape_cast %swap3A_816 : vector<1x16xf32> to vector<16xf32>
        %swap3A_818 = vector.shape_cast %mul3A_813 : vector<16xf32> to vector<1x16xf32>
        tpu.vector_store %arg6[%swap3A_814, %swap3A_815], %swap3A_818 {strides = array<i32>} : memref<1024x64xf32, #tpu.memory_space<vmem>>, vector<1x16xf32>,
        %get3A_819 = arith.index_cast %add3A_794 : i32 to index
        %get3A_820 = arith.constant 32 : index
        %get3A_821 = tpu.vector_load %arg6[%get3A_819, %get3A_820] {strides = array<i32>} : memref<1024x64xf32, #tpu.memory_space<vmem>>, vector<1x16xf32>,
        %get3A_822 = vector.shape_cast %get3A_821 : vector<1x16xf32> to vector<16xf32>
        %mul3A_823 = arith.constant 8.000000e+00 : f32
        %mul3A_824 = vector.broadcast %mul3A_823 : f32 to vector<16xf32>
        %mul3A_825 = arith.mulf %get3A_822, %mul3A_824 : vector<16xf32>
        %swap3A_826 = arith.index_cast %add3A_794 : i32 to index
        %swap3A_827 = arith.constant 32 : index
        %swap3A_828 = tpu.vector_load %arg6[%swap3A_826, %swap3A_827] {strides = array<i32>} : memref<1024x64xf32, #tpu.memory_space<vmem>>, vector<1x16xf32>,
        %swap3A_829 = vector.shape_cast %swap3A_828 : vector<1x16xf32> to vector<16xf32>
        %swap3A_830 = vector.shape_cast %mul3A_825 : vector<16xf32> to vector<1x16xf32>
        tpu.vector_store %arg6[%swap3A_826, %swap3A_827], %swap3A_830 {strides = array<i32>} : memref<1024x64xf32, #tpu.memory_space<vmem>>, vector<1x16xf32>,
        %get3A_831 = arith.index_cast %add3A_794 : i32 to index
        %get3A_832 = arith.constant 48 : index
        %get3A_833 = tpu.vector_load %arg6[%get3A_831, %get3A_832] {strides = array<i32>} : memref<1024x64xf32, #tpu.memory_space<vmem>>, vector<1x16xf32>,
        %get3A_834 = vector.shape_cast %get3A_833 : vector<1x16xf32> to vector<16xf32>
        %mul3A_835 = arith.constant 8.000000e+00 : f32
        %mul3A_836 = vector.broadcast %mul3A_835 : f32 to vector<16xf32>
        %mul3A_837 = arith.mulf %get3A_834, %mul3A_836 : vector<16xf32>
        %swap3A_838 = arith.index_cast %add3A_794 : i32 to index
        %swap3A_839 = arith.constant 48 : index
        %swap3A_840 = tpu.vector_load %arg6[%swap3A_838, %swap3A_839] {strides = array<i32>} : memref<1024x64xf32, #tpu.memory_space<vmem>>, vector<1x16xf32>,
        %swap3A_841 = vector.shape_cast %swap3A_840 : vector<1x16xf32> to vector<16xf32>
        %swap3A_842 = vector.shape_cast %mul3A_837 : vector<16xf32> to vector<1x16xf32>
        tpu.vector_store %arg6[%swap3A_838, %swap3A_839], %swap3A_842 {strides = array<i32>} : memref<1024x64xf32, #tpu.memory_space<vmem>>, vector<1x16xf32>,
      }
      %scan3A_265 = arith.constant 16 : i32
      %add3A_266 = arith.constant 640 : i32
      %add3A_267 = arith.addi %mul3A_13, %add3A_266 : i32
      %dma_start3A_268 = arith.constant 640 : i32
      %dma_start3A_269 = arith.constant 0 : i32
      %dma_start3A_270 = tpu.memref_slice %arg6[%dma_start3A_268, %dma_start3A_269] : memref<1024x64xf32, #tpu.memory_space<vmem>> -> memref<128x64xf32, #tpu.memory_space<vmem>>
      %dma_start3A_271 = arith.constant 0 : i32
      %dma_start3A_272 = tpu.memref_slice %arg4[%add3A_267, %dma_start3A_271] : memref<819200x64xf32, #tpu.memory_space<hbm>> -> memref<128x64xf32, #tpu.memory_space<hbm>>
      %dma_start3A_273 = arith.constant 0 : i32
      %dma_start3A_274 = tpu.memref_slice %arg4[%add3A_267, %dma_start3A_273] : memref<819200x64xf32, #tpu.memory_space<hbm>> -> memref<128x64xf32, #tpu.memory_space<hbm>>
      %dma_start3A_275 = arith.constant 640 : i32
      %dma_start3A_276 = arith.constant 0 : i32
      %dma_start3A_277 = tpu.memref_slice %arg6[%dma_start3A_275, %dma_start3A_276] : memref<1024x64xf32, #tpu.memory_space<vmem>> -> memref<128x64xf32, #tpu.memory_space<vmem>>
      tpu.enqueue_dma source(%dma_start3A_277 : memref<128x64xf32, #tpu.memory_space<vmem>>) target(%dma_start3A_274 : memref<128x64xf32, #tpu.memory_space<hbm>>) target_semaphore(%arg8 : memref<!tpu.dma_semaphore, #tpu.memory_space<semaphore_mem>>)
      %dma_wait3A_278 = arith.constant 768 : i32
      %dma_wait3A_279 = arith.constant 0 : i32
      %dma_wait3A_280 = tpu.memref_slice %arg6[%dma_wait3A_278, %dma_wait3A_279] : memref<1024x64xf32, #tpu.memory_space<vmem>> -> memref<128x64xf32, #tpu.memory_space<vmem>>
      %dma_wait3A_281 = arith.constant 0 : i32
      %dma_wait3A_282 = tpu.memref_slice %arg5[%add3A_94, %dma_wait3A_281] : memref<200x128xi32, #tpu.memory_space<vmem>> -> memref<1x128xi32, #tpu.memory_space<vmem>>
      %dma_wait3A_283 = tpu.memref_squeeze %dma_wait3A_282 : memref<1x128xi32, #tpu.memory_space<vmem>> -> memref<128xi32, #tpu.memory_space<vmem>>
      %dma_wait3A_284 = arith.constant 0 : i32
      %dma_wait3A_285 = arith.constant 0 : i32
      %dma_wait3A_286 = tpu.memref_slice %arg3[%dma_wait3A_284, %dma_wait3A_285] : memref<1000000x64xf32, #tpu.memory_space<hbm>> -> memref<1000000x64xf32, #tpu.memory_space<hbm>>
      tpu.wait_indirect_dma semaphore(%arg7 : memref<!tpu.dma_semaphore, #tpu.memory_space<semaphore_mem>>) src(%dma_wait3A_286 : memref<1000000x64xf32, #tpu.memory_space<hbm>>) dst(%dma_wait3A_280 : memref<128x64xf32, #tpu.memory_space<vmem>>)
      %scan3A_287 = arith.constant 0 : i32
      %scan3A_288 = arith.constant 0 : i32
      %scan3A_289 = arith.constant 16 : i32
      %scan3A_290 = arith.addi %scan3A_288, %scan3A_289 : i32
      %scan3A_291 = arith.constant 1 : i32
      scf.for %scan3A_412 = %scan3A_288 to %scan3A_290 step %scan3A_291  : i32 {
        %mul3A_413 = arith.constant 8 : i32
        %mul3A_414 = arith.muli %scan3A_412, %mul3A_413 : i32
        %add3A_415 = arith.constant 768 : i32
        %add3A_416 = arith.addi %add3A_415, %mul3A_414 : i32
        %add3A_417 = arith.constant 0 : i32
        %add3A_418 = arith.addi %add3A_416, %add3A_417 : i32
        %get3A = arith.index_cast %add3A_418 : i32 to index
        %get3A_419 = arith.constant 0 : index
        %get3A_420 = tpu.vector_load %arg6[%get3A, %get3A_419] {strides = array<i32>} : memref<1024x64xf32, #tpu.memory_space<vmem>>, vector<1x16xf32>,
        %get3A_421 = vector.shape_cast %get3A_420 : vector<1x16xf32> to vector<16xf32>
        %mul3A_422 = arith.constant 8.000000e+00 : f32
        %mul3A_423 = vector.broadcast %mul3A_422 : f32 to vector<16xf32>
        %mul3A_424 = arith.mulf %get3A_421, %mul3A_423 : vector<16xf32>
        %swap3A = arith.index_cast %add3A_418 : i32 to index
        %swap3A_425 = arith.constant 0 : index
        %swap3A_426 = tpu.vector_load %arg6[%swap3A, %swap3A_425] {strides = array<i32>} : memref<1024x64xf32, #tpu.memory_space<vmem>>, vector<1x16xf32>,
        %swap3A_427 = vector.shape_cast %swap3A_426 : vector<1x16xf32> to vector<16xf32>
        %swap3A_428 = vector.shape_cast %mul3A_424 : vector<16xf32> to vector<1x16xf32>
        tpu.vector_store %arg6[%swap3A, %swap3A_425], %swap3A_428 {strides = array<i32>} : memref<1024x64xf32, #tpu.memory_space<vmem>>, vector<1x16xf32>,
        %get3A_429 = arith.index_cast %add3A_418 : i32 to index
        %get3A_430 = arith.constant 16 : index
        %get3A_431 = tpu.vector_load %arg6[%get3A_429, %get3A_430] {strides = array<i32>} : memref<1024x64xf32, #tpu.memory_space<vmem>>, vector<1x16xf32>,
        %get3A_432 = vector.shape_cast %get3A_431 : vector<1x16xf32> to vector<16xf32>
        %mul3A_433 = arith.constant 8.000000e+00 : f32
        %mul3A_434 = vector.broadcast %mul3A_433 : f32 to vector<16xf32>
        %mul3A_435 = arith.mulf %get3A_432, %mul3A_434 : vector<16xf32>
        %swap3A_436 = arith.index_cast %add3A_418 : i32 to index
        %swap3A_437 = arith.constant 16 : index
        %swap3A_438 = tpu.vector_load %arg6[%swap3A_436, %swap3A_437] {strides = array<i32>} : memref<1024x64xf32, #tpu.memory_space<vmem>>, vector<1x16xf32>,
        %swap3A_439 = vector.shape_cast %swap3A_438 : vector<1x16xf32> to vector<16xf32>
        %swap3A_440 = vector.shape_cast %mul3A_435 : vector<16xf32> to vector<1x16xf32>
        tpu.vector_store %arg6[%swap3A_436, %swap3A_437], %swap3A_440 {strides = array<i32>} : memref<1024x64xf32, #tpu.memory_space<vmem>>, vector<1x16xf32>,
        %get3A_441 = arith.index_cast %add3A_418 : i32 to index
        %get3A_442 = arith.constant 32 : index
        %get3A_443 = tpu.vector_load %arg6[%get3A_441, %get3A_442] {strides = array<i32>} : memref<1024x64xf32, #tpu.memory_space<vmem>>, vector<1x16xf32>,
        %get3A_444 = vector.shape_cast %get3A_443 : vector<1x16xf32> to vector<16xf32>
        %mul3A_445 = arith.constant 8.000000e+00 : f32
        %mul3A_446 = vector.broadcast %mul3A_445 : f32 to vector<16xf32>
        %mul3A_447 = arith.mulf %get3A_444, %mul3A_446 : vector<16xf32>
        %swap3A_448 = arith.index_cast %add3A_418 : i32 to index
        %swap3A_449 = arith.constant 32 : index
        %swap3A_450 = tpu.vector_load %arg6[%swap3A_448, %swap3A_449] {strides = array<i32>} : memref<1024x64xf32, #tpu.memory_space<vmem>>, vector<1x16xf32>,
        %swap3A_451 = vector.shape_cast %swap3A_450 : vector<1x16xf32> to vector<16xf32>
        %swap3A_452 = vector.shape_cast %mul3A_447 : vector<16xf32> to vector<1x16xf32>
        tpu.vector_store %arg6[%swap3A_448, %swap3A_449], %swap3A_452 {strides = array<i32>} : memref<1024x64xf32, #tpu.memory_space<vmem>>, vector<1x16xf32>,
        %get3A_453 = arith.index_cast %add3A_418 : i32 to index
        %get3A_454 = arith.constant 48 : index
        %get3A_455 = tpu.vector_load %arg6[%get3A_453, %get3A_454] {strides = array<i32>} : memref<1024x64xf32, #tpu.memory_space<vmem>>, vector<1x16xf32>,
        %get3A_456 = vector.shape_cast %get3A_455 : vector<1x16xf32> to vector<16xf32>
        %mul3A_457 = arith.constant 8.000000e+00 : f32
        %mul3A_458 = vector.broadcast %mul3A_457 : f32 to vector<16xf32>
        %mul3A_459 = arith.mulf %get3A_456, %mul3A_458 : vector<16xf32>
        %swap3A_460 = arith.index_cast %add3A_418 : i32 to index
        %swap3A_461 = arith.constant 48 : index
        %swap3A_462 = tpu.vector_load %arg6[%swap3A_460, %swap3A_461] {strides = array<i32>} : memref<1024x64xf32, #tpu.memory_space<vmem>>, vector<1x16xf32>,
        %swap3A_463 = vector.shape_cast %swap3A_462 : vector<1x16xf32> to vector<16xf32>
        %swap3A_464 = vector.shape_cast %mul3A_459 : vector<16xf32> to vector<1x16xf32>
        tpu.vector_store %arg6[%swap3A_460, %swap3A_461], %swap3A_464 {strides = array<i32>} : memref<1024x64xf32, #tpu.memory_space<vmem>>, vector<1x16xf32>,
        %mul3A_465 = arith.constant 8 : i32
        %mul3A_466 = arith.muli %scan3A_412, %mul3A_465 : i32
        %add3A_467 = arith.constant 768 : i32
        %add3A_468 = arith.addi %add3A_467, %mul3A_466 : i32
        %add3A_469 = arith.constant 1 : i32
        %add3A_470 = arith.addi %add3A_468, %add3A_469 : i32
        %get3A_471 = arith.index_cast %add3A_470 : i32 to index
        %get3A_472 = arith.constant 0 : index
        %get3A_473 = tpu.vector_load %arg6[%get3A_471, %get3A_472] {strides = array<i32>} : memref<1024x64xf32, #tpu.memory_space<vmem>>, vector<1x16xf32>,
        %get3A_474 = vector.shape_cast %get3A_473 : vector<1x16xf32> to vector<16xf32>
        %mul3A_475 = arith.constant 8.000000e+00 : f32
        %mul3A_476 = vector.broadcast %mul3A_475 : f32 to vector<16xf32>
        %mul3A_477 = arith.mulf %get3A_474, %mul3A_476 : vector<16xf32>
        %swap3A_478 = arith.index_cast %add3A_470 : i32 to index
        %swap3A_479 = arith.constant 0 : index
        %swap3A_480 = tpu.vector_load %arg6[%swap3A_478, %swap3A_479] {strides = array<i32>} : memref<1024x64xf32, #tpu.memory_space<vmem>>, vector<1x16xf32>,
        %swap3A_481 = vector.shape_cast %swap3A_480 : vector<1x16xf32> to vector<16xf32>
        %swap3A_482 = vector.shape_cast %mul3A_477 : vector<16xf32> to vector<1x16xf32>
        tpu.vector_store %arg6[%swap3A_478, %swap3A_479], %swap3A_482 {strides = array<i32>} : memref<1024x64xf32, #tpu.memory_space<vmem>>, vector<1x16xf32>,
        %get3A_483 = arith.index_cast %add3A_470 : i32 to index
        %get3A_484 = arith.constant 16 : index
        %get3A_485 = tpu.vector_load %arg6[%get3A_483, %get3A_484] {strides = array<i32>} : memref<1024x64xf32, #tpu.memory_space<vmem>>, vector<1x16xf32>,
        %get3A_486 = vector.shape_cast %get3A_485 : vector<1x16xf32> to vector<16xf32>
        %mul3A_487 = arith.constant 8.000000e+00 : f32
        %mul3A_488 = vector.broadcast %mul3A_487 : f32 to vector<16xf32>
        %mul3A_489 = arith.mulf %get3A_486, %mul3A_488 : vector<16xf32>
        %swap3A_490 = arith.index_cast %add3A_470 : i32 to index
        %swap3A_491 = arith.constant 16 : index
        %swap3A_492 = tpu.vector_load %arg6[%swap3A_490, %swap3A_491] {strides = array<i32>} : memref<1024x64xf32, #tpu.memory_space<vmem>>, vector<1x16xf32>,
        %swap3A_493 = vector.shape_cast %swap3A_492 : vector<1x16xf32> to vector<16xf32>
        %swap3A_494 = vector.shape_cast %mul3A_489 : vector<16xf32> to vector<1x16xf32>
        tpu.vector_store %arg6[%swap3A_490, %swap3A_491], %swap3A_494 {strides = array<i32>} : memref<1024x64xf32, #tpu.memory_space<vmem>>, vector<1x16xf32>,
        %get3A_495 = arith.index_cast %add3A_470 : i32 to index
        %get3A_496 = arith.constant 32 : index
        %get3A_497 = tpu.vector_load %arg6[%get3A_495, %get3A_496] {strides = array<i32>} : memref<1024x64xf32, #tpu.memory_space<vmem>>, vector<1x16xf32>,
        %get3A_498 = vector.shape_cast %get3A_497 : vector<1x16xf32> to vector<16xf32>
        %mul3A_499 = arith.constant 8.000000e+00 : f32
        %mul3A_500 = vector.broadcast %mul3A_499 : f32 to vector<16xf32>
        %mul3A_501 = arith.mulf %get3A_498, %mul3A_500 : vector<16xf32>
        %swap3A_502 = arith.index_cast %add3A_470 : i32 to index
        %swap3A_503 = arith.constant 32 : index
        %swap3A_504 = tpu.vector_load %arg6[%swap3A_502, %swap3A_503] {strides = array<i32>} : memref<1024x64xf32, #tpu.memory_space<vmem>>, vector<1x16xf32>,
        %swap3A_505 = vector.shape_cast %swap3A_504 : vector<1x16xf32> to vector<16xf32>
        %swap3A_506 = vector.shape_cast %mul3A_501 : vector<16xf32> to vector<1x16xf32>
        tpu.vector_store %arg6[%swap3A_502, %swap3A_503], %swap3A_506 {strides = array<i32>} : memref<1024x64xf32, #tpu.memory_space<vmem>>, vector<1x16xf32>,
        %get3A_507 = arith.index_cast %add3A_470 : i32 to index
        %get3A_508 = arith.constant 48 : index
        %get3A_509 = tpu.vector_load %arg6[%get3A_507, %get3A_508] {strides = array<i32>} : memref<1024x64xf32, #tpu.memory_space<vmem>>, vector<1x16xf32>,
        %get3A_510 = vector.shape_cast %get3A_509 : vector<1x16xf32> to vector<16xf32>
        %mul3A_511 = arith.constant 8.000000e+00 : f32
        %mul3A_512 = vector.broadcast %mul3A_511 : f32 to vector<16xf32>
        %mul3A_513 = arith.mulf %get3A_510, %mul3A_512 : vector<16xf32>
        %swap3A_514 = arith.index_cast %add3A_470 : i32 to index
        %swap3A_515 = arith.constant 48 : index
        %swap3A_516 = tpu.vector_load %arg6[%swap3A_514, %swap3A_515] {strides = array<i32>} : memref<1024x64xf32, #tpu.memory_space<vmem>>, vector<1x16xf32>,
        %swap3A_517 = vector.shape_cast %swap3A_516 : vector<1x16xf32> to vector<16xf32>
        %swap3A_518 = vector.shape_cast %mul3A_513 : vector<16xf32> to vector<1x16xf32>
        tpu.vector_store %arg6[%swap3A_514, %swap3A_515], %swap3A_518 {strides = array<i32>} : memref<1024x64xf32, #tpu.memory_space<vmem>>, vector<1x16xf32>,
        %mul3A_519 = arith.constant 8 : i32
        %mul3A_520 = arith.muli %scan3A_412, %mul3A_519 : i32
        %add3A_521 = arith.constant 768 : i32
        %add3A_522 = arith.addi %add3A_521, %mul3A_520 : i32
        %add3A_523 = arith.constant 2 : i32
        %add3A_524 = arith.addi %add3A_522, %add3A_523 : i32
        %get3A_525 = arith.index_cast %add3A_524 : i32 to index
        %get3A_526 = arith.constant 0 : index
        %get3A_527 = tpu.vector_load %arg6[%get3A_525, %get3A_526] {strides = array<i32>} : memref<1024x64xf32, #tpu.memory_space<vmem>>, vector<1x16xf32>,
        %get3A_528 = vector.shape_cast %get3A_527 : vector<1x16xf32> to vector<16xf32>
        %mul3A_529 = arith.constant 8.000000e+00 : f32
        %mul3A_530 = vector.broadcast %mul3A_529 : f32 to vector<16xf32>
        %mul3A_531 = arith.mulf %get3A_528, %mul3A_530 : vector<16xf32>
        %swap3A_532 = arith.index_cast %add3A_524 : i32 to index
        %swap3A_533 = arith.constant 0 : index
        %swap3A_534 = tpu.vector_load %arg6[%swap3A_532, %swap3A_533] {strides = array<i32>} : memref<1024x64xf32, #tpu.memory_space<vmem>>, vector<1x16xf32>,
        %swap3A_535 = vector.shape_cast %swap3A_534 : vector<1x16xf32> to vector<16xf32>
        %swap3A_536 = vector.shape_cast %mul3A_531 : vector<16xf32> to vector<1x16xf32>
        tpu.vector_store %arg6[%swap3A_532, %swap3A_533], %swap3A_536 {strides = array<i32>} : memref<1024x64xf32, #tpu.memory_space<vmem>>, vector<1x16xf32>,
        %get3A_537 = arith.index_cast %add3A_524 : i32 to index
        %get3A_538 = arith.constant 16 : index
        %get3A_539 = tpu.vector_load %arg6[%get3A_537, %get3A_538] {strides = array<i32>} : memref<1024x64xf32, #tpu.memory_space<vmem>>, vector<1x16xf32>,
        %get3A_540 = vector.shape_cast %get3A_539 : vector<1x16xf32> to vector<16xf32>
        %mul3A_541 = arith.constant 8.000000e+00 : f32
        %mul3A_542 = vector.broadcast %mul3A_541 : f32 to vector<16xf32>
        %mul3A_543 = arith.mulf %get3A_540, %mul3A_542 : vector<16xf32>
        %swap3A_544 = arith.index_cast %add3A_524 : i32 to index
        %swap3A_545 = arith.constant 16 : index
        %swap3A_546 = tpu.vector_load %arg6[%swap3A_544, %swap3A_545] {strides = array<i32>} : memref<1024x64xf32, #tpu.memory_space<vmem>>, vector<1x16xf32>,
        %swap3A_547 = vector.shape_cast %swap3A_546 : vector<1x16xf32> to vector<16xf32>
        %swap3A_548 = vector.shape_cast %mul3A_543 : vector<16xf32> to vector<1x16xf32>
        tpu.vector_store %arg6[%swap3A_544, %swap3A_545], %swap3A_548 {strides = array<i32>} : memref<1024x64xf32, #tpu.memory_space<vmem>>, vector<1x16xf32>,
        %get3A_549 = arith.index_cast %add3A_524 : i32 to index
        %get3A_550 = arith.constant 32 : index
        %get3A_551 = tpu.vector_load %arg6[%get3A_549, %get3A_550] {strides = array<i32>} : memref<1024x64xf32, #tpu.memory_space<vmem>>, vector<1x16xf32>,
        %get3A_552 = vector.shape_cast %get3A_551 : vector<1x16xf32> to vector<16xf32>
        %mul3A_553 = arith.constant 8.000000e+00 : f32
        %mul3A_554 = vector.broadcast %mul3A_553 : f32 to vector<16xf32>
        %mul3A_555 = arith.mulf %get3A_552, %mul3A_554 : vector<16xf32>
        %swap3A_556 = arith.index_cast %add3A_524 : i32 to index
        %swap3A_557 = arith.constant 32 : index
        %swap3A_558 = tpu.vector_load %arg6[%swap3A_556, %swap3A_557] {strides = array<i32>} : memref<1024x64xf32, #tpu.memory_space<vmem>>, vector<1x16xf32>,
        %swap3A_559 = vector.shape_cast %swap3A_558 : vector<1x16xf32> to vector<16xf32>
        %swap3A_560 = vector.shape_cast %mul3A_555 : vector<16xf32> to vector<1x16xf32>
        tpu.vector_store %arg6[%swap3A_556, %swap3A_557], %swap3A_560 {strides = array<i32>} : memref<1024x64xf32, #tpu.memory_space<vmem>>, vector<1x16xf32>,
        %get3A_561 = arith.index_cast %add3A_524 : i32 to index
        %get3A_562 = arith.constant 48 : index
        %get3A_563 = tpu.vector_load %arg6[%get3A_561, %get3A_562] {strides = array<i32>} : memref<1024x64xf32, #tpu.memory_space<vmem>>, vector<1x16xf32>,
        %get3A_564 = vector.shape_cast %get3A_563 : vector<1x16xf32> to vector<16xf32>
        %mul3A_565 = arith.constant 8.000000e+00 : f32
        %mul3A_566 = vector.broadcast %mul3A_565 : f32 to vector<16xf32>
        %mul3A_567 = arith.mulf %get3A_564, %mul3A_566 : vector<16xf32>
        %swap3A_568 = arith.index_cast %add3A_524 : i32 to index
        %swap3A_569 = arith.constant 48 : index
        %swap3A_570 = tpu.vector_load %arg6[%swap3A_568, %swap3A_569] {strides = array<i32>} : memref<1024x64xf32, #tpu.memory_space<vmem>>, vector<1x16xf32>,
        %swap3A_571 = vector.shape_cast %swap3A_570 : vector<1x16xf32> to vector<16xf32>
        %swap3A_572 = vector.shape_cast %mul3A_567 : vector<16xf32> to vector<1x16xf32>
        tpu.vector_store %arg6[%swap3A_568, %swap3A_569], %swap3A_572 {strides = array<i32>} : memref<1024x64xf32, #tpu.memory_space<vmem>>, vector<1x16xf32>,
        %mul3A_573 = arith.constant 8 : i32
        %mul3A_574 = arith.muli %scan3A_412, %mul3A_573 : i32
        %add3A_575 = arith.constant 768 : i32
        %add3A_576 = arith.addi %add3A_575, %mul3A_574 : i32
        %add3A_577 = arith.constant 3 : i32
        %add3A_578 = arith.addi %add3A_576, %add3A_577 : i32
        %get3A_579 = arith.index_cast %add3A_578 : i32 to index
        %get3A_580 = arith.constant 0 : index
        %get3A_581 = tpu.vector_load %arg6[%get3A_579, %get3A_580] {strides = array<i32>} : memref<1024x64xf32, #tpu.memory_space<vmem>>, vector<1x16xf32>,
        %get3A_582 = vector.shape_cast %get3A_581 : vector<1x16xf32> to vector<16xf32>
        %mul3A_583 = arith.constant 8.000000e+00 : f32
        %mul3A_584 = vector.broadcast %mul3A_583 : f32 to vector<16xf32>
        %mul3A_585 = arith.mulf %get3A_582, %mul3A_584 : vector<16xf32>
        %swap3A_586 = arith.index_cast %add3A_578 : i32 to index
        %swap3A_587 = arith.constant 0 : index
        %swap3A_588 = tpu.vector_load %arg6[%swap3A_586, %swap3A_587] {strides = array<i32>} : memref<1024x64xf32, #tpu.memory_space<vmem>>, vector<1x16xf32>,
        %swap3A_589 = vector.shape_cast %swap3A_588 : vector<1x16xf32> to vector<16xf32>
        %swap3A_590 = vector.shape_cast %mul3A_585 : vector<16xf32> to vector<1x16xf32>
        tpu.vector_store %arg6[%swap3A_586, %swap3A_587], %swap3A_590 {strides = array<i32>} : memref<1024x64xf32, #tpu.memory_space<vmem>>, vector<1x16xf32>,
        %get3A_591 = arith.index_cast %add3A_578 : i32 to index
        %get3A_592 = arith.constant 16 : index
        %get3A_593 = tpu.vector_load %arg6[%get3A_591, %get3A_592] {strides = array<i32>} : memref<1024x64xf32, #tpu.memory_space<vmem>>, vector<1x16xf32>,
        %get3A_594 = vector.shape_cast %get3A_593 : vector<1x16xf32> to vector<16xf32>
        %mul3A_595 = arith.constant 8.000000e+00 : f32
        %mul3A_596 = vector.broadcast %mul3A_595 : f32 to vector<16xf32>
        %mul3A_597 = arith.mulf %get3A_594, %mul3A_596 : vector<16xf32>
        %swap3A_598 = arith.index_cast %add3A_578 : i32 to index
        %swap3A_599 = arith.constant 16 : index
        %swap3A_600 = tpu.vector_load %arg6[%swap3A_598, %swap3A_599] {strides = array<i32>} : memref<1024x64xf32, #tpu.memory_space<vmem>>, vector<1x16xf32>,
        %swap3A_601 = vector.shape_cast %swap3A_600 : vector<1x16xf32> to vector<16xf32>
        %swap3A_602 = vector.shape_cast %mul3A_597 : vector<16xf32> to vector<1x16xf32>
        tpu.vector_store %arg6[%swap3A_598, %swap3A_599], %swap3A_602 {strides = array<i32>} : memref<1024x64xf32, #tpu.memory_space<vmem>>, vector<1x16xf32>,
        %get3A_603 = arith.index_cast %add3A_578 : i32 to index
        %get3A_604 = arith.constant 32 : index
        %get3A_605 = tpu.vector_load %arg6[%get3A_603, %get3A_604] {strides = array<i32>} : memref<1024x64xf32, #tpu.memory_space<vmem>>, vector<1x16xf32>,
        %get3A_606 = vector.shape_cast %get3A_605 : vector<1x16xf32> to vector<16xf32>
        %mul3A_607 = arith.constant 8.000000e+00 : f32
        %mul3A_608 = vector.broadcast %mul3A_607 : f32 to vector<16xf32>
        %mul3A_609 = arith.mulf %get3A_606, %mul3A_608 : vector<16xf32>
        %swap3A_610 = arith.index_cast %add3A_578 : i32 to index
        %swap3A_611 = arith.constant 32 : index
        %swap3A_612 = tpu.vector_load %arg6[%swap3A_610, %swap3A_611] {strides = array<i32>} : memref<1024x64xf32, #tpu.memory_space<vmem>>, vector<1x16xf32>,
        %swap3A_613 = vector.shape_cast %swap3A_612 : vector<1x16xf32> to vector<16xf32>
        %swap3A_614 = vector.shape_cast %mul3A_609 : vector<16xf32> to vector<1x16xf32>
        tpu.vector_store %arg6[%swap3A_610, %swap3A_611], %swap3A_614 {strides = array<i32>} : memref<1024x64xf32, #tpu.memory_space<vmem>>, vector<1x16xf32>,
        %get3A_615 = arith.index_cast %add3A_578 : i32 to index
        %get3A_616 = arith.constant 48 : index
        %get3A_617 = tpu.vector_load %arg6[%get3A_615, %get3A_616] {strides = array<i32>} : memref<1024x64xf32, #tpu.memory_space<vmem>>, vector<1x16xf32>,
        %get3A_618 = vector.shape_cast %get3A_617 : vector<1x16xf32> to vector<16xf32>
        %mul3A_619 = arith.constant 8.000000e+00 : f32
        %mul3A_620 = vector.broadcast %mul3A_619 : f32 to vector<16xf32>
        %mul3A_621 = arith.mulf %get3A_618, %mul3A_620 : vector<16xf32>
        %swap3A_622 = arith.index_cast %add3A_578 : i32 to index
        %swap3A_623 = arith.constant 48 : index
        %swap3A_624 = tpu.vector_load %arg6[%swap3A_622, %swap3A_623] {strides = array<i32>} : memref<1024x64xf32, #tpu.memory_space<vmem>>, vector<1x16xf32>,
        %swap3A_625 = vector.shape_cast %swap3A_624 : vector<1x16xf32> to vector<16xf32>
        %swap3A_626 = vector.shape_cast %mul3A_621 : vector<16xf32> to vector<1x16xf32>
        tpu.vector_store %arg6[%swap3A_622, %swap3A_623], %swap3A_626 {strides = array<i32>} : memref<1024x64xf32, #tpu.memory_space<vmem>>, vector<1x16xf32>,
        %mul3A_627 = arith.constant 8 : i32
        %mul3A_628 = arith.muli %scan3A_412, %mul3A_627 : i32
        %add3A_629 = arith.constant 768 : i32
        %add3A_630 = arith.addi %add3A_629, %mul3A_628 : i32
        %add3A_631 = arith.constant 4 : i32
        %add3A_632 = arith.addi %add3A_630, %add3A_631 : i32
        %get3A_633 = arith.index_cast %add3A_632 : i32 to index
        %get3A_634 = arith.constant 0 : index
        %get3A_635 = tpu.vector_load %arg6[%get3A_633, %get3A_634] {strides = array<i32>} : memref<1024x64xf32, #tpu.memory_space<vmem>>, vector<1x16xf32>,
        %get3A_636 = vector.shape_cast %get3A_635 : vector<1x16xf32> to vector<16xf32>
        %mul3A_637 = arith.constant 8.000000e+00 : f32
        %mul3A_638 = vector.broadcast %mul3A_637 : f32 to vector<16xf32>
        %mul3A_639 = arith.mulf %get3A_636, %mul3A_638 : vector<16xf32>
        %swap3A_640 = arith.index_cast %add3A_632 : i32 to index
        %swap3A_641 = arith.constant 0 : index
        %swap3A_642 = tpu.vector_load %arg6[%swap3A_640, %swap3A_641] {strides = array<i32>} : memref<1024x64xf32, #tpu.memory_space<vmem>>, vector<1x16xf32>,
        %swap3A_643 = vector.shape_cast %swap3A_642 : vector<1x16xf32> to vector<16xf32>
        %swap3A_644 = vector.shape_cast %mul3A_639 : vector<16xf32> to vector<1x16xf32>
        tpu.vector_store %arg6[%swap3A_640, %swap3A_641], %swap3A_644 {strides = array<i32>} : memref<1024x64xf32, #tpu.memory_space<vmem>>, vector<1x16xf32>,
        %get3A_645 = arith.index_cast %add3A_632 : i32 to index
        %get3A_646 = arith.constant 16 : index
        %get3A_647 = tpu.vector_load %arg6[%get3A_645, %get3A_646] {strides = array<i32>} : memref<1024x64xf32, #tpu.memory_space<vmem>>, vector<1x16xf32>,
        %get3A_648 = vector.shape_cast %get3A_647 : vector<1x16xf32> to vector<16xf32>
        %mul3A_649 = arith.constant 8.000000e+00 : f32
        %mul3A_650 = vector.broadcast %mul3A_649 : f32 to vector<16xf32>
        %mul3A_651 = arith.mulf %get3A_648, %mul3A_650 : vector<16xf32>
        %swap3A_652 = arith.index_cast %add3A_632 : i32 to index
        %swap3A_653 = arith.constant 16 : index
        %swap3A_654 = tpu.vector_load %arg6[%swap3A_652, %swap3A_653] {strides = array<i32>} : memref<1024x64xf32, #tpu.memory_space<vmem>>, vector<1x16xf32>,
        %swap3A_655 = vector.shape_cast %swap3A_654 : vector<1x16xf32> to vector<16xf32>
        %swap3A_656 = vector.shape_cast %mul3A_651 : vector<16xf32> to vector<1x16xf32>
        tpu.vector_store %arg6[%swap3A_652, %swap3A_653], %swap3A_656 {strides = array<i32>} : memref<1024x64xf32, #tpu.memory_space<vmem>>, vector<1x16xf32>,
        %get3A_657 = arith.index_cast %add3A_632 : i32 to index
        %get3A_658 = arith.constant 32 : index
        %get3A_659 = tpu.vector_load %arg6[%get3A_657, %get3A_658] {strides = array<i32>} : memref<1024x64xf32, #tpu.memory_space<vmem>>, vector<1x16xf32>,
        %get3A_660 = vector.shape_cast %get3A_659 : vector<1x16xf32> to vector<16xf32>
        %mul3A_661 = arith.constant 8.000000e+00 : f32
        %mul3A_662 = vector.broadcast %mul3A_661 : f32 to vector<16xf32>
        %mul3A_663 = arith.mulf %get3A_660, %mul3A_662 : vector<16xf32>
        %swap3A_664 = arith.index_cast %add3A_632 : i32 to index
        %swap3A_665 = arith.constant 32 : index
        %swap3A_666 = tpu.vector_load %arg6[%swap3A_664, %swap3A_665] {strides = array<i32>} : memref<1024x64xf32, #tpu.memory_space<vmem>>, vector<1x16xf32>,
        %swap3A_667 = vector.shape_cast %swap3A_666 : vector<1x16xf32> to vector<16xf32>
        %swap3A_668 = vector.shape_cast %mul3A_663 : vector<16xf32> to vector<1x16xf32>
        tpu.vector_store %arg6[%swap3A_664, %swap3A_665], %swap3A_668 {strides = array<i32>} : memref<1024x64xf32, #tpu.memory_space<vmem>>, vector<1x16xf32>,
        %get3A_669 = arith.index_cast %add3A_632 : i32 to index
        %get3A_670 = arith.constant 48 : index
        %get3A_671 = tpu.vector_load %arg6[%get3A_669, %get3A_670] {strides = array<i32>} : memref<1024x64xf32, #tpu.memory_space<vmem>>, vector<1x16xf32>,
        %get3A_672 = vector.shape_cast %get3A_671 : vector<1x16xf32> to vector<16xf32>
        %mul3A_673 = arith.constant 8.000000e+00 : f32
        %mul3A_674 = vector.broadcast %mul3A_673 : f32 to vector<16xf32>
        %mul3A_675 = arith.mulf %get3A_672, %mul3A_674 : vector<16xf32>
        %swap3A_676 = arith.index_cast %add3A_632 : i32 to index
        %swap3A_677 = arith.constant 48 : index
        %swap3A_678 = tpu.vector_load %arg6[%swap3A_676, %swap3A_677] {strides = array<i32>} : memref<1024x64xf32, #tpu.memory_space<vmem>>, vector<1x16xf32>,
        %swap3A_679 = vector.shape_cast %swap3A_678 : vector<1x16xf32> to vector<16xf32>
        %swap3A_680 = vector.shape_cast %mul3A_675 : vector<16xf32> to vector<1x16xf32>
        tpu.vector_store %arg6[%swap3A_676, %swap3A_677], %swap3A_680 {strides = array<i32>} : memref<1024x64xf32, #tpu.memory_space<vmem>>, vector<1x16xf32>,
        %mul3A_681 = arith.constant 8 : i32
        %mul3A_682 = arith.muli %scan3A_412, %mul3A_681 : i32
        %add3A_683 = arith.constant 768 : i32
        %add3A_684 = arith.addi %add3A_683, %mul3A_682 : i32
        %add3A_685 = arith.constant 5 : i32
        %add3A_686 = arith.addi %add3A_684, %add3A_685 : i32
        %get3A_687 = arith.index_cast %add3A_686 : i32 to index
        %get3A_688 = arith.constant 0 : index
        %get3A_689 = tpu.vector_load %arg6[%get3A_687, %get3A_688] {strides = array<i32>} : memref<1024x64xf32, #tpu.memory_space<vmem>>, vector<1x16xf32>,
        %get3A_690 = vector.shape_cast %get3A_689 : vector<1x16xf32> to vector<16xf32>
        %mul3A_691 = arith.constant 8.000000e+00 : f32
        %mul3A_692 = vector.broadcast %mul3A_691 : f32 to vector<16xf32>
        %mul3A_693 = arith.mulf %get3A_690, %mul3A_692 : vector<16xf32>
        %swap3A_694 = arith.index_cast %add3A_686 : i32 to index
        %swap3A_695 = arith.constant 0 : index
        %swap3A_696 = tpu.vector_load %arg6[%swap3A_694, %swap3A_695] {strides = array<i32>} : memref<1024x64xf32, #tpu.memory_space<vmem>>, vector<1x16xf32>,
        %swap3A_697 = vector.shape_cast %swap3A_696 : vector<1x16xf32> to vector<16xf32>
        %swap3A_698 = vector.shape_cast %mul3A_693 : vector<16xf32> to vector<1x16xf32>
        tpu.vector_store %arg6[%swap3A_694, %swap3A_695], %swap3A_698 {strides = array<i32>} : memref<1024x64xf32, #tpu.memory_space<vmem>>, vector<1x16xf32>,
        %get3A_699 = arith.index_cast %add3A_686 : i32 to index
        %get3A_700 = arith.constant 16 : index
        %get3A_701 = tpu.vector_load %arg6[%get3A_699, %get3A_700] {strides = array<i32>} : memref<1024x64xf32, #tpu.memory_space<vmem>>, vector<1x16xf32>,
        %get3A_702 = vector.shape_cast %get3A_701 : vector<1x16xf32> to vector<16xf32>
        %mul3A_703 = arith.constant 8.000000e+00 : f32
        %mul3A_704 = vector.broadcast %mul3A_703 : f32 to vector<16xf32>
        %mul3A_705 = arith.mulf %get3A_702, %mul3A_704 : vector<16xf32>
        %swap3A_706 = arith.index_cast %add3A_686 : i32 to index
        %swap3A_707 = arith.constant 16 : index
        %swap3A_708 = tpu.vector_load %arg6[%swap3A_706, %swap3A_707] {strides = array<i32>} : memref<1024x64xf32, #tpu.memory_space<vmem>>, vector<1x16xf32>,
        %swap3A_709 = vector.shape_cast %swap3A_708 : vector<1x16xf32> to vector<16xf32>
        %swap3A_710 = vector.shape_cast %mul3A_705 : vector<16xf32> to vector<1x16xf32>
        tpu.vector_store %arg6[%swap3A_706, %swap3A_707], %swap3A_710 {strides = array<i32>} : memref<1024x64xf32, #tpu.memory_space<vmem>>, vector<1x16xf32>,
        %get3A_711 = arith.index_cast %add3A_686 : i32 to index
        %get3A_712 = arith.constant 32 : index
        %get3A_713 = tpu.vector_load %arg6[%get3A_711, %get3A_712] {strides = array<i32>} : memref<1024x64xf32, #tpu.memory_space<vmem>>, vector<1x16xf32>,
        %get3A_714 = vector.shape_cast %get3A_713 : vector<1x16xf32> to vector<16xf32>
        %mul3A_715 = arith.constant 8.000000e+00 : f32
        %mul3A_716 = vector.broadcast %mul3A_715 : f32 to vector<16xf32>
        %mul3A_717 = arith.mulf %get3A_714, %mul3A_716 : vector<16xf32>
        %swap3A_718 = arith.index_cast %add3A_686 : i32 to index
        %swap3A_719 = arith.constant 32 : index
        %swap3A_720 = tpu.vector_load %arg6[%swap3A_718, %swap3A_719] {strides = array<i32>} : memref<1024x64xf32, #tpu.memory_space<vmem>>, vector<1x16xf32>,
        %swap3A_721 = vector.shape_cast %swap3A_720 : vector<1x16xf32> to vector<16xf32>
        %swap3A_722 = vector.shape_cast %mul3A_717 : vector<16xf32> to vector<1x16xf32>
        tpu.vector_store %arg6[%swap3A_718, %swap3A_719], %swap3A_722 {strides = array<i32>} : memref<1024x64xf32, #tpu.memory_space<vmem>>, vector<1x16xf32>,
        %get3A_723 = arith.index_cast %add3A_686 : i32 to index
        %get3A_724 = arith.constant 48 : index
        %get3A_725 = tpu.vector_load %arg6[%get3A_723, %get3A_724] {strides = array<i32>} : memref<1024x64xf32, #tpu.memory_space<vmem>>, vector<1x16xf32>,
        %get3A_726 = vector.shape_cast %get3A_725 : vector<1x16xf32> to vector<16xf32>
        %mul3A_727 = arith.constant 8.000000e+00 : f32
        %mul3A_728 = vector.broadcast %mul3A_727 : f32 to vector<16xf32>
        %mul3A_729 = arith.mulf %get3A_726, %mul3A_728 : vector<16xf32>
        %swap3A_730 = arith.index_cast %add3A_686 : i32 to index
        %swap3A_731 = arith.constant 48 : index
        %swap3A_732 = tpu.vector_load %arg6[%swap3A_730, %swap3A_731] {strides = array<i32>} : memref<1024x64xf32, #tpu.memory_space<vmem>>, vector<1x16xf32>,
        %swap3A_733 = vector.shape_cast %swap3A_732 : vector<1x16xf32> to vector<16xf32>
        %swap3A_734 = vector.shape_cast %mul3A_729 : vector<16xf32> to vector<1x16xf32>
        tpu.vector_store %arg6[%swap3A_730, %swap3A_731], %swap3A_734 {strides = array<i32>} : memref<1024x64xf32, #tpu.memory_space<vmem>>, vector<1x16xf32>,
        %mul3A_735 = arith.constant 8 : i32
        %mul3A_736 = arith.muli %scan3A_412, %mul3A_735 : i32
        %add3A_737 = arith.constant 768 : i32
        %add3A_738 = arith.addi %add3A_737, %mul3A_736 : i32
        %add3A_739 = arith.constant 6 : i32
        %add3A_740 = arith.addi %add3A_738, %add3A_739 : i32
        %get3A_741 = arith.index_cast %add3A_740 : i32 to index
        %get3A_742 = arith.constant 0 : index
        %get3A_743 = tpu.vector_load %arg6[%get3A_741, %get3A_742] {strides = array<i32>} : memref<1024x64xf32, #tpu.memory_space<vmem>>, vector<1x16xf32>,
        %get3A_744 = vector.shape_cast %get3A_743 : vector<1x16xf32> to vector<16xf32>
        %mul3A_745 = arith.constant 8.000000e+00 : f32
        %mul3A_746 = vector.broadcast %mul3A_745 : f32 to vector<16xf32>
        %mul3A_747 = arith.mulf %get3A_744, %mul3A_746 : vector<16xf32>
        %swap3A_748 = arith.index_cast %add3A_740 : i32 to index
        %swap3A_749 = arith.constant 0 : index
        %swap3A_750 = tpu.vector_load %arg6[%swap3A_748, %swap3A_749] {strides = array<i32>} : memref<1024x64xf32, #tpu.memory_space<vmem>>, vector<1x16xf32>,
        %swap3A_751 = vector.shape_cast %swap3A_750 : vector<1x16xf32> to vector<16xf32>
        %swap3A_752 = vector.shape_cast %mul3A_747 : vector<16xf32> to vector<1x16xf32>
        tpu.vector_store %arg6[%swap3A_748, %swap3A_749], %swap3A_752 {strides = array<i32>} : memref<1024x64xf32, #tpu.memory_space<vmem>>, vector<1x16xf32>,
        %get3A_753 = arith.index_cast %add3A_740 : i32 to index
        %get3A_754 = arith.constant 16 : index
        %get3A_755 = tpu.vector_load %arg6[%get3A_753, %get3A_754] {strides = array<i32>} : memref<1024x64xf32, #tpu.memory_space<vmem>>, vector<1x16xf32>,
        %get3A_756 = vector.shape_cast %get3A_755 : vector<1x16xf32> to vector<16xf32>
        %mul3A_757 = arith.constant 8.000000e+00 : f32
        %mul3A_758 = vector.broadcast %mul3A_757 : f32 to vector<16xf32>
        %mul3A_759 = arith.mulf %get3A_756, %mul3A_758 : vector<16xf32>
        %swap3A_760 = arith.index_cast %add3A_740 : i32 to index
        %swap3A_761 = arith.constant 16 : index
        %swap3A_762 = tpu.vector_load %arg6[%swap3A_760, %swap3A_761] {strides = array<i32>} : memref<1024x64xf32, #tpu.memory_space<vmem>>, vector<1x16xf32>,
        %swap3A_763 = vector.shape_cast %swap3A_762 : vector<1x16xf32> to vector<16xf32>
        %swap3A_764 = vector.shape_cast %mul3A_759 : vector<16xf32> to vector<1x16xf32>
        tpu.vector_store %arg6[%swap3A_760, %swap3A_761], %swap3A_764 {strides = array<i32>} : memref<1024x64xf32, #tpu.memory_space<vmem>>, vector<1x16xf32>,
        %get3A_765 = arith.index_cast %add3A_740 : i32 to index
        %get3A_766 = arith.constant 32 : index
        %get3A_767 = tpu.vector_load %arg6[%get3A_765, %get3A_766] {strides = array<i32>} : memref<1024x64xf32, #tpu.memory_space<vmem>>, vector<1x16xf32>,
        %get3A_768 = vector.shape_cast %get3A_767 : vector<1x16xf32> to vector<16xf32>
        %mul3A_769 = arith.constant 8.000000e+00 : f32
        %mul3A_770 = vector.broadcast %mul3A_769 : f32 to vector<16xf32>
        %mul3A_771 = arith.mulf %get3A_768, %mul3A_770 : vector<16xf32>
        %swap3A_772 = arith.index_cast %add3A_740 : i32 to index
        %swap3A_773 = arith.constant 32 : index
        %swap3A_774 = tpu.vector_load %arg6[%swap3A_772, %swap3A_773] {strides = array<i32>} : memref<1024x64xf32, #tpu.memory_space<vmem>>, vector<1x16xf32>,
        %swap3A_775 = vector.shape_cast %swap3A_774 : vector<1x16xf32> to vector<16xf32>
        %swap3A_776 = vector.shape_cast %mul3A_771 : vector<16xf32> to vector<1x16xf32>
        tpu.vector_store %arg6[%swap3A_772, %swap3A_773], %swap3A_776 {strides = array<i32>} : memref<1024x64xf32, #tpu.memory_space<vmem>>, vector<1x16xf32>,
        %get3A_777 = arith.index_cast %add3A_740 : i32 to index
        %get3A_778 = arith.constant 48 : index
        %get3A_779 = tpu.vector_load %arg6[%get3A_777, %get3A_778] {strides = array<i32>} : memref<1024x64xf32, #tpu.memory_space<vmem>>, vector<1x16xf32>,
        %get3A_780 = vector.shape_cast %get3A_779 : vector<1x16xf32> to vector<16xf32>
        %mul3A_781 = arith.constant 8.000000e+00 : f32
        %mul3A_782 = vector.broadcast %mul3A_781 : f32 to vector<16xf32>
        %mul3A_783 = arith.mulf %get3A_780, %mul3A_782 : vector<16xf32>
        %swap3A_784 = arith.index_cast %add3A_740 : i32 to index
        %swap3A_785 = arith.constant 48 : index
        %swap3A_786 = tpu.vector_load %arg6[%swap3A_784, %swap3A_785] {strides = array<i32>} : memref<1024x64xf32, #tpu.memory_space<vmem>>, vector<1x16xf32>,
        %swap3A_787 = vector.shape_cast %swap3A_786 : vector<1x16xf32> to vector<16xf32>
        %swap3A_788 = vector.shape_cast %mul3A_783 : vector<16xf32> to vector<1x16xf32>
        tpu.vector_store %arg6[%swap3A_784, %swap3A_785], %swap3A_788 {strides = array<i32>} : memref<1024x64xf32, #tpu.memory_space<vmem>>, vector<1x16xf32>,
        %mul3A_789 = arith.constant 8 : i32
        %mul3A_790 = arith.muli %scan3A_412, %mul3A_789 : i32
        %add3A_791 = arith.constant 768 : i32
        %add3A_792 = arith.addi %add3A_791, %mul3A_790 : i32
        %add3A_793 = arith.constant 7 : i32
        %add3A_794 = arith.addi %add3A_792, %add3A_793 : i32
        %get3A_795 = arith.index_cast %add3A_794 : i32 to index
        %get3A_796 = arith.constant 0 : index
        %get3A_797 = tpu.vector_load %arg6[%get3A_795, %get3A_796] {strides = array<i32>} : memref<1024x64xf32, #tpu.memory_space<vmem>>, vector<1x16xf32>,
        %get3A_798 = vector.shape_cast %get3A_797 : vector<1x16xf32> to vector<16xf32>
        %mul3A_799 = arith.constant 8.000000e+00 : f32
        %mul3A_800 = vector.broadcast %mul3A_799 : f32 to vector<16xf32>
        %mul3A_801 = arith.mulf %get3A_798, %mul3A_800 : vector<16xf32>
        %swap3A_802 = arith.index_cast %add3A_794 : i32 to index
        %swap3A_803 = arith.constant 0 : index
        %swap3A_804 = tpu.vector_load %arg6[%swap3A_802, %swap3A_803] {strides = array<i32>} : memref<1024x64xf32, #tpu.memory_space<vmem>>, vector<1x16xf32>,
        %swap3A_805 = vector.shape_cast %swap3A_804 : vector<1x16xf32> to vector<16xf32>
        %swap3A_806 = vector.shape_cast %mul3A_801 : vector<16xf32> to vector<1x16xf32>
        tpu.vector_store %arg6[%swap3A_802, %swap3A_803], %swap3A_806 {strides = array<i32>} : memref<1024x64xf32, #tpu.memory_space<vmem>>, vector<1x16xf32>,
        %get3A_807 = arith.index_cast %add3A_794 : i32 to index
        %get3A_808 = arith.constant 16 : index
        %get3A_809 = tpu.vector_load %arg6[%get3A_807, %get3A_808] {strides = array<i32>} : memref<1024x64xf32, #tpu.memory_space<vmem>>, vector<1x16xf32>,
        %get3A_810 = vector.shape_cast %get3A_809 : vector<1x16xf32> to vector<16xf32>
        %mul3A_811 = arith.constant 8.000000e+00 : f32
        %mul3A_812 = vector.broadcast %mul3A_811 : f32 to vector<16xf32>
        %mul3A_813 = arith.mulf %get3A_810, %mul3A_812 : vector<16xf32>
        %swap3A_814 = arith.index_cast %add3A_794 : i32 to index
        %swap3A_815 = arith.constant 16 : index
        %swap3A_816 = tpu.vector_load %arg6[%swap3A_814, %swap3A_815] {strides = array<i32>} : memref<1024x64xf32, #tpu.memory_space<vmem>>, vector<1x16xf32>,
        %swap3A_817 = vector.shape_cast %swap3A_816 : vector<1x16xf32> to vector<16xf32>
        %swap3A_818 = vector.shape_cast %mul3A_813 : vector<16xf32> to vector<1x16xf32>
        tpu.vector_store %arg6[%swap3A_814, %swap3A_815], %swap3A_818 {strides = array<i32>} : memref<1024x64xf32, #tpu.memory_space<vmem>>, vector<1x16xf32>,
        %get3A_819 = arith.index_cast %add3A_794 : i32 to index
        %get3A_820 = arith.constant 32 : index
        %get3A_821 = tpu.vector_load %arg6[%get3A_819, %get3A_820] {strides = array<i32>} : memref<1024x64xf32, #tpu.memory_space<vmem>>, vector<1x16xf32>,
        %get3A_822 = vector.shape_cast %get3A_821 : vector<1x16xf32> to vector<16xf32>
        %mul3A_823 = arith.constant 8.000000e+00 : f32
        %mul3A_824 = vector.broadcast %mul3A_823 : f32 to vector<16xf32>
        %mul3A_825 = arith.mulf %get3A_822, %mul3A_824 : vector<16xf32>
        %swap3A_826 = arith.index_cast %add3A_794 : i32 to index
        %swap3A_827 = arith.constant 32 : index
        %swap3A_828 = tpu.vector_load %arg6[%swap3A_826, %swap3A_827] {strides = array<i32>} : memref<1024x64xf32, #tpu.memory_space<vmem>>, vector<1x16xf32>,
        %swap3A_829 = vector.shape_cast %swap3A_828 : vector<1x16xf32> to vector<16xf32>
        %swap3A_830 = vector.shape_cast %mul3A_825 : vector<16xf32> to vector<1x16xf32>
        tpu.vector_store %arg6[%swap3A_826, %swap3A_827], %swap3A_830 {strides = array<i32>} : memref<1024x64xf32, #tpu.memory_space<vmem>>, vector<1x16xf32>,
        %get3A_831 = arith.index_cast %add3A_794 : i32 to index
        %get3A_832 = arith.constant 48 : index
        %get3A_833 = tpu.vector_load %arg6[%get3A_831, %get3A_832] {strides = array<i32>} : memref<1024x64xf32, #tpu.memory_space<vmem>>, vector<1x16xf32>,
        %get3A_834 = vector.shape_cast %get3A_833 : vector<1x16xf32> to vector<16xf32>
        %mul3A_835 = arith.constant 8.000000e+00 : f32
        %mul3A_836 = vector.broadcast %mul3A_835 : f32 to vector<16xf32>
        %mul3A_837 = arith.mulf %get3A_834, %mul3A_836 : vector<16xf32>
        %swap3A_838 = arith.index_cast %add3A_794 : i32 to index
        %swap3A_839 = arith.constant 48 : index
        %swap3A_840 = tpu.vector_load %arg6[%swap3A_838, %swap3A_839] {strides = array<i32>} : memref<1024x64xf32, #tpu.memory_space<vmem>>, vector<1x16xf32>,
        %swap3A_841 = vector.shape_cast %swap3A_840 : vector<1x16xf32> to vector<16xf32>
        %swap3A_842 = vector.shape_cast %mul3A_837 : vector<16xf32> to vector<1x16xf32>
        tpu.vector_store %arg6[%swap3A_838, %swap3A_839], %swap3A_842 {strides = array<i32>} : memref<1024x64xf32, #tpu.memory_space<vmem>>, vector<1x16xf32>,
      }
      %scan3A_292 = arith.constant 16 : i32
      %add3A_293 = arith.constant 768 : i32
      %add3A_294 = arith.addi %mul3A_13, %add3A_293 : i32
      %dma_start3A_295 = arith.constant 768 : i32
      %dma_start3A_296 = arith.constant 0 : i32
      %dma_start3A_297 = tpu.memref_slice %arg6[%dma_start3A_295, %dma_start3A_296] : memref<1024x64xf32, #tpu.memory_space<vmem>> -> memref<128x64xf32, #tpu.memory_space<vmem>>
      %dma_start3A_298 = arith.constant 0 : i32
      %dma_start3A_299 = tpu.memref_slice %arg4[%add3A_294, %dma_start3A_298] : memref<819200x64xf32, #tpu.memory_space<hbm>> -> memref<128x64xf32, #tpu.memory_space<hbm>>
      %dma_start3A_300 = arith.constant 0 : i32
      %dma_start3A_301 = tpu.memref_slice %arg4[%add3A_294, %dma_start3A_300] : memref<819200x64xf32, #tpu.memory_space<hbm>> -> memref<128x64xf32, #tpu.memory_space<hbm>>
      %dma_start3A_302 = arith.constant 768 : i32
      %dma_start3A_303 = arith.constant 0 : i32
      %dma_start3A_304 = tpu.memref_slice %arg6[%dma_start3A_302, %dma_start3A_303] : memref<1024x64xf32, #tpu.memory_space<vmem>> -> memref<128x64xf32, #tpu.memory_space<vmem>>
      tpu.enqueue_dma source(%dma_start3A_304 : memref<128x64xf32, #tpu.memory_space<vmem>>) target(%dma_start3A_301 : memref<128x64xf32, #tpu.memory_space<hbm>>) target_semaphore(%arg8 : memref<!tpu.dma_semaphore, #tpu.memory_space<semaphore_mem>>)
      %dma_wait3A_305 = arith.constant 896 : i32
      %dma_wait3A_306 = arith.constant 0 : i32
      %dma_wait3A_307 = tpu.memref_slice %arg6[%dma_wait3A_305, %dma_wait3A_306] : memref<1024x64xf32, #tpu.memory_space<vmem>> -> memref<128x64xf32, #tpu.memory_space<vmem>>
      %dma_wait3A_308 = arith.constant 0 : i32
      %dma_wait3A_309 = tpu.memref_slice %arg5[%add3A_107, %dma_wait3A_308] : memref<200x128xi32, #tpu.memory_space<vmem>> -> memref<1x128xi32, #tpu.memory_space<vmem>>
      %dma_wait3A_310 = tpu.memref_squeeze %dma_wait3A_309 : memref<1x128xi32, #tpu.memory_space<vmem>> -> memref<128xi32, #tpu.memory_space<vmem>>
      %dma_wait3A_311 = arith.constant 0 : i32
      %dma_wait3A_312 = arith.constant 0 : i32
      %dma_wait3A_313 = tpu.memref_slice %arg3[%dma_wait3A_311, %dma_wait3A_312] : memref<1000000x64xf32, #tpu.memory_space<hbm>> -> memref<1000000x64xf32, #tpu.memory_space<hbm>>
      tpu.wait_indirect_dma semaphore(%arg7 : memref<!tpu.dma_semaphore, #tpu.memory_space<semaphore_mem>>) src(%dma_wait3A_313 : memref<1000000x64xf32, #tpu.memory_space<hbm>>) dst(%dma_wait3A_307 : memref<128x64xf32, #tpu.memory_space<vmem>>)
      %scan3A_314 = arith.constant 0 : i32
      %scan3A_315 = arith.constant 0 : i32
      %scan3A_316 = arith.constant 16 : i32
      %scan3A_317 = arith.addi %scan3A_315, %scan3A_316 : i32
      %scan3A_318 = arith.constant 1 : i32
      scf.for %scan3A_412 = %scan3A_315 to %scan3A_317 step %scan3A_318  : i32 {
        %mul3A_413 = arith.constant 8 : i32
        %mul3A_414 = arith.muli %scan3A_412, %mul3A_413 : i32
        %add3A_415 = arith.constant 896 : i32
        %add3A_416 = arith.addi %add3A_415, %mul3A_414 : i32
        %add3A_417 = arith.constant 0 : i32
        %add3A_418 = arith.addi %add3A_416, %add3A_417 : i32
        %get3A = arith.index_cast %add3A_418 : i32 to index
        %get3A_419 = arith.constant 0 : index
        %get3A_420 = tpu.vector_load %arg6[%get3A, %get3A_419] {strides = array<i32>} : memref<1024x64xf32, #tpu.memory_space<vmem>>, vector<1x16xf32>,
        %get3A_421 = vector.shape_cast %get3A_420 : vector<1x16xf32> to vector<16xf32>
        %mul3A_422 = arith.constant 8.000000e+00 : f32
        %mul3A_423 = vector.broadcast %mul3A_422 : f32 to vector<16xf32>
        %mul3A_424 = arith.mulf %get3A_421, %mul3A_423 : vector<16xf32>
        %swap3A = arith.index_cast %add3A_418 : i32 to index
        %swap3A_425 = arith.constant 0 : index
        %swap3A_426 = tpu.vector_load %arg6[%swap3A, %swap3A_425] {strides = array<i32>} : memref<1024x64xf32, #tpu.memory_space<vmem>>, vector<1x16xf32>,
        %swap3A_427 = vector.shape_cast %swap3A_426 : vector<1x16xf32> to vector<16xf32>
        %swap3A_428 = vector.shape_cast %mul3A_424 : vector<16xf32> to vector<1x16xf32>
        tpu.vector_store %arg6[%swap3A, %swap3A_425], %swap3A_428 {strides = array<i32>} : memref<1024x64xf32, #tpu.memory_space<vmem>>, vector<1x16xf32>,
        %get3A_429 = arith.index_cast %add3A_418 : i32 to index
        %get3A_430 = arith.constant 16 : index
        %get3A_431 = tpu.vector_load %arg6[%get3A_429, %get3A_430] {strides = array<i32>} : memref<1024x64xf32, #tpu.memory_space<vmem>>, vector<1x16xf32>,
        %get3A_432 = vector.shape_cast %get3A_431 : vector<1x16xf32> to vector<16xf32>
        %mul3A_433 = arith.constant 8.000000e+00 : f32
        %mul3A_434 = vector.broadcast %mul3A_433 : f32 to vector<16xf32>
        %mul3A_435 = arith.mulf %get3A_432, %mul3A_434 : vector<16xf32>
        %swap3A_436 = arith.index_cast %add3A_418 : i32 to index
        %swap3A_437 = arith.constant 16 : index
        %swap3A_438 = tpu.vector_load %arg6[%swap3A_436, %swap3A_437] {strides = array<i32>} : memref<1024x64xf32, #tpu.memory_space<vmem>>, vector<1x16xf32>,
        %swap3A_439 = vector.shape_cast %swap3A_438 : vector<1x16xf32> to vector<16xf32>
        %swap3A_440 = vector.shape_cast %mul3A_435 : vector<16xf32> to vector<1x16xf32>
        tpu.vector_store %arg6[%swap3A_436, %swap3A_437], %swap3A_440 {strides = array<i32>} : memref<1024x64xf32, #tpu.memory_space<vmem>>, vector<1x16xf32>,
        %get3A_441 = arith.index_cast %add3A_418 : i32 to index
        %get3A_442 = arith.constant 32 : index
        %get3A_443 = tpu.vector_load %arg6[%get3A_441, %get3A_442] {strides = array<i32>} : memref<1024x64xf32, #tpu.memory_space<vmem>>, vector<1x16xf32>,
        %get3A_444 = vector.shape_cast %get3A_443 : vector<1x16xf32> to vector<16xf32>
        %mul3A_445 = arith.constant 8.000000e+00 : f32
        %mul3A_446 = vector.broadcast %mul3A_445 : f32 to vector<16xf32>
        %mul3A_447 = arith.mulf %get3A_444, %mul3A_446 : vector<16xf32>
        %swap3A_448 = arith.index_cast %add3A_418 : i32 to index
        %swap3A_449 = arith.constant 32 : index
        %swap3A_450 = tpu.vector_load %arg6[%swap3A_448, %swap3A_449] {strides = array<i32>} : memref<1024x64xf32, #tpu.memory_space<vmem>>, vector<1x16xf32>,
        %swap3A_451 = vector.shape_cast %swap3A_450 : vector<1x16xf32> to vector<16xf32>
        %swap3A_452 = vector.shape_cast %mul3A_447 : vector<16xf32> to vector<1x16xf32>
        tpu.vector_store %arg6[%swap3A_448, %swap3A_449], %swap3A_452 {strides = array<i32>} : memref<1024x64xf32, #tpu.memory_space<vmem>>, vector<1x16xf32>,
        %get3A_453 = arith.index_cast %add3A_418 : i32 to index
        %get3A_454 = arith.constant 48 : index
        %get3A_455 = tpu.vector_load %arg6[%get3A_453, %get3A_454] {strides = array<i32>} : memref<1024x64xf32, #tpu.memory_space<vmem>>, vector<1x16xf32>,
        %get3A_456 = vector.shape_cast %get3A_455 : vector<1x16xf32> to vector<16xf32>
        %mul3A_457 = arith.constant 8.000000e+00 : f32
        %mul3A_458 = vector.broadcast %mul3A_457 : f32 to vector<16xf32>
        %mul3A_459 = arith.mulf %get3A_456, %mul3A_458 : vector<16xf32>
        %swap3A_460 = arith.index_cast %add3A_418 : i32 to index
        %swap3A_461 = arith.constant 48 : index
        %swap3A_462 = tpu.vector_load %arg6[%swap3A_460, %swap3A_461] {strides = array<i32>} : memref<1024x64xf32, #tpu.memory_space<vmem>>, vector<1x16xf32>,
        %swap3A_463 = vector.shape_cast %swap3A_462 : vector<1x16xf32> to vector<16xf32>
        %swap3A_464 = vector.shape_cast %mul3A_459 : vector<16xf32> to vector<1x16xf32>
        tpu.vector_store %arg6[%swap3A_460, %swap3A_461], %swap3A_464 {strides = array<i32>} : memref<1024x64xf32, #tpu.memory_space<vmem>>, vector<1x16xf32>,
        %mul3A_465 = arith.constant 8 : i32
        %mul3A_466 = arith.muli %scan3A_412, %mul3A_465 : i32
        %add3A_467 = arith.constant 896 : i32
        %add3A_468 = arith.addi %add3A_467, %mul3A_466 : i32
        %add3A_469 = arith.constant 1 : i32
        %add3A_470 = arith.addi %add3A_468, %add3A_469 : i32
        %get3A_471 = arith.index_cast %add3A_470 : i32 to index
        %get3A_472 = arith.constant 0 : index
        %get3A_473 = tpu.vector_load %arg6[%get3A_471, %get3A_472] {strides = array<i32>} : memref<1024x64xf32, #tpu.memory_space<vmem>>, vector<1x16xf32>,
        %get3A_474 = vector.shape_cast %get3A_473 : vector<1x16xf32> to vector<16xf32>
        %mul3A_475 = arith.constant 8.000000e+00 : f32
        %mul3A_476 = vector.broadcast %mul3A_475 : f32 to vector<16xf32>
        %mul3A_477 = arith.mulf %get3A_474, %mul3A_476 : vector<16xf32>
        %swap3A_478 = arith.index_cast %add3A_470 : i32 to index
        %swap3A_479 = arith.constant 0 : index
        %swap3A_480 = tpu.vector_load %arg6[%swap3A_478, %swap3A_479] {strides = array<i32>} : memref<1024x64xf32, #tpu.memory_space<vmem>>, vector<1x16xf32>,
        %swap3A_481 = vector.shape_cast %swap3A_480 : vector<1x16xf32> to vector<16xf32>
        %swap3A_482 = vector.shape_cast %mul3A_477 : vector<16xf32> to vector<1x16xf32>
        tpu.vector_store %arg6[%swap3A_478, %swap3A_479], %swap3A_482 {strides = array<i32>} : memref<1024x64xf32, #tpu.memory_space<vmem>>, vector<1x16xf32>,
        %get3A_483 = arith.index_cast %add3A_470 : i32 to index
        %get3A_484 = arith.constant 16 : index
        %get3A_485 = tpu.vector_load %arg6[%get3A_483, %get3A_484] {strides = array<i32>} : memref<1024x64xf32, #tpu.memory_space<vmem>>, vector<1x16xf32>,
        %get3A_486 = vector.shape_cast %get3A_485 : vector<1x16xf32> to vector<16xf32>
        %mul3A_487 = arith.constant 8.000000e+00 : f32
        %mul3A_488 = vector.broadcast %mul3A_487 : f32 to vector<16xf32>
        %mul3A_489 = arith.mulf %get3A_486, %mul3A_488 : vector<16xf32>
        %swap3A_490 = arith.index_cast %add3A_470 : i32 to index
        %swap3A_491 = arith.constant 16 : index
        %swap3A_492 = tpu.vector_load %arg6[%swap3A_490, %swap3A_491] {strides = array<i32>} : memref<1024x64xf32, #tpu.memory_space<vmem>>, vector<1x16xf32>,
        %swap3A_493 = vector.shape_cast %swap3A_492 : vector<1x16xf32> to vector<16xf32>
        %swap3A_494 = vector.shape_cast %mul3A_489 : vector<16xf32> to vector<1x16xf32>
        tpu.vector_store %arg6[%swap3A_490, %swap3A_491], %swap3A_494 {strides = array<i32>} : memref<1024x64xf32, #tpu.memory_space<vmem>>, vector<1x16xf32>,
        %get3A_495 = arith.index_cast %add3A_470 : i32 to index
        %get3A_496 = arith.constant 32 : index
        %get3A_497 = tpu.vector_load %arg6[%get3A_495, %get3A_496] {strides = array<i32>} : memref<1024x64xf32, #tpu.memory_space<vmem>>, vector<1x16xf32>,
        %get3A_498 = vector.shape_cast %get3A_497 : vector<1x16xf32> to vector<16xf32>
        %mul3A_499 = arith.constant 8.000000e+00 : f32
        %mul3A_500 = vector.broadcast %mul3A_499 : f32 to vector<16xf32>
        %mul3A_501 = arith.mulf %get3A_498, %mul3A_500 : vector<16xf32>
        %swap3A_502 = arith.index_cast %add3A_470 : i32 to index
        %swap3A_503 = arith.constant 32 : index
        %swap3A_504 = tpu.vector_load %arg6[%swap3A_502, %swap3A_503] {strides = array<i32>} : memref<1024x64xf32, #tpu.memory_space<vmem>>, vector<1x16xf32>,
        %swap3A_505 = vector.shape_cast %swap3A_504 : vector<1x16xf32> to vector<16xf32>
        %swap3A_506 = vector.shape_cast %mul3A_501 : vector<16xf32> to vector<1x16xf32>
        tpu.vector_store %arg6[%swap3A_502, %swap3A_503], %swap3A_506 {strides = array<i32>} : memref<1024x64xf32, #tpu.memory_space<vmem>>, vector<1x16xf32>,
        %get3A_507 = arith.index_cast %add3A_470 : i32 to index
        %get3A_508 = arith.constant 48 : index
        %get3A_509 = tpu.vector_load %arg6[%get3A_507, %get3A_508] {strides = array<i32>} : memref<1024x64xf32, #tpu.memory_space<vmem>>, vector<1x16xf32>,
        %get3A_510 = vector.shape_cast %get3A_509 : vector<1x16xf32> to vector<16xf32>
        %mul3A_511 = arith.constant 8.000000e+00 : f32
        %mul3A_512 = vector.broadcast %mul3A_511 : f32 to vector<16xf32>
        %mul3A_513 = arith.mulf %get3A_510, %mul3A_512 : vector<16xf32>
        %swap3A_514 = arith.index_cast %add3A_470 : i32 to index
        %swap3A_515 = arith.constant 48 : index
        %swap3A_516 = tpu.vector_load %arg6[%swap3A_514, %swap3A_515] {strides = array<i32>} : memref<1024x64xf32, #tpu.memory_space<vmem>>, vector<1x16xf32>,
        %swap3A_517 = vector.shape_cast %swap3A_516 : vector<1x16xf32> to vector<16xf32>
        %swap3A_518 = vector.shape_cast %mul3A_513 : vector<16xf32> to vector<1x16xf32>
        tpu.vector_store %arg6[%swap3A_514, %swap3A_515], %swap3A_518 {strides = array<i32>} : memref<1024x64xf32, #tpu.memory_space<vmem>>, vector<1x16xf32>,
        %mul3A_519 = arith.constant 8 : i32
        %mul3A_520 = arith.muli %scan3A_412, %mul3A_519 : i32
        %add3A_521 = arith.constant 896 : i32
        %add3A_522 = arith.addi %add3A_521, %mul3A_520 : i32
        %add3A_523 = arith.constant 2 : i32
        %add3A_524 = arith.addi %add3A_522, %add3A_523 : i32
        %get3A_525 = arith.index_cast %add3A_524 : i32 to index
        %get3A_526 = arith.constant 0 : index
        %get3A_527 = tpu.vector_load %arg6[%get3A_525, %get3A_526] {strides = array<i32>} : memref<1024x64xf32, #tpu.memory_space<vmem>>, vector<1x16xf32>,
        %get3A_528 = vector.shape_cast %get3A_527 : vector<1x16xf32> to vector<16xf32>
        %mul3A_529 = arith.constant 8.000000e+00 : f32
        %mul3A_530 = vector.broadcast %mul3A_529 : f32 to vector<16xf32>
        %mul3A_531 = arith.mulf %get3A_528, %mul3A_530 : vector<16xf32>
        %swap3A_532 = arith.index_cast %add3A_524 : i32 to index
        %swap3A_533 = arith.constant 0 : index
        %swap3A_534 = tpu.vector_load %arg6[%swap3A_532, %swap3A_533] {strides = array<i32>} : memref<1024x64xf32, #tpu.memory_space<vmem>>, vector<1x16xf32>,
        %swap3A_535 = vector.shape_cast %swap3A_534 : vector<1x16xf32> to vector<16xf32>
        %swap3A_536 = vector.shape_cast %mul3A_531 : vector<16xf32> to vector<1x16xf32>
        tpu.vector_store %arg6[%swap3A_532, %swap3A_533], %swap3A_536 {strides = array<i32>} : memref<1024x64xf32, #tpu.memory_space<vmem>>, vector<1x16xf32>,
        %get3A_537 = arith.index_cast %add3A_524 : i32 to index
        %get3A_538 = arith.constant 16 : index
        %get3A_539 = tpu.vector_load %arg6[%get3A_537, %get3A_538] {strides = array<i32>} : memref<1024x64xf32, #tpu.memory_space<vmem>>, vector<1x16xf32>,
        %get3A_540 = vector.shape_cast %get3A_539 : vector<1x16xf32> to vector<16xf32>
        %mul3A_541 = arith.constant 8.000000e+00 : f32
        %mul3A_542 = vector.broadcast %mul3A_541 : f32 to vector<16xf32>
        %mul3A_543 = arith.mulf %get3A_540, %mul3A_542 : vector<16xf32>
        %swap3A_544 = arith.index_cast %add3A_524 : i32 to index
        %swap3A_545 = arith.constant 16 : index
        %swap3A_546 = tpu.vector_load %arg6[%swap3A_544, %swap3A_545] {strides = array<i32>} : memref<1024x64xf32, #tpu.memory_space<vmem>>, vector<1x16xf32>,
        %swap3A_547 = vector.shape_cast %swap3A_546 : vector<1x16xf32> to vector<16xf32>
        %swap3A_548 = vector.shape_cast %mul3A_543 : vector<16xf32> to vector<1x16xf32>
        tpu.vector_store %arg6[%swap3A_544, %swap3A_545], %swap3A_548 {strides = array<i32>} : memref<1024x64xf32, #tpu.memory_space<vmem>>, vector<1x16xf32>,
        %get3A_549 = arith.index_cast %add3A_524 : i32 to index
        %get3A_550 = arith.constant 32 : index
        %get3A_551 = tpu.vector_load %arg6[%get3A_549, %get3A_550] {strides = array<i32>} : memref<1024x64xf32, #tpu.memory_space<vmem>>, vector<1x16xf32>,
        %get3A_552 = vector.shape_cast %get3A_551 : vector<1x16xf32> to vector<16xf32>
        %mul3A_553 = arith.constant 8.000000e+00 : f32
        %mul3A_554 = vector.broadcast %mul3A_553 : f32 to vector<16xf32>
        %mul3A_555 = arith.mulf %get3A_552, %mul3A_554 : vector<16xf32>
        %swap3A_556 = arith.index_cast %add3A_524 : i32 to index
        %swap3A_557 = arith.constant 32 : index
        %swap3A_558 = tpu.vector_load %arg6[%swap3A_556, %swap3A_557] {strides = array<i32>} : memref<1024x64xf32, #tpu.memory_space<vmem>>, vector<1x16xf32>,
        %swap3A_559 = vector.shape_cast %swap3A_558 : vector<1x16xf32> to vector<16xf32>
        %swap3A_560 = vector.shape_cast %mul3A_555 : vector<16xf32> to vector<1x16xf32>
        tpu.vector_store %arg6[%swap3A_556, %swap3A_557], %swap3A_560 {strides = array<i32>} : memref<1024x64xf32, #tpu.memory_space<vmem>>, vector<1x16xf32>,
        %get3A_561 = arith.index_cast %add3A_524 : i32 to index
        %get3A_562 = arith.constant 48 : index
        %get3A_563 = tpu.vector_load %arg6[%get3A_561, %get3A_562] {strides = array<i32>} : memref<1024x64xf32, #tpu.memory_space<vmem>>, vector<1x16xf32>,
        %get3A_564 = vector.shape_cast %get3A_563 : vector<1x16xf32> to vector<16xf32>
        %mul3A_565 = arith.constant 8.000000e+00 : f32
        %mul3A_566 = vector.broadcast %mul3A_565 : f32 to vector<16xf32>
        %mul3A_567 = arith.mulf %get3A_564, %mul3A_566 : vector<16xf32>
        %swap3A_568 = arith.index_cast %add3A_524 : i32 to index
        %swap3A_569 = arith.constant 48 : index
        %swap3A_570 = tpu.vector_load %arg6[%swap3A_568, %swap3A_569] {strides = array<i32>} : memref<1024x64xf32, #tpu.memory_space<vmem>>, vector<1x16xf32>,
        %swap3A_571 = vector.shape_cast %swap3A_570 : vector<1x16xf32> to vector<16xf32>
        %swap3A_572 = vector.shape_cast %mul3A_567 : vector<16xf32> to vector<1x16xf32>
        tpu.vector_store %arg6[%swap3A_568, %swap3A_569], %swap3A_572 {strides = array<i32>} : memref<1024x64xf32, #tpu.memory_space<vmem>>, vector<1x16xf32>,
        %mul3A_573 = arith.constant 8 : i32
        %mul3A_574 = arith.muli %scan3A_412, %mul3A_573 : i32
        %add3A_575 = arith.constant 896 : i32
        %add3A_576 = arith.addi %add3A_575, %mul3A_574 : i32
        %add3A_577 = arith.constant 3 : i32
        %add3A_578 = arith.addi %add3A_576, %add3A_577 : i32
        %get3A_579 = arith.index_cast %add3A_578 : i32 to index
        %get3A_580 = arith.constant 0 : index
        %get3A_581 = tpu.vector_load %arg6[%get3A_579, %get3A_580] {strides = array<i32>} : memref<1024x64xf32, #tpu.memory_space<vmem>>, vector<1x16xf32>,
        %get3A_582 = vector.shape_cast %get3A_581 : vector<1x16xf32> to vector<16xf32>
        %mul3A_583 = arith.constant 8.000000e+00 : f32
        %mul3A_584 = vector.broadcast %mul3A_583 : f32 to vector<16xf32>
        %mul3A_585 = arith.mulf %get3A_582, %mul3A_584 : vector<16xf32>
        %swap3A_586 = arith.index_cast %add3A_578 : i32 to index
        %swap3A_587 = arith.constant 0 : index
        %swap3A_588 = tpu.vector_load %arg6[%swap3A_586, %swap3A_587] {strides = array<i32>} : memref<1024x64xf32, #tpu.memory_space<vmem>>, vector<1x16xf32>,
        %swap3A_589 = vector.shape_cast %swap3A_588 : vector<1x16xf32> to vector<16xf32>
        %swap3A_590 = vector.shape_cast %mul3A_585 : vector<16xf32> to vector<1x16xf32>
        tpu.vector_store %arg6[%swap3A_586, %swap3A_587], %swap3A_590 {strides = array<i32>} : memref<1024x64xf32, #tpu.memory_space<vmem>>, vector<1x16xf32>,
        %get3A_591 = arith.index_cast %add3A_578 : i32 to index
        %get3A_592 = arith.constant 16 : index
        %get3A_593 = tpu.vector_load %arg6[%get3A_591, %get3A_592] {strides = array<i32>} : memref<1024x64xf32, #tpu.memory_space<vmem>>, vector<1x16xf32>,
        %get3A_594 = vector.shape_cast %get3A_593 : vector<1x16xf32> to vector<16xf32>
        %mul3A_595 = arith.constant 8.000000e+00 : f32
        %mul3A_596 = vector.broadcast %mul3A_595 : f32 to vector<16xf32>
        %mul3A_597 = arith.mulf %get3A_594, %mul3A_596 : vector<16xf32>
        %swap3A_598 = arith.index_cast %add3A_578 : i32 to index
        %swap3A_599 = arith.constant 16 : index
        %swap3A_600 = tpu.vector_load %arg6[%swap3A_598, %swap3A_599] {strides = array<i32>} : memref<1024x64xf32, #tpu.memory_space<vmem>>, vector<1x16xf32>,
        %swap3A_601 = vector.shape_cast %swap3A_600 : vector<1x16xf32> to vector<16xf32>
        %swap3A_602 = vector.shape_cast %mul3A_597 : vector<16xf32> to vector<1x16xf32>
        tpu.vector_store %arg6[%swap3A_598, %swap3A_599], %swap3A_602 {strides = array<i32>} : memref<1024x64xf32, #tpu.memory_space<vmem>>, vector<1x16xf32>,
        %get3A_603 = arith.index_cast %add3A_578 : i32 to index
        %get3A_604 = arith.constant 32 : index
        %get3A_605 = tpu.vector_load %arg6[%get3A_603, %get3A_604] {strides = array<i32>} : memref<1024x64xf32, #tpu.memory_space<vmem>>, vector<1x16xf32>,
        %get3A_606 = vector.shape_cast %get3A_605 : vector<1x16xf32> to vector<16xf32>
        %mul3A_607 = arith.constant 8.000000e+00 : f32
        %mul3A_608 = vector.broadcast %mul3A_607 : f32 to vector<16xf32>
        %mul3A_609 = arith.mulf %get3A_606, %mul3A_608 : vector<16xf32>
        %swap3A_610 = arith.index_cast %add3A_578 : i32 to index
        %swap3A_611 = arith.constant 32 : index
        %swap3A_612 = tpu.vector_load %arg6[%swap3A_610, %swap3A_611] {strides = array<i32>} : memref<1024x64xf32, #tpu.memory_space<vmem>>, vector<1x16xf32>,
        %swap3A_613 = vector.shape_cast %swap3A_612 : vector<1x16xf32> to vector<16xf32>
        %swap3A_614 = vector.shape_cast %mul3A_609 : vector<16xf32> to vector<1x16xf32>
        tpu.vector_store %arg6[%swap3A_610, %swap3A_611], %swap3A_614 {strides = array<i32>} : memref<1024x64xf32, #tpu.memory_space<vmem>>, vector<1x16xf32>,
        %get3A_615 = arith.index_cast %add3A_578 : i32 to index
        %get3A_616 = arith.constant 48 : index
        %get3A_617 = tpu.vector_load %arg6[%get3A_615, %get3A_616] {strides = array<i32>} : memref<1024x64xf32, #tpu.memory_space<vmem>>, vector<1x16xf32>,
        %get3A_618 = vector.shape_cast %get3A_617 : vector<1x16xf32> to vector<16xf32>
        %mul3A_619 = arith.constant 8.000000e+00 : f32
        %mul3A_620 = vector.broadcast %mul3A_619 : f32 to vector<16xf32>
        %mul3A_621 = arith.mulf %get3A_618, %mul3A_620 : vector<16xf32>
        %swap3A_622 = arith.index_cast %add3A_578 : i32 to index
        %swap3A_623 = arith.constant 48 : index
        %swap3A_624 = tpu.vector_load %arg6[%swap3A_622, %swap3A_623] {strides = array<i32>} : memref<1024x64xf32, #tpu.memory_space<vmem>>, vector<1x16xf32>,
        %swap3A_625 = vector.shape_cast %swap3A_624 : vector<1x16xf32> to vector<16xf32>
        %swap3A_626 = vector.shape_cast %mul3A_621 : vector<16xf32> to vector<1x16xf32>
        tpu.vector_store %arg6[%swap3A_622, %swap3A_623], %swap3A_626 {strides = array<i32>} : memref<1024x64xf32, #tpu.memory_space<vmem>>, vector<1x16xf32>,
        %mul3A_627 = arith.constant 8 : i32
        %mul3A_628 = arith.muli %scan3A_412, %mul3A_627 : i32
        %add3A_629 = arith.constant 896 : i32
        %add3A_630 = arith.addi %add3A_629, %mul3A_628 : i32
        %add3A_631 = arith.constant 4 : i32
        %add3A_632 = arith.addi %add3A_630, %add3A_631 : i32
        %get3A_633 = arith.index_cast %add3A_632 : i32 to index
        %get3A_634 = arith.constant 0 : index
        %get3A_635 = tpu.vector_load %arg6[%get3A_633, %get3A_634] {strides = array<i32>} : memref<1024x64xf32, #tpu.memory_space<vmem>>, vector<1x16xf32>,
        %get3A_636 = vector.shape_cast %get3A_635 : vector<1x16xf32> to vector<16xf32>
        %mul3A_637 = arith.constant 8.000000e+00 : f32
        %mul3A_638 = vector.broadcast %mul3A_637 : f32 to vector<16xf32>
        %mul3A_639 = arith.mulf %get3A_636, %mul3A_638 : vector<16xf32>
        %swap3A_640 = arith.index_cast %add3A_632 : i32 to index
        %swap3A_641 = arith.constant 0 : index
        %swap3A_642 = tpu.vector_load %arg6[%swap3A_640, %swap3A_641] {strides = array<i32>} : memref<1024x64xf32, #tpu.memory_space<vmem>>, vector<1x16xf32>,
        %swap3A_643 = vector.shape_cast %swap3A_642 : vector<1x16xf32> to vector<16xf32>
        %swap3A_644 = vector.shape_cast %mul3A_639 : vector<16xf32> to vector<1x16xf32>
        tpu.vector_store %arg6[%swap3A_640, %swap3A_641], %swap3A_644 {strides = array<i32>} : memref<1024x64xf32, #tpu.memory_space<vmem>>, vector<1x16xf32>,
        %get3A_645 = arith.index_cast %add3A_632 : i32 to index
        %get3A_646 = arith.constant 16 : index
        %get3A_647 = tpu.vector_load %arg6[%get3A_645, %get3A_646] {strides = array<i32>} : memref<1024x64xf32, #tpu.memory_space<vmem>>, vector<1x16xf32>,
        %get3A_648 = vector.shape_cast %get3A_647 : vector<1x16xf32> to vector<16xf32>
        %mul3A_649 = arith.constant 8.000000e+00 : f32
        %mul3A_650 = vector.broadcast %mul3A_649 : f32 to vector<16xf32>
        %mul3A_651 = arith.mulf %get3A_648, %mul3A_650 : vector<16xf32>
        %swap3A_652 = arith.index_cast %add3A_632 : i32 to index
        %swap3A_653 = arith.constant 16 : index
        %swap3A_654 = tpu.vector_load %arg6[%swap3A_652, %swap3A_653] {strides = array<i32>} : memref<1024x64xf32, #tpu.memory_space<vmem>>, vector<1x16xf32>,
        %swap3A_655 = vector.shape_cast %swap3A_654 : vector<1x16xf32> to vector<16xf32>
        %swap3A_656 = vector.shape_cast %mul3A_651 : vector<16xf32> to vector<1x16xf32>
        tpu.vector_store %arg6[%swap3A_652, %swap3A_653], %swap3A_656 {strides = array<i32>} : memref<1024x64xf32, #tpu.memory_space<vmem>>, vector<1x16xf32>,
        %get3A_657 = arith.index_cast %add3A_632 : i32 to index
        %get3A_658 = arith.constant 32 : index
        %get3A_659 = tpu.vector_load %arg6[%get3A_657, %get3A_658] {strides = array<i32>} : memref<1024x64xf32, #tpu.memory_space<vmem>>, vector<1x16xf32>,
        %get3A_660 = vector.shape_cast %get3A_659 : vector<1x16xf32> to vector<16xf32>
        %mul3A_661 = arith.constant 8.000000e+00 : f32
        %mul3A_662 = vector.broadcast %mul3A_661 : f32 to vector<16xf32>
        %mul3A_663 = arith.mulf %get3A_660, %mul3A_662 : vector<16xf32>
        %swap3A_664 = arith.index_cast %add3A_632 : i32 to index
        %swap3A_665 = arith.constant 32 : index
        %swap3A_666 = tpu.vector_load %arg6[%swap3A_664, %swap3A_665] {strides = array<i32>} : memref<1024x64xf32, #tpu.memory_space<vmem>>, vector<1x16xf32>,
        %swap3A_667 = vector.shape_cast %swap3A_666 : vector<1x16xf32> to vector<16xf32>
        %swap3A_668 = vector.shape_cast %mul3A_663 : vector<16xf32> to vector<1x16xf32>
        tpu.vector_store %arg6[%swap3A_664, %swap3A_665], %swap3A_668 {strides = array<i32>} : memref<1024x64xf32, #tpu.memory_space<vmem>>, vector<1x16xf32>,
        %get3A_669 = arith.index_cast %add3A_632 : i32 to index
        %get3A_670 = arith.constant 48 : index
        %get3A_671 = tpu.vector_load %arg6[%get3A_669, %get3A_670] {strides = array<i32>} : memref<1024x64xf32, #tpu.memory_space<vmem>>, vector<1x16xf32>,
        %get3A_672 = vector.shape_cast %get3A_671 : vector<1x16xf32> to vector<16xf32>
        %mul3A_673 = arith.constant 8.000000e+00 : f32
        %mul3A_674 = vector.broadcast %mul3A_673 : f32 to vector<16xf32>
        %mul3A_675 = arith.mulf %get3A_672, %mul3A_674 : vector<16xf32>
        %swap3A_676 = arith.index_cast %add3A_632 : i32 to index
        %swap3A_677 = arith.constant 48 : index
        %swap3A_678 = tpu.vector_load %arg6[%swap3A_676, %swap3A_677] {strides = array<i32>} : memref<1024x64xf32, #tpu.memory_space<vmem>>, vector<1x16xf32>,
        %swap3A_679 = vector.shape_cast %swap3A_678 : vector<1x16xf32> to vector<16xf32>
        %swap3A_680 = vector.shape_cast %mul3A_675 : vector<16xf32> to vector<1x16xf32>
        tpu.vector_store %arg6[%swap3A_676, %swap3A_677], %swap3A_680 {strides = array<i32>} : memref<1024x64xf32, #tpu.memory_space<vmem>>, vector<1x16xf32>,
        %mul3A_681 = arith.constant 8 : i32
        %mul3A_682 = arith.muli %scan3A_412, %mul3A_681 : i32
        %add3A_683 = arith.constant 896 : i32
        %add3A_684 = arith.addi %add3A_683, %mul3A_682 : i32
        %add3A_685 = arith.constant 5 : i32
        %add3A_686 = arith.addi %add3A_684, %add3A_685 : i32
        %get3A_687 = arith.index_cast %add3A_686 : i32 to index
        %get3A_688 = arith.constant 0 : index
        %get3A_689 = tpu.vector_load %arg6[%get3A_687, %get3A_688] {strides = array<i32>} : memref<1024x64xf32, #tpu.memory_space<vmem>>, vector<1x16xf32>,
        %get3A_690 = vector.shape_cast %get3A_689 : vector<1x16xf32> to vector<16xf32>
        %mul3A_691 = arith.constant 8.000000e+00 : f32
        %mul3A_692 = vector.broadcast %mul3A_691 : f32 to vector<16xf32>
        %mul3A_693 = arith.mulf %get3A_690, %mul3A_692 : vector<16xf32>
        %swap3A_694 = arith.index_cast %add3A_686 : i32 to index
        %swap3A_695 = arith.constant 0 : index
        %swap3A_696 = tpu.vector_load %arg6[%swap3A_694, %swap3A_695] {strides = array<i32>} : memref<1024x64xf32, #tpu.memory_space<vmem>>, vector<1x16xf32>,
        %swap3A_697 = vector.shape_cast %swap3A_696 : vector<1x16xf32> to vector<16xf32>
        %swap3A_698 = vector.shape_cast %mul3A_693 : vector<16xf32> to vector<1x16xf32>
        tpu.vector_store %arg6[%swap3A_694, %swap3A_695], %swap3A_698 {strides = array<i32>} : memref<1024x64xf32, #tpu.memory_space<vmem>>, vector<1x16xf32>,
        %get3A_699 = arith.index_cast %add3A_686 : i32 to index
        %get3A_700 = arith.constant 16 : index
        %get3A_701 = tpu.vector_load %arg6[%get3A_699, %get3A_700] {strides = array<i32>} : memref<1024x64xf32, #tpu.memory_space<vmem>>, vector<1x16xf32>,
        %get3A_702 = vector.shape_cast %get3A_701 : vector<1x16xf32> to vector<16xf32>
        %mul3A_703 = arith.constant 8.000000e+00 : f32
        %mul3A_704 = vector.broadcast %mul3A_703 : f32 to vector<16xf32>
        %mul3A_705 = arith.mulf %get3A_702, %mul3A_704 : vector<16xf32>
        %swap3A_706 = arith.index_cast %add3A_686 : i32 to index
        %swap3A_707 = arith.constant 16 : index
        %swap3A_708 = tpu.vector_load %arg6[%swap3A_706, %swap3A_707] {strides = array<i32>} : memref<1024x64xf32, #tpu.memory_space<vmem>>, vector<1x16xf32>,
        %swap3A_709 = vector.shape_cast %swap3A_708 : vector<1x16xf32> to vector<16xf32>
        %swap3A_710 = vector.shape_cast %mul3A_705 : vector<16xf32> to vector<1x16xf32>
        tpu.vector_store %arg6[%swap3A_706, %swap3A_707], %swap3A_710 {strides = array<i32>} : memref<1024x64xf32, #tpu.memory_space<vmem>>, vector<1x16xf32>,
        %get3A_711 = arith.index_cast %add3A_686 : i32 to index
        %get3A_712 = arith.constant 32 : index
        %get3A_713 = tpu.vector_load %arg6[%get3A_711, %get3A_712] {strides = array<i32>} : memref<1024x64xf32, #tpu.memory_space<vmem>>, vector<1x16xf32>,
        %get3A_714 = vector.shape_cast %get3A_713 : vector<1x16xf32> to vector<16xf32>
        %mul3A_715 = arith.constant 8.000000e+00 : f32
        %mul3A_716 = vector.broadcast %mul3A_715 : f32 to vector<16xf32>
        %mul3A_717 = arith.mulf %get3A_714, %mul3A_716 : vector<16xf32>
        %swap3A_718 = arith.index_cast %add3A_686 : i32 to index
        %swap3A_719 = arith.constant 32 : index
        %swap3A_720 = tpu.vector_load %arg6[%swap3A_718, %swap3A_719] {strides = array<i32>} : memref<1024x64xf32, #tpu.memory_space<vmem>>, vector<1x16xf32>,
        %swap3A_721 = vector.shape_cast %swap3A_720 : vector<1x16xf32> to vector<16xf32>
        %swap3A_722 = vector.shape_cast %mul3A_717 : vector<16xf32> to vector<1x16xf32>
        tpu.vector_store %arg6[%swap3A_718, %swap3A_719], %swap3A_722 {strides = array<i32>} : memref<1024x64xf32, #tpu.memory_space<vmem>>, vector<1x16xf32>,
        %get3A_723 = arith.index_cast %add3A_686 : i32 to index
        %get3A_724 = arith.constant 48 : index
        %get3A_725 = tpu.vector_load %arg6[%get3A_723, %get3A_724] {strides = array<i32>} : memref<1024x64xf32, #tpu.memory_space<vmem>>, vector<1x16xf32>,
        %get3A_726 = vector.shape_cast %get3A_725 : vector<1x16xf32> to vector<16xf32>
        %mul3A_727 = arith.constant 8.000000e+00 : f32
        %mul3A_728 = vector.broadcast %mul3A_727 : f32 to vector<16xf32>
        %mul3A_729 = arith.mulf %get3A_726, %mul3A_728 : vector<16xf32>
        %swap3A_730 = arith.index_cast %add3A_686 : i32 to index
        %swap3A_731 = arith.constant 48 : index
        %swap3A_732 = tpu.vector_load %arg6[%swap3A_730, %swap3A_731] {strides = array<i32>} : memref<1024x64xf32, #tpu.memory_space<vmem>>, vector<1x16xf32>,
        %swap3A_733 = vector.shape_cast %swap3A_732 : vector<1x16xf32> to vector<16xf32>
        %swap3A_734 = vector.shape_cast %mul3A_729 : vector<16xf32> to vector<1x16xf32>
        tpu.vector_store %arg6[%swap3A_730, %swap3A_731], %swap3A_734 {strides = array<i32>} : memref<1024x64xf32, #tpu.memory_space<vmem>>, vector<1x16xf32>,
        %mul3A_735 = arith.constant 8 : i32
        %mul3A_736 = arith.muli %scan3A_412, %mul3A_735 : i32
        %add3A_737 = arith.constant 896 : i32
        %add3A_738 = arith.addi %add3A_737, %mul3A_736 : i32
        %add3A_739 = arith.constant 6 : i32
        %add3A_740 = arith.addi %add3A_738, %add3A_739 : i32
        %get3A_741 = arith.index_cast %add3A_740 : i32 to index
        %get3A_742 = arith.constant 0 : index
        %get3A_743 = tpu.vector_load %arg6[%get3A_741, %get3A_742] {strides = array<i32>} : memref<1024x64xf32, #tpu.memory_space<vmem>>, vector<1x16xf32>,
        %get3A_744 = vector.shape_cast %get3A_743 : vector<1x16xf32> to vector<16xf32>
        %mul3A_745 = arith.constant 8.000000e+00 : f32
        %mul3A_746 = vector.broadcast %mul3A_745 : f32 to vector<16xf32>
        %mul3A_747 = arith.mulf %get3A_744, %mul3A_746 : vector<16xf32>
        %swap3A_748 = arith.index_cast %add3A_740 : i32 to index
        %swap3A_749 = arith.constant 0 : index
        %swap3A_750 = tpu.vector_load %arg6[%swap3A_748, %swap3A_749] {strides = array<i32>} : memref<1024x64xf32, #tpu.memory_space<vmem>>, vector<1x16xf32>,
        %swap3A_751 = vector.shape_cast %swap3A_750 : vector<1x16xf32> to vector<16xf32>
        %swap3A_752 = vector.shape_cast %mul3A_747 : vector<16xf32> to vector<1x16xf32>
        tpu.vector_store %arg6[%swap3A_748, %swap3A_749], %swap3A_752 {strides = array<i32>} : memref<1024x64xf32, #tpu.memory_space<vmem>>, vector<1x16xf32>,
        %get3A_753 = arith.index_cast %add3A_740 : i32 to index
        %get3A_754 = arith.constant 16 : index
        %get3A_755 = tpu.vector_load %arg6[%get3A_753, %get3A_754] {strides = array<i32>} : memref<1024x64xf32, #tpu.memory_space<vmem>>, vector<1x16xf32>,
        %get3A_756 = vector.shape_cast %get3A_755 : vector<1x16xf32> to vector<16xf32>
        %mul3A_757 = arith.constant 8.000000e+00 : f32
        %mul3A_758 = vector.broadcast %mul3A_757 : f32 to vector<16xf32>
        %mul3A_759 = arith.mulf %get3A_756, %mul3A_758 : vector<16xf32>
        %swap3A_760 = arith.index_cast %add3A_740 : i32 to index
        %swap3A_761 = arith.constant 16 : index
        %swap3A_762 = tpu.vector_load %arg6[%swap3A_760, %swap3A_761] {strides = array<i32>} : memref<1024x64xf32, #tpu.memory_space<vmem>>, vector<1x16xf32>,
        %swap3A_763 = vector.shape_cast %swap3A_762 : vector<1x16xf32> to vector<16xf32>
        %swap3A_764 = vector.shape_cast %mul3A_759 : vector<16xf32> to vector<1x16xf32>
        tpu.vector_store %arg6[%swap3A_760, %swap3A_761], %swap3A_764 {strides = array<i32>} : memref<1024x64xf32, #tpu.memory_space<vmem>>, vector<1x16xf32>,
        %get3A_765 = arith.index_cast %add3A_740 : i32 to index
        %get3A_766 = arith.constant 32 : index
        %get3A_767 = tpu.vector_load %arg6[%get3A_765, %get3A_766] {strides = array<i32>} : memref<1024x64xf32, #tpu.memory_space<vmem>>, vector<1x16xf32>,
        %get3A_768 = vector.shape_cast %get3A_767 : vector<1x16xf32> to vector<16xf32>
        %mul3A_769 = arith.constant 8.000000e+00 : f32
        %mul3A_770 = vector.broadcast %mul3A_769 : f32 to vector<16xf32>
        %mul3A_771 = arith.mulf %get3A_768, %mul3A_770 : vector<16xf32>
        %swap3A_772 = arith.index_cast %add3A_740 : i32 to index
        %swap3A_773 = arith.constant 32 : index
        %swap3A_774 = tpu.vector_load %arg6[%swap3A_772, %swap3A_773] {strides = array<i32>} : memref<1024x64xf32, #tpu.memory_space<vmem>>, vector<1x16xf32>,
        %swap3A_775 = vector.shape_cast %swap3A_774 : vector<1x16xf32> to vector<16xf32>
        %swap3A_776 = vector.shape_cast %mul3A_771 : vector<16xf32> to vector<1x16xf32>
        tpu.vector_store %arg6[%swap3A_772, %swap3A_773], %swap3A_776 {strides = array<i32>} : memref<1024x64xf32, #tpu.memory_space<vmem>>, vector<1x16xf32>,
        %get3A_777 = arith.index_cast %add3A_740 : i32 to index
        %get3A_778 = arith.constant 48 : index
        %get3A_779 = tpu.vector_load %arg6[%get3A_777, %get3A_778] {strides = array<i32>} : memref<1024x64xf32, #tpu.memory_space<vmem>>, vector<1x16xf32>,
        %get3A_780 = vector.shape_cast %get3A_779 : vector<1x16xf32> to vector<16xf32>
        %mul3A_781 = arith.constant 8.000000e+00 : f32
        %mul3A_782 = vector.broadcast %mul3A_781 : f32 to vector<16xf32>
        %mul3A_783 = arith.mulf %get3A_780, %mul3A_782 : vector<16xf32>
        %swap3A_784 = arith.index_cast %add3A_740 : i32 to index
        %swap3A_785 = arith.constant 48 : index
        %swap3A_786 = tpu.vector_load %arg6[%swap3A_784, %swap3A_785] {strides = array<i32>} : memref<1024x64xf32, #tpu.memory_space<vmem>>, vector<1x16xf32>,
        %swap3A_787 = vector.shape_cast %swap3A_786 : vector<1x16xf32> to vector<16xf32>
        %swap3A_788 = vector.shape_cast %mul3A_783 : vector<16xf32> to vector<1x16xf32>
        tpu.vector_store %arg6[%swap3A_784, %swap3A_785], %swap3A_788 {strides = array<i32>} : memref<1024x64xf32, #tpu.memory_space<vmem>>, vector<1x16xf32>,
        %mul3A_789 = arith.constant 8 : i32
        %mul3A_790 = arith.muli %scan3A_412, %mul3A_789 : i32
        %add3A_791 = arith.constant 896 : i32
        %add3A_792 = arith.addi %add3A_791, %mul3A_790 : i32
        %add3A_793 = arith.constant 7 : i32
        %add3A_794 = arith.addi %add3A_792, %add3A_793 : i32
        %get3A_795 = arith.index_cast %add3A_794 : i32 to index
        %get3A_796 = arith.constant 0 : index
        %get3A_797 = tpu.vector_load %arg6[%get3A_795, %get3A_796] {strides = array<i32>} : memref<1024x64xf32, #tpu.memory_space<vmem>>, vector<1x16xf32>,
        %get3A_798 = vector.shape_cast %get3A_797 : vector<1x16xf32> to vector<16xf32>
        %mul3A_799 = arith.constant 8.000000e+00 : f32
        %mul3A_800 = vector.broadcast %mul3A_799 : f32 to vector<16xf32>
        %mul3A_801 = arith.mulf %get3A_798, %mul3A_800 : vector<16xf32>
        %swap3A_802 = arith.index_cast %add3A_794 : i32 to index
        %swap3A_803 = arith.constant 0 : index
        %swap3A_804 = tpu.vector_load %arg6[%swap3A_802, %swap3A_803] {strides = array<i32>} : memref<1024x64xf32, #tpu.memory_space<vmem>>, vector<1x16xf32>,
        %swap3A_805 = vector.shape_cast %swap3A_804 : vector<1x16xf32> to vector<16xf32>
        %swap3A_806 = vector.shape_cast %mul3A_801 : vector<16xf32> to vector<1x16xf32>
        tpu.vector_store %arg6[%swap3A_802, %swap3A_803], %swap3A_806 {strides = array<i32>} : memref<1024x64xf32, #tpu.memory_space<vmem>>, vector<1x16xf32>,
        %get3A_807 = arith.index_cast %add3A_794 : i32 to index
        %get3A_808 = arith.constant 16 : index
        %get3A_809 = tpu.vector_load %arg6[%get3A_807, %get3A_808] {strides = array<i32>} : memref<1024x64xf32, #tpu.memory_space<vmem>>, vector<1x16xf32>,
        %get3A_810 = vector.shape_cast %get3A_809 : vector<1x16xf32> to vector<16xf32>
        %mul3A_811 = arith.constant 8.000000e+00 : f32
        %mul3A_812 = vector.broadcast %mul3A_811 : f32 to vector<16xf32>
        %mul3A_813 = arith.mulf %get3A_810, %mul3A_812 : vector<16xf32>
        %swap3A_814 = arith.index_cast %add3A_794 : i32 to index
        %swap3A_815 = arith.constant 16 : index
        %swap3A_816 = tpu.vector_load %arg6[%swap3A_814, %swap3A_815] {strides = array<i32>} : memref<1024x64xf32, #tpu.memory_space<vmem>>, vector<1x16xf32>,
        %swap3A_817 = vector.shape_cast %swap3A_816 : vector<1x16xf32> to vector<16xf32>
        %swap3A_818 = vector.shape_cast %mul3A_813 : vector<16xf32> to vector<1x16xf32>
        tpu.vector_store %arg6[%swap3A_814, %swap3A_815], %swap3A_818 {strides = array<i32>} : memref<1024x64xf32, #tpu.memory_space<vmem>>, vector<1x16xf32>,
        %get3A_819 = arith.index_cast %add3A_794 : i32 to index
        %get3A_820 = arith.constant 32 : index
        %get3A_821 = tpu.vector_load %arg6[%get3A_819, %get3A_820] {strides = array<i32>} : memref<1024x64xf32, #tpu.memory_space<vmem>>, vector<1x16xf32>,
        %get3A_822 = vector.shape_cast %get3A_821 : vector<1x16xf32> to vector<16xf32>
        %mul3A_823 = arith.constant 8.000000e+00 : f32
        %mul3A_824 = vector.broadcast %mul3A_823 : f32 to vector<16xf32>
        %mul3A_825 = arith.mulf %get3A_822, %mul3A_824 : vector<16xf32>
        %swap3A_826 = arith.index_cast %add3A_794 : i32 to index
        %swap3A_827 = arith.constant 32 : index
        %swap3A_828 = tpu.vector_load %arg6[%swap3A_826, %swap3A_827] {strides = array<i32>} : memref<1024x64xf32, #tpu.memory_space<vmem>>, vector<1x16xf32>,
        %swap3A_829 = vector.shape_cast %swap3A_828 : vector<1x16xf32> to vector<16xf32>
        %swap3A_830 = vector.shape_cast %mul3A_825 : vector<16xf32> to vector<1x16xf32>
        tpu.vector_store %arg6[%swap3A_826, %swap3A_827], %swap3A_830 {strides = array<i32>} : memref<1024x64xf32, #tpu.memory_space<vmem>>, vector<1x16xf32>,
        %get3A_831 = arith.index_cast %add3A_794 : i32 to index
        %get3A_832 = arith.constant 48 : index
        %get3A_833 = tpu.vector_load %arg6[%get3A_831, %get3A_832] {strides = array<i32>} : memref<1024x64xf32, #tpu.memory_space<vmem>>, vector<1x16xf32>,
        %get3A_834 = vector.shape_cast %get3A_833 : vector<1x16xf32> to vector<16xf32>
        %mul3A_835 = arith.constant 8.000000e+00 : f32
        %mul3A_836 = vector.broadcast %mul3A_835 : f32 to vector<16xf32>
        %mul3A_837 = arith.mulf %get3A_834, %mul3A_836 : vector<16xf32>
        %swap3A_838 = arith.index_cast %add3A_794 : i32 to index
        %swap3A_839 = arith.constant 48 : index
        %swap3A_840 = tpu.vector_load %arg6[%swap3A_838, %swap3A_839] {strides = array<i32>} : memref<1024x64xf32, #tpu.memory_space<vmem>>, vector<1x16xf32>,
        %swap3A_841 = vector.shape_cast %swap3A_840 : vector<1x16xf32> to vector<16xf32>
        %swap3A_842 = vector.shape_cast %mul3A_837 : vector<16xf32> to vector<1x16xf32>
        tpu.vector_store %arg6[%swap3A_838, %swap3A_839], %swap3A_842 {strides = array<i32>} : memref<1024x64xf32, #tpu.memory_space<vmem>>, vector<1x16xf32>,
      }
      %scan3A_319 = arith.constant 16 : i32
      %add3A_320 = arith.constant 896 : i32
      %add3A_321 = arith.addi %mul3A_13, %add3A_320 : i32
      %dma_start3A_322 = arith.constant 896 : i32
      %dma_start3A_323 = arith.constant 0 : i32
      %dma_start3A_324 = tpu.memref_slice %arg6[%dma_start3A_322, %dma_start3A_323] : memref<1024x64xf32, #tpu.memory_space<vmem>> -> memref<128x64xf32, #tpu.memory_space<vmem>>
      %dma_start3A_325 = arith.constant 0 : i32
      %dma_start3A_326 = tpu.memref_slice %arg4[%add3A_321, %dma_start3A_325] : memref<819200x64xf32, #tpu.memory_space<hbm>> -> memref<128x64xf32, #tpu.memory_space<hbm>>
      %dma_start3A_327 = arith.constant 0 : i32
      %dma_start3A_328 = tpu.memref_slice %arg4[%add3A_321, %dma_start3A_327] : memref<819200x64xf32, #tpu.memory_space<hbm>> -> memref<128x64xf32, #tpu.memory_space<hbm>>
      %dma_start3A_329 = arith.constant 896 : i32
      %dma_start3A_330 = arith.constant 0 : i32
      %dma_start3A_331 = tpu.memref_slice %arg6[%dma_start3A_329, %dma_start3A_330] : memref<1024x64xf32, #tpu.memory_space<vmem>> -> memref<128x64xf32, #tpu.memory_space<vmem>>
      tpu.enqueue_dma source(%dma_start3A_331 : memref<128x64xf32, #tpu.memory_space<vmem>>) target(%dma_start3A_328 : memref<128x64xf32, #tpu.memory_space<hbm>>) target_semaphore(%arg8 : memref<!tpu.dma_semaphore, #tpu.memory_space<semaphore_mem>>)
      %dma_wait3A_332 = arith.constant 0 : i32
      %dma_wait3A_333 = arith.constant 0 : i32
      %dma_wait3A_334 = tpu.memref_slice %arg6[%dma_wait3A_332, %dma_wait3A_333] : memref<1024x64xf32, #tpu.memory_space<vmem>> -> memref<128x64xf32, #tpu.memory_space<vmem>>
      %dma_wait3A_335 = arith.constant 0 : i32
      %dma_wait3A_336 = tpu.memref_slice %arg4[%add3A_132, %dma_wait3A_335] : memref<819200x64xf32, #tpu.memory_space<hbm>> -> memref<128x64xf32, #tpu.memory_space<hbm>>
      %dma_wait3A_337 = arith.constant 0 : i32
      %dma_wait3A_338 = tpu.memref_slice %arg4[%add3A_132, %dma_wait3A_337] : memref<819200x64xf32, #tpu.memory_space<hbm>> -> memref<128x64xf32, #tpu.memory_space<hbm>>
      %dma_wait3A_339 = arith.constant 0 : i32
      %dma_wait3A_340 = arith.constant 0 : i32
      %dma_wait3A_341 = tpu.memref_slice %arg6[%dma_wait3A_339, %dma_wait3A_340] : memref<1024x64xf32, #tpu.memory_space<vmem>> -> memref<128x64xf32, #tpu.memory_space<vmem>>
      tpu.wait_dma2 semaphore(%arg8 : memref<!tpu.dma_semaphore, #tpu.memory_space<semaphore_mem>>) src(%dma_wait3A_341 : memref<128x64xf32, #tpu.memory_space<vmem>>) dst(%dma_wait3A_338 : memref<128x64xf32, #tpu.memory_space<hbm>>)
      %dma_wait3A_342 = arith.constant 128 : i32
      %dma_wait3A_343 = arith.constant 0 : i32
      %dma_wait3A_344 = tpu.memref_slice %arg6[%dma_wait3A_342, %dma_wait3A_343] : memref<1024x64xf32, #tpu.memory_space<vmem>> -> memref<128x64xf32, #tpu.memory_space<vmem>>
      %dma_wait3A_345 = arith.constant 0 : i32
      %dma_wait3A_346 = tpu.memref_slice %arg4[%add3A_159, %dma_wait3A_345] : memref<819200x64xf32, #tpu.memory_space<hbm>> -> memref<128x64xf32, #tpu.memory_space<hbm>>
      %dma_wait3A_347 = arith.constant 0 : i32
      %dma_wait3A_348 = tpu.memref_slice %arg4[%add3A_159, %dma_wait3A_347] : memref<819200x64xf32, #tpu.memory_space<hbm>> -> memref<128x64xf32, #tpu.memory_space<hbm>>
      %dma_wait3A_349 = arith.constant 128 : i32
      %dma_wait3A_350 = arith.constant 0 : i32
      %dma_wait3A_351 = tpu.memref_slice %arg6[%dma_wait3A_349, %dma_wait3A_350] : memref<1024x64xf32, #tpu.memory_space<vmem>> -> memref<128x64xf32, #tpu.memory_space<vmem>>
      tpu.wait_dma2 semaphore(%arg8 : memref<!tpu.dma_semaphore, #tpu.memory_space<semaphore_mem>>) src(%dma_wait3A_351 : memref<128x64xf32, #tpu.memory_space<vmem>>) dst(%dma_wait3A_348 : memref<128x64xf32, #tpu.memory_space<hbm>>)
      %dma_wait3A_352 = arith.constant 256 : i32
      %dma_wait3A_353 = arith.constant 0 : i32
      %dma_wait3A_354 = tpu.memref_slice %arg6[%dma_wait3A_352, %dma_wait3A_353] : memref<1024x64xf32, #tpu.memory_space<vmem>> -> memref<128x64xf32, #tpu.memory_space<vmem>>
      %dma_wait3A_355 = arith.constant 0 : i32
      %dma_wait3A_356 = tpu.memref_slice %arg4[%add3A_186, %dma_wait3A_355] : memref<819200x64xf32, #tpu.memory_space<hbm>> -> memref<128x64xf32, #tpu.memory_space<hbm>>
      %dma_wait3A_357 = arith.constant 0 : i32
      %dma_wait3A_358 = tpu.memref_slice %arg4[%add3A_186, %dma_wait3A_357] : memref<819200x64xf32, #tpu.memory_space<hbm>> -> memref<128x64xf32, #tpu.memory_space<hbm>>
      %dma_wait3A_359 = arith.constant 256 : i32
      %dma_wait3A_360 = arith.constant 0 : i32
      %dma_wait3A_361 = tpu.memref_slice %arg6[%dma_wait3A_359, %dma_wait3A_360] : memref<1024x64xf32, #tpu.memory_space<vmem>> -> memref<128x64xf32, #tpu.memory_space<vmem>>
      tpu.wait_dma2 semaphore(%arg8 : memref<!tpu.dma_semaphore, #tpu.memory_space<semaphore_mem>>) src(%dma_wait3A_361 : memref<128x64xf32, #tpu.memory_space<vmem>>) dst(%dma_wait3A_358 : memref<128x64xf32, #tpu.memory_space<hbm>>)
      %dma_wait3A_362 = arith.constant 384 : i32
      %dma_wait3A_363 = arith.constant 0 : i32
      %dma_wait3A_364 = tpu.memref_slice %arg6[%dma_wait3A_362, %dma_wait3A_363] : memref<1024x64xf32, #tpu.memory_space<vmem>> -> memref<128x64xf32, #tpu.memory_space<vmem>>
      %dma_wait3A_365 = arith.constant 0 : i32
      %dma_wait3A_366 = tpu.memref_slice %arg4[%add3A_213, %dma_wait3A_365] : memref<819200x64xf32, #tpu.memory_space<hbm>> -> memref<128x64xf32, #tpu.memory_space<hbm>>
      %dma_wait3A_367 = arith.constant 0 : i32
      %dma_wait3A_368 = tpu.memref_slice %arg4[%add3A_213, %dma_wait3A_367] : memref<819200x64xf32, #tpu.memory_space<hbm>> -> memref<128x64xf32, #tpu.memory_space<hbm>>
      %dma_wait3A_369 = arith.constant 384 : i32
      %dma_wait3A_370 = arith.constant 0 : i32
      %dma_wait3A_371 = tpu.memref_slice %arg6[%dma_wait3A_369, %dma_wait3A_370] : memref<1024x64xf32, #tpu.memory_space<vmem>> -> memref<128x64xf32, #tpu.memory_space<vmem>>
      tpu.wait_dma2 semaphore(%arg8 : memref<!tpu.dma_semaphore, #tpu.memory_space<semaphore_mem>>) src(%dma_wait3A_371 : memref<128x64xf32, #tpu.memory_space<vmem>>) dst(%dma_wait3A_368 : memref<128x64xf32, #tpu.memory_space<hbm>>)
      %dma_wait3A_372 = arith.constant 512 : i32
      %dma_wait3A_373 = arith.constant 0 : i32
      %dma_wait3A_374 = tpu.memref_slice %arg6[%dma_wait3A_372, %dma_wait3A_373] : memref<1024x64xf32, #tpu.memory_space<vmem>> -> memref<128x64xf32, #tpu.memory_space<vmem>>
      %dma_wait3A_375 = arith.constant 0 : i32
      %dma_wait3A_376 = tpu.memref_slice %arg4[%add3A_240, %dma_wait3A_375] : memref<819200x64xf32, #tpu.memory_space<hbm>> -> memref<128x64xf32, #tpu.memory_space<hbm>>
      %dma_wait3A_377 = arith.constant 0 : i32
      %dma_wait3A_378 = tpu.memref_slice %arg4[%add3A_240, %dma_wait3A_377] : memref<819200x64xf32, #tpu.memory_space<hbm>> -> memref<128x64xf32, #tpu.memory_space<hbm>>
      %dma_wait3A_379 = arith.constant 512 : i32
      %dma_wait3A_380 = arith.constant 0 : i32
      %dma_wait3A_381 = tpu.memref_slice %arg6[%dma_wait3A_379, %dma_wait3A_380] : memref<1024x64xf32, #tpu.memory_space<vmem>> -> memref<128x64xf32, #tpu.memory_space<vmem>>
      tpu.wait_dma2 semaphore(%arg8 : memref<!tpu.dma_semaphore, #tpu.memory_space<semaphore_mem>>) src(%dma_wait3A_381 : memref<128x64xf32, #tpu.memory_space<vmem>>) dst(%dma_wait3A_378 : memref<128x64xf32, #tpu.memory_space<hbm>>)
      %dma_wait3A_382 = arith.constant 640 : i32
      %dma_wait3A_383 = arith.constant 0 : i32
      %dma_wait3A_384 = tpu.memref_slice %arg6[%dma_wait3A_382, %dma_wait3A_383] : memref<1024x64xf32, #tpu.memory_space<vmem>> -> memref<128x64xf32, #tpu.memory_space<vmem>>
      %dma_wait3A_385 = arith.constant 0 : i32
      %dma_wait3A_386 = tpu.memref_slice %arg4[%add3A_267, %dma_wait3A_385] : memref<819200x64xf32, #tpu.memory_space<hbm>> -> memref<128x64xf32, #tpu.memory_space<hbm>>
      %dma_wait3A_387 = arith.constant 0 : i32
      %dma_wait3A_388 = tpu.memref_slice %arg4[%add3A_267, %dma_wait3A_387] : memref<819200x64xf32, #tpu.memory_space<hbm>> -> memref<128x64xf32, #tpu.memory_space<hbm>>
      %dma_wait3A_389 = arith.constant 640 : i32
      %dma_wait3A_390 = arith.constant 0 : i32
      %dma_wait3A_391 = tpu.memref_slice %arg6[%dma_wait3A_389, %dma_wait3A_390] : memref<1024x64xf32, #tpu.memory_space<vmem>> -> memref<128x64xf32, #tpu.memory_space<vmem>>
      tpu.wait_dma2 semaphore(%arg8 : memref<!tpu.dma_semaphore, #tpu.memory_space<semaphore_mem>>) src(%dma_wait3A_391 : memref<128x64xf32, #tpu.memory_space<vmem>>) dst(%dma_wait3A_388 : memref<128x64xf32, #tpu.memory_space<hbm>>)
      %dma_wait3A_392 = arith.constant 768 : i32
      %dma_wait3A_393 = arith.constant 0 : i32
      %dma_wait3A_394 = tpu.memref_slice %arg6[%dma_wait3A_392, %dma_wait3A_393] : memref<1024x64xf32, #tpu.memory_space<vmem>> -> memref<128x64xf32, #tpu.memory_space<vmem>>
      %dma_wait3A_395 = arith.constant 0 : i32
      %dma_wait3A_396 = tpu.memref_slice %arg4[%add3A_294, %dma_wait3A_395] : memref<819200x64xf32, #tpu.memory_space<hbm>> -> memref<128x64xf32, #tpu.memory_space<hbm>>
      %dma_wait3A_397 = arith.constant 0 : i32
      %dma_wait3A_398 = tpu.memref_slice %arg4[%add3A_294, %dma_wait3A_397] : memref<819200x64xf32, #tpu.memory_space<hbm>> -> memref<128x64xf32, #tpu.memory_space<hbm>>
      %dma_wait3A_399 = arith.constant 768 : i32
      %dma_wait3A_400 = arith.constant 0 : i32
      %dma_wait3A_401 = tpu.memref_slice %arg6[%dma_wait3A_399, %dma_wait3A_400] : memref<1024x64xf32, #tpu.memory_space<vmem>> -> memref<128x64xf32, #tpu.memory_space<vmem>>
      tpu.wait_dma2 semaphore(%arg8 : memref<!tpu.dma_semaphore, #tpu.memory_space<semaphore_mem>>) src(%dma_wait3A_401 : memref<128x64xf32, #tpu.memory_space<vmem>>) dst(%dma_wait3A_398 : memref<128x64xf32, #tpu.memory_space<hbm>>)
      %dma_wait3A_402 = arith.constant 896 : i32
      %dma_wait3A_403 = arith.constant 0 : i32
      %dma_wait3A_404 = tpu.memref_slice %arg6[%dma_wait3A_402, %dma_wait3A_403] : memref<1024x64xf32, #tpu.memory_space<vmem>> -> memref<128x64xf32, #tpu.memory_space<vmem>>
      %dma_wait3A_405 = arith.constant 0 : i32
      %dma_wait3A_406 = tpu.memref_slice %arg4[%add3A_321, %dma_wait3A_405] : memref<819200x64xf32, #tpu.memory_space<hbm>> -> memref<128x64xf32, #tpu.memory_space<hbm>>
      %dma_wait3A_407 = arith.constant 0 : i32
      %dma_wait3A_408 = tpu.memref_slice %arg4[%add3A_321, %dma_wait3A_407] : memref<819200x64xf32, #tpu.memory_space<hbm>> -> memref<128x64xf32, #tpu.memory_space<hbm>>
      %dma_wait3A_409 = arith.constant 896 : i32
      %dma_wait3A_410 = arith.constant 0 : i32
      %dma_wait3A_411 = tpu.memref_slice %arg6[%dma_wait3A_409, %dma_wait3A_410] : memref<1024x64xf32, #tpu.memory_space<vmem>> -> memref<128x64xf32, #tpu.memory_space<vmem>>
      tpu.wait_dma2 semaphore(%arg8 : memref<!tpu.dma_semaphore, #tpu.memory_space<semaphore_mem>>) src(%dma_wait3A_411 : memref<128x64xf32, #tpu.memory_space<vmem>>) dst(%dma_wait3A_408 : memref<128x64xf32, #tpu.memory_space<hbm>>)
    }
    %scan3A_7 = arith.constant 25 : i32
    return
  }
}

</mosaic_0001>

<sc_bundles>
// kernel: kernel.3.cloned.1.call-start
scs
__scs_entry_jumppad:
0x0: {  	(pc) =	sbr.rel $0x88, $3  }
0x1: {  	(tag) =	ssettag $0x0;
	lr =	simm.s32 $0x1  }
0x2: {  	[smem:$0x3F9F] =	sst lr;
	_ =	strace $0xD0000000  }
0x3: {  	_ = 	snop  }
0x4: {  	_ = 	snop  }
0x5: {  	_ = 	snop  }
0x6: {  	_ = 	snop  }
0x7: {  	_ = 	snop  }
__scs_overlays_trampoline_lowered:
0x8: {  	[smem:$0x3FAE] =	sst s0  }
0x9: {  	[smem:$0x3FAF] =	sst s1  }
0xa: {  	[smem:$0x3FB0] =	sst s2  }
0xb: {  	[smem:$0x3FB1] =	sst s3  }
0xc: {  	[smem:$0x3FB2] =	sst s4  }
0xd: {  	[smem:$0x3FB3] =	sst s5  }
0xe: {  	[smem:$0x3FB4] =	sst s6  }
0xf: {  	[smem:$0x3FB5] =	sst s7  }
0x10: {  	[smem:$0x3FB6] =	sst s8  }
0x11: {  	[smem:$0x3FB7] =	sst s9;
	s0 =	simm.s32 @!p0 $0x0  }
0x12: {  	s1 =	sld [smem:$0x3F9D];
	s0 =	simm.s32 @p0 $0x1  }
0x13: {  	[smem:$0x3FB8] =	sst s0;
	s0 =	simm.s32 @!p1 $0x0  }
0x14: {  	s2 =	sld [smem:$0x3F9C];
	s0 =	simm.s32 @p1 $0x1  }
0x15: {  	[smem:$0x3FB9] =	sst s0;
	s0 =	simm.s32 @!p2 $0x0  }
0x16: {  	s3 =	sld [smem:$0x3FDB];
	s0 =	simm.s32 @p2 $0x1  }
0x17: {  	s4 =	simm.s32 $0x1BF5;
	[smem:$0x3FBB] =	sst s0  }
0x18: {  	s0 =	sld [smem:$0x3F9E];
	_ =	swait.ge [sflag:s4], $0x0  }
0x19: {  	s7 =	sld [smem:$0x3F9F]  }
0x1a: {  	s8 =	sadd.s32 $0xFFFFE003, lr  }
0x1b: {  	s9 =	sadd.s32 $0xFFFFFEF7, lr;
	s5 =	simm.s32 $0xFFFFFFFF;
	p2 =	slt.u32 s8, $0xFFFFF086  }
0x1c: {  	p1 =	slt.u32 s9, $0xF7A;
	s5 =	simm.s32 @!p2 $0x0  }
0x1d: {  	s5 =	simm.s32 @p1 $0x1;
	p0 =	seq.s32 s7, s2  }
0x1e: {  	s7 =	smul.u32 @!p0 $0xF7A, s2;
	p2 =	seq.s32 @!p0 s5, $0x0  }
0x1f: {  	s9 =	smul.u32 $0xF7A, s1;
	s8 =	simm.s32 @!p0 $0x1BF5;
	p2 =	por !p2, p0  }
0x20: {  	[sflag:s8] =	ssyncset.s32 @!p0 $0xFFFFF086;
	s6 =	sadd.s32 @!p0 s3, s7;
	s7 =	simm.s32 @!p0 $0x108  }
0x21: {  	s3 =	sadd.s32 s3, s9;
	s6 =	sadd.s32 @!p0 $0x88, s6;
	s7 =	simm.s32 @p2 $0x1082  }
0x22: {  	[simem:s7], [sflag:s8] =	dma.local @!p0 [hbm:s6], $0xF7A  }
0x23: {  	s9 =	sor.u32 $0xD0000000, s2;
	s6 =	simm.s32 $0x108;
	_ =	swait.ge @!p0 [sflag:s8], $0x0  }
0x24: {  	s3 =	sadd.s32 $0x88, s3;
	s6 =	simm.s32 @!p1 $0x1082;
	[sflag:s4] =	ssyncset.s32 $0xFFFFF086  }
0x25: {  	[simem:s6], [sflag:s4] =	dma.local [hbm:s3], $0xF7A  }
0x26: {  	[smem:$0x3F9F] =	sst s1;
	(tag) =	ssettag s2;
	_ =	strace s9  }
0x27: {  	s1 =	sld [smem:$0x3FAF]  }
0x28: {  	s2 =	sld [smem:$0x3FB0]  }
0x29: {  	s4 =	sld [smem:$0x3FB2]  }
0x2a: {  	p0 =	seq.s32 s5, $0x0;
	s5 =	sld [smem:$0x3FB3]  }
0x2b: {  	s6 =	sld [smem:$0x3FB4]  }
0x2c: {  	s7 =	sld [smem:$0x3FB5]  }
0x2d: {  	s3 =	simm.s32 $0x108;
	s8 =	sld [smem:$0x3FB6]  }
0x2e: {  	s3 =	simm.s32 @!p0 $0x1082;
	s9 =	sld [smem:$0x3FB7]  }
0x2f: {  	lr =	sadd.s32 s0, s3;
	s0 =	sld [smem:$0x3FAE]  }
0x30: {  	s3 =	sld [smem:$0x3FB1]  }
0x31: {  	[smem:$0x3FBA] =	sst s10  }
0x32: {  	s10 =	sld [smem:$0x3FB8];
	_ =	sdelay $0x3  }
0x33: {  	p0 =	seq.s32 s10, $0x1;
	s10 =	sld [smem:$0x3FBA];
	_ =	sdelay $0x3  }
0x34: {  	[smem:$0x3FBA] =	sst s10  }
0x35: {  	s10 =	sld [smem:$0x3FB9];
	_ =	sdelay $0x3  }
0x36: {  	p1 =	seq.s32 s10, $0x1;
	s10 =	sld [smem:$0x3FBA];
	_ =	sdelay $0x3  }
0x37: {  	[smem:$0x3FBA] =	sst s10  }
0x38: {  	s10 =	sld [smem:$0x3FBB]  }
0x39: {  	_ = 	snop;
	(pc) =	sbr.ind lr, $3  }
0x3a: {  	_ = 	snop  }
0x3b: {  	_ = 	snop  }
0x3c: {  	p2 =	seq.s32 s10, $0x1;
	s10 =	sld [smem:$0x3FBA]  }
0x3d: {  	_ =	shalt  }
0x3e: {  	_ =	shalt  }
0x3f: {  	_ =	shalt  }
0x40: {  	_ =	shalt  }
0x41: {  	_ =	shalt  }
0x42: {  	_ =	shalt  }
0x43: {  	_ =	shalt  }
0x44: {  	_ =	shalt  }
0x45: {  	_ =	shalt  }
0x46: {  	_ =	shalt  }
0x47: {  	_ =	shalt  }
0x48: {  	_ =	shalt  }
0x49: {  	_ =	shalt  }
0x4a: {  	_ =	shalt  }
0x4b: {  	_ =	shalt  }
0x4c: {  	_ =	shalt  }
0x4d: {  	_ =	shalt  }
0x4e: {  	_ =	shalt  }
0x4f: {  	_ =	shalt  }
0x50: {  	_ =	shalt  }
0x51: {  	_ =	shalt  }
0x52: {  	_ =	shalt  }
0x53: {  	_ =	shalt  }
0x54: {  	_ =	shalt  }
0x55: {  	_ =	shalt  }
0x56: {  	_ =	shalt  }
0x57: {  	_ =	shalt  }
0x58: {  	_ =	shalt  }
0x59: {  	_ =	shalt  }
0x5a: {  	_ =	shalt  }
0x5b: {  	_ =	shalt  }
0x5c: {  	_ =	shalt  }
0x5d: {  	_ =	shalt  }
0x5e: {  	_ =	shalt  }
0x5f: {  	_ =	shalt  }
0x60: {  	_ =	shalt  }
0x61: {  	_ =	shalt  }
0x62: {  	_ =	shalt  }
0x63: {  	_ =	shalt  }
0x64: {  	_ =	shalt  }
0x65: {  	_ =	shalt  }
0x66: {  	_ =	shalt  }
0x67: {  	_ =	shalt  }
0x68: {  	_ =	shalt  }
0x69: {  	_ =	shalt  }
0x6a: {  	_ =	shalt  }
0x6b: {  	_ =	shalt  }
0x6c: {  	_ =	shalt  }
0x6d: {  	_ =	shalt  }
0x6e: {  	_ =	shalt  }
0x6f: {  	_ =	shalt  }
0x70: {  	_ =	shalt  }
0x71: {  	_ =	shalt  }
0x72: {  	_ =	shalt  }
0x73: {  	_ =	shalt  }
0x74: {  	_ =	shalt  }
0x75: {  	_ =	shalt  }
0x76: {  	_ =	shalt  }
0x77: {  	_ =	shalt  }
0x78: {  	_ =	shalt  }
0x79: {  	_ =	shalt  }
0x7a: {  	_ =	shalt  }
0x7b: {  	_ =	shalt  }
0x7c: {  	_ =	shalt  }
0x7d: {  	_ =	shalt  }
0x7e: {  	_ =	shalt  }
0x7f: {  	_ =	shalt  }
0x80: {  	_ =	shalt  }
0x81: {  	_ =	shalt  }
0x82: {  	_ =	shalt  }
0x83: {  	_ =	shalt  }
0x84: {  	_ =	shalt  }
0x85: {  	_ =	shalt  }
0x86: {  	_ =	shalt  }
0x87: {  	_ =	shalt  }
.Lfunc_end0:
.L_simem_size_0:
called_computation.1_lowered:
.L_overlay_start_0:
0x88: {  	s2 =	sld [smem:$0x3FD9]  }
0x89: {  	s3 =	sld [smem:$0x3FFE];
	_ =	sdelay $0x1  }
0x8a: {  	s1 =	srdreg.scid  }
0x8b: {  	s0 =	sand.u32 $0x1, s1  }
0x8c: {  	s17 =	sshll.u32 s0, $0xA;
	s2 =	sadd.s32 s3, s2  }
0x8d: {  	s2 =	sadd.s32 s2, s17  }
0x8e: {  	[smem:$0x3FC6] =	sst s2  }
0x8f: {  	_ = 	snop  }
0x90: {  	s2 =	sld [smem:$0x3FD0];
	(tm) =	ssettm $0x1  }
0x91: {  	s18 =	sld [smem:$0x3FFB];
	_ =	sdelay $0x3  }
0x92: {  	_ =	strace s18  }
0x93: {  	s3 =	sld [smem:$0x3FFC];
	_ =	sdelay $0x3  }
0x94: {  	_ =	strace s3  }
0x95: {  	s3 =	sld [smem:$0x3FFD];
	_ =	sdelay $0x3  }
0x96: {  	_ =	strace s3  }
0x97: {  	_ =	strace $0x8FFFFFFF  }
0x98: {  	s19 =	sld [smem:$0x3FDB];
	_ =	sdelay $0x1  }
0x99: {  	s4 =	simm.s32 $_scs_section_size  }
0x9a: {  	s5 =	simm.s32 $_size__tile_overlayer_lowered;
	s6 =	simm.s32 $_tile_overlayer_lowered  }
0x9b: {  	s22 =	simm.s32 $0x1BFF;
	s21 =	sshll.u32 s6, $0x1;
	s3 =	sadd.s32 s4, s19  }
0x9c: {  	s7 =	simm.s32 $0x0;
	s20 =	sshll.u32 s5, $0x1;
	s5 =	sadd.s32 s21, s3  }
0x9d: {  	[timem:s7], [sflag:s22] =	dma.local [hbm:s5], s20  }
0x9e: {  	_ =	swait.ge [sflag:s22], s20  }
0x9f: {  	s4 =	ssub.s32 $0x0, s20;
	[sflag:s22] =	ssyncset.done $0x0  }
0xa0: {  	[sflag:s22] =	ssyncadd.s32 s4;
	_ =	sdelay $0x1  }
0xa1: {  	s23 =	simm.s32 $0x1B8B  }
0xa2: {  	_ =	swait.ge [sflag:s23], $0x1  }
0xa3: {  	[sflag:s23] =	ssyncset.done $0x0  }
0xa4: {  	s25 =	simm.s32 $0x1B8E;
	s24 =	sld [smem:$0x3FFE];
	[sflag:s23] =	ssyncadd.s32 $0xFFFFFFFF  }
0xa5: {  	s26 =	simm.s32 $execute0_lowered;
	[smem:$0x3FD2] =	sst s25  }
0xa6: {  	s5 =	sshll.u32 s26, $0x1;
	_ =	strace $0x80000046;
	[dreg:$0x1] =	wrdreg $0xFFFFFFFF  }
0xa7: {  	s28 =	simm.s32 $_size_execute0_lowered;
	s3 =	sadd.s32 s3, s5;
	[dreg:$0x0] =	wrdreg $0x0  }
0xa8: {  	s5 =	sshll.u32 s28, $0x1;
	[dreg:$0x2] =	wrdreg s3  }
0xa9: {  	[dreg:$0x3] =	wrdreg s5  }
0xaa: {  	[dreg:$0x4] =	wrdreg $0xC0  }
0xab: {  	_ =	task [dreg:s7], $0x5FFFF  }
0xac: {  	[dreg:$0x1] =	wrdreg $0xFFFFFFFF  }
0xad: {  	[dreg:$0x0] =	wrdreg $0x60  }
0xae: {  	[dreg:$0x2] =	wrdreg s24  }
0xaf: {  	[dreg:$0x3] =	wrdreg s2  }
0xb0: {  	[dreg:$0x4] =	wrdreg $0x9  }
0xb1: {  	_ =	task.clear_ibuf [dreg:s7], $0x5FFFF;
	_ =	strace $0x90000046  }
0xb2: {  	s29 =	simm.s32 $0x9;
	_ =	strace $0x80000048  }
0xb3: {  	_ =	swait.ge [sflag:s29], $0x1  }
0xb4: {  	[sflag:s29] =	ssyncadd.s32 $0xFFFFFFFF  }
0xb5: {  	_ =	strace $0x90000048  }
0xb6: {  	_ =	sfence  }
0xb7: {  	s30 =	sld [smem:$0x0];
	_ =	sdelay $0x2  }
0xb8: {  	s31 =	sshll.u32 s1, $0xD;
	s1 =	sshrl.u32 s1, $0x2  }
0xb9: {  	s3 =	sand.u32 $0x4000, s31;
	s1 =	sadd.s32 s1, s30  }
0xba: {  	s0 =	sor.u32 s3, s0;
	s1 =	sshll.u32 s1, $0x11  }
0xbb: {  	s0 =	sor.u32 s1, s0  }
0xbc: {  	s0 =	sadd.s32 $0x8F2B, s0  }
0xbd: {  	[sflag:s0] =	ssyncadd.remote.s32 $0x1  }
0xbe: {  	_ =	sfence.sel $0xFFFF  }
0xbf: {  	[dreg:$0x0] =	wrdreg $0xFFFFFFFF;
	(pc) =	sbr.abs _section_cstart, $3  }
0xc0: {  	[dreg:$0x1] =	wrdreg $0xFFFFFFFF  }
0xc1: {  	_ =	task.clear_ibuf [dreg:s7], $0x2FFFF;
	_ =	strace $0x9FFFFFFF  }
0xc2: {  	(tm) =	ssettm $0x7FFFFFFF  }
0xc3: {  	_ =	shalt  }
tec
execute0_lowered:
.L_overlay_start_1:
0x0: {  	(tag) =	ssettag $0x1  }
0x1: {  	s1 =	rddreg [dreg:$0x0]  }
0x2: {  	s3 =	srdreg.scid;
	s0 =	stileid.u32  }
0x3: {  	s2 =	rddreg [dreg:$0x1];
	s15 =	simm.s32 $0x3;
	s16 =	simm.s32 $0x80  }
0x4: {  	s17 =	simm.s32 $0x6400;
	s18 =	simm.s32 $0x8400;
	s19 =	simm.s32 $0xA400  }
0x5: {  	s20 =	simm.s32 $0xC400;
	s21 =	simm.s32 $0xE400;
	s22 =	simm.s32 $0x10400  }
0x6: {  	s23 =	simm.s32 $0x12400;
	s24 =	simm.s32 $0x14400;
	s25 =	simm.s32 $0x1  }
0x7: {  	s26 =	simm.s32 $0x2;
	s28 =	simm.s32 $0x0;
	s4 =	sand.u32 $0x1, s3  }
0x8: {  	s5 =	sshll.u32 s0, $0x1;
	s3 =	simm.s32 $0x0;
	s8 =	sadd.s32 $0x800, s2  }
0x9: {  	s9 =	sadd.s32 $0xC00, s2;
	s10 =	sadd.s32 $0x1000, s2;
	s11 =	sadd.s32 $0x1400, s2  }
0xa: {  	s12 =	sadd.s32 $0x1800, s2;
	s13 =	sadd.s32 $0x1C00, s2;
	s6 =	sor.u32 s4, s5  }
0xb: {  	[smem:$0x7FF] =	sst s3;
	s7 =	ssub.s32 $0x2, s4;
	s5 =	smul.u32 $0xC80, s6  }
0xc: {  	s4 =	sadd.s32 $0xF42E00, s1;
	_ =	strace $0x80000047;
	s31 =	sshrl.u32 s7, $0x1  }
0xd: {  	s6 =	smul.u32 $0x32000, s6;
	s5 =	sadd.s32 s5, s1;
	s1 =	ssub.s32 s7, s31  }
0xe: {  	s7 =	sadd.s32 $0x400, s2;
	s5 =	sadd.s32 $0xA00, s5;
	s14 =	smax.u32 s1, $0x1  }
.LBB2_1:
0xf: {  	[tilespmem:s3], [sflag:$0x3] =	stream.linear.gather [hbm4b:s5+s3], $0x6400, $0x38;
	[tilespmem:$0x16400] =	vst v63  }
0x10: {  	_ =	swait.ge [sflag:s15], $0x6400  }
0x11: {  	[sflag:s15] =	ssyncset.done $0x0  }
0x12: {  	s29 =	simm.s32 $0x0;
	[sflag:s15] =	ssyncadd.s32 $0xFFFF9C00  }
.LBB2_2:
0x13: {  	s1 =	sshll.u32 s29, $0xA  }
0x14: {  	s1 =	sand.u32 $0x3FFFFC00, s1  }
0x15: {  	[tilespmem:s17], [sflag:$0x1] =	stream.indirect.gather [hbm4b:s4+s16], $0x40, s1, s16, $0xb8;
	[tilespmem:$0x16400] =	vst v63  }
0x16: {  	s30 =	sor.u32 $0x80, s1  }
0x17: {  	[tilespmem:s18], [sflag:$0x1] =	stream.indirect.gather [hbm4b:s4+s16], $0x40, s30, s16, $0xb8;
	[tilespmem:$0x16400] =	vst v63  }
0x18: {  	s30 =	sor.u32 $0x100, s1  }
0x19: {  	[tilespmem:s19], [sflag:$0x1] =	stream.indirect.gather [hbm4b:s4+s16], $0x40, s30, s16, $0xb8;
	[tilespmem:$0x16400] =	vst v63  }
0x1a: {  	s30 =	sor.u32 $0x180, s1  }
0x1b: {  	[tilespmem:s20], [sflag:$0x1] =	stream.indirect.gather [hbm4b:s4+s16], $0x40, s30, s16, $0xb8;
	[tilespmem:$0x16400] =	vst v63  }
0x1c: {  	s30 =	sor.u32 $0x200, s1  }
0x1d: {  	[tilespmem:s21], [sflag:$0x1] =	stream.indirect.gather [hbm4b:s4+s16], $0x40, s30, s16, $0xb8;
	[tilespmem:$0x16400] =	vst v63  }
0x1e: {  	s30 =	sor.u32 $0x280, s1  }
0x1f: {  	[tilespmem:s22], [sflag:$0x1] =	stream.indirect.gather [hbm4b:s4+s16], $0x40, s30, s16, $0xb8;
	[tilespmem:$0x16400] =	vst v63  }
0x20: {  	s30 =	sor.u32 $0x300, s1  }
0x21: {  	[tilespmem:s23], [sflag:$0x1] =	stream.indirect.gather [hbm4b:s4+s16], $0x40, s30, s16, $0xb8;
	[tilespmem:$0x16400] =	vst v63  }
0x22: {  	s1 =	sor.u32 $0x380, s1  }
0x23: {  	[tilespmem:s24], [sflag:$0x1] =	stream.indirect.gather [hbm4b:s4+s16], $0x40, s1, s16, $0xb8;
	[tilespmem:$0x16400] =	vst v63  }
0x24: {  	_ =	swait.ge [sflag:s25], $0x2000  }
0x25: {  	[sflag:s25] =	ssyncset.done $0x0  }
0x26: {  	s31 =	simm.s32 $0x0;
	[sflag:s25] =	ssyncadd.s32 $0xFFFFE000  }
0x27: {  	v0 =	vld [tilespmem:s31+$0x6400]  }
0x28: {  	v1 =	vld [tilespmem:s31+$0x6410]  }
0x29: {  	v2 =	vld [tilespmem:s31+$0x6420]  }
0x2a: {  	v3 =	vld [tilespmem:s31+$0x6430]  }
0x2b: {  	v4 =	vld [tilespmem:s31+$0x6440]  }
0x2c: {  	v5 =	vld [tilespmem:s31+$0x6450];
	v0 =	vmul.f32 $8.000000000e+00, v0  }
0x2d: {  	v6 =	vld [tilespmem:s31+$0x6460];
	v1 =	vmul.f32 $8.000000000e+00, v1  }
0x2e: {  	v2 =	vmul.f32 $8.000000000e+00, v2;
	[tilespmem:s31+$0x6400] =	vst v0;
	v0 =	vld [tilespmem:s31+$0x6470]  }
0x2f: {  	v3 =	vmul.f32 $8.000000000e+00, v3;
	[tilespmem:s31+$0x6410] =	vst v1;
	v1 =	vld [tilespmem:s31+$0x6480]  }
0x30: {  	v4 =	vmul.f32 $8.000000000e+00, v4;
	[tilespmem:s31+$0x6420] =	vst v2;
	v2 =	vld [tilespmem:s31+$0x6490]  }
0x31: {  	v5 =	vmul.f32 $8.000000000e+00, v5;
	[tilespmem:s31+$0x6430] =	vst v3;
	v3 =	vld [tilespmem:s31+$0x64A0]  }
0x32: {  	v6 =	vmul.f32 $8.000000000e+00, v6;
	[tilespmem:s31+$0x6440] =	vst v4;
	v4 =	vld [tilespmem:s31+$0x64B0]  }
0x33: {  	[tilespmem:s31+$0x6450] =	vst v5;
	v5 =	vld [tilespmem:s31+$0x64C0];
	v0 =	vmul.f32 $8.000000000e+00, v0  }
0x34: {  	[tilespmem:s31+$0x6460] =	vst v6;
	v6 =	vld [tilespmem:s31+$0x64D0];
	v1 =	vmul.f32 $8.000000000e+00, v1  }
0x35: {  	v2 =	vmul.f32 $8.000000000e+00, v2;
	[tilespmem:s31+$0x6470] =	vst v0;
	v0 =	vld [tilespmem:s31+$0x64E0]  }
0x36: {  	v3 =	vmul.f32 $8.000000000e+00, v3;
	[tilespmem:s31+$0x6480] =	vst v1;
	v1 =	vld [tilespmem:s31+$0x64F0]  }
0x37: {  	v4 =	vmul.f32 $8.000000000e+00, v4;
	[tilespmem:s31+$0x6490] =	vst v2;
	v2 =	vld [tilespmem:s31+$0x6500]  }
0x38: {  	v5 =	vmul.f32 $8.000000000e+00, v5;
	[tilespmem:s31+$0x64A0] =	vst v3;
	v3 =	vld [tilespmem:s31+$0x6510]  }
0x39: {  	v6 =	vmul.f32 $8.000000000e+00, v6;
	[tilespmem:s31+$0x64B0] =	vst v4;
	v4 =	vld [tilespmem:s31+$0x6520]  }
0x3a: {  	[tilespmem:s31+$0x64C0] =	vst v5;
	v5 =	vld [tilespmem:s31+$0x6530];
	v0 =	vmul.f32 $8.000000000e+00, v0  }
0x3b: {  	[tilespmem:s31+$0x64D0] =	vst v6;
	v6 =	vld [tilespmem:s31+$0x6540]  }
0x3c: {  	v1 =	vmul.f32 $8.000000000e+00, v1;
	[tilespmem:s31+$0x64E0] =	vst v0;
	v0 =	vld [tilespmem:s31+$0x6550]  }
0x3d: {  	v2 =	vmul.f32 $8.000000000e+00, v2  }
0x3e: {  	[tilespmem:s31+$0x64F0] =	vst v1;
	v1 =	vmul.f32 $8.000000000e+00, v3;
	v3 =	vld [tilespmem:s31+$0x6570]  }
0x3f: {  	v7 =	vld [tilespmem:s31+$0x6560];
	[tilespmem:s31+$0x6500] =	vst v2;
	v2 =	vmul.f32 $8.000000000e+00, v4  }
0x40: {  	v4 =	vld [tilespmem:s31+$0x6580];
	[tilespmem:s31+$0x6510] =	vst v1;
	v1 =	vmul.f32 $8.000000000e+00, v5  }
0x41: {  	[tilespmem:s31+$0x6520] =	vst v2;
	v5 =	vld [tilespmem:s31+$0x6590];
	v2 =	vmul.f32 $8.000000000e+00, v6;
	v6 =	vmul.f32 $8.000000000e+00, v0  }
0x42: {  	[tilespmem:s31+$0x6530] =	vst v1;
	v1 =	vld [tilespmem:s31+$0x65A0]  }
0x43: {  	v0 =	vld [tilespmem:s31+$0x65B0];
	[tilespmem:s31+$0x6550] =	vst v6;
	v6 =	vmul.f32 $8.000000000e+00, v3  }
0x44: {  	v7 =	vmul.f32 $8.000000000e+00, v7;
	[tilespmem:s31+$0x6540] =	vst v2;
	v2 =	vld [tilespmem:s31+$0x65C0]  }
0x45: {  	v3 =	vld [tilespmem:s31+$0x65D0];
	[tilespmem:s31+$0x6570] =	vst v6;
	v6 =	vmul.f32 $8.000000000e+00, v4  }
0x46: {  	s30 =	simm.s32 $0x800;
	[tilespmem:s31+$0x6560] =	vst v7;
	v5 =	vmul.f32 $8.000000000e+00, v5;
	v4 =	vld [tilespmem:s31+$0x65E0]  }
.LBB2_3:
0x47: {  	s1 =	sshra.s32 s30, $0x2;
	p0 =	sne.s32 s30, $0x7800;
	[tilespmem:s31+$0x6580] =	vst v6;
	v1 =	vmul.f32 $8.000000000e+00, v1;
	v6 =	vld [tilespmem:s31+$0x65F0]  }
0x48: {  	v7 =	vld [tilespmem:s1+$0x6400];
	[tilespmem:s31+$0x6590] =	vst v5;
	v0 =	vmul.f32 $8.000000000e+00, v0  }
0x49: {  	v5 =	vld [tilespmem:s1+$0x6410];
	[tilespmem:s31+$0x65A0] =	vst v1;
	v1 =	vmul.f32 $8.000000000e+00, v2  }
0x4a: {  	v2 =	vld [tilespmem:s1+$0x6420];
	[tilespmem:s31+$0x65B0] =	vst v0;
	v0 =	vmul.f32 $8.000000000e+00, v3  }
0x4b: {  	v3 =	vld [tilespmem:s1+$0x6430];
	[tilespmem:s31+$0x65C0] =	vst v1;
	v1 =	vmul.f32 $8.000000000e+00, v4  }
0x4c: {  	v4 =	vld [tilespmem:s1+$0x6440];
	[tilespmem:s31+$0x65D0] =	vst v0;
	v0 =	vmul.f32 $8.000000000e+00, v6  }
0x4d: {  	v6 =	vmul.f32 $8.000000000e+00, v7;
	v7 =	vld [tilespmem:s1+$0x6450];
	[tilespmem:s31+$0x65E0] =	vst v1  }
0x4e: {  	v1 =	vmul.f32 $8.000000000e+00, v5;
	v5 =	vld [tilespmem:s1+$0x6460];
	[tilespmem:s31+$0x65F0] =	vst v0;
	s31 =	smov.u32 s1  }
0x4f: {  	[tilespmem:s31+$0x6400] =	vst v6;
	v0 =	vmul.f32 $8.000000000e+00, v2;
	v2 =	vld [tilespmem:s31+$0x6470]  }
0x50: {  	[tilespmem:s31+$0x6410] =	vst v1;
	v1 =	vmul.f32 $8.000000000e+00, v3;
	v3 =	vld [tilespmem:s31+$0x6480]  }
0x51: {  	[tilespmem:s31+$0x6420] =	vst v0;
	v0 =	vmul.f32 $8.000000000e+00, v4;
	v4 =	vld [tilespmem:s31+$0x6490]  }
0x52: {  	[tilespmem:s31+$0x6430] =	vst v1;
	v1 =	vmul.f32 $8.000000000e+00, v7;
	v6 =	vld [tilespmem:s31+$0x64A0]  }
0x53: {  	[tilespmem:s31+$0x6440] =	vst v0;
	v0 =	vmul.f32 $8.000000000e+00, v5;
	v5 =	vld [tilespmem:s31+$0x64B0]  }
0x54: {  	[tilespmem:s31+$0x6450] =	vst v1;
	v1 =	vmul.f32 $8.000000000e+00, v2;
	v2 =	vld [tilespmem:s31+$0x64C0]  }
0x55: {  	[tilespmem:s31+$0x6460] =	vst v0;
	v0 =	vmul.f32 $8.000000000e+00, v3;
	v3 =	vld [tilespmem:s31+$0x64D0]  }
0x56: {  	[tilespmem:s31+$0x6470] =	vst v1;
	v1 =	vmul.f32 $8.000000000e+00, v4;
	v4 =	vld [tilespmem:s31+$0x64E0]  }
0x57: {  	[tilespmem:s31+$0x6480] =	vst v0;
	v0 =	vmul.f32 $8.000000000e+00, v6;
	v6 =	vld [tilespmem:s31+$0x64F0]  }
0x58: {  	[tilespmem:s31+$0x6490] =	vst v1;
	v1 =	vmul.f32 $8.000000000e+00, v5;
	v5 =	vld [tilespmem:s31+$0x6500]  }
0x59: {  	[tilespmem:s31+$0x64A0] =	vst v0;
	v0 =	vmul.f32 $8.000000000e+00, v2;
	v2 =	vld [tilespmem:s31+$0x6510]  }
0x5a: {  	[tilespmem:s31+$0x64B0] =	vst v1;
	v1 =	vmul.f32 $8.000000000e+00, v3;
	v3 =	vld [tilespmem:s31+$0x6520]  }
0x5b: {  	[tilespmem:s31+$0x64C0] =	vst v0;
	v0 =	vmul.f32 $8.000000000e+00, v4;
	v4 =	vld [tilespmem:s31+$0x6530]  }
0x5c: {  	[tilespmem:s31+$0x64D0] =	vst v1;
	v1 =	vmul.f32 $8.000000000e+00, v6;
	v6 =	vld [tilespmem:s31+$0x6540]  }
0x5d: {  	[tilespmem:s31+$0x64E0] =	vst v0;
	v0 =	vmul.f32 $8.000000000e+00, v5;
	v5 =	vld [tilespmem:s31+$0x6550]  }
0x5e: {  	[tilespmem:s31+$0x64F0] =	vst v1;
	v1 =	vmul.f32 $8.000000000e+00, v2;
	v2 =	vld [tilespmem:s31+$0x6560]  }
0x5f: {  	[tilespmem:s31+$0x6500] =	vst v0;
	v0 =	vmul.f32 $8.000000000e+00, v3;
	v3 =	vld [tilespmem:s31+$0x6570]  }
0x60: {  	[tilespmem:s31+$0x6510] =	vst v1;
	v1 =	vmul.f32 $8.000000000e+00, v4;
	v4 =	vld [tilespmem:s31+$0x6580]  }
0x61: {  	[tilespmem:s31+$0x6520] =	vst v0;
	v0 =	vmul.f32 $8.000000000e+00, v6;
	v7 =	vld [tilespmem:s31+$0x6590]  }
.Ltmp0:
0x62: {  	[tilespmem:s31+$0x6530] =	vst v1;
	v5 =	vmul.f32 $8.000000000e+00, v5;
	v1 =	vld [tilespmem:s31+$0x65A0];
	(pc) =	sbr.rel @p0 .LBB2_3-.Ltmp0, $4  }
0x63: {  	[tilespmem:s31+$0x6540] =	vst v0;
	v6 =	vmul.f32 $8.000000000e+00, v2;
	v0 =	vld [tilespmem:s31+$0x65B0]  }
0x64: {  	[tilespmem:s31+$0x6550] =	vst v5;
	v5 =	vmul.f32 $8.000000000e+00, v3;
	v2 =	vld [tilespmem:s31+$0x65C0]  }
0x65: {  	[tilespmem:s31+$0x6560] =	vst v6;
	v6 =	vmul.f32 $8.000000000e+00, v4;
	v3 =	vld [tilespmem:s31+$0x65D0]  }
0x66: {  	s30 =	sadd.s32 $0x800, s30;
	[tilespmem:s31+$0x6570] =	vst v5;
	v5 =	vmul.f32 $8.000000000e+00, v7;
	v4 =	vld [tilespmem:s31+$0x65E0]  }
0x67: {  	[tilespmem:s31+$0x6580] =	vst v6;
	v1 =	vmul.f32 $8.000000000e+00, v1;
	v6 =	vld [tilespmem:s31+$0x65F0]  }
0x68: {  	[tilespmem:s31+$0x6590] =	vst v5;
	v0 =	vmul.f32 $8.000000000e+00, v0  }
0x69: {  	[tilespmem:s31+$0x65A0] =	vst v1;
	v1 =	vmul.f32 $8.000000000e+00, v2  }
0x6a: {  	[tilespmem:s31+$0x65B0] =	vst v0;
	v0 =	vmul.f32 $8.000000000e+00, v3  }
0x6b: {  	[tilespmem:s31+$0x65C0] =	vst v1;
	v1 =	vmul.f32 $8.000000000e+00, v4  }
0x6c: {  	s1 =	sshll.u32 s29, $0xD;
	[tilespmem:s31+$0x65D0] =	vst v0;
	v0 =	vmul.f32 $8.000000000e+00, v6  }
0x6d: {  	s30 =	sadd.s32 s6, s1;
	[tilespmem:s31+$0x65E0] =	vst v1  }
0x6e: {  	s1 =	sadd.s32 s2, s30;
	[tilespmem:s31+$0x65F0] =	vst v0;
	s31 =	simm.s32 $0x0  }
0x6f: {  	[hbm4b:s1+s31] =	stream.linear.scatter [tilespmem:s17], [sflag:$0x2], $0x2000, $0x38;
	[tilespmem:$0x16400] =	vst v63  }
0x70: {  	_ =	swait.ge [sflag:s25], $0x2000  }
0x71: {  	[sflag:s25] =	ssyncset.done $0x0  }
0x72: {  	s31 =	simm.s32 $0x0;
	[sflag:s25] =	ssyncadd.s32 $0xFFFFE000  }
0x73: {  	v0 =	vld [tilespmem:s31+$0x8400]  }
0x74: {  	v1 =	vld [tilespmem:s31+$0x8410]  }
0x75: {  	v2 =	vld [tilespmem:s31+$0x8420]  }
0x76: {  	v3 =	vld [tilespmem:s31+$0x8430]  }
0x77: {  	v4 =	vld [tilespmem:s31+$0x8440]  }
0x78: {  	v5 =	vld [tilespmem:s31+$0x8450];
	v0 =	vmul.f32 $8.000000000e+00, v0  }
0x79: {  	v6 =	vld [tilespmem:s31+$0x8460];
	v1 =	vmul.f32 $8.000000000e+00, v1  }
0x7a: {  	v2 =	vmul.f32 $8.000000000e+00, v2;
	[tilespmem:s31+$0x8400] =	vst v0;
	v0 =	vld [tilespmem:s31+$0x8470]  }
0x7b: {  	v3 =	vmul.f32 $8.000000000e+00, v3;
	[tilespmem:s31+$0x8410] =	vst v1;
	v1 =	vld [tilespmem:s31+$0x8480]  }
0x7c: {  	v4 =	vmul.f32 $8.000000000e+00, v4;
	[tilespmem:s31+$0x8420] =	vst v2;
	v2 =	vld [tilespmem:s31+$0x8490]  }
0x7d: {  	v5 =	vmul.f32 $8.000000000e+00, v5;
	[tilespmem:s31+$0x8430] =	vst v3;
	v3 =	vld [tilespmem:s31+$0x84A0]  }
0x7e: {  	v6 =	vmul.f32 $8.000000000e+00, v6;
	[tilespmem:s31+$0x8440] =	vst v4;
	v4 =	vld [tilespmem:s31+$0x84B0]  }
0x7f: {  	[tilespmem:s31+$0x8450] =	vst v5;
	v5 =	vld [tilespmem:s31+$0x84C0];
	v0 =	vmul.f32 $8.000000000e+00, v0  }
0x80: {  	[tilespmem:s31+$0x8460] =	vst v6;
	v6 =	vld [tilespmem:s31+$0x84D0];
	v1 =	vmul.f32 $8.000000000e+00, v1  }
0x81: {  	v2 =	vmul.f32 $8.000000000e+00, v2;
	[tilespmem:s31+$0x8470] =	vst v0;
	v0 =	vld [tilespmem:s31+$0x84E0]  }
0x82: {  	v3 =	vmul.f32 $8.000000000e+00, v3;
	[tilespmem:s31+$0x8480] =	vst v1;
	v1 =	vld [tilespmem:s31+$0x84F0]  }
0x83: {  	v4 =	vmul.f32 $8.000000000e+00, v4;
	[tilespmem:s31+$0x8490] =	vst v2;
	v2 =	vld [tilespmem:s31+$0x8500]  }
0x84: {  	v5 =	vmul.f32 $8.000000000e+00, v5;
	[tilespmem:s31+$0x84A0] =	vst v3;
	v3 =	vld [tilespmem:s31+$0x8510]  }
0x85: {  	v6 =	vmul.f32 $8.000000000e+00, v6;
	[tilespmem:s31+$0x84B0] =	vst v4;
	v4 =	vld [tilespmem:s31+$0x8520]  }
0x86: {  	[tilespmem:s31+$0x84C0] =	vst v5;
	v5 =	vld [tilespmem:s31+$0x8530];
	v0 =	vmul.f32 $8.000000000e+00, v0  }
0x87: {  	[tilespmem:s31+$0x84D0] =	vst v6;
	v6 =	vld [tilespmem:s31+$0x8540]  }
0x88: {  	v1 =	vmul.f32 $8.000000000e+00, v1;
	[tilespmem:s31+$0x84E0] =	vst v0;
	v0 =	vld [tilespmem:s31+$0x8550]  }
0x89: {  	v2 =	vmul.f32 $8.000000000e+00, v2  }
0x8a: {  	[tilespmem:s31+$0x84F0] =	vst v1;
	v1 =	vmul.f32 $8.000000000e+00, v3;
	v3 =	vld [tilespmem:s31+$0x8570]  }
0x8b: {  	v7 =	vld [tilespmem:s31+$0x8560];
	[tilespmem:s31+$0x8500] =	vst v2;
	v2 =	vmul.f32 $8.000000000e+00, v4  }
0x8c: {  	v4 =	vld [tilespmem:s31+$0x8580];
	[tilespmem:s31+$0x8510] =	vst v1;
	v1 =	vmul.f32 $8.000000000e+00, v5  }
0x8d: {  	[tilespmem:s31+$0x8520] =	vst v2;
	v5 =	vld [tilespmem:s31+$0x8590];
	v2 =	vmul.f32 $8.000000000e+00, v6;
	v6 =	vmul.f32 $8.000000000e+00, v0  }
0x8e: {  	[tilespmem:s31+$0x8530] =	vst v1;
	v1 =	vld [tilespmem:s31+$0x85A0]  }
0x8f: {  	v0 =	vld [tilespmem:s31+$0x85B0];
	[tilespmem:s31+$0x8550] =	vst v6;
	v6 =	vmul.f32 $8.000000000e+00, v3  }
0x90: {  	v7 =	vmul.f32 $8.000000000e+00, v7;
	[tilespmem:s31+$0x8540] =	vst v2;
	v2 =	vld [tilespmem:s31+$0x85C0]  }
0x91: {  	v3 =	vld [tilespmem:s31+$0x85D0];
	[tilespmem:s31+$0x8570] =	vst v6;
	v6 =	vmul.f32 $8.000000000e+00, v4  }
0x92: {  	s1 =	simm.s32 $0x800;
	[tilespmem:s31+$0x8560] =	vst v7;
	v5 =	vmul.f32 $8.000000000e+00, v5;
	v4 =	vld [tilespmem:s31+$0x85E0]  }
.LBB2_5:
0x93: {  	s0 =	sshra.s32 s1, $0x2;
	p0 =	sne.s32 s1, $0x7800;
	[tilespmem:s31+$0x8580] =	vst v6;
	v1 =	vmul.f32 $8.000000000e+00, v1;
	v6 =	vld [tilespmem:s31+$0x85F0]  }
0x94: {  	v7 =	vld [tilespmem:s0+$0x8400];
	[tilespmem:s31+$0x8590] =	vst v5;
	v0 =	vmul.f32 $8.000000000e+00, v0  }
0x95: {  	v5 =	vld [tilespmem:s0+$0x8410];
	[tilespmem:s31+$0x85A0] =	vst v1;
	v1 =	vmul.f32 $8.000000000e+00, v2  }
0x96: {  	v2 =	vld [tilespmem:s0+$0x8420];
	[tilespmem:s31+$0x85B0] =	vst v0;
	v0 =	vmul.f32 $8.000000000e+00, v3  }
0x97: {  	v3 =	vld [tilespmem:s0+$0x8430];
	[tilespmem:s31+$0x85C0] =	vst v1;
	v1 =	vmul.f32 $8.000000000e+00, v4  }
0x98: {  	v4 =	vld [tilespmem:s0+$0x8440];
	[tilespmem:s31+$0x85D0] =	vst v0;
	v0 =	vmul.f32 $8.000000000e+00, v6  }
0x99: {  	v6 =	vmul.f32 $8.000000000e+00, v7;
	v7 =	vld [tilespmem:s0+$0x8450];
	[tilespmem:s31+$0x85E0] =	vst v1  }
0x9a: {  	v1 =	vmul.f32 $8.000000000e+00, v5;
	v5 =	vld [tilespmem:s0+$0x8460];
	[tilespmem:s31+$0x85F0] =	vst v0;
	s31 =	smov.u32 s0  }
0x9b: {  	[tilespmem:s31+$0x8400] =	vst v6;
	v0 =	vmul.f32 $8.000000000e+00, v2;
	v2 =	vld [tilespmem:s31+$0x8470]  }
0x9c: {  	[tilespmem:s31+$0x8410] =	vst v1;
	v1 =	vmul.f32 $8.000000000e+00, v3;
	v3 =	vld [tilespmem:s31+$0x8480]  }
0x9d: {  	[tilespmem:s31+$0x8420] =	vst v0;
	v0 =	vmul.f32 $8.000000000e+00, v4;
	v4 =	vld [tilespmem:s31+$0x8490]  }
0x9e: {  	[tilespmem:s31+$0x8430] =	vst v1;
	v1 =	vmul.f32 $8.000000000e+00, v7;
	v6 =	vld [tilespmem:s31+$0x84A0]  }
0x9f: {  	[tilespmem:s31+$0x8440] =	vst v0;
	v0 =	vmul.f32 $8.000000000e+00, v5;
	v5 =	vld [tilespmem:s31+$0x84B0]  }
0xa0: {  	[tilespmem:s31+$0x8450] =	vst v1;
	v1 =	vmul.f32 $8.000000000e+00, v2;
	v2 =	vld [tilespmem:s31+$0x84C0]  }
0xa1: {  	[tilespmem:s31+$0x8460] =	vst v0;
	v0 =	vmul.f32 $8.000000000e+00, v3;
	v3 =	vld [tilespmem:s31+$0x84D0]  }
0xa2: {  	[tilespmem:s31+$0x8470] =	vst v1;
	v1 =	vmul.f32 $8.000000000e+00, v4;
	v4 =	vld [tilespmem:s31+$0x84E0]  }
0xa3: {  	[tilespmem:s31+$0x8480] =	vst v0;
	v0 =	vmul.f32 $8.000000000e+00, v6;
	v6 =	vld [tilespmem:s31+$0x84F0]  }
0xa4: {  	[tilespmem:s31+$0x8490] =	vst v1;
	v1 =	vmul.f32 $8.000000000e+00, v5;
	v5 =	vld [tilespmem:s31+$0x8500]  }
0xa5: {  	[tilespmem:s31+$0x84A0] =	vst v0;
	v0 =	vmul.f32 $8.000000000e+00, v2;
	v2 =	vld [tilespmem:s31+$0x8510]  }
0xa6: {  	[tilespmem:s31+$0x84B0] =	vst v1;
	v1 =	vmul.f32 $8.000000000e+00, v3;
	v3 =	vld [tilespmem:s31+$0x8520]  }
0xa7: {  	[tilespmem:s31+$0x84C0] =	vst v0;
	v0 =	vmul.f32 $8.000000000e+00, v4;
	v4 =	vld [tilespmem:s31+$0x8530]  }
0xa8: {  	[tilespmem:s31+$0x84D0] =	vst v1;
	v1 =	vmul.f32 $8.000000000e+00, v6;
	v6 =	vld [tilespmem:s31+$0x8540]  }
0xa9: {  	[tilespmem:s31+$0x84E0] =	vst v0;
	v0 =	vmul.f32 $8.000000000e+00, v5;
	v5 =	vld [tilespmem:s31+$0x8550]  }
0xaa: {  	[tilespmem:s31+$0x84F0] =	vst v1;
	v1 =	vmul.f32 $8.000000000e+00, v2;
	v2 =	vld [tilespmem:s31+$0x8560]  }
0xab: {  	[tilespmem:s31+$0x8500] =	vst v0;
	v0 =	vmul.f32 $8.000000000e+00, v3;
	v3 =	vld [tilespmem:s31+$0x8570]  }
0xac: {  	[tilespmem:s31+$0x8510] =	vst v1;
	v1 =	vmul.f32 $8.000000000e+00, v4;
	v4 =	vld [tilespmem:s31+$0x8580]  }
0xad: {  	[tilespmem:s31+$0x8520] =	vst v0;
	v0 =	vmul.f32 $8.000000000e+00, v6;
	v7 =	vld [tilespmem:s31+$0x8590]  }
.Ltmp1:
0xae: {  	[tilespmem:s31+$0x8530] =	vst v1;
	v5 =	vmul.f32 $8.000000000e+00, v5;
	v1 =	vld [tilespmem:s31+$0x85A0];
	(pc) =	sbr.rel @p0 .LBB2_5-.Ltmp1, $4  }
0xaf: {  	[tilespmem:s31+$0x8540] =	vst v0;
	v6 =	vmul.f32 $8.000000000e+00, v2;
	v0 =	vld [tilespmem:s31+$0x85B0]  }
0xb0: {  	[tilespmem:s31+$0x8550] =	vst v5;
	v5 =	vmul.f32 $8.000000000e+00, v3;
	v2 =	vld [tilespmem:s31+$0x85C0]  }
0xb1: {  	[tilespmem:s31+$0x8560] =	vst v6;
	v6 =	vmul.f32 $8.000000000e+00, v4;
	v3 =	vld [tilespmem:s31+$0x85D0]  }
0xb2: {  	s1 =	sadd.s32 $0x800, s1;
	[tilespmem:s31+$0x8570] =	vst v5;
	v5 =	vmul.f32 $8.000000000e+00, v7;
	v4 =	vld [tilespmem:s31+$0x85E0]  }
0xb3: {  	[tilespmem:s31+$0x8580] =	vst v6;
	v1 =	vmul.f32 $8.000000000e+00, v1;
	v6 =	vld [tilespmem:s31+$0x85F0]  }
0xb4: {  	[tilespmem:s31+$0x8590] =	vst v5;
	v0 =	vmul.f32 $8.000000000e+00, v0  }
0xb5: {  	[tilespmem:s31+$0x85A0] =	vst v1;
	v1 =	vmul.f32 $8.000000000e+00, v2  }
0xb6: {  	[tilespmem:s31+$0x85B0] =	vst v0;
	v0 =	vmul.f32 $8.000000000e+00, v3  }
0xb7: {  	[tilespmem:s31+$0x85C0] =	vst v1;
	v1 =	vmul.f32 $8.000000000e+00, v4  }
0xb8: {  	[tilespmem:s31+$0x85D0] =	vst v0;
	v0 =	vmul.f32 $8.000000000e+00, v6  }
0xb9: {  	[tilespmem:s31+$0x85E0] =	vst v1  }
0xba: {  	s0 =	sadd.s32 s30, s7;
	s1 =	simm.s32 $0x0;
	[tilespmem:s31+$0x85F0] =	vst v0  }
0xbb: {  	[hbm4b:s0+s1] =	stream.linear.scatter [tilespmem:s18], [sflag:$0x2], $0x2000, $0x38;
	[tilespmem:$0x16400] =	vst v63  }
0xbc: {  	_ =	swait.ge [sflag:s25], $0x2000  }
0xbd: {  	[sflag:s25] =	ssyncset.done $0x0  }
0xbe: {  	s31 =	simm.s32 $0x0;
	[sflag:s25] =	ssyncadd.s32 $0xFFFFE000  }
0xbf: {  	v0 =	vld [tilespmem:s31+$0xA400]  }
0xc0: {  	v1 =	vld [tilespmem:s31+$0xA410]  }
0xc1: {  	v2 =	vld [tilespmem:s31+$0xA420]  }
0xc2: {  	v3 =	vld [tilespmem:s31+$0xA430]  }
0xc3: {  	v4 =	vld [tilespmem:s31+$0xA440]  }
0xc4: {  	v5 =	vld [tilespmem:s31+$0xA450];
	v0 =	vmul.f32 $8.000000000e+00, v0  }
0xc5: {  	v6 =	vld [tilespmem:s31+$0xA460];
	v1 =	vmul.f32 $8.000000000e+00, v1  }
0xc6: {  	v2 =	vmul.f32 $8.000000000e+00, v2;
	[tilespmem:s31+$0xA400] =	vst v0;
	v0 =	vld [tilespmem:s31+$0xA470]  }
0xc7: {  	v3 =	vmul.f32 $8.000000000e+00, v3;
	[tilespmem:s31+$0xA410] =	vst v1;
	v1 =	vld [tilespmem:s31+$0xA480]  }
0xc8: {  	v4 =	vmul.f32 $8.000000000e+00, v4;
	[tilespmem:s31+$0xA420] =	vst v2;
	v2 =	vld [tilespmem:s31+$0xA490]  }
0xc9: {  	v5 =	vmul.f32 $8.000000000e+00, v5;
	[tilespmem:s31+$0xA430] =	vst v3;
	v3 =	vld [tilespmem:s31+$0xA4A0]  }
0xca: {  	v6 =	vmul.f32 $8.000000000e+00, v6;
	[tilespmem:s31+$0xA440] =	vst v4;
	v4 =	vld [tilespmem:s31+$0xA4B0]  }
0xcb: {  	[tilespmem:s31+$0xA450] =	vst v5;
	v5 =	vld [tilespmem:s31+$0xA4C0];
	v0 =	vmul.f32 $8.000000000e+00, v0  }
0xcc: {  	[tilespmem:s31+$0xA460] =	vst v6;
	v6 =	vld [tilespmem:s31+$0xA4D0];
	v1 =	vmul.f32 $8.000000000e+00, v1  }
0xcd: {  	v2 =	vmul.f32 $8.000000000e+00, v2;
	[tilespmem:s31+$0xA470] =	vst v0;
	v0 =	vld [tilespmem:s31+$0xA4E0]  }
0xce: {  	v3 =	vmul.f32 $8.000000000e+00, v3;
	[tilespmem:s31+$0xA480] =	vst v1;
	v1 =	vld [tilespmem:s31+$0xA4F0]  }
0xcf: {  	v4 =	vmul.f32 $8.000000000e+00, v4;
	[tilespmem:s31+$0xA490] =	vst v2;
	v2 =	vld [tilespmem:s31+$0xA500]  }
0xd0: {  	v5 =	vmul.f32 $8.000000000e+00, v5;
	[tilespmem:s31+$0xA4A0] =	vst v3;
	v3 =	vld [tilespmem:s31+$0xA510]  }
0xd1: {  	v6 =	vmul.f32 $8.000000000e+00, v6;
	[tilespmem:s31+$0xA4B0] =	vst v4;
	v4 =	vld [tilespmem:s31+$0xA520]  }
0xd2: {  	[tilespmem:s31+$0xA4C0] =	vst v5;
	v5 =	vld [tilespmem:s31+$0xA530];
	v0 =	vmul.f32 $8.000000000e+00, v0  }
0xd3: {  	[tilespmem:s31+$0xA4D0] =	vst v6;
	v6 =	vld [tilespmem:s31+$0xA540]  }
0xd4: {  	v1 =	vmul.f32 $8.000000000e+00, v1;
	[tilespmem:s31+$0xA4E0] =	vst v0;
	v0 =	vld [tilespmem:s31+$0xA550]  }
0xd5: {  	v2 =	vmul.f32 $8.000000000e+00, v2  }
0xd6: {  	[tilespmem:s31+$0xA4F0] =	vst v1;
	v1 =	vmul.f32 $8.000000000e+00, v3;
	v3 =	vld [tilespmem:s31+$0xA570]  }
0xd7: {  	v7 =	vld [tilespmem:s31+$0xA560];
	[tilespmem:s31+$0xA500] =	vst v2;
	v2 =	vmul.f32 $8.000000000e+00, v4  }
0xd8: {  	v4 =	vld [tilespmem:s31+$0xA580];
	[tilespmem:s31+$0xA510] =	vst v1;
	v1 =	vmul.f32 $8.000000000e+00, v5  }
0xd9: {  	[tilespmem:s31+$0xA520] =	vst v2;
	v5 =	vld [tilespmem:s31+$0xA590];
	v2 =	vmul.f32 $8.000000000e+00, v6;
	v6 =	vmul.f32 $8.000000000e+00, v0  }
0xda: {  	[tilespmem:s31+$0xA530] =	vst v1;
	v1 =	vld [tilespmem:s31+$0xA5A0]  }
0xdb: {  	v0 =	vld [tilespmem:s31+$0xA5B0];
	[tilespmem:s31+$0xA550] =	vst v6;
	v6 =	vmul.f32 $8.000000000e+00, v3  }
0xdc: {  	v7 =	vmul.f32 $8.000000000e+00, v7;
	[tilespmem:s31+$0xA540] =	vst v2;
	v2 =	vld [tilespmem:s31+$0xA5C0]  }
0xdd: {  	v3 =	vld [tilespmem:s31+$0xA5D0];
	[tilespmem:s31+$0xA570] =	vst v6;
	v6 =	vmul.f32 $8.000000000e+00, v4  }
0xde: {  	s1 =	simm.s32 $0x800;
	[tilespmem:s31+$0xA560] =	vst v7;
	v5 =	vmul.f32 $8.000000000e+00, v5;
	v4 =	vld [tilespmem:s31+$0xA5E0]  }
.LBB2_7:
0xdf: {  	s0 =	sshra.s32 s1, $0x2;
	p0 =	sne.s32 s1, $0x7800;
	[tilespmem:s31+$0xA580] =	vst v6;
	v1 =	vmul.f32 $8.000000000e+00, v1;
	v6 =	vld [tilespmem:s31+$0xA5F0]  }
0xe0: {  	v7 =	vld [tilespmem:s0+$0xA400];
	[tilespmem:s31+$0xA590] =	vst v5;
	v0 =	vmul.f32 $8.000000000e+00, v0  }
0xe1: {  	v5 =	vld [tilespmem:s0+$0xA410];
	[tilespmem:s31+$0xA5A0] =	vst v1;
	v1 =	vmul.f32 $8.000000000e+00, v2  }
0xe2: {  	v2 =	vld [tilespmem:s0+$0xA420];
	[tilespmem:s31+$0xA5B0] =	vst v0;
	v0 =	vmul.f32 $8.000000000e+00, v3  }
0xe3: {  	v3 =	vld [tilespmem:s0+$0xA430];
	[tilespmem:s31+$0xA5C0] =	vst v1;
	v1 =	vmul.f32 $8.000000000e+00, v4  }
0xe4: {  	v4 =	vld [tilespmem:s0+$0xA440];
	[tilespmem:s31+$0xA5D0] =	vst v0;
	v0 =	vmul.f32 $8.000000000e+00, v6  }
0xe5: {  	v6 =	vmul.f32 $8.000000000e+00, v7;
	v7 =	vld [tilespmem:s0+$0xA450];
	[tilespmem:s31+$0xA5E0] =	vst v1  }
0xe6: {  	v1 =	vmul.f32 $8.000000000e+00, v5;
	v5 =	vld [tilespmem:s0+$0xA460];
	[tilespmem:s31+$0xA5F0] =	vst v0;
	s31 =	smov.u32 s0  }
0xe7: {  	[tilespmem:s31+$0xA400] =	vst v6;
	v0 =	vmul.f32 $8.000000000e+00, v2;
	v2 =	vld [tilespmem:s31+$0xA470]  }
0xe8: {  	[tilespmem:s31+$0xA410] =	vst v1;
	v1 =	vmul.f32 $8.000000000e+00, v3;
	v3 =	vld [tilespmem:s31+$0xA480]  }
0xe9: {  	[tilespmem:s31+$0xA420] =	vst v0;
	v0 =	vmul.f32 $8.000000000e+00, v4;
	v4 =	vld [tilespmem:s31+$0xA490]  }
0xea: {  	[tilespmem:s31+$0xA430] =	vst v1;
	v1 =	vmul.f32 $8.000000000e+00, v7;
	v6 =	vld [tilespmem:s31+$0xA4A0]  }
0xeb: {  	[tilespmem:s31+$0xA440] =	vst v0;
	v0 =	vmul.f32 $8.000000000e+00, v5;
	v5 =	vld [tilespmem:s31+$0xA4B0]  }
0xec: {  	[tilespmem:s31+$0xA450] =	vst v1;
	v1 =	vmul.f32 $8.000000000e+00, v2;
	v2 =	vld [tilespmem:s31+$0xA4C0]  }
0xed: {  	[tilespmem:s31+$0xA460] =	vst v0;
	v0 =	vmul.f32 $8.000000000e+00, v3;
	v3 =	vld [tilespmem:s31+$0xA4D0]  }
0xee: {  	[tilespmem:s31+$0xA470] =	vst v1;
	v1 =	vmul.f32 $8.000000000e+00, v4;
	v4 =	vld [tilespmem:s31+$0xA4E0]  }
0xef: {  	[tilespmem:s31+$0xA480] =	vst v0;
	v0 =	vmul.f32 $8.000000000e+00, v6;
	v6 =	vld [tilespmem:s31+$0xA4F0]  }
0xf0: {  	[tilespmem:s31+$0xA490] =	vst v1;
	v1 =	vmul.f32 $8.000000000e+00, v5;
	v5 =	vld [tilespmem:s31+$0xA500]  }
0xf1: {  	[tilespmem:s31+$0xA4A0] =	vst v0;
	v0 =	vmul.f32 $8.000000000e+00, v2;
	v2 =	vld [tilespmem:s31+$0xA510]  }
0xf2: {  	[tilespmem:s31+$0xA4B0] =	vst v1;
	v1 =	vmul.f32 $8.000000000e+00, v3;
	v3 =	vld [tilespmem:s31+$0xA520]  }
0xf3: {  	[tilespmem:s31+$0xA4C0] =	vst v0;
	v0 =	vmul.f32 $8.000000000e+00, v4;
	v4 =	vld [tilespmem:s31+$0xA530]  }
0xf4: {  	[tilespmem:s31+$0xA4D0] =	vst v1;
	v1 =	vmul.f32 $8.000000000e+00, v6;
	v6 =	vld [tilespmem:s31+$0xA540]  }
0xf5: {  	[tilespmem:s31+$0xA4E0] =	vst v0;
	v0 =	vmul.f32 $8.000000000e+00, v5;
	v5 =	vld [tilespmem:s31+$0xA550]  }
0xf6: {  	[tilespmem:s31+$0xA4F0] =	vst v1;
	v1 =	vmul.f32 $8.000000000e+00, v2;
	v2 =	vld [tilespmem:s31+$0xA560]  }
0xf7: {  	[tilespmem:s31+$0xA500] =	vst v0;
	v0 =	vmul.f32 $8.000000000e+00, v3;
	v3 =	vld [tilespmem:s31+$0xA570]  }
0xf8: {  	[tilespmem:s31+$0xA510] =	vst v1;
	v1 =	vmul.f32 $8.000000000e+00, v4;
	v4 =	vld [tilespmem:s31+$0xA580]  }
0xf9: {  	[tilespmem:s31+$0xA520] =	vst v0;
	v0 =	vmul.f32 $8.000000000e+00, v6;
	v7 =	vld [tilespmem:s31+$0xA590]  }
.Ltmp2:
0xfa: {  	[tilespmem:s31+$0xA530] =	vst v1;
	v5 =	vmul.f32 $8.000000000e+00, v5;
	v1 =	vld [tilespmem:s31+$0xA5A0];
	(pc) =	sbr.rel @p0 .LBB2_7-.Ltmp2, $4  }
0xfb: {  	[tilespmem:s31+$0xA540] =	vst v0;
	v6 =	vmul.f32 $8.000000000e+00, v2;
	v0 =	vld [tilespmem:s31+$0xA5B0]  }
0xfc: {  	[tilespmem:s31+$0xA550] =	vst v5;
	v5 =	vmul.f32 $8.000000000e+00, v3;
	v2 =	vld [tilespmem:s31+$0xA5C0]  }
0xfd: {  	[tilespmem:s31+$0xA560] =	vst v6;
	v6 =	vmul.f32 $8.000000000e+00, v4;
	v3 =	vld [tilespmem:s31+$0xA5D0]  }
0xfe: {  	s1 =	sadd.s32 $0x800, s1;
	[tilespmem:s31+$0xA570] =	vst v5;
	v5 =	vmul.f32 $8.000000000e+00, v7;
	v4 =	vld [tilespmem:s31+$0xA5E0]  }
0xff: {  	[tilespmem:s31+$0xA580] =	vst v6;
	v1 =	vmul.f32 $8.000000000e+00, v1;
	v6 =	vld [tilespmem:s31+$0xA5F0]  }
0x100: {  	[tilespmem:s31+$0xA590] =	vst v5;
	v0 =	vmul.f32 $8.000000000e+00, v0  }
0x101: {  	[tilespmem:s31+$0xA5A0] =	vst v1;
	v1 =	vmul.f32 $8.000000000e+00, v2  }
0x102: {  	[tilespmem:s31+$0xA5B0] =	vst v0;
	v0 =	vmul.f32 $8.000000000e+00, v3  }
0x103: {  	[tilespmem:s31+$0xA5C0] =	vst v1;
	v1 =	vmul.f32 $8.000000000e+00, v4  }
0x104: {  	[tilespmem:s31+$0xA5D0] =	vst v0;
	v0 =	vmul.f32 $8.000000000e+00, v6  }
0x105: {  	[tilespmem:s31+$0xA5E0] =	vst v1  }
0x106: {  	s0 =	sadd.s32 s30, s8;
	s1 =	simm.s32 $0x0;
	[tilespmem:s31+$0xA5F0] =	vst v0  }
0x107: {  	[hbm4b:s0+s1] =	stream.linear.scatter [tilespmem:s19], [sflag:$0x2], $0x2000, $0x38;
	[tilespmem:$0x16400] =	vst v63  }
0x108: {  	_ =	swait.ge [sflag:s25], $0x2000  }
0x109: {  	[sflag:s25] =	ssyncset.done $0x0  }
0x10a: {  	s31 =	simm.s32 $0x0;
	[sflag:s25] =	ssyncadd.s32 $0xFFFFE000  }
0x10b: {  	v0 =	vld [tilespmem:s31+$0xC400]  }
0x10c: {  	v1 =	vld [tilespmem:s31+$0xC410]  }
0x10d: {  	v2 =	vld [tilespmem:s31+$0xC420]  }
0x10e: {  	v3 =	vld [tilespmem:s31+$0xC430]  }
0x10f: {  	v4 =	vld [tilespmem:s31+$0xC440]  }
0x110: {  	v5 =	vld [tilespmem:s31+$0xC450];
	v0 =	vmul.f32 $8.000000000e+00, v0  }
0x111: {  	v6 =	vld [tilespmem:s31+$0xC460];
	v1 =	vmul.f32 $8.000000000e+00, v1  }
0x112: {  	v2 =	vmul.f32 $8.000000000e+00, v2;
	[tilespmem:s31+$0xC400] =	vst v0;
	v0 =	vld [tilespmem:s31+$0xC470]  }
0x113: {  	v3 =	vmul.f32 $8.000000000e+00, v3;
	[tilespmem:s31+$0xC410] =	vst v1;
	v1 =	vld [tilespmem:s31+$0xC480]  }
0x114: {  	v4 =	vmul.f32 $8.000000000e+00, v4;
	[tilespmem:s31+$0xC420] =	vst v2;
	v2 =	vld [tilespmem:s31+$0xC490]  }
0x115: {  	v5 =	vmul.f32 $8.000000000e+00, v5;
	[tilespmem:s31+$0xC430] =	vst v3;
	v3 =	vld [tilespmem:s31+$0xC4A0]  }
0x116: {  	v6 =	vmul.f32 $8.000000000e+00, v6;
	[tilespmem:s31+$0xC440] =	vst v4;
	v4 =	vld [tilespmem:s31+$0xC4B0]  }
0x117: {  	[tilespmem:s31+$0xC450] =	vst v5;
	v5 =	vld [tilespmem:s31+$0xC4C0];
	v0 =	vmul.f32 $8.000000000e+00, v0  }
0x118: {  	[tilespmem:s31+$0xC460] =	vst v6;
	v6 =	vld [tilespmem:s31+$0xC4D0];
	v1 =	vmul.f32 $8.000000000e+00, v1  }
0x119: {  	v2 =	vmul.f32 $8.000000000e+00, v2;
	[tilespmem:s31+$0xC470] =	vst v0;
	v0 =	vld [tilespmem:s31+$0xC4E0]  }
0x11a: {  	v3 =	vmul.f32 $8.000000000e+00, v3;
	[tilespmem:s31+$0xC480] =	vst v1;
	v1 =	vld [tilespmem:s31+$0xC4F0]  }
0x11b: {  	v4 =	vmul.f32 $8.000000000e+00, v4;
	[tilespmem:s31+$0xC490] =	vst v2;
	v2 =	vld [tilespmem:s31+$0xC500]  }
0x11c: {  	v5 =	vmul.f32 $8.000000000e+00, v5;
	[tilespmem:s31+$0xC4A0] =	vst v3;
	v3 =	vld [tilespmem:s31+$0xC510]  }
0x11d: {  	v6 =	vmul.f32 $8.000000000e+00, v6;
	[tilespmem:s31+$0xC4B0] =	vst v4;
	v4 =	vld [tilespmem:s31+$0xC520]  }
0x11e: {  	[tilespmem:s31+$0xC4C0] =	vst v5;
	v5 =	vld [tilespmem:s31+$0xC530];
	v0 =	vmul.f32 $8.000000000e+00, v0  }
0x11f: {  	[tilespmem:s31+$0xC4D0] =	vst v6;
	v6 =	vld [tilespmem:s31+$0xC540]  }
0x120: {  	v1 =	vmul.f32 $8.000000000e+00, v1;
	[tilespmem:s31+$0xC4E0] =	vst v0;
	v0 =	vld [tilespmem:s31+$0xC550]  }
0x121: {  	v2 =	vmul.f32 $8.000000000e+00, v2  }
0x122: {  	[tilespmem:s31+$0xC4F0] =	vst v1;
	v1 =	vmul.f32 $8.000000000e+00, v3;
	v3 =	vld [tilespmem:s31+$0xC570]  }
0x123: {  	v7 =	vld [tilespmem:s31+$0xC560];
	[tilespmem:s31+$0xC500] =	vst v2;
	v2 =	vmul.f32 $8.000000000e+00, v4  }
0x124: {  	v4 =	vld [tilespmem:s31+$0xC580];
	[tilespmem:s31+$0xC510] =	vst v1;
	v1 =	vmul.f32 $8.000000000e+00, v5  }
0x125: {  	[tilespmem:s31+$0xC520] =	vst v2;
	v5 =	vld [tilespmem:s31+$0xC590];
	v2 =	vmul.f32 $8.000000000e+00, v6;
	v6 =	vmul.f32 $8.000000000e+00, v0  }
0x126: {  	[tilespmem:s31+$0xC530] =	vst v1;
	v1 =	vld [tilespmem:s31+$0xC5A0]  }
0x127: {  	v0 =	vld [tilespmem:s31+$0xC5B0];
	[tilespmem:s31+$0xC550] =	vst v6;
	v6 =	vmul.f32 $8.000000000e+00, v3  }
0x128: {  	v7 =	vmul.f32 $8.000000000e+00, v7;
	[tilespmem:s31+$0xC540] =	vst v2;
	v2 =	vld [tilespmem:s31+$0xC5C0]  }
0x129: {  	v3 =	vld [tilespmem:s31+$0xC5D0];
	[tilespmem:s31+$0xC570] =	vst v6;
	v6 =	vmul.f32 $8.000000000e+00, v4  }
0x12a: {  	s1 =	simm.s32 $0x800;
	[tilespmem:s31+$0xC560] =	vst v7;
	v5 =	vmul.f32 $8.000000000e+00, v5;
	v4 =	vld [tilespmem:s31+$0xC5E0]  }
.LBB2_9:
0x12b: {  	s0 =	sshra.s32 s1, $0x2;
	p0 =	sne.s32 s1, $0x7800;
	[tilespmem:s31+$0xC580] =	vst v6;
	v1 =	vmul.f32 $8.000000000e+00, v1;
	v6 =	vld [tilespmem:s31+$0xC5F0]  }
0x12c: {  	v7 =	vld [tilespmem:s0+$0xC400];
	[tilespmem:s31+$0xC590] =	vst v5;
	v0 =	vmul.f32 $8.000000000e+00, v0  }
0x12d: {  	v5 =	vld [tilespmem:s0+$0xC410];
	[tilespmem:s31+$0xC5A0] =	vst v1;
	v1 =	vmul.f32 $8.000000000e+00, v2  }
0x12e: {  	v2 =	vld [tilespmem:s0+$0xC420];
	[tilespmem:s31+$0xC5B0] =	vst v0;
	v0 =	vmul.f32 $8.000000000e+00, v3  }
0x12f: {  	v3 =	vld [tilespmem:s0+$0xC430];
	[tilespmem:s31+$0xC5C0] =	vst v1;
	v1 =	vmul.f32 $8.000000000e+00, v4  }
0x130: {  	v4 =	vld [tilespmem:s0+$0xC440];
	[tilespmem:s31+$0xC5D0] =	vst v0;
	v0 =	vmul.f32 $8.000000000e+00, v6  }
0x131: {  	v6 =	vmul.f32 $8.000000000e+00, v7;
	v7 =	vld [tilespmem:s0+$0xC450];
	[tilespmem:s31+$0xC5E0] =	vst v1  }
0x132: {  	v1 =	vmul.f32 $8.000000000e+00, v5;
	v5 =	vld [tilespmem:s0+$0xC460];
	[tilespmem:s31+$0xC5F0] =	vst v0;
	s31 =	smov.u32 s0  }
0x133: {  	[tilespmem:s31+$0xC400] =	vst v6;
	v0 =	vmul.f32 $8.000000000e+00, v2;
	v2 =	vld [tilespmem:s31+$0xC470]  }
0x134: {  	[tilespmem:s31+$0xC410] =	vst v1;
	v1 =	vmul.f32 $8.000000000e+00, v3;
	v3 =	vld [tilespmem:s31+$0xC480]  }
0x135: {  	[tilespmem:s31+$0xC420] =	vst v0;
	v0 =	vmul.f32 $8.000000000e+00, v4;
	v4 =	vld [tilespmem:s31+$0xC490]  }
0x136: {  	[tilespmem:s31+$0xC430] =	vst v1;
	v1 =	vmul.f32 $8.000000000e+00, v7;
	v6 =	vld [tilespmem:s31+$0xC4A0]  }
0x137: {  	[tilespmem:s31+$0xC440] =	vst v0;
	v0 =	vmul.f32 $8.000000000e+00, v5;
	v5 =	vld [tilespmem:s31+$0xC4B0]  }
0x138: {  	[tilespmem:s31+$0xC450] =	vst v1;
	v1 =	vmul.f32 $8.000000000e+00, v2;
	v2 =	vld [tilespmem:s31+$0xC4C0]  }
0x139: {  	[tilespmem:s31+$0xC460] =	vst v0;
	v0 =	vmul.f32 $8.000000000e+00, v3;
	v3 =	vld [tilespmem:s31+$0xC4D0]  }
0x13a: {  	[tilespmem:s31+$0xC470] =	vst v1;
	v1 =	vmul.f32 $8.000000000e+00, v4;
	v4 =	vld [tilespmem:s31+$0xC4E0]  }
0x13b: {  	[tilespmem:s31+$0xC480] =	vst v0;
	v0 =	vmul.f32 $8.000000000e+00, v6;
	v6 =	vld [tilespmem:s31+$0xC4F0]  }
0x13c: {  	[tilespmem:s31+$0xC490] =	vst v1;
	v1 =	vmul.f32 $8.000000000e+00, v5;
	v5 =	vld [tilespmem:s31+$0xC500]  }
0x13d: {  	[tilespmem:s31+$0xC4A0] =	vst v0;
	v0 =	vmul.f32 $8.000000000e+00, v2;
	v2 =	vld [tilespmem:s31+$0xC510]  }
0x13e: {  	[tilespmem:s31+$0xC4B0] =	vst v1;
	v1 =	vmul.f32 $8.000000000e+00, v3;
	v3 =	vld [tilespmem:s31+$0xC520]  }
0x13f: {  	[tilespmem:s31+$0xC4C0] =	vst v0;
	v0 =	vmul.f32 $8.000000000e+00, v4;
	v4 =	vld [tilespmem:s31+$0xC530]  }
0x140: {  	[tilespmem:s31+$0xC4D0] =	vst v1;
	v1 =	vmul.f32 $8.000000000e+00, v6;
	v6 =	vld [tilespmem:s31+$0xC540]  }
0x141: {  	[tilespmem:s31+$0xC4E0] =	vst v0;
	v0 =	vmul.f32 $8.000000000e+00, v5;
	v5 =	vld [tilespmem:s31+$0xC550]  }
0x142: {  	[tilespmem:s31+$0xC4F0] =	vst v1;
	v1 =	vmul.f32 $8.000000000e+00, v2;
	v2 =	vld [tilespmem:s31+$0xC560]  }
0x143: {  	[tilespmem:s31+$0xC500] =	vst v0;
	v0 =	vmul.f32 $8.000000000e+00, v3;
	v3 =	vld [tilespmem:s31+$0xC570]  }
0x144: {  	[tilespmem:s31+$0xC510] =	vst v1;
	v1 =	vmul.f32 $8.000000000e+00, v4;
	v4 =	vld [tilespmem:s31+$0xC580]  }
0x145: {  	[tilespmem:s31+$0xC520] =	vst v0;
	v0 =	vmul.f32 $8.000000000e+00, v6;
	v7 =	vld [tilespmem:s31+$0xC590]  }
.Ltmp3:
0x146: {  	[tilespmem:s31+$0xC530] =	vst v1;
	v5 =	vmul.f32 $8.000000000e+00, v5;
	v1 =	vld [tilespmem:s31+$0xC5A0];
	(pc) =	sbr.rel @p0 .LBB2_9-.Ltmp3, $4  }
0x147: {  	[tilespmem:s31+$0xC540] =	vst v0;
	v6 =	vmul.f32 $8.000000000e+00, v2;
	v0 =	vld [tilespmem:s31+$0xC5B0]  }
0x148: {  	[tilespmem:s31+$0xC550] =	vst v5;
	v5 =	vmul.f32 $8.000000000e+00, v3;
	v2 =	vld [tilespmem:s31+$0xC5C0]  }
0x149: {  	[tilespmem:s31+$0xC560] =	vst v6;
	v6 =	vmul.f32 $8.000000000e+00, v4;
	v3 =	vld [tilespmem:s31+$0xC5D0]  }
0x14a: {  	s1 =	sadd.s32 $0x800, s1;
	[tilespmem:s31+$0xC570] =	vst v5;
	v5 =	vmul.f32 $8.000000000e+00, v7;
	v4 =	vld [tilespmem:s31+$0xC5E0]  }
0x14b: {  	[tilespmem:s31+$0xC580] =	vst v6;
	v1 =	vmul.f32 $8.000000000e+00, v1;
	v6 =	vld [tilespmem:s31+$0xC5F0]  }
0x14c: {  	[tilespmem:s31+$0xC590] =	vst v5;
	v0 =	vmul.f32 $8.000000000e+00, v0  }
0x14d: {  	[tilespmem:s31+$0xC5A0] =	vst v1;
	v1 =	vmul.f32 $8.000000000e+00, v2  }
0x14e: {  	[tilespmem:s31+$0xC5B0] =	vst v0;
	v0 =	vmul.f32 $8.000000000e+00, v3  }
0x14f: {  	[tilespmem:s31+$0xC5C0] =	vst v1;
	v1 =	vmul.f32 $8.000000000e+00, v4  }
0x150: {  	[tilespmem:s31+$0xC5D0] =	vst v0;
	v0 =	vmul.f32 $8.000000000e+00, v6  }
0x151: {  	[tilespmem:s31+$0xC5E0] =	vst v1  }
0x152: {  	s0 =	sadd.s32 s30, s9;
	s1 =	simm.s32 $0x0;
	[tilespmem:s31+$0xC5F0] =	vst v0  }
0x153: {  	[hbm4b:s0+s1] =	stream.linear.scatter [tilespmem:s20], [sflag:$0x2], $0x2000, $0x38;
	[tilespmem:$0x16400] =	vst v63  }
0x154: {  	_ =	swait.ge [sflag:s25], $0x2000  }
0x155: {  	[sflag:s25] =	ssyncset.done $0x0  }
0x156: {  	s31 =	simm.s32 $0x0;
	[sflag:s25] =	ssyncadd.s32 $0xFFFFE000  }
0x157: {  	v0 =	vld [tilespmem:s31+$0xE400]  }
0x158: {  	v1 =	vld [tilespmem:s31+$0xE410]  }
0x159: {  	v2 =	vld [tilespmem:s31+$0xE420]  }
0x15a: {  	v3 =	vld [tilespmem:s31+$0xE430]  }
0x15b: {  	v4 =	vld [tilespmem:s31+$0xE440]  }
0x15c: {  	v5 =	vld [tilespmem:s31+$0xE450];
	v0 =	vmul.f32 $8.000000000e+00, v0  }
0x15d: {  	v6 =	vld [tilespmem:s31+$0xE460];
	v1 =	vmul.f32 $8.000000000e+00, v1  }
0x15e: {  	v2 =	vmul.f32 $8.000000000e+00, v2;
	[tilespmem:s31+$0xE400] =	vst v0;
	v0 =	vld [tilespmem:s31+$0xE470]  }
0x15f: {  	v3 =	vmul.f32 $8.000000000e+00, v3;
	[tilespmem:s31+$0xE410] =	vst v1;
	v1 =	vld [tilespmem:s31+$0xE480]  }
0x160: {  	v4 =	vmul.f32 $8.000000000e+00, v4;
	[tilespmem:s31+$0xE420] =	vst v2;
	v2 =	vld [tilespmem:s31+$0xE490]  }
0x161: {  	v5 =	vmul.f32 $8.000000000e+00, v5;
	[tilespmem:s31+$0xE430] =	vst v3;
	v3 =	vld [tilespmem:s31+$0xE4A0]  }
0x162: {  	v6 =	vmul.f32 $8.000000000e+00, v6;
	[tilespmem:s31+$0xE440] =	vst v4;
	v4 =	vld [tilespmem:s31+$0xE4B0]  }
0x163: {  	[tilespmem:s31+$0xE450] =	vst v5;
	v5 =	vld [tilespmem:s31+$0xE4C0];
	v0 =	vmul.f32 $8.000000000e+00, v0  }
0x164: {  	[tilespmem:s31+$0xE460] =	vst v6;
	v6 =	vld [tilespmem:s31+$0xE4D0];
	v1 =	vmul.f32 $8.000000000e+00, v1  }
0x165: {  	v2 =	vmul.f32 $8.000000000e+00, v2;
	[tilespmem:s31+$0xE470] =	vst v0;
	v0 =	vld [tilespmem:s31+$0xE4E0]  }
0x166: {  	v3 =	vmul.f32 $8.000000000e+00, v3;
	[tilespmem:s31+$0xE480] =	vst v1;
	v1 =	vld [tilespmem:s31+$0xE4F0]  }
0x167: {  	v4 =	vmul.f32 $8.000000000e+00, v4;
	[tilespmem:s31+$0xE490] =	vst v2;
	v2 =	vld [tilespmem:s31+$0xE500]  }
0x168: {  	v5 =	vmul.f32 $8.000000000e+00, v5;
	[tilespmem:s31+$0xE4A0] =	vst v3;
	v3 =	vld [tilespmem:s31+$0xE510]  }
0x169: {  	v6 =	vmul.f32 $8.000000000e+00, v6;
	[tilespmem:s31+$0xE4B0] =	vst v4;
	v4 =	vld [tilespmem:s31+$0xE520]  }
0x16a: {  	[tilespmem:s31+$0xE4C0] =	vst v5;
	v5 =	vld [tilespmem:s31+$0xE530];
	v0 =	vmul.f32 $8.000000000e+00, v0  }
0x16b: {  	[tilespmem:s31+$0xE4D0] =	vst v6;
	v6 =	vld [tilespmem:s31+$0xE540]  }
0x16c: {  	v1 =	vmul.f32 $8.000000000e+00, v1;
	[tilespmem:s31+$0xE4E0] =	vst v0;
	v0 =	vld [tilespmem:s31+$0xE550]  }
0x16d: {  	v2 =	vmul.f32 $8.000000000e+00, v2  }
0x16e: {  	[tilespmem:s31+$0xE4F0] =	vst v1;
	v1 =	vmul.f32 $8.000000000e+00, v3;
	v3 =	vld [tilespmem:s31+$0xE570]  }
0x16f: {  	v7 =	vld [tilespmem:s31+$0xE560];
	[tilespmem:s31+$0xE500] =	vst v2;
	v2 =	vmul.f32 $8.000000000e+00, v4  }
0x170: {  	v4 =	vld [tilespmem:s31+$0xE580];
	[tilespmem:s31+$0xE510] =	vst v1;
	v1 =	vmul.f32 $8.000000000e+00, v5  }
0x171: {  	[tilespmem:s31+$0xE520] =	vst v2;
	v5 =	vld [tilespmem:s31+$0xE590];
	v2 =	vmul.f32 $8.000000000e+00, v6;
	v6 =	vmul.f32 $8.000000000e+00, v0  }
0x172: {  	[tilespmem:s31+$0xE530] =	vst v1;
	v1 =	vld [tilespmem:s31+$0xE5A0]  }
0x173: {  	v0 =	vld [tilespmem:s31+$0xE5B0];
	[tilespmem:s31+$0xE550] =	vst v6;
	v6 =	vmul.f32 $8.000000000e+00, v3  }
0x174: {  	v7 =	vmul.f32 $8.000000000e+00, v7;
	[tilespmem:s31+$0xE540] =	vst v2;
	v2 =	vld [tilespmem:s31+$0xE5C0]  }
0x175: {  	v3 =	vld [tilespmem:s31+$0xE5D0];
	[tilespmem:s31+$0xE570] =	vst v6;
	v6 =	vmul.f32 $8.000000000e+00, v4  }
0x176: {  	s1 =	simm.s32 $0x800;
	[tilespmem:s31+$0xE560] =	vst v7;
	v5 =	vmul.f32 $8.000000000e+00, v5;
	v4 =	vld [tilespmem:s31+$0xE5E0]  }
.LBB2_11:
0x177: {  	s0 =	sshra.s32 s1, $0x2;
	p0 =	sne.s32 s1, $0x7800;
	[tilespmem:s31+$0xE580] =	vst v6;
	v1 =	vmul.f32 $8.000000000e+00, v1;
	v6 =	vld [tilespmem:s31+$0xE5F0]  }
0x178: {  	v7 =	vld [tilespmem:s0+$0xE400];
	[tilespmem:s31+$0xE590] =	vst v5;
	v0 =	vmul.f32 $8.000000000e+00, v0  }
0x179: {  	v5 =	vld [tilespmem:s0+$0xE410];
	[tilespmem:s31+$0xE5A0] =	vst v1;
	v1 =	vmul.f32 $8.000000000e+00, v2  }
0x17a: {  	v2 =	vld [tilespmem:s0+$0xE420];
	[tilespmem:s31+$0xE5B0] =	vst v0;
	v0 =	vmul.f32 $8.000000000e+00, v3  }
0x17b: {  	v3 =	vld [tilespmem:s0+$0xE430];
	[tilespmem:s31+$0xE5C0] =	vst v1;
	v1 =	vmul.f32 $8.000000000e+00, v4  }
0x17c: {  	v4 =	vld [tilespmem:s0+$0xE440];
	[tilespmem:s31+$0xE5D0] =	vst v0;
	v0 =	vmul.f32 $8.000000000e+00, v6  }
0x17d: {  	v6 =	vmul.f32 $8.000000000e+00, v7;
	v7 =	vld [tilespmem:s0+$0xE450];
	[tilespmem:s31+$0xE5E0] =	vst v1  }
0x17e: {  	v1 =	vmul.f32 $8.000000000e+00, v5;
	v5 =	vld [tilespmem:s0+$0xE460];
	[tilespmem:s31+$0xE5F0] =	vst v0;
	s31 =	smov.u32 s0  }
0x17f: {  	[tilespmem:s31+$0xE400] =	vst v6;
	v0 =	vmul.f32 $8.000000000e+00, v2;
	v2 =	vld [tilespmem:s31+$0xE470]  }
0x180: {  	[tilespmem:s31+$0xE410] =	vst v1;
	v1 =	vmul.f32 $8.000000000e+00, v3;
	v3 =	vld [tilespmem:s31+$0xE480]  }
0x181: {  	[tilespmem:s31+$0xE420] =	vst v0;
	v0 =	vmul.f32 $8.000000000e+00, v4;
	v4 =	vld [tilespmem:s31+$0xE490]  }
0x182: {  	[tilespmem:s31+$0xE430] =	vst v1;
	v1 =	vmul.f32 $8.000000000e+00, v7;
	v6 =	vld [tilespmem:s31+$0xE4A0]  }
0x183: {  	[tilespmem:s31+$0xE440] =	vst v0;
	v0 =	vmul.f32 $8.000000000e+00, v5;
	v5 =	vld [tilespmem:s31+$0xE4B0]  }
0x184: {  	[tilespmem:s31+$0xE450] =	vst v1;
	v1 =	vmul.f32 $8.000000000e+00, v2;
	v2 =	vld [tilespmem:s31+$0xE4C0]  }
0x185: {  	[tilespmem:s31+$0xE460] =	vst v0;
	v0 =	vmul.f32 $8.000000000e+00, v3;
	v3 =	vld [tilespmem:s31+$0xE4D0]  }
0x186: {  	[tilespmem:s31+$0xE470] =	vst v1;
	v1 =	vmul.f32 $8.000000000e+00, v4;
	v4 =	vld [tilespmem:s31+$0xE4E0]  }
0x187: {  	[tilespmem:s31+$0xE480] =	vst v0;
	v0 =	vmul.f32 $8.000000000e+00, v6;
	v6 =	vld [tilespmem:s31+$0xE4F0]  }
0x188: {  	[tilespmem:s31+$0xE490] =	vst v1;
	v1 =	vmul.f32 $8.000000000e+00, v5;
	v5 =	vld [tilespmem:s31+$0xE500]  }
0x189: {  	[tilespmem:s31+$0xE4A0] =	vst v0;
	v0 =	vmul.f32 $8.000000000e+00, v2;
	v2 =	vld [tilespmem:s31+$0xE510]  }
0x18a: {  	[tilespmem:s31+$0xE4B0] =	vst v1;
	v1 =	vmul.f32 $8.000000000e+00, v3;
	v3 =	vld [tilespmem:s31+$0xE520]  }
0x18b: {  	[tilespmem:s31+$0xE4C0] =	vst v0;
	v0 =	vmul.f32 $8.000000000e+00, v4;
	v4 =	vld [tilespmem:s31+$0xE530]  }
0x18c: {  	[tilespmem:s31+$0xE4D0] =	vst v1;
	v1 =	vmul.f32 $8.000000000e+00, v6;
	v6 =	vld [tilespmem:s31+$0xE540]  }
0x18d: {  	[tilespmem:s31+$0xE4E0] =	vst v0;
	v0 =	vmul.f32 $8.000000000e+00, v5;
	v5 =	vld [tilespmem:s31+$0xE550]  }
0x18e: {  	[tilespmem:s31+$0xE4F0] =	vst v1;
	v1 =	vmul.f32 $8.000000000e+00, v2;
	v2 =	vld [tilespmem:s31+$0xE560]  }
0x18f: {  	[tilespmem:s31+$0xE500] =	vst v0;
	v0 =	vmul.f32 $8.000000000e+00, v3;
	v3 =	vld [tilespmem:s31+$0xE570]  }
0x190: {  	[tilespmem:s31+$0xE510] =	vst v1;
	v1 =	vmul.f32 $8.000000000e+00, v4;
	v4 =	vld [tilespmem:s31+$0xE580]  }
0x191: {  	[tilespmem:s31+$0xE520] =	vst v0;
	v0 =	vmul.f32 $8.000000000e+00, v6;
	v7 =	vld [tilespmem:s31+$0xE590]  }
.Ltmp4:
0x192: {  	[tilespmem:s31+$0xE530] =	vst v1;
	v5 =	vmul.f32 $8.000000000e+00, v5;
	v1 =	vld [tilespmem:s31+$0xE5A0];
	(pc) =	sbr.rel @p0 .LBB2_11-.Ltmp4, $4  }
0x193: {  	[tilespmem:s31+$0xE540] =	vst v0;
	v6 =	vmul.f32 $8.000000000e+00, v2;
	v0 =	vld [tilespmem:s31+$0xE5B0]  }
0x194: {  	[tilespmem:s31+$0xE550] =	vst v5;
	v5 =	vmul.f32 $8.000000000e+00, v3;
	v2 =	vld [tilespmem:s31+$0xE5C0]  }
0x195: {  	[tilespmem:s31+$0xE560] =	vst v6;
	v6 =	vmul.f32 $8.000000000e+00, v4;
	v3 =	vld [tilespmem:s31+$0xE5D0]  }
0x196: {  	s1 =	sadd.s32 $0x800, s1;
	[tilespmem:s31+$0xE570] =	vst v5;
	v5 =	vmul.f32 $8.000000000e+00, v7;
	v4 =	vld [tilespmem:s31+$0xE5E0]  }
0x197: {  	[tilespmem:s31+$0xE580] =	vst v6;
	v1 =	vmul.f32 $8.000000000e+00, v1;
	v6 =	vld [tilespmem:s31+$0xE5F0]  }
0x198: {  	[tilespmem:s31+$0xE590] =	vst v5;
	v0 =	vmul.f32 $8.000000000e+00, v0  }
0x199: {  	[tilespmem:s31+$0xE5A0] =	vst v1;
	v1 =	vmul.f32 $8.000000000e+00, v2  }
0x19a: {  	[tilespmem:s31+$0xE5B0] =	vst v0;
	v0 =	vmul.f32 $8.000000000e+00, v3  }
0x19b: {  	[tilespmem:s31+$0xE5C0] =	vst v1;
	v1 =	vmul.f32 $8.000000000e+00, v4  }
0x19c: {  	[tilespmem:s31+$0xE5D0] =	vst v0;
	v0 =	vmul.f32 $8.000000000e+00, v6  }
0x19d: {  	[tilespmem:s31+$0xE5E0] =	vst v1  }
0x19e: {  	s0 =	sadd.s32 s30, s10;
	s1 =	simm.s32 $0x0;
	[tilespmem:s31+$0xE5F0] =	vst v0  }
0x19f: {  	[hbm4b:s0+s1] =	stream.linear.scatter [tilespmem:s21], [sflag:$0x2], $0x2000, $0x38;
	[tilespmem:$0x16400] =	vst v63  }
0x1a0: {  	_ =	swait.ge [sflag:s25], $0x2000  }
0x1a1: {  	[sflag:s25] =	ssyncset.done $0x0  }
0x1a2: {  	s31 =	simm.s32 $0x0;
	[sflag:s25] =	ssyncadd.s32 $0xFFFFE000  }
0x1a3: {  	v0 =	vld [tilespmem:s31+$0x10400]  }
0x1a4: {  	v1 =	vld [tilespmem:s31+$0x10410]  }
0x1a5: {  	v2 =	vld [tilespmem:s31+$0x10420]  }
0x1a6: {  	v3 =	vld [tilespmem:s31+$0x10430]  }
0x1a7: {  	v4 =	vld [tilespmem:s31+$0x10440]  }
0x1a8: {  	v5 =	vld [tilespmem:s31+$0x10450];
	v0 =	vmul.f32 $8.000000000e+00, v0  }
0x1a9: {  	v6 =	vld [tilespmem:s31+$0x10460];
	v1 =	vmul.f32 $8.000000000e+00, v1  }
0x1aa: {  	v2 =	vmul.f32 $8.000000000e+00, v2;
	[tilespmem:s31+$0x10400] =	vst v0;
	v0 =	vld [tilespmem:s31+$0x10470]  }
0x1ab: {  	v3 =	vmul.f32 $8.000000000e+00, v3;
	[tilespmem:s31+$0x10410] =	vst v1;
	v1 =	vld [tilespmem:s31+$0x10480]  }
0x1ac: {  	v4 =	vmul.f32 $8.000000000e+00, v4;
	[tilespmem:s31+$0x10420] =	vst v2;
	v2 =	vld [tilespmem:s31+$0x10490]  }
0x1ad: {  	v5 =	vmul.f32 $8.000000000e+00, v5;
	[tilespmem:s31+$0x10430] =	vst v3;
	v3 =	vld [tilespmem:s31+$0x104A0]  }
0x1ae: {  	v6 =	vmul.f32 $8.000000000e+00, v6;
	[tilespmem:s31+$0x10440] =	vst v4;
	v4 =	vld [tilespmem:s31+$0x104B0]  }
0x1af: {  	[tilespmem:s31+$0x10450] =	vst v5;
	v5 =	vld [tilespmem:s31+$0x104C0];
	v0 =	vmul.f32 $8.000000000e+00, v0  }
0x1b0: {  	[tilespmem:s31+$0x10460] =	vst v6;
	v6 =	vld [tilespmem:s31+$0x104D0];
	v1 =	vmul.f32 $8.000000000e+00, v1  }
0x1b1: {  	v2 =	vmul.f32 $8.000000000e+00, v2;
	[tilespmem:s31+$0x10470] =	vst v0;
	v0 =	vld [tilespmem:s31+$0x104E0]  }
0x1b2: {  	v3 =	vmul.f32 $8.000000000e+00, v3;
	[tilespmem:s31+$0x10480] =	vst v1;
	v1 =	vld [tilespmem:s31+$0x104F0]  }
0x1b3: {  	v4 =	vmul.f32 $8.000000000e+00, v4;
	[tilespmem:s31+$0x10490] =	vst v2;
	v2 =	vld [tilespmem:s31+$0x10500]  }
0x1b4: {  	v5 =	vmul.f32 $8.000000000e+00, v5;
	[tilespmem:s31+$0x104A0] =	vst v3;
	v3 =	vld [tilespmem:s31+$0x10510]  }
0x1b5: {  	v6 =	vmul.f32 $8.000000000e+00, v6;
	[tilespmem:s31+$0x104B0] =	vst v4;
	v4 =	vld [tilespmem:s31+$0x10520]  }
0x1b6: {  	[tilespmem:s31+$0x104C0] =	vst v5;
	v5 =	vld [tilespmem:s31+$0x10530];
	v0 =	vmul.f32 $8.000000000e+00, v0  }
0x1b7: {  	[tilespmem:s31+$0x104D0] =	vst v6;
	v6 =	vld [tilespmem:s31+$0x10540]  }
0x1b8: {  	v1 =	vmul.f32 $8.000000000e+00, v1;
	[tilespmem:s31+$0x104E0] =	vst v0;
	v0 =	vld [tilespmem:s31+$0x10550]  }
0x1b9: {  	v2 =	vmul.f32 $8.000000000e+00, v2  }
0x1ba: {  	[tilespmem:s31+$0x104F0] =	vst v1;
	v1 =	vmul.f32 $8.000000000e+00, v3;
	v3 =	vld [tilespmem:s31+$0x10570]  }
0x1bb: {  	v7 =	vld [tilespmem:s31+$0x10560];
	[tilespmem:s31+$0x10500] =	vst v2;
	v2 =	vmul.f32 $8.000000000e+00, v4  }
0x1bc: {  	v4 =	vld [tilespmem:s31+$0x10580];
	[tilespmem:s31+$0x10510] =	vst v1;
	v1 =	vmul.f32 $8.000000000e+00, v5  }
0x1bd: {  	[tilespmem:s31+$0x10520] =	vst v2;
	v5 =	vld [tilespmem:s31+$0x10590];
	v2 =	vmul.f32 $8.000000000e+00, v6;
	v6 =	vmul.f32 $8.000000000e+00, v0  }
0x1be: {  	[tilespmem:s31+$0x10530] =	vst v1;
	v1 =	vld [tilespmem:s31+$0x105A0]  }
0x1bf: {  	v0 =	vld [tilespmem:s31+$0x105B0];
	[tilespmem:s31+$0x10550] =	vst v6;
	v6 =	vmul.f32 $8.000000000e+00, v3  }
0x1c0: {  	v7 =	vmul.f32 $8.000000000e+00, v7;
	[tilespmem:s31+$0x10540] =	vst v2;
	v2 =	vld [tilespmem:s31+$0x105C0]  }
0x1c1: {  	v3 =	vld [tilespmem:s31+$0x105D0];
	[tilespmem:s31+$0x10570] =	vst v6;
	v6 =	vmul.f32 $8.000000000e+00, v4  }
0x1c2: {  	s1 =	simm.s32 $0x800;
	[tilespmem:s31+$0x10560] =	vst v7;
	v5 =	vmul.f32 $8.000000000e+00, v5;
	v4 =	vld [tilespmem:s31+$0x105E0]  }
.LBB2_13:
0x1c3: {  	s0 =	sshra.s32 s1, $0x2;
	p0 =	sne.s32 s1, $0x7800;
	[tilespmem:s31+$0x10580] =	vst v6;
	v1 =	vmul.f32 $8.000000000e+00, v1;
	v6 =	vld [tilespmem:s31+$0x105F0]  }
0x1c4: {  	v7 =	vld [tilespmem:s0+$0x10400];
	[tilespmem:s31+$0x10590] =	vst v5;
	v0 =	vmul.f32 $8.000000000e+00, v0  }
0x1c5: {  	v5 =	vld [tilespmem:s0+$0x10410];
	[tilespmem:s31+$0x105A0] =	vst v1;
	v1 =	vmul.f32 $8.000000000e+00, v2  }
0x1c6: {  	v2 =	vld [tilespmem:s0+$0x10420];
	[tilespmem:s31+$0x105B0] =	vst v0;
	v0 =	vmul.f32 $8.000000000e+00, v3  }
0x1c7: {  	v3 =	vld [tilespmem:s0+$0x10430];
	[tilespmem:s31+$0x105C0] =	vst v1;
	v1 =	vmul.f32 $8.000000000e+00, v4  }
0x1c8: {  	v4 =	vld [tilespmem:s0+$0x10440];
	[tilespmem:s31+$0x105D0] =	vst v0;
	v0 =	vmul.f32 $8.000000000e+00, v6  }
0x1c9: {  	v6 =	vmul.f32 $8.000000000e+00, v7;
	v7 =	vld [tilespmem:s0+$0x10450];
	[tilespmem:s31+$0x105E0] =	vst v1  }
0x1ca: {  	v1 =	vmul.f32 $8.000000000e+00, v5;
	v5 =	vld [tilespmem:s0+$0x10460];
	[tilespmem:s31+$0x105F0] =	vst v0;
	s31 =	smov.u32 s0  }
0x1cb: {  	[tilespmem:s31+$0x10400] =	vst v6;
	v0 =	vmul.f32 $8.000000000e+00, v2;
	v2 =	vld [tilespmem:s31+$0x10470]  }
0x1cc: {  	[tilespmem:s31+$0x10410] =	vst v1;
	v1 =	vmul.f32 $8.000000000e+00, v3;
	v3 =	vld [tilespmem:s31+$0x10480]  }
0x1cd: {  	[tilespmem:s31+$0x10420] =	vst v0;
	v0 =	vmul.f32 $8.000000000e+00, v4;
	v4 =	vld [tilespmem:s31+$0x10490]  }
0x1ce: {  	[tilespmem:s31+$0x10430] =	vst v1;
	v1 =	vmul.f32 $8.000000000e+00, v7;
	v6 =	vld [tilespmem:s31+$0x104A0]  }
0x1cf: {  	[tilespmem:s31+$0x10440] =	vst v0;
	v0 =	vmul.f32 $8.000000000e+00, v5;
	v5 =	vld [tilespmem:s31+$0x104B0]  }
0x1d0: {  	[tilespmem:s31+$0x10450] =	vst v1;
	v1 =	vmul.f32 $8.000000000e+00, v2;
	v2 =	vld [tilespmem:s31+$0x104C0]  }
0x1d1: {  	[tilespmem:s31+$0x10460] =	vst v0;
	v0 =	vmul.f32 $8.000000000e+00, v3;
	v3 =	vld [tilespmem:s31+$0x104D0]  }
0x1d2: {  	[tilespmem:s31+$0x10470] =	vst v1;
	v1 =	vmul.f32 $8.000000000e+00, v4;
	v4 =	vld [tilespmem:s31+$0x104E0]  }
0x1d3: {  	[tilespmem:s31+$0x10480] =	vst v0;
	v0 =	vmul.f32 $8.000000000e+00, v6;
	v6 =	vld [tilespmem:s31+$0x104F0]  }
0x1d4: {  	[tilespmem:s31+$0x10490] =	vst v1;
	v1 =	vmul.f32 $8.000000000e+00, v5;
	v5 =	vld [tilespmem:s31+$0x10500]  }
0x1d5: {  	[tilespmem:s31+$0x104A0] =	vst v0;
	v0 =	vmul.f32 $8.000000000e+00, v2;
	v2 =	vld [tilespmem:s31+$0x10510]  }
0x1d6: {  	[tilespmem:s31+$0x104B0] =	vst v1;
	v1 =	vmul.f32 $8.000000000e+00, v3;
	v3 =	vld [tilespmem:s31+$0x10520]  }
0x1d7: {  	[tilespmem:s31+$0x104C0] =	vst v0;
	v0 =	vmul.f32 $8.000000000e+00, v4;
	v4 =	vld [tilespmem:s31+$0x10530]  }
0x1d8: {  	[tilespmem:s31+$0x104D0] =	vst v1;
	v1 =	vmul.f32 $8.000000000e+00, v6;
	v6 =	vld [tilespmem:s31+$0x10540]  }
0x1d9: {  	[tilespmem:s31+$0x104E0] =	vst v0;
	v0 =	vmul.f32 $8.000000000e+00, v5;
	v5 =	vld [tilespmem:s31+$0x10550]  }
0x1da: {  	[tilespmem:s31+$0x104F0] =	vst v1;
	v1 =	vmul.f32 $8.000000000e+00, v2;
	v2 =	vld [tilespmem:s31+$0x10560]  }
0x1db: {  	[tilespmem:s31+$0x10500] =	vst v0;
	v0 =	vmul.f32 $8.000000000e+00, v3;
	v3 =	vld [tilespmem:s31+$0x10570]  }
0x1dc: {  	[tilespmem:s31+$0x10510] =	vst v1;
	v1 =	vmul.f32 $8.000000000e+00, v4;
	v4 =	vld [tilespmem:s31+$0x10580]  }
0x1dd: {  	[tilespmem:s31+$0x10520] =	vst v0;
	v0 =	vmul.f32 $8.000000000e+00, v6;
	v7 =	vld [tilespmem:s31+$0x10590]  }
.Ltmp5:
0x1de: {  	[tilespmem:s31+$0x10530] =	vst v1;
	v5 =	vmul.f32 $8.000000000e+00, v5;
	v1 =	vld [tilespmem:s31+$0x105A0];
	(pc) =	sbr.rel @p0 .LBB2_13-.Ltmp5, $4  }
0x1df: {  	[tilespmem:s31+$0x10540] =	vst v0;
	v6 =	vmul.f32 $8.000000000e+00, v2;
	v0 =	vld [tilespmem:s31+$0x105B0]  }
0x1e0: {  	[tilespmem:s31+$0x10550] =	vst v5;
	v5 =	vmul.f32 $8.000000000e+00, v3;
	v2 =	vld [tilespmem:s31+$0x105C0]  }
0x1e1: {  	[tilespmem:s31+$0x10560] =	vst v6;
	v6 =	vmul.f32 $8.000000000e+00, v4;
	v3 =	vld [tilespmem:s31+$0x105D0]  }
0x1e2: {  	s1 =	sadd.s32 $0x800, s1;
	[tilespmem:s31+$0x10570] =	vst v5;
	v5 =	vmul.f32 $8.000000000e+00, v7;
	v4 =	vld [tilespmem:s31+$0x105E0]  }
0x1e3: {  	[tilespmem:s31+$0x10580] =	vst v6;
	v1 =	vmul.f32 $8.000000000e+00, v1;
	v6 =	vld [tilespmem:s31+$0x105F0]  }
0x1e4: {  	[tilespmem:s31+$0x10590] =	vst v5;
	v0 =	vmul.f32 $8.000000000e+00, v0  }
0x1e5: {  	[tilespmem:s31+$0x105A0] =	vst v1;
	v1 =	vmul.f32 $8.000000000e+00, v2  }
0x1e6: {  	[tilespmem:s31+$0x105B0] =	vst v0;
	v0 =	vmul.f32 $8.000000000e+00, v3  }
0x1e7: {  	[tilespmem:s31+$0x105C0] =	vst v1;
	v1 =	vmul.f32 $8.000000000e+00, v4  }
0x1e8: {  	[tilespmem:s31+$0x105D0] =	vst v0;
	v0 =	vmul.f32 $8.000000000e+00, v6  }
0x1e9: {  	[tilespmem:s31+$0x105E0] =	vst v1  }
0x1ea: {  	s0 =	sadd.s32 s30, s11;
	s1 =	simm.s32 $0x0;
	[tilespmem:s31+$0x105F0] =	vst v0  }
0x1eb: {  	[hbm4b:s0+s1] =	stream.linear.scatter [tilespmem:s22], [sflag:$0x2], $0x2000, $0x38;
	[tilespmem:$0x16400] =	vst v63  }
0x1ec: {  	_ =	swait.ge [sflag:s25], $0x2000  }
0x1ed: {  	[sflag:s25] =	ssyncset.done $0x0  }
0x1ee: {  	s31 =	simm.s32 $0x0;
	[sflag:s25] =	ssyncadd.s32 $0xFFFFE000  }
0x1ef: {  	v0 =	vld [tilespmem:s31+$0x12400]  }
0x1f0: {  	v1 =	vld [tilespmem:s31+$0x12410]  }
0x1f1: {  	v2 =	vld [tilespmem:s31+$0x12420]  }
0x1f2: {  	v3 =	vld [tilespmem:s31+$0x12430]  }
0x1f3: {  	v4 =	vld [tilespmem:s31+$0x12440]  }
0x1f4: {  	v5 =	vld [tilespmem:s31+$0x12450];
	v0 =	vmul.f32 $8.000000000e+00, v0  }
0x1f5: {  	v6 =	vld [tilespmem:s31+$0x12460];
	v1 =	vmul.f32 $8.000000000e+00, v1  }
0x1f6: {  	v2 =	vmul.f32 $8.000000000e+00, v2;
	[tilespmem:s31+$0x12400] =	vst v0;
	v0 =	vld [tilespmem:s31+$0x12470]  }
0x1f7: {  	v3 =	vmul.f32 $8.000000000e+00, v3;
	[tilespmem:s31+$0x12410] =	vst v1;
	v1 =	vld [tilespmem:s31+$0x12480]  }
0x1f8: {  	v4 =	vmul.f32 $8.000000000e+00, v4;
	[tilespmem:s31+$0x12420] =	vst v2;
	v2 =	vld [tilespmem:s31+$0x12490]  }
0x1f9: {  	v5 =	vmul.f32 $8.000000000e+00, v5;
	[tilespmem:s31+$0x12430] =	vst v3;
	v3 =	vld [tilespmem:s31+$0x124A0]  }
0x1fa: {  	v6 =	vmul.f32 $8.000000000e+00, v6;
	[tilespmem:s31+$0x12440] =	vst v4;
	v4 =	vld [tilespmem:s31+$0x124B0]  }
0x1fb: {  	[tilespmem:s31+$0x12450] =	vst v5;
	v5 =	vld [tilespmem:s31+$0x124C0];
	v0 =	vmul.f32 $8.000000000e+00, v0  }
0x1fc: {  	[tilespmem:s31+$0x12460] =	vst v6;
	v6 =	vld [tilespmem:s31+$0x124D0];
	v1 =	vmul.f32 $8.000000000e+00, v1  }
0x1fd: {  	v2 =	vmul.f32 $8.000000000e+00, v2;
	[tilespmem:s31+$0x12470] =	vst v0;
	v0 =	vld [tilespmem:s31+$0x124E0]  }
0x1fe: {  	v3 =	vmul.f32 $8.000000000e+00, v3;
	[tilespmem:s31+$0x12480] =	vst v1;
	v1 =	vld [tilespmem:s31+$0x124F0]  }
0x1ff: {  	v4 =	vmul.f32 $8.000000000e+00, v4;
	[tilespmem:s31+$0x12490] =	vst v2;
	v2 =	vld [tilespmem:s31+$0x12500]  }
0x200: {  	v5 =	vmul.f32 $8.000000000e+00, v5;
	[tilespmem:s31+$0x124A0] =	vst v3;
	v3 =	vld [tilespmem:s31+$0x12510]  }
0x201: {  	v6 =	vmul.f32 $8.000000000e+00, v6;
	[tilespmem:s31+$0x124B0] =	vst v4;
	v4 =	vld [tilespmem:s31+$0x12520]  }
0x202: {  	[tilespmem:s31+$0x124C0] =	vst v5;
	v5 =	vld [tilespmem:s31+$0x12530];
	v0 =	vmul.f32 $8.000000000e+00, v0  }
0x203: {  	[tilespmem:s31+$0x124D0] =	vst v6;
	v6 =	vld [tilespmem:s31+$0x12540]  }
0x204: {  	v1 =	vmul.f32 $8.000000000e+00, v1;
	[tilespmem:s31+$0x124E0] =	vst v0;
	v0 =	vld [tilespmem:s31+$0x12550]  }
0x205: {  	v2 =	vmul.f32 $8.000000000e+00, v2  }
0x206: {  	[tilespmem:s31+$0x124F0] =	vst v1;
	v1 =	vmul.f32 $8.000000000e+00, v3;
	v3 =	vld [tilespmem:s31+$0x12570]  }
0x207: {  	v7 =	vld [tilespmem:s31+$0x12560];
	[tilespmem:s31+$0x12500] =	vst v2;
	v2 =	vmul.f32 $8.000000000e+00, v4  }
0x208: {  	v4 =	vld [tilespmem:s31+$0x12580];
	[tilespmem:s31+$0x12510] =	vst v1;
	v1 =	vmul.f32 $8.000000000e+00, v5  }
0x209: {  	[tilespmem:s31+$0x12520] =	vst v2;
	v5 =	vld [tilespmem:s31+$0x12590];
	v2 =	vmul.f32 $8.000000000e+00, v6;
	v6 =	vmul.f32 $8.000000000e+00, v0  }
0x20a: {  	[tilespmem:s31+$0x12530] =	vst v1;
	v1 =	vld [tilespmem:s31+$0x125A0]  }
0x20b: {  	v0 =	vld [tilespmem:s31+$0x125B0];
	[tilespmem:s31+$0x12550] =	vst v6;
	v6 =	vmul.f32 $8.000000000e+00, v3  }
0x20c: {  	v7 =	vmul.f32 $8.000000000e+00, v7;
	[tilespmem:s31+$0x12540] =	vst v2;
	v2 =	vld [tilespmem:s31+$0x125C0]  }
0x20d: {  	v3 =	vld [tilespmem:s31+$0x125D0];
	[tilespmem:s31+$0x12570] =	vst v6;
	v6 =	vmul.f32 $8.000000000e+00, v4  }
0x20e: {  	s1 =	simm.s32 $0x800;
	[tilespmem:s31+$0x12560] =	vst v7;
	v5 =	vmul.f32 $8.000000000e+00, v5;
	v4 =	vld [tilespmem:s31+$0x125E0]  }
.LBB2_15:
0x20f: {  	s0 =	sshra.s32 s1, $0x2;
	p0 =	sne.s32 s1, $0x7800;
	[tilespmem:s31+$0x12580] =	vst v6;
	v1 =	vmul.f32 $8.000000000e+00, v1;
	v6 =	vld [tilespmem:s31+$0x125F0]  }
0x210: {  	v7 =	vld [tilespmem:s0+$0x12400];
	[tilespmem:s31+$0x12590] =	vst v5;
	v0 =	vmul.f32 $8.000000000e+00, v0  }
0x211: {  	v5 =	vld [tilespmem:s0+$0x12410];
	[tilespmem:s31+$0x125A0] =	vst v1;
	v1 =	vmul.f32 $8.000000000e+00, v2  }
0x212: {  	v2 =	vld [tilespmem:s0+$0x12420];
	[tilespmem:s31+$0x125B0] =	vst v0;
	v0 =	vmul.f32 $8.000000000e+00, v3  }
0x213: {  	v3 =	vld [tilespmem:s0+$0x12430];
	[tilespmem:s31+$0x125C0] =	vst v1;
	v1 =	vmul.f32 $8.000000000e+00, v4  }
0x214: {  	v4 =	vld [tilespmem:s0+$0x12440];
	[tilespmem:s31+$0x125D0] =	vst v0;
	v0 =	vmul.f32 $8.000000000e+00, v6  }
0x215: {  	v6 =	vmul.f32 $8.000000000e+00, v7;
	v7 =	vld [tilespmem:s0+$0x12450];
	[tilespmem:s31+$0x125E0] =	vst v1  }
0x216: {  	v1 =	vmul.f32 $8.000000000e+00, v5;
	v5 =	vld [tilespmem:s0+$0x12460];
	[tilespmem:s31+$0x125F0] =	vst v0;
	s31 =	smov.u32 s0  }
0x217: {  	[tilespmem:s31+$0x12400] =	vst v6;
	v0 =	vmul.f32 $8.000000000e+00, v2;
	v2 =	vld [tilespmem:s31+$0x12470]  }
0x218: {  	[tilespmem:s31+$0x12410] =	vst v1;
	v1 =	vmul.f32 $8.000000000e+00, v3;
	v3 =	vld [tilespmem:s31+$0x12480]  }
0x219: {  	[tilespmem:s31+$0x12420] =	vst v0;
	v0 =	vmul.f32 $8.000000000e+00, v4;
	v4 =	vld [tilespmem:s31+$0x12490]  }
0x21a: {  	[tilespmem:s31+$0x12430] =	vst v1;
	v1 =	vmul.f32 $8.000000000e+00, v7;
	v6 =	vld [tilespmem:s31+$0x124A0]  }
0x21b: {  	[tilespmem:s31+$0x12440] =	vst v0;
	v0 =	vmul.f32 $8.000000000e+00, v5;
	v5 =	vld [tilespmem:s31+$0x124B0]  }
0x21c: {  	[tilespmem:s31+$0x12450] =	vst v1;
	v1 =	vmul.f32 $8.000000000e+00, v2;
	v2 =	vld [tilespmem:s31+$0x124C0]  }
0x21d: {  	[tilespmem:s31+$0x12460] =	vst v0;
	v0 =	vmul.f32 $8.000000000e+00, v3;
	v3 =	vld [tilespmem:s31+$0x124D0]  }
0x21e: {  	[tilespmem:s31+$0x12470] =	vst v1;
	v1 =	vmul.f32 $8.000000000e+00, v4;
	v4 =	vld [tilespmem:s31+$0x124E0]  }
0x21f: {  	[tilespmem:s31+$0x12480] =	vst v0;
	v0 =	vmul.f32 $8.000000000e+00, v6;
	v6 =	vld [tilespmem:s31+$0x124F0]  }
0x220: {  	[tilespmem:s31+$0x12490] =	vst v1;
	v1 =	vmul.f32 $8.000000000e+00, v5;
	v5 =	vld [tilespmem:s31+$0x12500]  }
0x221: {  	[tilespmem:s31+$0x124A0] =	vst v0;
	v0 =	vmul.f32 $8.000000000e+00, v2;
	v2 =	vld [tilespmem:s31+$0x12510]  }
0x222: {  	[tilespmem:s31+$0x124B0] =	vst v1;
	v1 =	vmul.f32 $8.000000000e+00, v3;
	v3 =	vld [tilespmem:s31+$0x12520]  }
0x223: {  	[tilespmem:s31+$0x124C0] =	vst v0;
	v0 =	vmul.f32 $8.000000000e+00, v4;
	v4 =	vld [tilespmem:s31+$0x12530]  }
0x224: {  	[tilespmem:s31+$0x124D0] =	vst v1;
	v1 =	vmul.f32 $8.000000000e+00, v6;
	v6 =	vld [tilespmem:s31+$0x12540]  }
0x225: {  	[tilespmem:s31+$0x124E0] =	vst v0;
	v0 =	vmul.f32 $8.000000000e+00, v5;
	v5 =	vld [tilespmem:s31+$0x12550]  }
0x226: {  	[tilespmem:s31+$0x124F0] =	vst v1;
	v1 =	vmul.f32 $8.000000000e+00, v2;
	v2 =	vld [tilespmem:s31+$0x12560]  }
0x227: {  	[tilespmem:s31+$0x12500] =	vst v0;
	v0 =	vmul.f32 $8.000000000e+00, v3;
	v3 =	vld [tilespmem:s31+$0x12570]  }
0x228: {  	[tilespmem:s31+$0x12510] =	vst v1;
	v1 =	vmul.f32 $8.000000000e+00, v4;
	v4 =	vld [tilespmem:s31+$0x12580]  }
0x229: {  	[tilespmem:s31+$0x12520] =	vst v0;
	v0 =	vmul.f32 $8.000000000e+00, v6;
	v7 =	vld [tilespmem:s31+$0x12590]  }
.Ltmp6:
0x22a: {  	[tilespmem:s31+$0x12530] =	vst v1;
	v5 =	vmul.f32 $8.000000000e+00, v5;
	v1 =	vld [tilespmem:s31+$0x125A0];
	(pc) =	sbr.rel @p0 .LBB2_15-.Ltmp6, $4  }
0x22b: {  	[tilespmem:s31+$0x12540] =	vst v0;
	v6 =	vmul.f32 $8.000000000e+00, v2;
	v0 =	vld [tilespmem:s31+$0x125B0]  }
0x22c: {  	[tilespmem:s31+$0x12550] =	vst v5;
	v5 =	vmul.f32 $8.000000000e+00, v3;
	v2 =	vld [tilespmem:s31+$0x125C0]  }
0x22d: {  	[tilespmem:s31+$0x12560] =	vst v6;
	v6 =	vmul.f32 $8.000000000e+00, v4;
	v3 =	vld [tilespmem:s31+$0x125D0]  }
0x22e: {  	s1 =	sadd.s32 $0x800, s1;
	[tilespmem:s31+$0x12570] =	vst v5;
	v5 =	vmul.f32 $8.000000000e+00, v7;
	v4 =	vld [tilespmem:s31+$0x125E0]  }
0x22f: {  	[tilespmem:s31+$0x12580] =	vst v6;
	v1 =	vmul.f32 $8.000000000e+00, v1;
	v6 =	vld [tilespmem:s31+$0x125F0]  }
0x230: {  	[tilespmem:s31+$0x12590] =	vst v5;
	v0 =	vmul.f32 $8.000000000e+00, v0  }
0x231: {  	[tilespmem:s31+$0x125A0] =	vst v1;
	v1 =	vmul.f32 $8.000000000e+00, v2  }
0x232: {  	[tilespmem:s31+$0x125B0] =	vst v0;
	v0 =	vmul.f32 $8.000000000e+00, v3  }
0x233: {  	[tilespmem:s31+$0x125C0] =	vst v1;
	v1 =	vmul.f32 $8.000000000e+00, v4  }
0x234: {  	[tilespmem:s31+$0x125D0] =	vst v0;
	v0 =	vmul.f32 $8.000000000e+00, v6  }
0x235: {  	[tilespmem:s31+$0x125E0] =	vst v1  }
0x236: {  	s0 =	sadd.s32 s30, s12;
	s1 =	simm.s32 $0x0;
	[tilespmem:s31+$0x125F0] =	vst v0  }
0x237: {  	[hbm4b:s0+s1] =	stream.linear.scatter [tilespmem:s23], [sflag:$0x2], $0x2000, $0x38;
	[tilespmem:$0x16400] =	vst v63  }
0x238: {  	_ =	swait.ge [sflag:s25], $0x2000  }
0x239: {  	[sflag:s25] =	ssyncset.done $0x0  }
0x23a: {  	s31 =	simm.s32 $0x0;
	[sflag:s25] =	ssyncadd.s32 $0xFFFFE000  }
0x23b: {  	v0 =	vld [tilespmem:s31+$0x14400]  }
0x23c: {  	v1 =	vld [tilespmem:s31+$0x14410]  }
0x23d: {  	v2 =	vld [tilespmem:s31+$0x14420]  }
0x23e: {  	v3 =	vld [tilespmem:s31+$0x14430]  }
0x23f: {  	v4 =	vld [tilespmem:s31+$0x14440]  }
0x240: {  	v5 =	vld [tilespmem:s31+$0x14450];
	v0 =	vmul.f32 $8.000000000e+00, v0  }
0x241: {  	v6 =	vld [tilespmem:s31+$0x14460];
	v1 =	vmul.f32 $8.000000000e+00, v1  }
0x242: {  	v2 =	vmul.f32 $8.000000000e+00, v2;
	[tilespmem:s31+$0x14400] =	vst v0;
	v0 =	vld [tilespmem:s31+$0x14470]  }
0x243: {  	v3 =	vmul.f32 $8.000000000e+00, v3;
	[tilespmem:s31+$0x14410] =	vst v1;
	v1 =	vld [tilespmem:s31+$0x14480]  }
0x244: {  	v4 =	vmul.f32 $8.000000000e+00, v4;
	[tilespmem:s31+$0x14420] =	vst v2;
	v2 =	vld [tilespmem:s31+$0x14490]  }
0x245: {  	v5 =	vmul.f32 $8.000000000e+00, v5;
	[tilespmem:s31+$0x14430] =	vst v3;
	v3 =	vld [tilespmem:s31+$0x144A0]  }
0x246: {  	v6 =	vmul.f32 $8.000000000e+00, v6;
	[tilespmem:s31+$0x14440] =	vst v4;
	v4 =	vld [tilespmem:s31+$0x144B0]  }
0x247: {  	[tilespmem:s31+$0x14450] =	vst v5;
	v5 =	vld [tilespmem:s31+$0x144C0];
	v0 =	vmul.f32 $8.000000000e+00, v0  }
0x248: {  	[tilespmem:s31+$0x14460] =	vst v6;
	v6 =	vld [tilespmem:s31+$0x144D0];
	v1 =	vmul.f32 $8.000000000e+00, v1  }
0x249: {  	v2 =	vmul.f32 $8.000000000e+00, v2;
	[tilespmem:s31+$0x14470] =	vst v0;
	v0 =	vld [tilespmem:s31+$0x144E0]  }
0x24a: {  	v3 =	vmul.f32 $8.000000000e+00, v3;
	[tilespmem:s31+$0x14480] =	vst v1;
	v1 =	vld [tilespmem:s31+$0x144F0]  }
0x24b: {  	v4 =	vmul.f32 $8.000000000e+00, v4;
	[tilespmem:s31+$0x14490] =	vst v2;
	v2 =	vld [tilespmem:s31+$0x14500]  }
0x24c: {  	v5 =	vmul.f32 $8.000000000e+00, v5;
	[tilespmem:s31+$0x144A0] =	vst v3;
	v3 =	vld [tilespmem:s31+$0x14510]  }
0x24d: {  	v6 =	vmul.f32 $8.000000000e+00, v6;
	[tilespmem:s31+$0x144B0] =	vst v4;
	v4 =	vld [tilespmem:s31+$0x14520]  }
0x24e: {  	[tilespmem:s31+$0x144C0] =	vst v5;
	v5 =	vld [tilespmem:s31+$0x14530];
	v0 =	vmul.f32 $8.000000000e+00, v0  }
0x24f: {  	[tilespmem:s31+$0x144D0] =	vst v6;
	v6 =	vld [tilespmem:s31+$0x14540]  }
0x250: {  	v1 =	vmul.f32 $8.000000000e+00, v1;
	[tilespmem:s31+$0x144E0] =	vst v0;
	v0 =	vld [tilespmem:s31+$0x14550]  }
0x251: {  	v2 =	vmul.f32 $8.000000000e+00, v2  }
0x252: {  	[tilespmem:s31+$0x144F0] =	vst v1;
	v1 =	vmul.f32 $8.000000000e+00, v3;
	v3 =	vld [tilespmem:s31+$0x14570]  }
0x253: {  	v7 =	vld [tilespmem:s31+$0x14560];
	[tilespmem:s31+$0x14500] =	vst v2;
	v2 =	vmul.f32 $8.000000000e+00, v4  }
0x254: {  	v4 =	vld [tilespmem:s31+$0x14580];
	[tilespmem:s31+$0x14510] =	vst v1;
	v1 =	vmul.f32 $8.000000000e+00, v5  }
0x255: {  	[tilespmem:s31+$0x14520] =	vst v2;
	v5 =	vld [tilespmem:s31+$0x14590];
	v2 =	vmul.f32 $8.000000000e+00, v6;
	v6 =	vmul.f32 $8.000000000e+00, v0  }
0x256: {  	[tilespmem:s31+$0x14530] =	vst v1;
	v1 =	vld [tilespmem:s31+$0x145A0]  }
0x257: {  	v0 =	vld [tilespmem:s31+$0x145B0];
	[tilespmem:s31+$0x14550] =	vst v6;
	v6 =	vmul.f32 $8.000000000e+00, v3  }
0x258: {  	v7 =	vmul.f32 $8.000000000e+00, v7;
	[tilespmem:s31+$0x14540] =	vst v2;
	v2 =	vld [tilespmem:s31+$0x145C0]  }
0x259: {  	v3 =	vld [tilespmem:s31+$0x145D0];
	[tilespmem:s31+$0x14570] =	vst v6;
	v6 =	vmul.f32 $8.000000000e+00, v4  }
0x25a: {  	s1 =	simm.s32 $0x800;
	[tilespmem:s31+$0x14560] =	vst v7;
	v5 =	vmul.f32 $8.000000000e+00, v5;
	v4 =	vld [tilespmem:s31+$0x145E0]  }
.LBB2_17:
0x25b: {  	s0 =	sshra.s32 s1, $0x2;
	p0 =	sne.s32 s1, $0x7800;
	[tilespmem:s31+$0x14580] =	vst v6;
	v1 =	vmul.f32 $8.000000000e+00, v1;
	v6 =	vld [tilespmem:s31+$0x145F0]  }
0x25c: {  	v7 =	vld [tilespmem:s0+$0x14400];
	[tilespmem:s31+$0x14590] =	vst v5;
	v0 =	vmul.f32 $8.000000000e+00, v0  }
0x25d: {  	v5 =	vld [tilespmem:s0+$0x14410];
	[tilespmem:s31+$0x145A0] =	vst v1;
	v1 =	vmul.f32 $8.000000000e+00, v2  }
0x25e: {  	v2 =	vld [tilespmem:s0+$0x14420];
	[tilespmem:s31+$0x145B0] =	vst v0;
	v0 =	vmul.f32 $8.000000000e+00, v3  }
0x25f: {  	v3 =	vld [tilespmem:s0+$0x14430];
	[tilespmem:s31+$0x145C0] =	vst v1;
	v1 =	vmul.f32 $8.000000000e+00, v4  }
0x260: {  	v4 =	vld [tilespmem:s0+$0x14440];
	[tilespmem:s31+$0x145D0] =	vst v0;
	v0 =	vmul.f32 $8.000000000e+00, v6  }
0x261: {  	v6 =	vmul.f32 $8.000000000e+00, v7;
	v7 =	vld [tilespmem:s0+$0x14450];
	[tilespmem:s31+$0x145E0] =	vst v1  }
0x262: {  	v1 =	vmul.f32 $8.000000000e+00, v5;
	v5 =	vld [tilespmem:s0+$0x14460];
	[tilespmem:s31+$0x145F0] =	vst v0;
	s31 =	smov.u32 s0  }
0x263: {  	[tilespmem:s31+$0x14400] =	vst v6;
	v0 =	vmul.f32 $8.000000000e+00, v2;
	v2 =	vld [tilespmem:s31+$0x14470]  }
0x264: {  	[tilespmem:s31+$0x14410] =	vst v1;
	v1 =	vmul.f32 $8.000000000e+00, v3;
	v3 =	vld [tilespmem:s31+$0x14480]  }
0x265: {  	[tilespmem:s31+$0x14420] =	vst v0;
	v0 =	vmul.f32 $8.000000000e+00, v4;
	v4 =	vld [tilespmem:s31+$0x14490]  }
0x266: {  	[tilespmem:s31+$0x14430] =	vst v1;
	v1 =	vmul.f32 $8.000000000e+00, v7;
	v6 =	vld [tilespmem:s31+$0x144A0]  }
0x267: {  	[tilespmem:s31+$0x14440] =	vst v0;
	v0 =	vmul.f32 $8.000000000e+00, v5;
	v5 =	vld [tilespmem:s31+$0x144B0]  }
0x268: {  	[tilespmem:s31+$0x14450] =	vst v1;
	v1 =	vmul.f32 $8.000000000e+00, v2;
	v2 =	vld [tilespmem:s31+$0x144C0]  }
0x269: {  	[tilespmem:s31+$0x14460] =	vst v0;
	v0 =	vmul.f32 $8.000000000e+00, v3;
	v3 =	vld [tilespmem:s31+$0x144D0]  }
0x26a: {  	[tilespmem:s31+$0x14470] =	vst v1;
	v1 =	vmul.f32 $8.000000000e+00, v4;
	v4 =	vld [tilespmem:s31+$0x144E0]  }
0x26b: {  	[tilespmem:s31+$0x14480] =	vst v0;
	v0 =	vmul.f32 $8.000000000e+00, v6;
	v6 =	vld [tilespmem:s31+$0x144F0]  }
0x26c: {  	[tilespmem:s31+$0x14490] =	vst v1;
	v1 =	vmul.f32 $8.000000000e+00, v5;
	v5 =	vld [tilespmem:s31+$0x14500]  }
0x26d: {  	[tilespmem:s31+$0x144A0] =	vst v0;
	v0 =	vmul.f32 $8.000000000e+00, v2;
	v2 =	vld [tilespmem:s31+$0x14510]  }
0x26e: {  	[tilespmem:s31+$0x144B0] =	vst v1;
	v1 =	vmul.f32 $8.000000000e+00, v3;
	v3 =	vld [tilespmem:s31+$0x14520]  }
0x26f: {  	[tilespmem:s31+$0x144C0] =	vst v0;
	v0 =	vmul.f32 $8.000000000e+00, v4;
	v4 =	vld [tilespmem:s31+$0x14530]  }
0x270: {  	[tilespmem:s31+$0x144D0] =	vst v1;
	v1 =	vmul.f32 $8.000000000e+00, v6;
	v6 =	vld [tilespmem:s31+$0x14540]  }
0x271: {  	[tilespmem:s31+$0x144E0] =	vst v0;
	v0 =	vmul.f32 $8.000000000e+00, v5;
	v5 =	vld [tilespmem:s31+$0x14550]  }
0x272: {  	[tilespmem:s31+$0x144F0] =	vst v1;
	v1 =	vmul.f32 $8.000000000e+00, v2;
	v2 =	vld [tilespmem:s31+$0x14560]  }
0x273: {  	[tilespmem:s31+$0x14500] =	vst v0;
	v0 =	vmul.f32 $8.000000000e+00, v3;
	v3 =	vld [tilespmem:s31+$0x14570]  }
0x274: {  	[tilespmem:s31+$0x14510] =	vst v1;
	v1 =	vmul.f32 $8.000000000e+00, v4;
	v4 =	vld [tilespmem:s31+$0x14580]  }
0x275: {  	[tilespmem:s31+$0x14520] =	vst v0;
	v0 =	vmul.f32 $8.000000000e+00, v6;
	v7 =	vld [tilespmem:s31+$0x14590]  }
.Ltmp7:
0x276: {  	[tilespmem:s31+$0x14530] =	vst v1;
	v5 =	vmul.f32 $8.000000000e+00, v5;
	v1 =	vld [tilespmem:s31+$0x145A0];
	(pc) =	sbr.rel @p0 .LBB2_17-.Ltmp7, $4  }
0x277: {  	[tilespmem:s31+$0x14540] =	vst v0;
	v6 =	vmul.f32 $8.000000000e+00, v2;
	v0 =	vld [tilespmem:s31+$0x145B0]  }
0x278: {  	[tilespmem:s31+$0x14550] =	vst v5;
	v5 =	vmul.f32 $8.000000000e+00, v3;
	v2 =	vld [tilespmem:s31+$0x145C0]  }
0x279: {  	[tilespmem:s31+$0x14560] =	vst v6;
	v6 =	vmul.f32 $8.000000000e+00, v4;
	v3 =	vld [tilespmem:s31+$0x145D0]  }
0x27a: {  	s1 =	sadd.s32 $0x800, s1;
	[tilespmem:s31+$0x14570] =	vst v5;
	v5 =	vmul.f32 $8.000000000e+00, v7;
	v4 =	vld [tilespmem:s31+$0x145E0]  }
0x27b: {  	[tilespmem:s31+$0x14580] =	vst v6;
	v1 =	vmul.f32 $8.000000000e+00, v1;
	v59 =	vld [tilespmem:s31+$0x145F0]  }
0x27c: {  	[tilespmem:s31+$0x14590] =	vst v5;
	v0 =	vmul.f32 $8.000000000e+00, v0  }
0x27d: {  	[tilespmem:s31+$0x145A0] =	vst v1;
	v60 =	vmul.f32 $8.000000000e+00, v2  }
0x27e: {  	[tilespmem:s31+$0x145B0] =	vst v0;
	v61 =	vmul.f32 $8.000000000e+00, v3  }
0x27f: {  	[tilespmem:s31+$0x145C0] =	vst v60;
	v62 =	vmul.f32 $8.000000000e+00, v4  }
0x280: {  	[tilespmem:s31+$0x145D0] =	vst v61;
	v63 =	vmul.f32 $8.000000000e+00, v59  }
0x281: {  	[tilespmem:s31+$0x145E0] =	vst v62  }
0x282: {  	s0 =	sadd.s32 s30, s13;
	[tilespmem:s31+$0x145F0] =	vst v63  }
0x283: {  	[hbm4b:s0+s3] =	stream.linear.scatter [tilespmem:s24], [sflag:$0x2], $0x2000, $0x38;
	[tilespmem:$0x16400] =	vst v63  }
0x284: {  	_ =	swait.ge [sflag:s26], $0x2000  }
0x285: {  	[sflag:s26] =	ssyncset.done $0x0  }
0x286: {  	[sflag:s26] =	ssyncadd.s32 $0xFFFFE000  }
0x287: {  	_ =	swait.ge [sflag:s26], $0x2000  }
0x288: {  	[sflag:s26] =	ssyncset.done $0x0  }
0x289: {  	[sflag:s26] =	ssyncadd.s32 $0xFFFFE000  }
0x28a: {  	_ =	swait.ge [sflag:s26], $0x2000  }
0x28b: {  	[sflag:s26] =	ssyncset.done $0x0  }
0x28c: {  	[sflag:s26] =	ssyncadd.s32 $0xFFFFE000  }
0x28d: {  	_ =	swait.ge [sflag:s26], $0x2000  }
0x28e: {  	[sflag:s26] =	ssyncset.done $0x0  }
0x28f: {  	[sflag:s26] =	ssyncadd.s32 $0xFFFFE000  }
0x290: {  	_ =	swait.ge [sflag:s26], $0x2000  }
0x291: {  	[sflag:s26] =	ssyncset.done $0x0  }
0x292: {  	[sflag:s26] =	ssyncadd.s32 $0xFFFFE000  }
0x293: {  	_ =	swait.ge [sflag:s26], $0x2000  }
0x294: {  	[sflag:s26] =	ssyncset.done $0x0  }
0x295: {  	s29 =	sadd.s32 $0x1, s29;
	[sflag:s26] =	ssyncadd.s32 $0xFFFFE000  }
0x296: {  	p0 =	sne.s32 s29, $0x19;
	_ =	swait.ge [sflag:s26], $0x2000  }
.Ltmp8:
0x297: {  	[sflag:s26] =	ssyncset.done $0x0;
	(pc) =	sbr.rel @p0 .LBB2_2-.Ltmp8, $4  }
0x298: {  	[sflag:s26] =	ssyncadd.s32 $0xFFFFE000  }
0x299: {  	_ =	swait.ge [sflag:s26], $0x2000  }
0x29a: {  	[sflag:s26] =	ssyncset.done $0x0  }
0x29b: {  	[sflag:s26] =	ssyncadd.s32 $0xFFFFE000  }
0x29c: {  	s28 =	sadd.s32 $0x1, s28  }
0x29d: {  	p0 =	sne.s32 s28, s14  }
.Ltmp9:
0x29e: {  	_ = 	snop;
	(pc) =	sbr.rel @p0 .LBB2_1-.Ltmp9, $1  }
0x29f: {  	_ =	sdelay $0x3  }
0x2a0: {  	_ =	sfence.sel $0x180000  }
0x2a1: {  	[bflag:$0x0] =	sbarrier.arrive $0xFFFF  }
0x2a2: {  	_ =	strace $0x90000047  }
0x2a3: {  	s0 =	stileid.u32;
	[bflag:$0x2] =	sbarrier.arrive $0xFFFF  }
0x2a4: {  	p0 =	sne.s32 s0, $0x0;
	s0 =	rddreg [dreg:$0x2]  }
0x2a5: {  	s0 =	sadd.s32 @!p0 $0x100000, s0  }
0x2a6: {  	[sflag:s0] =	ssyncadd.tile.s32 @!p0 $0x1;
	_ =	shalt  }
.Lfunc_end2:
_tile_overlayer_lowered:
.L_overlay_start_2:
0x2a7: {  	(tag) =	ssettag $0x2  }
0x2a8: {  	s0 =	rddreg [dreg:$0x0];
	s2 =	stileid.u32  }
0x2a9: {  	s1 =	rddreg [dreg:$0x1];
	p0 =	sne.s32 s2, $0x0  }
0x2aa: {  	s3 =	rddreg [dreg:$0x2];
	[bflag:$0x3] =	sbarrier.arrive $0xFFFF;
	s2 =	simm.s32 @!p0 $0x1C03  }
0x2ab: {  	[timem:s3], [sflag:s2] =	dma.local @!p0 [hbm:s0], s1  }
0x2ac: {  	s0 =	simm.s32 @!p0 $0x3  }
0x2ad: {  	_ =	swait.ge @!p0 [sflag:s0], s1  }
0x2ae: {  	s1 =	ssub.s32 @!p0 $0x0, s1;
	[sflag:s0] =	ssyncset.done @!p0 $0x0  }
0x2af: {  	[sflag:s0] =	ssyncadd.s32 @!p0 s1  }
0x2b0: {  	[bflag:$0x3] =	sbarrier.arrive $0xFFFF  }
0x2b1: {  	_ =	shalt  }

// kernel: sparse-core-data-format-call.cloned.1.call-start
scs
called_computation_lowered:
.L_overlay_start_0:
0x0: {  	s2 =	sld [smem:$0x3FD9]  }
0x1: {  	s3 =	sld [smem:$0x3FFE];
	_ =	sdelay $0x1  }
0x2: {  	s1 =	srdreg.scid  }
0x3: {  	s0 =	sand.u32 $0x1, s1  }
0x4: {  	s18 =	sshll.u32 s0, $0xA;
	s2 =	sadd.s32 s3, s2  }
0x5: {  	s2 =	sadd.s32 s2, s18  }
0x6: {  	[smem:$0x3FC6] =	sst s2  }
0x7: {  	_ = 	snop  }
0x8: {  	s2 =	sld [smem:$0x3FD0];
	(tm) =	ssettm $0x1  }
0x9: {  	s19 =	sld [smem:$0x3FFB];
	_ =	sdelay $0x3  }
0xa: {  	_ =	strace s19  }
0xb: {  	s3 =	sld [smem:$0x3FFC];
	_ =	sdelay $0x3  }
0xc: {  	_ =	strace s3  }
0xd: {  	s3 =	sld [smem:$0x3FFD];
	_ =	sdelay $0x3  }
0xe: {  	_ =	strace s3  }
0xf: {  	_ =	strace $0x8FFFFFFF  }
0x10: {  	s20 =	sld [smem:$0x3FDB];
	_ =	sdelay $0x1  }
0x11: {  	s4 =	simm.s32 $_scs_section_size  }
0x12: {  	s5 =	simm.s32 $_size__tile_overlayer_lowered;
	s6 =	simm.s32 $_tile_overlayer_lowered  }
0x13: {  	s23 =	simm.s32 $0x1BFF;
	s22 =	sshll.u32 s6, $0x1;
	s3 =	sadd.s32 s4, s20  }
0x14: {  	s7 =	simm.s32 $0x0;
	s21 =	sshll.u32 s5, $0x1;
	s5 =	sadd.s32 s22, s3  }
0x15: {  	[timem:s7], [sflag:s23] =	dma.local [hbm:s5], s21  }
0x16: {  	_ =	swait.ge [sflag:s23], s21  }
0x17: {  	s4 =	ssub.s32 $0x0, s21;
	[sflag:s23] =	ssyncset.done $0x0  }
0x18: {  	[sflag:s23] =	ssyncadd.s32 s4;
	_ =	sdelay $0x1  }
0x19: {  	s24 =	simm.s32 $0x1B8B  }
0x1a: {  	_ =	swait.ge [sflag:s24], $0x1  }
0x1b: {  	[sflag:s24] =	ssyncset.done $0x0  }
0x1c: {  	s26 =	simm.s32 $0x1B8E;
	s25 =	sld [smem:$0x3FFE];
	[sflag:s24] =	ssyncadd.s32 $0xFFFFFFFF  }
0x1d: {  	s27 =	simm.s32 $execute0_lowered;
	[smem:$0x3FD2] =	sst s26  }
0x1e: {  	s5 =	sshll.u32 s27, $0x1;
	_ =	strace $0x80000049;
	[dreg:$0x1] =	wrdreg $0xFFFFFFFF  }
0x1f: {  	s28 =	simm.s32 $_size_execute0_lowered;
	s3 =	sadd.s32 s3, s5;
	[dreg:$0x0] =	wrdreg $0x0  }
0x20: {  	s5 =	sshll.u32 s28, $0x1;
	[dreg:$0x2] =	wrdreg s3  }
0x21: {  	[dreg:$0x3] =	wrdreg s5  }
0x22: {  	[dreg:$0x4] =	wrdreg $0xC0  }
0x23: {  	_ =	task [dreg:s7], $0x5FFFF  }
0x24: {  	[dreg:$0x1] =	wrdreg $0xFFFFFFFF  }
0x25: {  	[dreg:$0x0] =	wrdreg $0x60  }
0x26: {  	[dreg:$0x2] =	wrdreg s25  }
0x27: {  	[dreg:$0x3] =	wrdreg s2  }
0x28: {  	[dreg:$0x4] =	wrdreg $0x9  }
0x29: {  	_ =	task.clear_ibuf [dreg:s7], $0x5FFFF;
	_ =	strace $0x90000049  }
0x2a: {  	s29 =	simm.s32 $0x9;
	_ =	strace $0x8000004B  }
0x2b: {  	_ =	swait.ge [sflag:s29], $0x1  }
0x2c: {  	[sflag:s29] =	ssyncadd.s32 $0xFFFFFFFF  }
0x2d: {  	_ =	strace $0x9000004B  }
0x2e: {  	_ =	sfence  }
0x2f: {  	s30 =	sld [smem:$0x0];
	_ =	sdelay $0x2  }
0x30: {  	s31 =	sshll.u32 s1, $0xD;
	s1 =	sshrl.u32 s1, $0x2  }
0x31: {  	s3 =	sand.u32 $0x4000, s31;
	s1 =	sadd.s32 s1, s30  }
0x32: {  	s0 =	sor.u32 s3, s0;
	s1 =	sshll.u32 s1, $0x11  }
0x33: {  	s0 =	sor.u32 s1, s0  }
0x34: {  	s0 =	sadd.s32 $0x8F2B, s0  }
0x35: {  	[sflag:s0] =	ssyncadd.remote.s32 $0x1  }
0x36: {  	_ =	sfence.sel $0xFFFF  }
0x37: {  	[dreg:$0x0] =	wrdreg $0xFFFFFFFF;
	(pc) =	sbr.abs _section_cstart, $3  }
0x38: {  	[dreg:$0x1] =	wrdreg $0xFFFFFFFF  }
0x39: {  	_ =	task.clear_ibuf [dreg:s7], $0x2FFFF;
	_ =	strace $0x9FFFFFFF  }
0x3a: {  	(tm) =	ssettm $0x7FFFFFFF  }
0x3b: {  	_ =	shalt  }
tec
execute0_lowered:
.L_overlay_start_1:
0x0: {  	(tag) =	ssettag $0x1  }
0x1: {  	s0 =	srdreg.scid  }
0x2: {  	s1 =	sshll.u32 s0, $0x4  }
0x3: {  	s0 =	stileid.u32;
	s1 =	sand.u32 $0x10, s1  }
0x4: {  	s1 =	sor.u32 s0, s1  }
0x5: {  	s6 =	rddreg [dreg:$0x0];
	s4 =	simm.s32 $0x1;
	s2 =	sshll.u32 s1, $0x7  }
0x6: {  	s7 =	simm.s32 $0x2;
	s12 =	simm.s32 $0x0;
	s1 =	ssub.s32 $0x1000, s2  }
0x7: {  	s8 =	simm.s32 $0x8000;
	s13 =	simm.s32 $0x0;
	s3 =	sand.u32 $0xF80, s1  }
0x8: {  	s9 =	simm.s32 $0x0;
	s5 =	sshrl.u32 s1, $0xC;
	p0 =	sne.s32 s3, $0x0  }
.Ltmp0:
0x9: {  	s1 =	rddreg [dreg:$0x2];
	s4 =	simm.s32 @!p0 $0x0;
	(pc) =	sbr.rel .LBB1_1-.Ltmp0, $4  }
0xa: {  	s11 =	simm.s32 $0x0;
	s3 =	rddreg [dreg:$0x1];
	s5 =	sadd.s32 s4, s5  }
0xb: {  	_ =	strace $0x8000004A;
	s4 =	simm.s32 $0x1;
	s5 =	smul.u32 $0xC8, s5  }
0xc: {  	s6 =	sadd.s32 $0xA00, s6;
	s10 =	smov.u32 s2;
	[sflag:s4] =	ssyncpa.u1 $0x0  }
0xd: {  	p0 =	por $0x0, $0x0;
	[sflag:s7] =	ssyncpa.u1 $0x0;
	s7 =	sor.u32 $0x1, s5  }
.LBB1_4:
0xe: {  	s16 =	sshll.u32 s13, $0x3;
	s17 =	sand.u32 $0x78, s13  }
0xf: {  	s30 =	sand.u32 $0x7E00, s13;
	s12 =	sshll.u32 s12, $0xF;
	s16 =	sand.u32 $0xC00, s16  }
0x10: {  	[tilespmem:s15+$0x810 ss:$0x81] =	vst.msk $0xffff, v2;
	s31 =	sand.u32 $0x7, s13;
	s16 =	sor.u32 s17, s16;
	s17 =	sadd.s32 s3, s30  }
0x11: {  	[tilespmem:s15+$0x1020 ss:$0x81] =	vst.msk $0xffff, v0;
	s13 =	sshll.u32 s31, $0x12;
	s12 =	sadd.s32 s12, s17;
	s16 =	sshrl.u32 s16, $0x3  }
0x12: {  	[tilespmem:s15+$0x0 ss:$0x81] =	vst.msk $0xffff, v1;
	s13 =	sor.u32 $0x400, s13;
	s12 =	sadd.s32 s16, s12  }
0x13: {  	[hbm4b:s12+s13] =	stream.strided.scatter [tilespmem:s14], [sflag:$0x2], $0x2000, s8, s13, $0x20;
	[tilespmem:$0x8080] =	vst v63  }
.LBB1_5:
0x14: {  	s14 =	sadd.s32 $0x1, s9  }
0x15: {  	s12 =	sadd.s32 $0x1000, s10;
	s16 =	smov.u32 s10;
	p2 =	sgt.s32 s14, $0xC7  }
0x16: {  	s16 =	smov.u32 @p2 s12  }
0x17: {  	s14 =	simm.s32 @p2 $0x0;
	p2 =	sgt.s32 s16, $0xFFF  }
0x18: {  	s16 =	smov.u32 @p2 s2;
	p2 =	sne.s32 s11, s7  }
.Ltmp1:
0x19: {  	p1 =	slt.u32 s11, $0x2;
	(pc) =	sbr.rel @!p2 .LBB1_6-.Ltmp1, $4  }
0x1a: {  	s15 =	simm.s32 @!p1 $0x2  }
0x1b: {  	s13 =	smov.u32 s10;
	p0 =	por !p0, !p0;
	_ =	swait.ge @!p1 [sflag:s15], $0x2000  }
0x1c: {  	s12 =	smov.u32 s9;
	[sflag:s15] =	ssyncset.done @!p1 $0x0;
	s9 =	smov.u32 s14  }
0x1d: {  	s11 =	sadd.s32 $0x1, s11;
	[sflag:s15] =	ssyncadd.s32 @!p1 $0xFFFFE000;
	s10 =	smov.u32 s16  }
.LBB1_1:
0x1e: {  	p1 =	sge.u32 s11, s5  }
0x1f: {  	s14 =	sand.u32 @!p1 $0x1FFFFFF, s9  }
0x20: {  	s15 =	smulhi.u32 @!p1 $0x147AE15, s14;
	_ =	sdelay $0x1  }
0x21: {  	s15 =	smul.u32 @!p1 $0xC8, s15  }
0x22: {  	s16 =	sxor.u32 @!p1 $0xFFFFFFFF, s11;
	s17 =	smul.u32 @!p1 $0xC80, s10  }
0x23: {  	s31 =	sadd.s32 $0xFFFFFFFF, s11;
	s16 =	sshll.u32 @!p1 s16, $0xD;
	s14 =	ssub.s32 @!p1 s14, s15  }
0x24: {  	s15 =	sand.u32 @!p1 $0x2000, s16;
	s16 =	sadd.s32 @!p1 s6, s17;
	s14 =	sshll.u32 @!p1 s14, $0x4  }
0x25: {  	s17 =	simm.s32 @!p1 $0x6400;
	s14 =	sadd.s32 @!p1 s14, s16;
	s16 =	simm.s32 @!p1 $0x40  }
0x26: {  	[tilespmem:s15], [sflag:$0x1] =	stream.strided.gather @!p1 [hbm4b:s14+s16], $0x2000, s17, s16, $0x38;
	[tilespmem:$0x8080] =	vst v63  }
0x27: {  	p1 =	sge.u32 s31, s5  }
.Ltmp2:
0x28: {  	_ = 	snop;
	(pc) =	sbr.rel @p1 .LBB1_5-.Ltmp2, $1  }
0x29: {  	_ =	sdelay $0x3  }
0x2a: {  	s14 =	simm.s32 $0x1  }
0x2b: {  	_ =	swait.ge [sflag:s4], $0x2000;
	s14 =	simm.s32 @!p0 $0x0  }
0x2c: {  	[sflag:s4] =	ssyncset.done $0x0;
	s15 =	sshll.u32 s14, $0xD  }
0x2d: {  	[sflag:s4] =	ssyncadd.s32 $0xFFFFE000;
	s18 =	sor.u32 $0x20, s15  }
0x2e: {  	s14 =	smul.u32 $0x8100, s14;
	v3 =	vld [tilespmem:s18+$0x10]  }
0x2f: {  	s30 =	sand.u32 $0x1, s11;
	v2 =	vld [tilespmem:s18+$0xFFFFFFF0]  }
0x30: {  	s15 =	smul.u32 $0x8100, s30;
	s14 =	sshrl.u32 s14, $0x2;
	v0 =	vld [tilespmem:s18+$0x0]  }
0x31: {  	v1 =	vld [tilespmem:s18+$0xFFFFFFE0];
	s16 =	sor.u32 $0x4000, s14  }
0x32: {  	s31 =	sshrl.u32 s15, $0x2;
	s15 =	sadd.s32 $0x0, s16  }
0x33: {  	s17 =	simm.s32 $0x4;
	s18 =	sadd.s32 $0x40, s18;
	s14 =	sor.u32 $0x4000, s31;
	[tilespmem:s15+$0x1830 ss:$0x81] =	vst.msk $0xffff, v3  }
.LBB1_3:
0x34: {  	v3 =	vld [tilespmem:s18+$0x10];
	p1 =	sne.s32 s17, $0x1FC;
	[tilespmem:s15+$0x810 ss:$0x81] =	vst.msk $0xffff, v2;
	s19 =	smov.u32 s17;
	s17 =	sadd.s32 $0x4, s17  }
.Ltmp3:
0x35: {  	v2 =	vld [tilespmem:s18+$0xFFFFFFF0];
	[tilespmem:s15+$0x1020 ss:$0x81] =	vst.msk $0xffff, v0;
	(pc) =	sbr.rel @p1 .LBB1_3-.Ltmp3, $4  }
0x36: {  	v0 =	vld [tilespmem:s18+$0x0];
	[tilespmem:s15+$0x0 ss:$0x81] =	vst.msk $0xffff, v1  }
0x37: {  	s15 =	sshra.s32 s19, $0x2;
	v1 =	vld [tilespmem:s18+$0xFFFFFFE0]  }
0x38: {  	s15 =	sadd.s32 s15, s16  }
0x39: {  	s18 =	sadd.s32 $0x40, s18;
	[tilespmem:s15+$0x1830 ss:$0x81] =	vst.msk $0xffff, v3  }
.Ltmp4:
0x3a: {  	_ = 	snop;
	(pc) =	sbr.rel .LBB1_4-.Ltmp4, $1  }
0x3b: {  	_ =	sdelay $0x3  }
.LBB1_6:
0x3c: {  	_ =	sfence.sel $0x180000  }
0x3d: {  	s2 =	simm.s32 $0x1;
	[bflag:$0x0] =	sbarrier.arrive $0xFFFF  }
0x3e: {  	s31 =	simm.s32 $0x2;
	[sflag:s2] =	ssyncpa.u1 $0x1  }
0x3f: {  	[sflag:s31] =	ssyncpa.u1 $0x1  }
0x40: {  	p0 =	sne.s32 s0, $0x0;
	_ =	strace $0x9000004A  }
0x41: {  	s0 =	sadd.s32 @!p0 $0x100000, s1;
	[bflag:$0x2] =	sbarrier.arrive $0xFFFF  }
0x42: {  	[sflag:s0] =	ssyncadd.tile.s32 @!p0 $0x1;
	_ =	shalt  }
.Lfunc_end1:
_tile_overlayer_lowered:
.L_overlay_start_2:
0x43: {  	(tag) =	ssettag $0x2  }
0x44: {  	s0 =	rddreg [dreg:$0x0];
	s2 =	stileid.u32  }
0x45: {  	s1 =	rddreg [dreg:$0x1];
	p0 =	sne.s32 s2, $0x0  }
0x46: {  	s3 =	rddreg [dreg:$0x2];
	[bflag:$0x3] =	sbarrier.arrive $0xFFFF;
	s2 =	simm.s32 @!p0 $0x1C01  }
0x47: {  	[timem:s3], [sflag:s2] =	dma.local @!p0 [hbm:s0], s1  }
0x48: {  	s0 =	simm.s32 @!p0 $0x1  }
0x49: {  	_ =	swait.ge @!p0 [sflag:s0], s1  }
0x4a: {  	s1 =	ssub.s32 @!p0 $0x0, s1;
	[sflag:s0] =	ssyncset.done @!p0 $0x0  }
0x4b: {  	[sflag:s0] =	ssyncadd.s32 @!p0 s1  }
0x4c: {  	[bflag:$0x3] =	sbarrier.arrive $0xFFFF  }
0x4d: {  	_ =	shalt  }

</sc_bundles>
